<compile_context>
chip_gen: v7x
topology: tpu7x:2x2x1
jax: 0.10.2.dev20260603
libtpu: 0.0.44.dev20260713+nightly
codegen_flags: <defaults>
</compile_context>

<pallas_src>
import functools

import jax
import jax.numpy as jnp
from jax import lax
from jax.experimental import pallas as pl
from jax.experimental.pallas import tpu as pltpu
from jax.experimental.pallas import tpu_sc as plsc

B, T, NC, DC = 1024, 50, 26, 16
V, D = 1000000, 64
DP = 128
DOUT = D + DC
L = 16
TP = 56
TH, TL = TP // 8, 8
BH, BL = B // 128, 128

_NUM_CORES = 2
_NUM_SUBCORES = 16
NW = _NUM_CORES * _NUM_SUBCORES
BB = B // NW

_mesh = plsc.VectorSubcoreMesh(core_axis_name="c", subcore_axis_name="s")


@functools.partial(
    pl.kernel,
    mesh=_mesh,
    out_type=jax.ShapeDtypeStruct((B, T, DOUT), jnp.float32),
    compiler_params=pltpu.CompilerParams(use_tc_tiling_on_sc=False,
                                         needs_layout_passes=False),
    scratch_types=[
        pltpu.VMEM((2, NC, BB), jnp.int32),
        pltpu.VMEM((2, NC * BB, D), jnp.float32),
        pltpu.VMEM((2, 2, 8, BB), jnp.float32),
        pltpu.VMEM((2, BB, DOUT), jnp.float32),
        pltpu.SemaphoreType.DMA((2,)),
        pltpu.SemaphoreType.DMA((2,)),
        pltpu.SemaphoreType.DMA((2,)),
        pltpu.SemaphoreType.DMA((2,)),
    ],
)
def _emb_kernel(idx_hbm, cont_hbm, table_hbm, out_hbm,
                idx_v, rows_v, cont_v, out_v,
                idx_sem, cont_sem, gather_sem, out_sem):
    wid = lax.axis_index("s") * _NUM_CORES + lax.axis_index("c")
    b0 = wid * BB
    bh = b0 // BL
    bl = b0 % BL

    def idx_src(t):
        return idx_hbm.at[:, t // TL, bh, t % TL, pl.ds(bl, BB)]

    def cont_src(t):
        return cont_hbm.at[t, :, bh, :, pl.ds(bl, BB)]

    def out_dst(t):
        return out_hbm.at[pl.ds(b0, BB), t, :]

    def issue_idx(t, p):
        pltpu.async_copy(idx_src(t), idx_v.at[p], idx_sem.at[p])

    def wait_idx(t, p):
        pltpu.make_async_copy(idx_src(t), idx_v.at[p], idx_sem.at[p]).wait()

    def issue_cont(t, p):
        pltpu.async_copy(cont_src(t), cont_v.at[p], cont_sem.at[p])

    def wait_cont(t, p):
        pltpu.make_async_copy(cont_src(t), cont_v.at[p], cont_sem.at[p]).wait()

    def issue_gathers(p):
        for c in range(NC):
            pltpu.async_copy(table_hbm.at[idx_v.at[p].at[c]],
                             rows_v.at[p].at[pl.ds(c * BB, BB)],
                             gather_sem.at[p])

    def wait_gathers(p):
        pltpu.make_async_copy(table_hbm.at[pl.ds(0, NC * BB)], rows_v.at[p],
                              gather_sem.at[p]).wait()

    def issue_out(t, p):
        pltpu.async_copy(out_v.at[p], out_dst(t), out_sem.at[p])

    def wait_out(t, p):
        pltpu.make_async_copy(out_v.at[p], out_dst(t), out_sem.at[p]).wait()

    iot = lax.iota(jnp.int32, L)
    ihi = lax.shift_right_logical(iot, 3)
    ilo = lax.bitwise_and(iot, 7)

    issue_idx(0, 0)
    issue_cont(0, 0)
    wait_idx(0, 0)
    issue_gathers(0)
    issue_idx(1, 1)
    issue_cont(1, 1)

    def body(ii, carry):
        for p in range(2):
            t = ii * 2 + p
            @pl.when(t + 1 < T)
            def _():
                wait_idx(t + 1, 1 - p)
                issue_gathers(1 - p)
            wait_gathers(p)
            @pl.when(t + 2 < T)
            def _():
                issue_idx(t + 2, p)
            wait_cont(t, p)
            @pl.when(t >= 2)
            def _():
                wait_out(t - 2, p)

            def reduce_one(b, carry2):
                for k in range(D // L):
                    acc = rows_v[p, b, pl.ds(k * L, L)]
                    for c in range(1, NC):
                        acc = acc + rows_v[p, c * BB + b, pl.ds(k * L, L)]
                    out_v[p, b, pl.ds(k * L, L)] = acc
                ib = jnp.full((L,), b, dtype=jnp.int32)
                out_v[p, b, pl.ds(D, DC)] = plsc.load_gather(
                    cont_v.at[p], [ihi, ilo, ib])
                return carry2

            lax.fori_loop(0, BB, reduce_one, 0)
            @pl.when(t + 2 < T)
            def _():
                issue_cont(t + 2, p)
            issue_out(t, p)
        return carry

    lax.fori_loop(0, T // 2, body, 0)
    wait_out(T - 2, 0)
    wait_out(T - 1, 1)


def kernel(ContTensor, CatTensor, LabelTensor, DoseTensor, TimeDiffTensor,
           VTensor, VancoElTensor, PtList, LengList, embed_weight):
    x = CatTensor.astype(jnp.int32) * 2
    x = jnp.pad(x, ((0, 0), (0, TP - T), (0, 0)))
    x = jnp.transpose(x, (2, 1, 0))
    x = x.reshape(NC, TH, TL, BH, BL)
    x = jnp.transpose(x, (0, 1, 3, 2, 4))
    y = jnp.transpose(ContTensor, (1, 2, 0))
    y = y.reshape(T, 2, 8, BH, BL)
    y = jnp.transpose(y, (0, 1, 3, 2, 4))
    w = jnp.pad(embed_weight, ((0, 0), (0, DP - D)))
    w = w.reshape(2 * V, D)
    out = _emb_kernel(x, y, w)
    return (out, LabelTensor, LengList, DoseTensor, TimeDiffTensor,
            VTensor, VancoElTensor, PtList)

# --- scband reference (transcript-rebuilt; emitter-appended) ---
"""Pipeline reference for scband-ehrembeddings-11287174053958 (READ-ONLY COPY).

The authoritative reference and input builder live on the scoring server;
editing this copy changes nothing except your own understanding.
"""

import jax, jax.numpy as jnp
import numpy as np

B, T, NC, DC = 1024, 50, 26, 16
V, D = 1000000, 64

def setup_inputs(seed: int = 0) -> dict:
    key = jax.random.key(seed)
    ks = jax.random.split(key, 10)
    return {
        "ContTensor": jax.random.normal(ks[0], (B, T, DC), dtype=jnp.float32),
        "CatTensor": jax.random.randint(ks[1], (B, T, NC), 0, V),
        "LabelTensor": jax.random.normal(ks[2], (B, T), dtype=jnp.float32),
        "DoseTensor": jax.random.uniform(ks[3], (B, T), dtype=jnp.float32),
        "TimeDiffTensor": jax.random.uniform(ks[4], (B, T), dtype=jnp.float32),
        "VTensor": jax.random.normal(ks[5], (B, T), dtype=jnp.float32),
        "VancoElTensor": jax.random.uniform(ks[6], (B, T), dtype=jnp.float32),
        "PtList": jax.random.randint(ks[7], (B,), 0, 100000),
        "LengList": jax.random.randint(ks[8], (B,), 1, T + 1),
        "embed_weight": jax.random.normal(ks[9], (V, D), dtype=jnp.float32) * 0.02,
    }

def reference(ContTensor, CatTensor, LabelTensor, DoseTensor, TimeDiffTensor, VTensor, VancoElTensor, PtList, LengList, embed_weight):
    # catEmb = self.embed(CatTensor): [B, T, NC, D]
    catEmb = jnp.take(embed_weight, CatTensor, axis=0)
    # sum over code dimension (dim=2): [B, T, D]
    outEmb = jnp.sum(catEmb, axis=2)
    # concat continuous features along feature axis: [B, T, D + DC]
    outEmb = jnp.concatenate((outEmb, ContTensor), axis=2)
    return (outEmb, LabelTensor, LengList, DoseTensor, TimeDiffTensor, VTensor, VancoElTensor, PtList)

if __name__ == "__main__":
    import jax
    _d = setup_inputs()
    print(jax.jit(kernel)(*tuple(_d.values())))

</pallas_src>

<mosaic_0001>
#map = affine_map<(d0, d1) -> (0, 0, 0, 0, 0)>
#map1 = affine_map<(d0, d1) -> (0, 0)>
#map2 = affine_map<(d0, d1) -> (0, 0, 0)>
module attributes {stable_mosaic.version = 14 : i64} {
  func.func @_emb_kernel(%arg0: i32, %arg1: i32, %arg2: memref<26x7x8x8x128xi32, #tpu.memory_space<hbm>>, %arg3: memref<50x2x8x8x128xf32, #tpu.memory_space<hbm>>, %arg4: memref<2000000x64xf32, #tpu.memory_space<hbm>>, %arg5: memref<1024x50x80xf32, #tpu.memory_space<hbm>>, %arg6: memref<2x26x32xi32, #tpu.memory_space<vmem>>, %arg7: memref<2x832x64xf32, #tpu.memory_space<vmem>>, %arg8: memref<2x2x8x32xf32, #tpu.memory_space<vmem>>, %arg9: memref<2x32x80xf32, #tpu.memory_space<vmem>>, %arg10: memref<2x!tpu.dma_semaphore, #tpu.memory_space<semaphore_mem>>, %arg11: memref<2x!tpu.dma_semaphore, #tpu.memory_space<semaphore_mem>>, %arg12: memref<2x!tpu.dma_semaphore, #tpu.memory_space<semaphore_mem>>, %arg13: memref<2x!tpu.dma_semaphore, #tpu.memory_space<semaphore_mem>>) attributes {dimension_semantics = [#tpu.dimension_semantics<core_parallel>, #tpu.dimension_semantics<subcore_parallel>], iteration_bounds = array<i64: 2, 16>, scalar_prefetch = 0 : i64, scratch_operands = 8 : i64, tpu.core_type = #tpu.core_type<sc_vector_subcore>, window_params = [{transform_indices = #map}, {transform_indices = #map}, {transform_indices = #map1}, {transform_indices = #map2}]} {
    %mul3A = arith.constant 2 : i32
    %mul3A_0 = arith.muli %arg1, %mul3A : i32
    %add3A = arith.addi %mul3A_0, %arg0 : i32
    %mul3A_1 = arith.constant 32 : i32
    %mul3A_2 = arith.muli %add3A, %mul3A_1 : i32
    %jit3A = arith.constant 128 : i32
    %div3A = arith.divsi %mul3A_2, %jit3A : i32
    %sign3A = arith.constant 0 : i32
    %sign3A_3 = arith.cmpi sgt, %mul3A_2, %sign3A : i32
    %sign3A_4 = arith.extui %sign3A_3 : i1 to i32
    %sign3A_5 = arith.constant 0 : i32
    %sign3A_6 = arith.cmpi slt, %mul3A_2, %sign3A_5 : i32
    %sign3A_7 = arith.extui %sign3A_6 : i1 to i32
    %sign3A_8 = arith.subi %sign3A_4, %sign3A_7 : i32
    %sign3A_9 = arith.constant 0 : i32
    %sign3A_10 = arith.cmpi sgt, %jit3A, %sign3A_9 : i32
    %sign3A_11 = arith.extui %sign3A_10 : i1 to i32
    %sign3A_12 = arith.constant 0 : i32
    %sign3A_13 = arith.cmpi slt, %jit3A, %sign3A_12 : i32
    %sign3A_14 = arith.extui %sign3A_13 : i1 to i32
    %sign3A_15 = arith.subi %sign3A_11, %sign3A_14 : i32
    %ne3A = arith.cmpi ne, %sign3A_8, %sign3A_15 : i32
    %rem3A = arith.remsi %mul3A_2, %jit3A : i32
    %ne3A_16 = arith.constant 0 : i32
    %ne3A_17 = arith.cmpi ne, %rem3A, %ne3A_16 : i32
    %and3A = arith.andi %ne3A, %ne3A_17 : i1
    %sub3A = arith.constant 1 : i32
    %sub3A_18 = arith.subi %div3A, %sub3A : i32
    %select_n3A = arith.select %and3A, %sub3A_18, %div3A : i32
    %jit3A_19 = arith.constant 128 : i32
    %eq3A = arith.constant 0 : i32
    %eq3A_20 = arith.cmpi eq, %jit3A_19, %eq3A : i32
    %jit3A_21 = arith.constant 1 : i32
    %select_n3A_22 = arith.select %eq3A_20, %jit3A_21, %jit3A_19 : i32
    %rem3A_23 = arith.remsi %mul3A_2, %select_n3A_22 : i32
    %ne3A_24 = arith.constant 0 : i32
    %ne3A_25 = arith.cmpi ne, %rem3A_23, %ne3A_24 : i32
    %lt3A = arith.constant 0 : i32
    %lt3A_26 = arith.cmpi slt, %rem3A_23, %lt3A : i32
    %lt3A_27 = arith.constant 0 : i32
    %lt3A_28 = arith.cmpi slt, %select_n3A_22, %lt3A_27 : i32
    %ne3A_29 = arith.xori %lt3A_26, %lt3A_28 : i1
    %and3A_30 = arith.andi %ne3A_29, %ne3A_25 : i1
    %add3A_31 = arith.addi %rem3A_23, %select_n3A_22 : i32
    %select_n3A_32 = arith.select %and3A_30, %add3A_31, %rem3A_23 : i32
    %iota3A = tpu.iota {dimensions = array<i32: 0>} : vector<16xi32>
    %shift_right_logical3A = arith.constant 3 : i32
    %shift_right_logical3A_33 = vector.broadcast %shift_right_logical3A : i32 to vector<16xi32>
    %shift_right_logical3A_34 = arith.shrui %iota3A, %shift_right_logical3A_33 : vector<16xi32>
    %and3A_35 = arith.constant 7 : i32
    %and3A_36 = vector.broadcast %and3A_35 : i32 to vector<16xi32>
    %and3A_37 = arith.andi %iota3A, %and3A_36 : vector<16xi32>
    %dma_start3A = arith.constant 0 : i32
    %dma_start3A_38 = arith.constant 0 : i32
    %dma_start3A_39 = arith.constant 0 : i32
    %dma_start3A_40 = arith.constant 0 : i32
    %dma_start3A_41 = arith.constant 0 : i32
    %dma_start3A_42 = arith.constant 0 : i32
    %dma_start3A_43 = tpu.memref_slice %arg6[%dma_start3A_39, %dma_start3A_41, %dma_start3A_42] : memref<2x26x32xi32, #tpu.memory_space<vmem>> -> memref<1x26x32xi32, #tpu.memory_space<vmem>>
    %dma_start3A_44 = tpu.memref_squeeze %dma_start3A_43 : memref<1x26x32xi32, #tpu.memory_space<vmem>> -> memref<26x32xi32, #tpu.memory_space<vmem>>
    %dma_start3A_45 = arith.constant 0 : i32
    %dma_start3A_46 = tpu.memref_slice %arg2[%dma_start3A_45, %dma_start3A, %select_n3A, %dma_start3A_38, %select_n3A_32] : memref<26x7x8x8x128xi32, #tpu.memory_space<hbm>> -> memref<26x1x1x1x32xi32, #tpu.memory_space<hbm>>
    %dma_start3A_47 = tpu.memref_squeeze %dma_start3A_46 : memref<26x1x1x1x32xi32, #tpu.memory_space<hbm>> -> memref<26x32xi32, #tpu.memory_space<hbm>>
    %dma_start3A_48 = tpu.memref_slice %arg10[%dma_start3A_40] : memref<2x!tpu.dma_semaphore, #tpu.memory_space<semaphore_mem>> -> memref<1x!tpu.dma_semaphore, #tpu.memory_space<semaphore_mem>>
    %dma_start3A_49 = tpu.memref_squeeze %dma_start3A_48 : memref<1x!tpu.dma_semaphore, #tpu.memory_space<semaphore_mem>> -> memref<!tpu.dma_semaphore, #tpu.memory_space<semaphore_mem>>
    %dma_start3A_50 = arith.constant 0 : i32
    %dma_start3A_51 = arith.constant 0 : i32
    %dma_start3A_52 = tpu.memref_slice %arg6[%dma_start3A_39, %dma_start3A_50, %dma_start3A_51] : memref<2x26x32xi32, #tpu.memory_space<vmem>> -> memref<1x26x32xi32, #tpu.memory_space<vmem>>
    %dma_start3A_53 = tpu.memref_squeeze %dma_start3A_52 : memref<1x26x32xi32, #tpu.memory_space<vmem>> -> memref<26x32xi32, #tpu.memory_space<vmem>>
    %dma_start3A_54 = arith.constant 0 : i32
    %dma_start3A_55 = tpu.memref_slice %arg2[%dma_start3A_54, %dma_start3A, %select_n3A, %dma_start3A_38, %select_n3A_32] : memref<26x7x8x8x128xi32, #tpu.memory_space<hbm>> -> memref<26x1x1x1x32xi32, #tpu.memory_space<hbm>>
    %dma_start3A_56 = tpu.memref_squeeze %dma_start3A_55 : memref<26x1x1x1x32xi32, #tpu.memory_space<hbm>> -> memref<26x32xi32, #tpu.memory_space<hbm>>
    tpu.enqueue_dma source(%dma_start3A_56 : memref<26x32xi32, #tpu.memory_space<hbm>>) target(%dma_start3A_53 : memref<26x32xi32, #tpu.memory_space<vmem>>) target_semaphore(%dma_start3A_49 : memref<!tpu.dma_semaphore, #tpu.memory_space<semaphore_mem>>)
    %dma_start3A_57 = arith.constant 0 : i32
    %dma_start3A_58 = arith.constant 0 : i32
    %dma_start3A_59 = arith.constant 0 : i32
    %dma_start3A_60 = arith.constant 0 : i32
    %dma_start3A_61 = arith.constant 0 : i32
    %dma_start3A_62 = arith.constant 0 : i32
    %dma_start3A_63 = tpu.memref_slice %arg8[%dma_start3A_58, %dma_start3A_60, %dma_start3A_61, %dma_start3A_62] : memref<2x2x8x32xf32, #tpu.memory_space<vmem>> -> memref<1x2x8x32xf32, #tpu.memory_space<vmem>>
    %dma_start3A_64 = tpu.memref_squeeze %dma_start3A_63 : memref<1x2x8x32xf32, #tpu.memory_space<vmem>> -> memref<2x8x32xf32, #tpu.memory_space<vmem>>
    %dma_start3A_65 = arith.constant 0 : i32
    %dma_start3A_66 = arith.constant 0 : i32
    %dma_start3A_67 = tpu.memref_slice %arg3[%dma_start3A_57, %dma_start3A_65, %select_n3A, %dma_start3A_66, %select_n3A_32] : memref<50x2x8x8x128xf32, #tpu.memory_space<hbm>> -> memref<1x2x1x8x32xf32, #tpu.memory_space<hbm>>
    %dma_start3A_68 = tpu.memref_squeeze %dma_start3A_67 : memref<1x2x1x8x32xf32, #tpu.memory_space<hbm>> -> memref<2x8x32xf32, #tpu.memory_space<hbm>>
    %dma_start3A_69 = tpu.memref_slice %arg11[%dma_start3A_59] : memref<2x!tpu.dma_semaphore, #tpu.memory_space<semaphore_mem>> -> memref<1x!tpu.dma_semaphore, #tpu.memory_space<semaphore_mem>>
    %dma_start3A_70 = tpu.memref_squeeze %dma_start3A_69 : memref<1x!tpu.dma_semaphore, #tpu.memory_space<semaphore_mem>> -> memref<!tpu.dma_semaphore, #tpu.memory_space<semaphore_mem>>
    %dma_start3A_71 = arith.constant 0 : i32
    %dma_start3A_72 = arith.constant 0 : i32
    %dma_start3A_73 = arith.constant 0 : i32
    %dma_start3A_74 = tpu.memref_slice %arg8[%dma_start3A_58, %dma_start3A_71, %dma_start3A_72, %dma_start3A_73] : memref<2x2x8x32xf32, #tpu.memory_space<vmem>> -> memref<1x2x8x32xf32, #tpu.memory_space<vmem>>
    %dma_start3A_75 = tpu.memref_squeeze %dma_start3A_74 : memref<1x2x8x32xf32, #tpu.memory_space<vmem>> -> memref<2x8x32xf32, #tpu.memory_space<vmem>>
    %dma_start3A_76 = arith.constant 0 : i32
    %dma_start3A_77 = arith.constant 0 : i32
    %dma_start3A_78 = tpu.memref_slice %arg3[%dma_start3A_57, %dma_start3A_76, %select_n3A, %dma_start3A_77, %select_n3A_32] : memref<50x2x8x8x128xf32, #tpu.memory_space<hbm>> -> memref<1x2x1x8x32xf32, #tpu.memory_space<hbm>>
    %dma_start3A_79 = tpu.memref_squeeze %dma_start3A_78 : memref<1x2x1x8x32xf32, #tpu.memory_space<hbm>> -> memref<2x8x32xf32, #tpu.memory_space<hbm>>
    tpu.enqueue_dma source(%dma_start3A_79 : memref<2x8x32xf32, #tpu.memory_space<hbm>>) target(%dma_start3A_75 : memref<2x8x32xf32, #tpu.memory_space<vmem>>) target_semaphore(%dma_start3A_70 : memref<!tpu.dma_semaphore, #tpu.memory_space<semaphore_mem>>)
    %dma_wait3A = arith.constant 0 : i32
    %dma_wait3A_80 = arith.constant 0 : i32
    %dma_wait3A_81 = arith.constant 0 : i32
    %dma_wait3A_82 = arith.constant 0 : i32
    %dma_wait3A_83 = arith.constant 0 : i32
    %dma_wait3A_84 = arith.constant 0 : i32
    %dma_wait3A_85 = tpu.memref_slice %arg6[%dma_wait3A_81, %dma_wait3A_83, %dma_wait3A_84] : memref<2x26x32xi32, #tpu.memory_space<vmem>> -> memref<1x26x32xi32, #tpu.memory_space<vmem>>
    %dma_wait3A_86 = tpu.memref_squeeze %dma_wait3A_85 : memref<1x26x32xi32, #tpu.memory_space<vmem>> -> memref<26x32xi32, #tpu.memory_space<vmem>>
    %dma_wait3A_87 = arith.constant 0 : i32
    %dma_wait3A_88 = tpu.memref_slice %arg2[%dma_wait3A_87, %dma_wait3A, %select_n3A, %dma_wait3A_80, %select_n3A_32] : memref<26x7x8x8x128xi32, #tpu.memory_space<hbm>> -> memref<26x1x1x1x32xi32, #tpu.memory_space<hbm>>
    %dma_wait3A_89 = tpu.memref_squeeze %dma_wait3A_88 : memref<26x1x1x1x32xi32, #tpu.memory_space<hbm>> -> memref<26x32xi32, #tpu.memory_space<hbm>>
    %dma_wait3A_90 = tpu.memref_slice %arg10[%dma_wait3A_82] : memref<2x!tpu.dma_semaphore, #tpu.memory_space<semaphore_mem>> -> memref<1x!tpu.dma_semaphore, #tpu.memory_space<semaphore_mem>>
    %dma_wait3A_91 = tpu.memref_squeeze %dma_wait3A_90 : memref<1x!tpu.dma_semaphore, #tpu.memory_space<semaphore_mem>> -> memref<!tpu.dma_semaphore, #tpu.memory_space<semaphore_mem>>
    %dma_wait3A_92 = arith.constant 0 : i32
    %dma_wait3A_93 = arith.constant 0 : i32
    %dma_wait3A_94 = tpu.memref_slice %arg6[%dma_wait3A_81, %dma_wait3A_92, %dma_wait3A_93] : memref<2x26x32xi32, #tpu.memory_space<vmem>> -> memref<1x26x32xi32, #tpu.memory_space<vmem>>
    %dma_wait3A_95 = tpu.memref_squeeze %dma_wait3A_94 : memref<1x26x32xi32, #tpu.memory_space<vmem>> -> memref<26x32xi32, #tpu.memory_space<vmem>>
    %dma_wait3A_96 = arith.constant 0 : i32
    %dma_wait3A_97 = tpu.memref_slice %arg2[%dma_wait3A_96, %dma_wait3A, %select_n3A, %dma_wait3A_80, %select_n3A_32] : memref<26x7x8x8x128xi32, #tpu.memory_space<hbm>> -> memref<26x1x1x1x32xi32, #tpu.memory_space<hbm>>
    %dma_wait3A_98 = tpu.memref_squeeze %dma_wait3A_97 : memref<26x1x1x1x32xi32, #tpu.memory_space<hbm>> -> memref<26x32xi32, #tpu.memory_space<hbm>>
    tpu.wait_dma2 semaphore(%dma_wait3A_91 : memref<!tpu.dma_semaphore, #tpu.memory_space<semaphore_mem>>) src(%dma_wait3A_98 : memref<26x32xi32, #tpu.memory_space<hbm>>) dst(%dma_wait3A_95 : memref<26x32xi32, #tpu.memory_space<vmem>>)
    %dma_start3A_99 = arith.constant 0 : i32
    %dma_start3A_100 = arith.constant 0 : i32
    %dma_start3A_101 = arith.constant 0 : i32
    %dma_start3A_102 = arith.constant 0 : i32
    %dma_start3A_103 = arith.constant 0 : i32
    %dma_start3A_104 = arith.constant 0 : i32
    %dma_start3A_105 = tpu.memref_slice %arg7[%dma_start3A_101, %dma_start3A_103, %dma_start3A_104] : memref<2x832x64xf32, #tpu.memory_space<vmem>> -> memref<1x832x64xf32, #tpu.memory_space<vmem>>
    %dma_start3A_106 = tpu.memref_squeeze %dma_start3A_105 : memref<1x832x64xf32, #tpu.memory_space<vmem>> -> memref<832x64xf32, #tpu.memory_space<vmem>>
    %dma_start3A_107 = arith.constant 0 : i32
    %dma_start3A_108 = arith.constant 0 : i32
    %dma_start3A_109 = tpu.memref_slice %dma_start3A_106[%dma_start3A_107, %dma_start3A_108] : memref<832x64xf32, #tpu.memory_space<vmem>> -> memref<32x64xf32, #tpu.memory_space<vmem>>
    %dma_start3A_110 = arith.constant 0 : i32
    %dma_start3A_111 = arith.constant 0 : i32
    %dma_start3A_112 = tpu.memref_slice %arg6[%dma_start3A_99, %dma_start3A_110, %dma_start3A_111] : memref<2x26x32xi32, #tpu.memory_space<vmem>> -> memref<1x26x32xi32, #tpu.memory_space<vmem>>
    %dma_start3A_113 = tpu.memref_squeeze %dma_start3A_112 : memref<1x26x32xi32, #tpu.memory_space<vmem>> -> memref<26x32xi32, #tpu.memory_space<vmem>>
    %dma_start3A_114 = arith.constant 0 : i32
    %dma_start3A_115 = tpu.memref_slice %dma_start3A_113[%dma_start3A_100, %dma_start3A_114] : memref<26x32xi32, #tpu.memory_space<vmem>> -> memref<1x32xi32, #tpu.memory_space<vmem>>
    %dma_start3A_116 = tpu.memref_squeeze %dma_start3A_115 : memref<1x32xi32, #tpu.memory_space<vmem>> -> memref<32xi32, #tpu.memory_space<vmem>>
    %dma_start3A_117 = arith.constant 0 : i32
    %dma_start3A_118 = arith.constant 0 : i32
    %dma_start3A_119 = tpu.memref_slice %arg4[%dma_start3A_117, %dma_start3A_118] : memref<2000000x64xf32, #tpu.memory_space<hbm>> -> memref<2000000x64xf32, #tpu.memory_space<hbm>>
    %dma_start3A_120 = tpu.memref_slice %arg12[%dma_start3A_102] : memref<2x!tpu.dma_semaphore, #tpu.memory_space<semaphore_mem>> -> memref<1x!tpu.dma_semaphore, #tpu.memory_space<semaphore_mem>>
    %dma_start3A_121 = tpu.memref_squeeze %dma_start3A_120 : memref<1x!tpu.dma_semaphore, #tpu.memory_space<semaphore_mem>> -> memref<!tpu.dma_semaphore, #tpu.memory_space<semaphore_mem>>
    tpu.enqueue_indirect_dma source(%dma_start3A_119 : memref<2000000x64xf32, #tpu.memory_space<hbm>>) target(%dma_start3A_109 : memref<32x64xf32, #tpu.memory_space<vmem>>) offsets(%dma_start3A_116 : memref<32xi32, #tpu.memory_space<vmem>>) semaphore(%dma_start3A_121 : memref<!tpu.dma_semaphore, #tpu.memory_space<semaphore_mem>>)
    %dma_start3A_122 = arith.constant 0 : i32
    %dma_start3A_123 = arith.constant 1 : i32
    %dma_start3A_124 = arith.constant 0 : i32
    %dma_start3A_125 = arith.constant 0 : i32
    %dma_start3A_126 = arith.constant 0 : i32
    %dma_start3A_127 = arith.constant 0 : i32
    %dma_start3A_128 = tpu.memref_slice %arg7[%dma_start3A_124, %dma_start3A_126, %dma_start3A_127] : memref<2x832x64xf32, #tpu.memory_space<vmem>> -> memref<1x832x64xf32, #tpu.memory_space<vmem>>
    %dma_start3A_129 = tpu.memref_squeeze %dma_start3A_128 : memref<1x832x64xf32, #tpu.memory_space<vmem>> -> memref<832x64xf32, #tpu.memory_space<vmem>>
    %dma_start3A_130 = arith.constant 32 : i32
    %dma_start3A_131 = arith.constant 0 : i32
    %dma_start3A_132 = tpu.memref_slice %dma_start3A_129[%dma_start3A_130, %dma_start3A_131] : memref<832x64xf32, #tpu.memory_space<vmem>> -> memref<32x64xf32, #tpu.memory_space<vmem>>
    %dma_start3A_133 = arith.constant 0 : i32
    %dma_start3A_134 = arith.constant 0 : i32
    %dma_start3A_135 = tpu.memref_slice %arg6[%dma_start3A_122, %dma_start3A_133, %dma_start3A_134] : memref<2x26x32xi32, #tpu.memory_space<vmem>> -> memref<1x26x32xi32, #tpu.memory_space<vmem>>
    %dma_start3A_136 = tpu.memref_squeeze %dma_start3A_135 : memref<1x26x32xi32, #tpu.memory_space<vmem>> -> memref<26x32xi32, #tpu.memory_space<vmem>>
    %dma_start3A_137 = arith.constant 0 : i32
    %dma_start3A_138 = tpu.memref_slice %dma_start3A_136[%dma_start3A_123, %dma_start3A_137] : memref<26x32xi32, #tpu.memory_space<vmem>> -> memref<1x32xi32, #tpu.memory_space<vmem>>
    %dma_start3A_139 = tpu.memref_squeeze %dma_start3A_138 : memref<1x32xi32, #tpu.memory_space<vmem>> -> memref<32xi32, #tpu.memory_space<vmem>>
    %dma_start3A_140 = arith.constant 0 : i32
    %dma_start3A_141 = arith.constant 0 : i32
    %dma_start3A_142 = tpu.memref_slice %arg4[%dma_start3A_140, %dma_start3A_141] : memref<2000000x64xf32, #tpu.memory_space<hbm>> -> memref<2000000x64xf32, #tpu.memory_space<hbm>>
    %dma_start3A_143 = tpu.memref_slice %arg12[%dma_start3A_125] : memref<2x!tpu.dma_semaphore, #tpu.memory_space<semaphore_mem>> -> memref<1x!tpu.dma_semaphore, #tpu.memory_space<semaphore_mem>>
    %dma_start3A_144 = tpu.memref_squeeze %dma_start3A_143 : memref<1x!tpu.dma_semaphore, #tpu.memory_space<semaphore_mem>> -> memref<!tpu.dma_semaphore, #tpu.memory_space<semaphore_mem>>
    tpu.enqueue_indirect_dma source(%dma_start3A_142 : memref<2000000x64xf32, #tpu.memory_space<hbm>>) target(%dma_start3A_132 : memref<32x64xf32, #tpu.memory_space<vmem>>) offsets(%dma_start3A_139 : memref<32xi32, #tpu.memory_space<vmem>>) semaphore(%dma_start3A_144 : memref<!tpu.dma_semaphore, #tpu.memory_space<semaphore_mem>>)
    %dma_start3A_145 = arith.constant 0 : i32
    %dma_start3A_146 = arith.constant 2 : i32
    %dma_start3A_147 = arith.constant 0 : i32
    %dma_start3A_148 = arith.constant 0 : i32
    %dma_start3A_149 = arith.constant 0 : i32
    %dma_start3A_150 = arith.constant 0 : i32
    %dma_start3A_151 = tpu.memref_slice %arg7[%dma_start3A_147, %dma_start3A_149, %dma_start3A_150] : memref<2x832x64xf32, #tpu.memory_space<vmem>> -> memref<1x832x64xf32, #tpu.memory_space<vmem>>
    %dma_start3A_152 = tpu.memref_squeeze %dma_start3A_151 : memref<1x832x64xf32, #tpu.memory_space<vmem>> -> memref<832x64xf32, #tpu.memory_space<vmem>>
    %dma_start3A_153 = arith.constant 64 : i32
    %dma_start3A_154 = arith.constant 0 : i32
    %dma_start3A_155 = tpu.memref_slice %dma_start3A_152[%dma_start3A_153, %dma_start3A_154] : memref<832x64xf32, #tpu.memory_space<vmem>> -> memref<32x64xf32, #tpu.memory_space<vmem>>
    %dma_start3A_156 = arith.constant 0 : i32
    %dma_start3A_157 = arith.constant 0 : i32
    %dma_start3A_158 = tpu.memref_slice %arg6[%dma_start3A_145, %dma_start3A_156, %dma_start3A_157] : memref<2x26x32xi32, #tpu.memory_space<vmem>> -> memref<1x26x32xi32, #tpu.memory_space<vmem>>
    %dma_start3A_159 = tpu.memref_squeeze %dma_start3A_158 : memref<1x26x32xi32, #tpu.memory_space<vmem>> -> memref<26x32xi32, #tpu.memory_space<vmem>>
    %dma_start3A_160 = arith.constant 0 : i32
    %dma_start3A_161 = tpu.memref_slice %dma_start3A_159[%dma_start3A_146, %dma_start3A_160] : memref<26x32xi32, #tpu.memory_space<vmem>> -> memref<1x32xi32, #tpu.memory_space<vmem>>
    %dma_start3A_162 = tpu.memref_squeeze %dma_start3A_161 : memref<1x32xi32, #tpu.memory_space<vmem>> -> memref<32xi32, #tpu.memory_space<vmem>>
    %dma_start3A_163 = arith.constant 0 : i32
    %dma_start3A_164 = arith.constant 0 : i32
    %dma_start3A_165 = tpu.memref_slice %arg4[%dma_start3A_163, %dma_start3A_164] : memref<2000000x64xf32, #tpu.memory_space<hbm>> -> memref<2000000x64xf32, #tpu.memory_space<hbm>>
    %dma_start3A_166 = tpu.memref_slice %arg12[%dma_start3A_148] : memref<2x!tpu.dma_semaphore, #tpu.memory_space<semaphore_mem>> -> memref<1x!tpu.dma_semaphore, #tpu.memory_space<semaphore_mem>>
    %dma_start3A_167 = tpu.memref_squeeze %dma_start3A_166 : memref<1x!tpu.dma_semaphore, #tpu.memory_space<semaphore_mem>> -> memref<!tpu.dma_semaphore, #tpu.memory_space<semaphore_mem>>
    tpu.enqueue_indirect_dma source(%dma_start3A_165 : memref<2000000x64xf32, #tpu.memory_space<hbm>>) target(%dma_start3A_155 : memref<32x64xf32, #tpu.memory_space<vmem>>) offsets(%dma_start3A_162 : memref<32xi32, #tpu.memory_space<vmem>>) semaphore(%dma_start3A_167 : memref<!tpu.dma_semaphore, #tpu.memory_space<semaphore_mem>>)
    %dma_start3A_168 = arith.constant 0 : i32
    %dma_start3A_169 = arith.constant 3 : i32
    %dma_start3A_170 = arith.constant 0 : i32
    %dma_start3A_171 = arith.constant 0 : i32
    %dma_start3A_172 = arith.constant 0 : i32
    %dma_start3A_173 = arith.constant 0 : i32
    %dma_start3A_174 = tpu.memref_slice %arg7[%dma_start3A_170, %dma_start3A_172, %dma_start3A_173] : memref<2x832x64xf32, #tpu.memory_space<vmem>> -> memref<1x832x64xf32, #tpu.memory_space<vmem>>
    %dma_start3A_175 = tpu.memref_squeeze %dma_start3A_174 : memref<1x832x64xf32, #tpu.memory_space<vmem>> -> memref<832x64xf32, #tpu.memory_space<vmem>>
    %dma_start3A_176 = arith.constant 96 : i32
    %dma_start3A_177 = arith.constant 0 : i32
    %dma_start3A_178 = tpu.memref_slice %dma_start3A_175[%dma_start3A_176, %dma_start3A_177] : memref<832x64xf32, #tpu.memory_space<vmem>> -> memref<32x64xf32, #tpu.memory_space<vmem>>
    %dma_start3A_179 = arith.constant 0 : i32
    %dma_start3A_180 = arith.constant 0 : i32
    %dma_start3A_181 = tpu.memref_slice %arg6[%dma_start3A_168, %dma_start3A_179, %dma_start3A_180] : memref<2x26x32xi32, #tpu.memory_space<vmem>> -> memref<1x26x32xi32, #tpu.memory_space<vmem>>
    %dma_start3A_182 = tpu.memref_squeeze %dma_start3A_181 : memref<1x26x32xi32, #tpu.memory_space<vmem>> -> memref<26x32xi32, #tpu.memory_space<vmem>>
    %dma_start3A_183 = arith.constant 0 : i32
    %dma_start3A_184 = tpu.memref_slice %dma_start3A_182[%dma_start3A_169, %dma_start3A_183] : memref<26x32xi32, #tpu.memory_space<vmem>> -> memref<1x32xi32, #tpu.memory_space<vmem>>
    %dma_start3A_185 = tpu.memref_squeeze %dma_start3A_184 : memref<1x32xi32, #tpu.memory_space<vmem>> -> memref<32xi32, #tpu.memory_space<vmem>>
    %dma_start3A_186 = arith.constant 0 : i32
    %dma_start3A_187 = arith.constant 0 : i32
    %dma_start3A_188 = tpu.memref_slice %arg4[%dma_start3A_186, %dma_start3A_187] : memref<2000000x64xf32, #tpu.memory_space<hbm>> -> memref<2000000x64xf32, #tpu.memory_space<hbm>>
    %dma_start3A_189 = tpu.memref_slice %arg12[%dma_start3A_171] : memref<2x!tpu.dma_semaphore, #tpu.memory_space<semaphore_mem>> -> memref<1x!tpu.dma_semaphore, #tpu.memory_space<semaphore_mem>>
    %dma_start3A_190 = tpu.memref_squeeze %dma_start3A_189 : memref<1x!tpu.dma_semaphore, #tpu.memory_space<semaphore_mem>> -> memref<!tpu.dma_semaphore, #tpu.memory_space<semaphore_mem>>
    tpu.enqueue_indirect_dma source(%dma_start3A_188 : memref<2000000x64xf32, #tpu.memory_space<hbm>>) target(%dma_start3A_178 : memref<32x64xf32, #tpu.memory_space<vmem>>) offsets(%dma_start3A_185 : memref<32xi32, #tpu.memory_space<vmem>>) semaphore(%dma_start3A_190 : memref<!tpu.dma_semaphore, #tpu.memory_space<semaphore_mem>>)
    %dma_start3A_191 = arith.constant 0 : i32
    %dma_start3A_192 = arith.constant 4 : i32
    %dma_start3A_193 = arith.constant 0 : i32
    %dma_start3A_194 = arith.constant 0 : i32
    %dma_start3A_195 = arith.constant 0 : i32
    %dma_start3A_196 = arith.constant 0 : i32
    %dma_start3A_197 = tpu.memref_slice %arg7[%dma_start3A_193, %dma_start3A_195, %dma_start3A_196] : memref<2x832x64xf32, #tpu.memory_space<vmem>> -> memref<1x832x64xf32, #tpu.memory_space<vmem>>
    %dma_start3A_198 = tpu.memref_squeeze %dma_start3A_197 : memref<1x832x64xf32, #tpu.memory_space<vmem>> -> memref<832x64xf32, #tpu.memory_space<vmem>>
    %dma_start3A_199 = arith.constant 128 : i32
    %dma_start3A_200 = arith.constant 0 : i32
    %dma_start3A_201 = tpu.memref_slice %dma_start3A_198[%dma_start3A_199, %dma_start3A_200] : memref<832x64xf32, #tpu.memory_space<vmem>> -> memref<32x64xf32, #tpu.memory_space<vmem>>
    %dma_start3A_202 = arith.constant 0 : i32
    %dma_start3A_203 = arith.constant 0 : i32
    %dma_start3A_204 = tpu.memref_slice %arg6[%dma_start3A_191, %dma_start3A_202, %dma_start3A_203] : memref<2x26x32xi32, #tpu.memory_space<vmem>> -> memref<1x26x32xi32, #tpu.memory_space<vmem>>
    %dma_start3A_205 = tpu.memref_squeeze %dma_start3A_204 : memref<1x26x32xi32, #tpu.memory_space<vmem>> -> memref<26x32xi32, #tpu.memory_space<vmem>>
    %dma_start3A_206 = arith.constant 0 : i32
    %dma_start3A_207 = tpu.memref_slice %dma_start3A_205[%dma_start3A_192, %dma_start3A_206] : memref<26x32xi32, #tpu.memory_space<vmem>> -> memref<1x32xi32, #tpu.memory_space<vmem>>
    %dma_start3A_208 = tpu.memref_squeeze %dma_start3A_207 : memref<1x32xi32, #tpu.memory_space<vmem>> -> memref<32xi32, #tpu.memory_space<vmem>>
    %dma_start3A_209 = arith.constant 0 : i32
    %dma_start3A_210 = arith.constant 0 : i32
    %dma_start3A_211 = tpu.memref_slice %arg4[%dma_start3A_209, %dma_start3A_210] : memref<2000000x64xf32, #tpu.memory_space<hbm>> -> memref<2000000x64xf32, #tpu.memory_space<hbm>>
    %dma_start3A_212 = tpu.memref_slice %arg12[%dma_start3A_194] : memref<2x!tpu.dma_semaphore, #tpu.memory_space<semaphore_mem>> -> memref<1x!tpu.dma_semaphore, #tpu.memory_space<semaphore_mem>>
    %dma_start3A_213 = tpu.memref_squeeze %dma_start3A_212 : memref<1x!tpu.dma_semaphore, #tpu.memory_space<semaphore_mem>> -> memref<!tpu.dma_semaphore, #tpu.memory_space<semaphore_mem>>
    tpu.enqueue_indirect_dma source(%dma_start3A_211 : memref<2000000x64xf32, #tpu.memory_space<hbm>>) target(%dma_start3A_201 : memref<32x64xf32, #tpu.memory_space<vmem>>) offsets(%dma_start3A_208 : memref<32xi32, #tpu.memory_space<vmem>>) semaphore(%dma_start3A_213 : memref<!tpu.dma_semaphore, #tpu.memory_space<semaphore_mem>>)
    %dma_start3A_214 = arith.constant 0 : i32
    %dma_start3A_215 = arith.constant 5 : i32
    %dma_start3A_216 = arith.constant 0 : i32
    %dma_start3A_217 = arith.constant 0 : i32
    %dma_start3A_218 = arith.constant 0 : i32
    %dma_start3A_219 = arith.constant 0 : i32
    %dma_start3A_220 = tpu.memref_slice %arg7[%dma_start3A_216, %dma_start3A_218, %dma_start3A_219] : memref<2x832x64xf32, #tpu.memory_space<vmem>> -> memref<1x832x64xf32, #tpu.memory_space<vmem>>
    %dma_start3A_221 = tpu.memref_squeeze %dma_start3A_220 : memref<1x832x64xf32, #tpu.memory_space<vmem>> -> memref<832x64xf32, #tpu.memory_space<vmem>>
    %dma_start3A_222 = arith.constant 160 : i32
    %dma_start3A_223 = arith.constant 0 : i32
    %dma_start3A_224 = tpu.memref_slice %dma_start3A_221[%dma_start3A_222, %dma_start3A_223] : memref<832x64xf32, #tpu.memory_space<vmem>> -> memref<32x64xf32, #tpu.memory_space<vmem>>
    %dma_start3A_225 = arith.constant 0 : i32
    %dma_start3A_226 = arith.constant 0 : i32
    %dma_start3A_227 = tpu.memref_slice %arg6[%dma_start3A_214, %dma_start3A_225, %dma_start3A_226] : memref<2x26x32xi32, #tpu.memory_space<vmem>> -> memref<1x26x32xi32, #tpu.memory_space<vmem>>
    %dma_start3A_228 = tpu.memref_squeeze %dma_start3A_227 : memref<1x26x32xi32, #tpu.memory_space<vmem>> -> memref<26x32xi32, #tpu.memory_space<vmem>>
    %dma_start3A_229 = arith.constant 0 : i32
    %dma_start3A_230 = tpu.memref_slice %dma_start3A_228[%dma_start3A_215, %dma_start3A_229] : memref<26x32xi32, #tpu.memory_space<vmem>> -> memref<1x32xi32, #tpu.memory_space<vmem>>
    %dma_start3A_231 = tpu.memref_squeeze %dma_start3A_230 : memref<1x32xi32, #tpu.memory_space<vmem>> -> memref<32xi32, #tpu.memory_space<vmem>>
    %dma_start3A_232 = arith.constant 0 : i32
    %dma_start3A_233 = arith.constant 0 : i32
    %dma_start3A_234 = tpu.memref_slice %arg4[%dma_start3A_232, %dma_start3A_233] : memref<2000000x64xf32, #tpu.memory_space<hbm>> -> memref<2000000x64xf32, #tpu.memory_space<hbm>>
    %dma_start3A_235 = tpu.memref_slice %arg12[%dma_start3A_217] : memref<2x!tpu.dma_semaphore, #tpu.memory_space<semaphore_mem>> -> memref<1x!tpu.dma_semaphore, #tpu.memory_space<semaphore_mem>>
    %dma_start3A_236 = tpu.memref_squeeze %dma_start3A_235 : memref<1x!tpu.dma_semaphore, #tpu.memory_space<semaphore_mem>> -> memref<!tpu.dma_semaphore, #tpu.memory_space<semaphore_mem>>
    tpu.enqueue_indirect_dma source(%dma_start3A_234 : memref<2000000x64xf32, #tpu.memory_space<hbm>>) target(%dma_start3A_224 : memref<32x64xf32, #tpu.memory_space<vmem>>) offsets(%dma_start3A_231 : memref<32xi32, #tpu.memory_space<vmem>>) semaphore(%dma_start3A_236 : memref<!tpu.dma_semaphore, #tpu.memory_space<semaphore_mem>>)
    %dma_start3A_237 = arith.constant 0 : i32
    %dma_start3A_238 = arith.constant 6 : i32
    %dma_start3A_239 = arith.constant 0 : i32
    %dma_start3A_240 = arith.constant 0 : i32
    %dma_start3A_241 = arith.constant 0 : i32
    %dma_start3A_242 = arith.constant 0 : i32
    %dma_start3A_243 = tpu.memref_slice %arg7[%dma_start3A_239, %dma_start3A_241, %dma_start3A_242] : memref<2x832x64xf32, #tpu.memory_space<vmem>> -> memref<1x832x64xf32, #tpu.memory_space<vmem>>
    %dma_start3A_244 = tpu.memref_squeeze %dma_start3A_243 : memref<1x832x64xf32, #tpu.memory_space<vmem>> -> memref<832x64xf32, #tpu.memory_space<vmem>>
    %dma_start3A_245 = arith.constant 192 : i32
    %dma_start3A_246 = arith.constant 0 : i32
    %dma_start3A_247 = tpu.memref_slice %dma_start3A_244[%dma_start3A_245, %dma_start3A_246] : memref<832x64xf32, #tpu.memory_space<vmem>> -> memref<32x64xf32, #tpu.memory_space<vmem>>
    %dma_start3A_248 = arith.constant 0 : i32
    %dma_start3A_249 = arith.constant 0 : i32
    %dma_start3A_250 = tpu.memref_slice %arg6[%dma_start3A_237, %dma_start3A_248, %dma_start3A_249] : memref<2x26x32xi32, #tpu.memory_space<vmem>> -> memref<1x26x32xi32, #tpu.memory_space<vmem>>
    %dma_start3A_251 = tpu.memref_squeeze %dma_start3A_250 : memref<1x26x32xi32, #tpu.memory_space<vmem>> -> memref<26x32xi32, #tpu.memory_space<vmem>>
    %dma_start3A_252 = arith.constant 0 : i32
    %dma_start3A_253 = tpu.memref_slice %dma_start3A_251[%dma_start3A_238, %dma_start3A_252] : memref<26x32xi32, #tpu.memory_space<vmem>> -> memref<1x32xi32, #tpu.memory_space<vmem>>
    %dma_start3A_254 = tpu.memref_squeeze %dma_start3A_253 : memref<1x32xi32, #tpu.memory_space<vmem>> -> memref<32xi32, #tpu.memory_space<vmem>>
    %dma_start3A_255 = arith.constant 0 : i32
    %dma_start3A_256 = arith.constant 0 : i32
    %dma_start3A_257 = tpu.memref_slice %arg4[%dma_start3A_255, %dma_start3A_256] : memref<2000000x64xf32, #tpu.memory_space<hbm>> -> memref<2000000x64xf32, #tpu.memory_space<hbm>>
    %dma_start3A_258 = tpu.memref_slice %arg12[%dma_start3A_240] : memref<2x!tpu.dma_semaphore, #tpu.memory_space<semaphore_mem>> -> memref<1x!tpu.dma_semaphore, #tpu.memory_space<semaphore_mem>>
    %dma_start3A_259 = tpu.memref_squeeze %dma_start3A_258 : memref<1x!tpu.dma_semaphore, #tpu.memory_space<semaphore_mem>> -> memref<!tpu.dma_semaphore, #tpu.memory_space<semaphore_mem>>
    tpu.enqueue_indirect_dma source(%dma_start3A_257 : memref<2000000x64xf32, #tpu.memory_space<hbm>>) target(%dma_start3A_247 : memref<32x64xf32, #tpu.memory_space<vmem>>) offsets(%dma_start3A_254 : memref<32xi32, #tpu.memory_space<vmem>>) semaphore(%dma_start3A_259 : memref<!tpu.dma_semaphore, #tpu.memory_space<semaphore_mem>>)
    %dma_start3A_260 = arith.constant 0 : i32
    %dma_start3A_261 = arith.constant 7 : i32
    %dma_start3A_262 = arith.constant 0 : i32
    %dma_start3A_263 = arith.constant 0 : i32
    %dma_start3A_264 = arith.constant 0 : i32
    %dma_start3A_265 = arith.constant 0 : i32
    %dma_start3A_266 = tpu.memref_slice %arg7[%dma_start3A_262, %dma_start3A_264, %dma_start3A_265] : memref<2x832x64xf32, #tpu.memory_space<vmem>> -> memref<1x832x64xf32, #tpu.memory_space<vmem>>
    %dma_start3A_267 = tpu.memref_squeeze %dma_start3A_266 : memref<1x832x64xf32, #tpu.memory_space<vmem>> -> memref<832x64xf32, #tpu.memory_space<vmem>>
    %dma_start3A_268 = arith.constant 224 : i32
    %dma_start3A_269 = arith.constant 0 : i32
    %dma_start3A_270 = tpu.memref_slice %dma_start3A_267[%dma_start3A_268, %dma_start3A_269] : memref<832x64xf32, #tpu.memory_space<vmem>> -> memref<32x64xf32, #tpu.memory_space<vmem>>
    %dma_start3A_271 = arith.constant 0 : i32
    %dma_start3A_272 = arith.constant 0 : i32
    %dma_start3A_273 = tpu.memref_slice %arg6[%dma_start3A_260, %dma_start3A_271, %dma_start3A_272] : memref<2x26x32xi32, #tpu.memory_space<vmem>> -> memref<1x26x32xi32, #tpu.memory_space<vmem>>
    %dma_start3A_274 = tpu.memref_squeeze %dma_start3A_273 : memref<1x26x32xi32, #tpu.memory_space<vmem>> -> memref<26x32xi32, #tpu.memory_space<vmem>>
    %dma_start3A_275 = arith.constant 0 : i32
    %dma_start3A_276 = tpu.memref_slice %dma_start3A_274[%dma_start3A_261, %dma_start3A_275] : memref<26x32xi32, #tpu.memory_space<vmem>> -> memref<1x32xi32, #tpu.memory_space<vmem>>
    %dma_start3A_277 = tpu.memref_squeeze %dma_start3A_276 : memref<1x32xi32, #tpu.memory_space<vmem>> -> memref<32xi32, #tpu.memory_space<vmem>>
    %dma_start3A_278 = arith.constant 0 : i32
    %dma_start3A_279 = arith.constant 0 : i32
    %dma_start3A_280 = tpu.memref_slice %arg4[%dma_start3A_278, %dma_start3A_279] : memref<2000000x64xf32, #tpu.memory_space<hbm>> -> memref<2000000x64xf32, #tpu.memory_space<hbm>>
    %dma_start3A_281 = tpu.memref_slice %arg12[%dma_start3A_263] : memref<2x!tpu.dma_semaphore, #tpu.memory_space<semaphore_mem>> -> memref<1x!tpu.dma_semaphore, #tpu.memory_space<semaphore_mem>>
    %dma_start3A_282 = tpu.memref_squeeze %dma_start3A_281 : memref<1x!tpu.dma_semaphore, #tpu.memory_space<semaphore_mem>> -> memref<!tpu.dma_semaphore, #tpu.memory_space<semaphore_mem>>
    tpu.enqueue_indirect_dma source(%dma_start3A_280 : memref<2000000x64xf32, #tpu.memory_space<hbm>>) target(%dma_start3A_270 : memref<32x64xf32, #tpu.memory_space<vmem>>) offsets(%dma_start3A_277 : memref<32xi32, #tpu.memory_space<vmem>>) semaphore(%dma_start3A_282 : memref<!tpu.dma_semaphore, #tpu.memory_space<semaphore_mem>>)
    %dma_start3A_283 = arith.constant 0 : i32
    %dma_start3A_284 = arith.constant 8 : i32
    %dma_start3A_285 = arith.constant 0 : i32
    %dma_start3A_286 = arith.constant 0 : i32
    %dma_start3A_287 = arith.constant 0 : i32
    %dma_start3A_288 = arith.constant 0 : i32
    %dma_start3A_289 = tpu.memref_slice %arg7[%dma_start3A_285, %dma_start3A_287, %dma_start3A_288] : memref<2x832x64xf32, #tpu.memory_space<vmem>> -> memref<1x832x64xf32, #tpu.memory_space<vmem>>
    %dma_start3A_290 = tpu.memref_squeeze %dma_start3A_289 : memref<1x832x64xf32, #tpu.memory_space<vmem>> -> memref<832x64xf32, #tpu.memory_space<vmem>>
    %dma_start3A_291 = arith.constant 256 : i32
    %dma_start3A_292 = arith.constant 0 : i32
    %dma_start3A_293 = tpu.memref_slice %dma_start3A_290[%dma_start3A_291, %dma_start3A_292] : memref<832x64xf32, #tpu.memory_space<vmem>> -> memref<32x64xf32, #tpu.memory_space<vmem>>
    %dma_start3A_294 = arith.constant 0 : i32
    %dma_start3A_295 = arith.constant 0 : i32
    %dma_start3A_296 = tpu.memref_slice %arg6[%dma_start3A_283, %dma_start3A_294, %dma_start3A_295] : memref<2x26x32xi32, #tpu.memory_space<vmem>> -> memref<1x26x32xi32, #tpu.memory_space<vmem>>
    %dma_start3A_297 = tpu.memref_squeeze %dma_start3A_296 : memref<1x26x32xi32, #tpu.memory_space<vmem>> -> memref<26x32xi32, #tpu.memory_space<vmem>>
    %dma_start3A_298 = arith.constant 0 : i32
    %dma_start3A_299 = tpu.memref_slice %dma_start3A_297[%dma_start3A_284, %dma_start3A_298] : memref<26x32xi32, #tpu.memory_space<vmem>> -> memref<1x32xi32, #tpu.memory_space<vmem>>
    %dma_start3A_300 = tpu.memref_squeeze %dma_start3A_299 : memref<1x32xi32, #tpu.memory_space<vmem>> -> memref<32xi32, #tpu.memory_space<vmem>>
    %dma_start3A_301 = arith.constant 0 : i32
    %dma_start3A_302 = arith.constant 0 : i32
    %dma_start3A_303 = tpu.memref_slice %arg4[%dma_start3A_301, %dma_start3A_302] : memref<2000000x64xf32, #tpu.memory_space<hbm>> -> memref<2000000x64xf32, #tpu.memory_space<hbm>>
    %dma_start3A_304 = tpu.memref_slice %arg12[%dma_start3A_286] : memref<2x!tpu.dma_semaphore, #tpu.memory_space<semaphore_mem>> -> memref<1x!tpu.dma_semaphore, #tpu.memory_space<semaphore_mem>>
    %dma_start3A_305 = tpu.memref_squeeze %dma_start3A_304 : memref<1x!tpu.dma_semaphore, #tpu.memory_space<semaphore_mem>> -> memref<!tpu.dma_semaphore, #tpu.memory_space<semaphore_mem>>
    tpu.enqueue_indirect_dma source(%dma_start3A_303 : memref<2000000x64xf32, #tpu.memory_space<hbm>>) target(%dma_start3A_293 : memref<32x64xf32, #tpu.memory_space<vmem>>) offsets(%dma_start3A_300 : memref<32xi32, #tpu.memory_space<vmem>>) semaphore(%dma_start3A_305 : memref<!tpu.dma_semaphore, #tpu.memory_space<semaphore_mem>>)
    %dma_start3A_306 = arith.constant 0 : i32
    %dma_start3A_307 = arith.constant 9 : i32
    %dma_start3A_308 = arith.constant 0 : i32
    %dma_start3A_309 = arith.constant 0 : i32
    %dma_start3A_310 = arith.constant 0 : i32
    %dma_start3A_311 = arith.constant 0 : i32
    %dma_start3A_312 = tpu.memref_slice %arg7[%dma_start3A_308, %dma_start3A_310, %dma_start3A_311] : memref<2x832x64xf32, #tpu.memory_space<vmem>> -> memref<1x832x64xf32, #tpu.memory_space<vmem>>
    %dma_start3A_313 = tpu.memref_squeeze %dma_start3A_312 : memref<1x832x64xf32, #tpu.memory_space<vmem>> -> memref<832x64xf32, #tpu.memory_space<vmem>>
    %dma_start3A_314 = arith.constant 288 : i32
    %dma_start3A_315 = arith.constant 0 : i32
    %dma_start3A_316 = tpu.memref_slice %dma_start3A_313[%dma_start3A_314, %dma_start3A_315] : memref<832x64xf32, #tpu.memory_space<vmem>> -> memref<32x64xf32, #tpu.memory_space<vmem>>
    %dma_start3A_317 = arith.constant 0 : i32
    %dma_start3A_318 = arith.constant 0 : i32
    %dma_start3A_319 = tpu.memref_slice %arg6[%dma_start3A_306, %dma_start3A_317, %dma_start3A_318] : memref<2x26x32xi32, #tpu.memory_space<vmem>> -> memref<1x26x32xi32, #tpu.memory_space<vmem>>
    %dma_start3A_320 = tpu.memref_squeeze %dma_start3A_319 : memref<1x26x32xi32, #tpu.memory_space<vmem>> -> memref<26x32xi32, #tpu.memory_space<vmem>>
    %dma_start3A_321 = arith.constant 0 : i32
    %dma_start3A_322 = tpu.memref_slice %dma_start3A_320[%dma_start3A_307, %dma_start3A_321] : memref<26x32xi32, #tpu.memory_space<vmem>> -> memref<1x32xi32, #tpu.memory_space<vmem>>
    %dma_start3A_323 = tpu.memref_squeeze %dma_start3A_322 : memref<1x32xi32, #tpu.memory_space<vmem>> -> memref<32xi32, #tpu.memory_space<vmem>>
    %dma_start3A_324 = arith.constant 0 : i32
    %dma_start3A_325 = arith.constant 0 : i32
    %dma_start3A_326 = tpu.memref_slice %arg4[%dma_start3A_324, %dma_start3A_325] : memref<2000000x64xf32, #tpu.memory_space<hbm>> -> memref<2000000x64xf32, #tpu.memory_space<hbm>>
    %dma_start3A_327 = tpu.memref_slice %arg12[%dma_start3A_309] : memref<2x!tpu.dma_semaphore, #tpu.memory_space<semaphore_mem>> -> memref<1x!tpu.dma_semaphore, #tpu.memory_space<semaphore_mem>>
    %dma_start3A_328 = tpu.memref_squeeze %dma_start3A_327 : memref<1x!tpu.dma_semaphore, #tpu.memory_space<semaphore_mem>> -> memref<!tpu.dma_semaphore, #tpu.memory_space<semaphore_mem>>
    tpu.enqueue_indirect_dma source(%dma_start3A_326 : memref<2000000x64xf32, #tpu.memory_space<hbm>>) target(%dma_start3A_316 : memref<32x64xf32, #tpu.memory_space<vmem>>) offsets(%dma_start3A_323 : memref<32xi32, #tpu.memory_space<vmem>>) semaphore(%dma_start3A_328 : memref<!tpu.dma_semaphore, #tpu.memory_space<semaphore_mem>>)
    %dma_start3A_329 = arith.constant 0 : i32
    %dma_start3A_330 = arith.constant 10 : i32
    %dma_start3A_331 = arith.constant 0 : i32
    %dma_start3A_332 = arith.constant 0 : i32
    %dma_start3A_333 = arith.constant 0 : i32
    %dma_start3A_334 = arith.constant 0 : i32
    %dma_start3A_335 = tpu.memref_slice %arg7[%dma_start3A_331, %dma_start3A_333, %dma_start3A_334] : memref<2x832x64xf32, #tpu.memory_space<vmem>> -> memref<1x832x64xf32, #tpu.memory_space<vmem>>
    %dma_start3A_336 = tpu.memref_squeeze %dma_start3A_335 : memref<1x832x64xf32, #tpu.memory_space<vmem>> -> memref<832x64xf32, #tpu.memory_space<vmem>>
    %dma_start3A_337 = arith.constant 320 : i32
    %dma_start3A_338 = arith.constant 0 : i32
    %dma_start3A_339 = tpu.memref_slice %dma_start3A_336[%dma_start3A_337, %dma_start3A_338] : memref<832x64xf32, #tpu.memory_space<vmem>> -> memref<32x64xf32, #tpu.memory_space<vmem>>
    %dma_start3A_340 = arith.constant 0 : i32
    %dma_start3A_341 = arith.constant 0 : i32
    %dma_start3A_342 = tpu.memref_slice %arg6[%dma_start3A_329, %dma_start3A_340, %dma_start3A_341] : memref<2x26x32xi32, #tpu.memory_space<vmem>> -> memref<1x26x32xi32, #tpu.memory_space<vmem>>
    %dma_start3A_343 = tpu.memref_squeeze %dma_start3A_342 : memref<1x26x32xi32, #tpu.memory_space<vmem>> -> memref<26x32xi32, #tpu.memory_space<vmem>>
    %dma_start3A_344 = arith.constant 0 : i32
    %dma_start3A_345 = tpu.memref_slice %dma_start3A_343[%dma_start3A_330, %dma_start3A_344] : memref<26x32xi32, #tpu.memory_space<vmem>> -> memref<1x32xi32, #tpu.memory_space<vmem>>
    %dma_start3A_346 = tpu.memref_squeeze %dma_start3A_345 : memref<1x32xi32, #tpu.memory_space<vmem>> -> memref<32xi32, #tpu.memory_space<vmem>>
    %dma_start3A_347 = arith.constant 0 : i32
    %dma_start3A_348 = arith.constant 0 : i32
    %dma_start3A_349 = tpu.memref_slice %arg4[%dma_start3A_347, %dma_start3A_348] : memref<2000000x64xf32, #tpu.memory_space<hbm>> -> memref<2000000x64xf32, #tpu.memory_space<hbm>>
    %dma_start3A_350 = tpu.memref_slice %arg12[%dma_start3A_332] : memref<2x!tpu.dma_semaphore, #tpu.memory_space<semaphore_mem>> -> memref<1x!tpu.dma_semaphore, #tpu.memory_space<semaphore_mem>>
    %dma_start3A_351 = tpu.memref_squeeze %dma_start3A_350 : memref<1x!tpu.dma_semaphore, #tpu.memory_space<semaphore_mem>> -> memref<!tpu.dma_semaphore, #tpu.memory_space<semaphore_mem>>
    tpu.enqueue_indirect_dma source(%dma_start3A_349 : memref<2000000x64xf32, #tpu.memory_space<hbm>>) target(%dma_start3A_339 : memref<32x64xf32, #tpu.memory_space<vmem>>) offsets(%dma_start3A_346 : memref<32xi32, #tpu.memory_space<vmem>>) semaphore(%dma_start3A_351 : memref<!tpu.dma_semaphore, #tpu.memory_space<semaphore_mem>>)
    %dma_start3A_352 = arith.constant 0 : i32
    %dma_start3A_353 = arith.constant 11 : i32
    %dma_start3A_354 = arith.constant 0 : i32
    %dma_start3A_355 = arith.constant 0 : i32
    %dma_start3A_356 = arith.constant 0 : i32
    %dma_start3A_357 = arith.constant 0 : i32
    %dma_start3A_358 = tpu.memref_slice %arg7[%dma_start3A_354, %dma_start3A_356, %dma_start3A_357] : memref<2x832x64xf32, #tpu.memory_space<vmem>> -> memref<1x832x64xf32, #tpu.memory_space<vmem>>
    %dma_start3A_359 = tpu.memref_squeeze %dma_start3A_358 : memref<1x832x64xf32, #tpu.memory_space<vmem>> -> memref<832x64xf32, #tpu.memory_space<vmem>>
    %dma_start3A_360 = arith.constant 352 : i32
    %dma_start3A_361 = arith.constant 0 : i32
    %dma_start3A_362 = tpu.memref_slice %dma_start3A_359[%dma_start3A_360, %dma_start3A_361] : memref<832x64xf32, #tpu.memory_space<vmem>> -> memref<32x64xf32, #tpu.memory_space<vmem>>
    %dma_start3A_363 = arith.constant 0 : i32
    %dma_start3A_364 = arith.constant 0 : i32
    %dma_start3A_365 = tpu.memref_slice %arg6[%dma_start3A_352, %dma_start3A_363, %dma_start3A_364] : memref<2x26x32xi32, #tpu.memory_space<vmem>> -> memref<1x26x32xi32, #tpu.memory_space<vmem>>
    %dma_start3A_366 = tpu.memref_squeeze %dma_start3A_365 : memref<1x26x32xi32, #tpu.memory_space<vmem>> -> memref<26x32xi32, #tpu.memory_space<vmem>>
    %dma_start3A_367 = arith.constant 0 : i32
    %dma_start3A_368 = tpu.memref_slice %dma_start3A_366[%dma_start3A_353, %dma_start3A_367] : memref<26x32xi32, #tpu.memory_space<vmem>> -> memref<1x32xi32, #tpu.memory_space<vmem>>
    %dma_start3A_369 = tpu.memref_squeeze %dma_start3A_368 : memref<1x32xi32, #tpu.memory_space<vmem>> -> memref<32xi32, #tpu.memory_space<vmem>>
    %dma_start3A_370 = arith.constant 0 : i32
    %dma_start3A_371 = arith.constant 0 : i32
    %dma_start3A_372 = tpu.memref_slice %arg4[%dma_start3A_370, %dma_start3A_371] : memref<2000000x64xf32, #tpu.memory_space<hbm>> -> memref<2000000x64xf32, #tpu.memory_space<hbm>>
    %dma_start3A_373 = tpu.memref_slice %arg12[%dma_start3A_355] : memref<2x!tpu.dma_semaphore, #tpu.memory_space<semaphore_mem>> -> memref<1x!tpu.dma_semaphore, #tpu.memory_space<semaphore_mem>>
    %dma_start3A_374 = tpu.memref_squeeze %dma_start3A_373 : memref<1x!tpu.dma_semaphore, #tpu.memory_space<semaphore_mem>> -> memref<!tpu.dma_semaphore, #tpu.memory_space<semaphore_mem>>
    tpu.enqueue_indirect_dma source(%dma_start3A_372 : memref<2000000x64xf32, #tpu.memory_space<hbm>>) target(%dma_start3A_362 : memref<32x64xf32, #tpu.memory_space<vmem>>) offsets(%dma_start3A_369 : memref<32xi32, #tpu.memory_space<vmem>>) semaphore(%dma_start3A_374 : memref<!tpu.dma_semaphore, #tpu.memory_space<semaphore_mem>>)
    %dma_start3A_375 = arith.constant 0 : i32
    %dma_start3A_376 = arith.constant 12 : i32
    %dma_start3A_377 = arith.constant 0 : i32
    %dma_start3A_378 = arith.constant 0 : i32
    %dma_start3A_379 = arith.constant 0 : i32
    %dma_start3A_380 = arith.constant 0 : i32
    %dma_start3A_381 = tpu.memref_slice %arg7[%dma_start3A_377, %dma_start3A_379, %dma_start3A_380] : memref<2x832x64xf32, #tpu.memory_space<vmem>> -> memref<1x832x64xf32, #tpu.memory_space<vmem>>
    %dma_start3A_382 = tpu.memref_squeeze %dma_start3A_381 : memref<1x832x64xf32, #tpu.memory_space<vmem>> -> memref<832x64xf32, #tpu.memory_space<vmem>>
    %dma_start3A_383 = arith.constant 384 : i32
    %dma_start3A_384 = arith.constant 0 : i32
    %dma_start3A_385 = tpu.memref_slice %dma_start3A_382[%dma_start3A_383, %dma_start3A_384] : memref<832x64xf32, #tpu.memory_space<vmem>> -> memref<32x64xf32, #tpu.memory_space<vmem>>
    %dma_start3A_386 = arith.constant 0 : i32
    %dma_start3A_387 = arith.constant 0 : i32
    %dma_start3A_388 = tpu.memref_slice %arg6[%dma_start3A_375, %dma_start3A_386, %dma_start3A_387] : memref<2x26x32xi32, #tpu.memory_space<vmem>> -> memref<1x26x32xi32, #tpu.memory_space<vmem>>
    %dma_start3A_389 = tpu.memref_squeeze %dma_start3A_388 : memref<1x26x32xi32, #tpu.memory_space<vmem>> -> memref<26x32xi32, #tpu.memory_space<vmem>>
    %dma_start3A_390 = arith.constant 0 : i32
    %dma_start3A_391 = tpu.memref_slice %dma_start3A_389[%dma_start3A_376, %dma_start3A_390] : memref<26x32xi32, #tpu.memory_space<vmem>> -> memref<1x32xi32, #tpu.memory_space<vmem>>
    %dma_start3A_392 = tpu.memref_squeeze %dma_start3A_391 : memref<1x32xi32, #tpu.memory_space<vmem>> -> memref<32xi32, #tpu.memory_space<vmem>>
    %dma_start3A_393 = arith.constant 0 : i32
    %dma_start3A_394 = arith.constant 0 : i32
    %dma_start3A_395 = tpu.memref_slice %arg4[%dma_start3A_393, %dma_start3A_394] : memref<2000000x64xf32, #tpu.memory_space<hbm>> -> memref<2000000x64xf32, #tpu.memory_space<hbm>>
    %dma_start3A_396 = tpu.memref_slice %arg12[%dma_start3A_378] : memref<2x!tpu.dma_semaphore, #tpu.memory_space<semaphore_mem>> -> memref<1x!tpu.dma_semaphore, #tpu.memory_space<semaphore_mem>>
    %dma_start3A_397 = tpu.memref_squeeze %dma_start3A_396 : memref<1x!tpu.dma_semaphore, #tpu.memory_space<semaphore_mem>> -> memref<!tpu.dma_semaphore, #tpu.memory_space<semaphore_mem>>
    tpu.enqueue_indirect_dma source(%dma_start3A_395 : memref<2000000x64xf32, #tpu.memory_space<hbm>>) target(%dma_start3A_385 : memref<32x64xf32, #tpu.memory_space<vmem>>) offsets(%dma_start3A_392 : memref<32xi32, #tpu.memory_space<vmem>>) semaphore(%dma_start3A_397 : memref<!tpu.dma_semaphore, #tpu.memory_space<semaphore_mem>>)
    %dma_start3A_398 = arith.constant 0 : i32
    %dma_start3A_399 = arith.constant 13 : i32
    %dma_start3A_400 = arith.constant 0 : i32
    %dma_start3A_401 = arith.constant 0 : i32
    %dma_start3A_402 = arith.constant 0 : i32
    %dma_start3A_403 = arith.constant 0 : i32
    %dma_start3A_404 = tpu.memref_slice %arg7[%dma_start3A_400, %dma_start3A_402, %dma_start3A_403] : memref<2x832x64xf32, #tpu.memory_space<vmem>> -> memref<1x832x64xf32, #tpu.memory_space<vmem>>
    %dma_start3A_405 = tpu.memref_squeeze %dma_start3A_404 : memref<1x832x64xf32, #tpu.memory_space<vmem>> -> memref<832x64xf32, #tpu.memory_space<vmem>>
    %dma_start3A_406 = arith.constant 416 : i32
    %dma_start3A_407 = arith.constant 0 : i32
    %dma_start3A_408 = tpu.memref_slice %dma_start3A_405[%dma_start3A_406, %dma_start3A_407] : memref<832x64xf32, #tpu.memory_space<vmem>> -> memref<32x64xf32, #tpu.memory_space<vmem>>
    %dma_start3A_409 = arith.constant 0 : i32
    %dma_start3A_410 = arith.constant 0 : i32
    %dma_start3A_411 = tpu.memref_slice %arg6[%dma_start3A_398, %dma_start3A_409, %dma_start3A_410] : memref<2x26x32xi32, #tpu.memory_space<vmem>> -> memref<1x26x32xi32, #tpu.memory_space<vmem>>
    %dma_start3A_412 = tpu.memref_squeeze %dma_start3A_411 : memref<1x26x32xi32, #tpu.memory_space<vmem>> -> memref<26x32xi32, #tpu.memory_space<vmem>>
    %dma_start3A_413 = arith.constant 0 : i32
    %dma_start3A_414 = tpu.memref_slice %dma_start3A_412[%dma_start3A_399, %dma_start3A_413] : memref<26x32xi32, #tpu.memory_space<vmem>> -> memref<1x32xi32, #tpu.memory_space<vmem>>
    %dma_start3A_415 = tpu.memref_squeeze %dma_start3A_414 : memref<1x32xi32, #tpu.memory_space<vmem>> -> memref<32xi32, #tpu.memory_space<vmem>>
    %dma_start3A_416 = arith.constant 0 : i32
    %dma_start3A_417 = arith.constant 0 : i32
    %dma_start3A_418 = tpu.memref_slice %arg4[%dma_start3A_416, %dma_start3A_417] : memref<2000000x64xf32, #tpu.memory_space<hbm>> -> memref<2000000x64xf32, #tpu.memory_space<hbm>>
    %dma_start3A_419 = tpu.memref_slice %arg12[%dma_start3A_401] : memref<2x!tpu.dma_semaphore, #tpu.memory_space<semaphore_mem>> -> memref<1x!tpu.dma_semaphore, #tpu.memory_space<semaphore_mem>>
    %dma_start3A_420 = tpu.memref_squeeze %dma_start3A_419 : memref<1x!tpu.dma_semaphore, #tpu.memory_space<semaphore_mem>> -> memref<!tpu.dma_semaphore, #tpu.memory_space<semaphore_mem>>
    tpu.enqueue_indirect_dma source(%dma_start3A_418 : memref<2000000x64xf32, #tpu.memory_space<hbm>>) target(%dma_start3A_408 : memref<32x64xf32, #tpu.memory_space<vmem>>) offsets(%dma_start3A_415 : memref<32xi32, #tpu.memory_space<vmem>>) semaphore(%dma_start3A_420 : memref<!tpu.dma_semaphore, #tpu.memory_space<semaphore_mem>>)
    %dma_start3A_421 = arith.constant 0 : i32
    %dma_start3A_422 = arith.constant 14 : i32
    %dma_start3A_423 = arith.constant 0 : i32
    %dma_start3A_424 = arith.constant 0 : i32
    %dma_start3A_425 = arith.constant 0 : i32
    %dma_start3A_426 = arith.constant 0 : i32
    %dma_start3A_427 = tpu.memref_slice %arg7[%dma_start3A_423, %dma_start3A_425, %dma_start3A_426] : memref<2x832x64xf32, #tpu.memory_space<vmem>> -> memref<1x832x64xf32, #tpu.memory_space<vmem>>
    %dma_start3A_428 = tpu.memref_squeeze %dma_start3A_427 : memref<1x832x64xf32, #tpu.memory_space<vmem>> -> memref<832x64xf32, #tpu.memory_space<vmem>>
    %dma_start3A_429 = arith.constant 448 : i32
    %dma_start3A_430 = arith.constant 0 : i32
    %dma_start3A_431 = tpu.memref_slice %dma_start3A_428[%dma_start3A_429, %dma_start3A_430] : memref<832x64xf32, #tpu.memory_space<vmem>> -> memref<32x64xf32, #tpu.memory_space<vmem>>
    %dma_start3A_432 = arith.constant 0 : i32
    %dma_start3A_433 = arith.constant 0 : i32
    %dma_start3A_434 = tpu.memref_slice %arg6[%dma_start3A_421, %dma_start3A_432, %dma_start3A_433] : memref<2x26x32xi32, #tpu.memory_space<vmem>> -> memref<1x26x32xi32, #tpu.memory_space<vmem>>
    %dma_start3A_435 = tpu.memref_squeeze %dma_start3A_434 : memref<1x26x32xi32, #tpu.memory_space<vmem>> -> memref<26x32xi32, #tpu.memory_space<vmem>>
    %dma_start3A_436 = arith.constant 0 : i32
    %dma_start3A_437 = tpu.memref_slice %dma_start3A_435[%dma_start3A_422, %dma_start3A_436] : memref<26x32xi32, #tpu.memory_space<vmem>> -> memref<1x32xi32, #tpu.memory_space<vmem>>
    %dma_start3A_438 = tpu.memref_squeeze %dma_start3A_437 : memref<1x32xi32, #tpu.memory_space<vmem>> -> memref<32xi32, #tpu.memory_space<vmem>>
    %dma_start3A_439 = arith.constant 0 : i32
    %dma_start3A_440 = arith.constant 0 : i32
    %dma_start3A_441 = tpu.memref_slice %arg4[%dma_start3A_439, %dma_start3A_440] : memref<2000000x64xf32, #tpu.memory_space<hbm>> -> memref<2000000x64xf32, #tpu.memory_space<hbm>>
    %dma_start3A_442 = tpu.memref_slice %arg12[%dma_start3A_424] : memref<2x!tpu.dma_semaphore, #tpu.memory_space<semaphore_mem>> -> memref<1x!tpu.dma_semaphore, #tpu.memory_space<semaphore_mem>>
    %dma_start3A_443 = tpu.memref_squeeze %dma_start3A_442 : memref<1x!tpu.dma_semaphore, #tpu.memory_space<semaphore_mem>> -> memref<!tpu.dma_semaphore, #tpu.memory_space<semaphore_mem>>
    tpu.enqueue_indirect_dma source(%dma_start3A_441 : memref<2000000x64xf32, #tpu.memory_space<hbm>>) target(%dma_start3A_431 : memref<32x64xf32, #tpu.memory_space<vmem>>) offsets(%dma_start3A_438 : memref<32xi32, #tpu.memory_space<vmem>>) semaphore(%dma_start3A_443 : memref<!tpu.dma_semaphore, #tpu.memory_space<semaphore_mem>>)
    %dma_start3A_444 = arith.constant 0 : i32
    %dma_start3A_445 = arith.constant 15 : i32
    %dma_start3A_446 = arith.constant 0 : i32
    %dma_start3A_447 = arith.constant 0 : i32
    %dma_start3A_448 = arith.constant 0 : i32
    %dma_start3A_449 = arith.constant 0 : i32
    %dma_start3A_450 = tpu.memref_slice %arg7[%dma_start3A_446, %dma_start3A_448, %dma_start3A_449] : memref<2x832x64xf32, #tpu.memory_space<vmem>> -> memref<1x832x64xf32, #tpu.memory_space<vmem>>
    %dma_start3A_451 = tpu.memref_squeeze %dma_start3A_450 : memref<1x832x64xf32, #tpu.memory_space<vmem>> -> memref<832x64xf32, #tpu.memory_space<vmem>>
    %dma_start3A_452 = arith.constant 480 : i32
    %dma_start3A_453 = arith.constant 0 : i32
    %dma_start3A_454 = tpu.memref_slice %dma_start3A_451[%dma_start3A_452, %dma_start3A_453] : memref<832x64xf32, #tpu.memory_space<vmem>> -> memref<32x64xf32, #tpu.memory_space<vmem>>
    %dma_start3A_455 = arith.constant 0 : i32
    %dma_start3A_456 = arith.constant 0 : i32
    %dma_start3A_457 = tpu.memref_slice %arg6[%dma_start3A_444, %dma_start3A_455, %dma_start3A_456] : memref<2x26x32xi32, #tpu.memory_space<vmem>> -> memref<1x26x32xi32, #tpu.memory_space<vmem>>
    %dma_start3A_458 = tpu.memref_squeeze %dma_start3A_457 : memref<1x26x32xi32, #tpu.memory_space<vmem>> -> memref<26x32xi32, #tpu.memory_space<vmem>>
    %dma_start3A_459 = arith.constant 0 : i32
    %dma_start3A_460 = tpu.memref_slice %dma_start3A_458[%dma_start3A_445, %dma_start3A_459] : memref<26x32xi32, #tpu.memory_space<vmem>> -> memref<1x32xi32, #tpu.memory_space<vmem>>
    %dma_start3A_461 = tpu.memref_squeeze %dma_start3A_460 : memref<1x32xi32, #tpu.memory_space<vmem>> -> memref<32xi32, #tpu.memory_space<vmem>>
    %dma_start3A_462 = arith.constant 0 : i32
    %dma_start3A_463 = arith.constant 0 : i32
    %dma_start3A_464 = tpu.memref_slice %arg4[%dma_start3A_462, %dma_start3A_463] : memref<2000000x64xf32, #tpu.memory_space<hbm>> -> memref<2000000x64xf32, #tpu.memory_space<hbm>>
    %dma_start3A_465 = tpu.memref_slice %arg12[%dma_start3A_447] : memref<2x!tpu.dma_semaphore, #tpu.memory_space<semaphore_mem>> -> memref<1x!tpu.dma_semaphore, #tpu.memory_space<semaphore_mem>>
    %dma_start3A_466 = tpu.memref_squeeze %dma_start3A_465 : memref<1x!tpu.dma_semaphore, #tpu.memory_space<semaphore_mem>> -> memref<!tpu.dma_semaphore, #tpu.memory_space<semaphore_mem>>
    tpu.enqueue_indirect_dma source(%dma_start3A_464 : memref<2000000x64xf32, #tpu.memory_space<hbm>>) target(%dma_start3A_454 : memref<32x64xf32, #tpu.memory_space<vmem>>) offsets(%dma_start3A_461 : memref<32xi32, #tpu.memory_space<vmem>>) semaphore(%dma_start3A_466 : memref<!tpu.dma_semaphore, #tpu.memory_space<semaphore_mem>>)
    %dma_start3A_467 = arith.constant 0 : i32
    %dma_start3A_468 = arith.constant 16 : i32
    %dma_start3A_469 = arith.constant 0 : i32
    %dma_start3A_470 = arith.constant 0 : i32
    %dma_start3A_471 = arith.constant 0 : i32
    %dma_start3A_472 = arith.constant 0 : i32
    %dma_start3A_473 = tpu.memref_slice %arg7[%dma_start3A_469, %dma_start3A_471, %dma_start3A_472] : memref<2x832x64xf32, #tpu.memory_space<vmem>> -> memref<1x832x64xf32, #tpu.memory_space<vmem>>
    %dma_start3A_474 = tpu.memref_squeeze %dma_start3A_473 : memref<1x832x64xf32, #tpu.memory_space<vmem>> -> memref<832x64xf32, #tpu.memory_space<vmem>>
    %dma_start3A_475 = arith.constant 512 : i32
    %dma_start3A_476 = arith.constant 0 : i32
    %dma_start3A_477 = tpu.memref_slice %dma_start3A_474[%dma_start3A_475, %dma_start3A_476] : memref<832x64xf32, #tpu.memory_space<vmem>> -> memref<32x64xf32, #tpu.memory_space<vmem>>
    %dma_start3A_478 = arith.constant 0 : i32
    %dma_start3A_479 = arith.constant 0 : i32
    %dma_start3A_480 = tpu.memref_slice %arg6[%dma_start3A_467, %dma_start3A_478, %dma_start3A_479] : memref<2x26x32xi32, #tpu.memory_space<vmem>> -> memref<1x26x32xi32, #tpu.memory_space<vmem>>
    %dma_start3A_481 = tpu.memref_squeeze %dma_start3A_480 : memref<1x26x32xi32, #tpu.memory_space<vmem>> -> memref<26x32xi32, #tpu.memory_space<vmem>>
    %dma_start3A_482 = arith.constant 0 : i32
    %dma_start3A_483 = tpu.memref_slice %dma_start3A_481[%dma_start3A_468, %dma_start3A_482] : memref<26x32xi32, #tpu.memory_space<vmem>> -> memref<1x32xi32, #tpu.memory_space<vmem>>
    %dma_start3A_484 = tpu.memref_squeeze %dma_start3A_483 : memref<1x32xi32, #tpu.memory_space<vmem>> -> memref<32xi32, #tpu.memory_space<vmem>>
    %dma_start3A_485 = arith.constant 0 : i32
    %dma_start3A_486 = arith.constant 0 : i32
    %dma_start3A_487 = tpu.memref_slice %arg4[%dma_start3A_485, %dma_start3A_486] : memref<2000000x64xf32, #tpu.memory_space<hbm>> -> memref<2000000x64xf32, #tpu.memory_space<hbm>>
    %dma_start3A_488 = tpu.memref_slice %arg12[%dma_start3A_470] : memref<2x!tpu.dma_semaphore, #tpu.memory_space<semaphore_mem>> -> memref<1x!tpu.dma_semaphore, #tpu.memory_space<semaphore_mem>>
    %dma_start3A_489 = tpu.memref_squeeze %dma_start3A_488 : memref<1x!tpu.dma_semaphore, #tpu.memory_space<semaphore_mem>> -> memref<!tpu.dma_semaphore, #tpu.memory_space<semaphore_mem>>
    tpu.enqueue_indirect_dma source(%dma_start3A_487 : memref<2000000x64xf32, #tpu.memory_space<hbm>>) target(%dma_start3A_477 : memref<32x64xf32, #tpu.memory_space<vmem>>) offsets(%dma_start3A_484 : memref<32xi32, #tpu.memory_space<vmem>>) semaphore(%dma_start3A_489 : memref<!tpu.dma_semaphore, #tpu.memory_space<semaphore_mem>>)
    %dma_start3A_490 = arith.constant 0 : i32
    %dma_start3A_491 = arith.constant 17 : i32
    %dma_start3A_492 = arith.constant 0 : i32
    %dma_start3A_493 = arith.constant 0 : i32
    %dma_start3A_494 = arith.constant 0 : i32
    %dma_start3A_495 = arith.constant 0 : i32
    %dma_start3A_496 = tpu.memref_slice %arg7[%dma_start3A_492, %dma_start3A_494, %dma_start3A_495] : memref<2x832x64xf32, #tpu.memory_space<vmem>> -> memref<1x832x64xf32, #tpu.memory_space<vmem>>
    %dma_start3A_497 = tpu.memref_squeeze %dma_start3A_496 : memref<1x832x64xf32, #tpu.memory_space<vmem>> -> memref<832x64xf32, #tpu.memory_space<vmem>>
    %dma_start3A_498 = arith.constant 544 : i32
    %dma_start3A_499 = arith.constant 0 : i32
    %dma_start3A_500 = tpu.memref_slice %dma_start3A_497[%dma_start3A_498, %dma_start3A_499] : memref<832x64xf32, #tpu.memory_space<vmem>> -> memref<32x64xf32, #tpu.memory_space<vmem>>
    %dma_start3A_501 = arith.constant 0 : i32
    %dma_start3A_502 = arith.constant 0 : i32
    %dma_start3A_503 = tpu.memref_slice %arg6[%dma_start3A_490, %dma_start3A_501, %dma_start3A_502] : memref<2x26x32xi32, #tpu.memory_space<vmem>> -> memref<1x26x32xi32, #tpu.memory_space<vmem>>
    %dma_start3A_504 = tpu.memref_squeeze %dma_start3A_503 : memref<1x26x32xi32, #tpu.memory_space<vmem>> -> memref<26x32xi32, #tpu.memory_space<vmem>>
    %dma_start3A_505 = arith.constant 0 : i32
    %dma_start3A_506 = tpu.memref_slice %dma_start3A_504[%dma_start3A_491, %dma_start3A_505] : memref<26x32xi32, #tpu.memory_space<vmem>> -> memref<1x32xi32, #tpu.memory_space<vmem>>
    %dma_start3A_507 = tpu.memref_squeeze %dma_start3A_506 : memref<1x32xi32, #tpu.memory_space<vmem>> -> memref<32xi32, #tpu.memory_space<vmem>>
    %dma_start3A_508 = arith.constant 0 : i32
    %dma_start3A_509 = arith.constant 0 : i32
    %dma_start3A_510 = tpu.memref_slice %arg4[%dma_start3A_508, %dma_start3A_509] : memref<2000000x64xf32, #tpu.memory_space<hbm>> -> memref<2000000x64xf32, #tpu.memory_space<hbm>>
    %dma_start3A_511 = tpu.memref_slice %arg12[%dma_start3A_493] : memref<2x!tpu.dma_semaphore, #tpu.memory_space<semaphore_mem>> -> memref<1x!tpu.dma_semaphore, #tpu.memory_space<semaphore_mem>>
    %dma_start3A_512 = tpu.memref_squeeze %dma_start3A_511 : memref<1x!tpu.dma_semaphore, #tpu.memory_space<semaphore_mem>> -> memref<!tpu.dma_semaphore, #tpu.memory_space<semaphore_mem>>
    tpu.enqueue_indirect_dma source(%dma_start3A_510 : memref<2000000x64xf32, #tpu.memory_space<hbm>>) target(%dma_start3A_500 : memref<32x64xf32, #tpu.memory_space<vmem>>) offsets(%dma_start3A_507 : memref<32xi32, #tpu.memory_space<vmem>>) semaphore(%dma_start3A_512 : memref<!tpu.dma_semaphore, #tpu.memory_space<semaphore_mem>>)
    %dma_start3A_513 = arith.constant 0 : i32
    %dma_start3A_514 = arith.constant 18 : i32
    %dma_start3A_515 = arith.constant 0 : i32
    %dma_start3A_516 = arith.constant 0 : i32
    %dma_start3A_517 = arith.constant 0 : i32
    %dma_start3A_518 = arith.constant 0 : i32
    %dma_start3A_519 = tpu.memref_slice %arg7[%dma_start3A_515, %dma_start3A_517, %dma_start3A_518] : memref<2x832x64xf32, #tpu.memory_space<vmem>> -> memref<1x832x64xf32, #tpu.memory_space<vmem>>
    %dma_start3A_520 = tpu.memref_squeeze %dma_start3A_519 : memref<1x832x64xf32, #tpu.memory_space<vmem>> -> memref<832x64xf32, #tpu.memory_space<vmem>>
    %dma_start3A_521 = arith.constant 576 : i32
    %dma_start3A_522 = arith.constant 0 : i32
    %dma_start3A_523 = tpu.memref_slice %dma_start3A_520[%dma_start3A_521, %dma_start3A_522] : memref<832x64xf32, #tpu.memory_space<vmem>> -> memref<32x64xf32, #tpu.memory_space<vmem>>
    %dma_start3A_524 = arith.constant 0 : i32
    %dma_start3A_525 = arith.constant 0 : i32
    %dma_start3A_526 = tpu.memref_slice %arg6[%dma_start3A_513, %dma_start3A_524, %dma_start3A_525] : memref<2x26x32xi32, #tpu.memory_space<vmem>> -> memref<1x26x32xi32, #tpu.memory_space<vmem>>
    %dma_start3A_527 = tpu.memref_squeeze %dma_start3A_526 : memref<1x26x32xi32, #tpu.memory_space<vmem>> -> memref<26x32xi32, #tpu.memory_space<vmem>>
    %dma_start3A_528 = arith.constant 0 : i32
    %dma_start3A_529 = tpu.memref_slice %dma_start3A_527[%dma_start3A_514, %dma_start3A_528] : memref<26x32xi32, #tpu.memory_space<vmem>> -> memref<1x32xi32, #tpu.memory_space<vmem>>
    %dma_start3A_530 = tpu.memref_squeeze %dma_start3A_529 : memref<1x32xi32, #tpu.memory_space<vmem>> -> memref<32xi32, #tpu.memory_space<vmem>>
    %dma_start3A_531 = arith.constant 0 : i32
    %dma_start3A_532 = arith.constant 0 : i32
    %dma_start3A_533 = tpu.memref_slice %arg4[%dma_start3A_531, %dma_start3A_532] : memref<2000000x64xf32, #tpu.memory_space<hbm>> -> memref<2000000x64xf32, #tpu.memory_space<hbm>>
    %dma_start3A_534 = tpu.memref_slice %arg12[%dma_start3A_516] : memref<2x!tpu.dma_semaphore, #tpu.memory_space<semaphore_mem>> -> memref<1x!tpu.dma_semaphore, #tpu.memory_space<semaphore_mem>>
    %dma_start3A_535 = tpu.memref_squeeze %dma_start3A_534 : memref<1x!tpu.dma_semaphore, #tpu.memory_space<semaphore_mem>> -> memref<!tpu.dma_semaphore, #tpu.memory_space<semaphore_mem>>
    tpu.enqueue_indirect_dma source(%dma_start3A_533 : memref<2000000x64xf32, #tpu.memory_space<hbm>>) target(%dma_start3A_523 : memref<32x64xf32, #tpu.memory_space<vmem>>) offsets(%dma_start3A_530 : memref<32xi32, #tpu.memory_space<vmem>>) semaphore(%dma_start3A_535 : memref<!tpu.dma_semaphore, #tpu.memory_space<semaphore_mem>>)
    %dma_start3A_536 = arith.constant 0 : i32
    %dma_start3A_537 = arith.constant 19 : i32
    %dma_start3A_538 = arith.constant 0 : i32
    %dma_start3A_539 = arith.constant 0 : i32
    %dma_start3A_540 = arith.constant 0 : i32
    %dma_start3A_541 = arith.constant 0 : i32
    %dma_start3A_542 = tpu.memref_slice %arg7[%dma_start3A_538, %dma_start3A_540, %dma_start3A_541] : memref<2x832x64xf32, #tpu.memory_space<vmem>> -> memref<1x832x64xf32, #tpu.memory_space<vmem>>
    %dma_start3A_543 = tpu.memref_squeeze %dma_start3A_542 : memref<1x832x64xf32, #tpu.memory_space<vmem>> -> memref<832x64xf32, #tpu.memory_space<vmem>>
    %dma_start3A_544 = arith.constant 608 : i32
    %dma_start3A_545 = arith.constant 0 : i32
    %dma_start3A_546 = tpu.memref_slice %dma_start3A_543[%dma_start3A_544, %dma_start3A_545] : memref<832x64xf32, #tpu.memory_space<vmem>> -> memref<32x64xf32, #tpu.memory_space<vmem>>
    %dma_start3A_547 = arith.constant 0 : i32
    %dma_start3A_548 = arith.constant 0 : i32
    %dma_start3A_549 = tpu.memref_slice %arg6[%dma_start3A_536, %dma_start3A_547, %dma_start3A_548] : memref<2x26x32xi32, #tpu.memory_space<vmem>> -> memref<1x26x32xi32, #tpu.memory_space<vmem>>
    %dma_start3A_550 = tpu.memref_squeeze %dma_start3A_549 : memref<1x26x32xi32, #tpu.memory_space<vmem>> -> memref<26x32xi32, #tpu.memory_space<vmem>>
    %dma_start3A_551 = arith.constant 0 : i32
    %dma_start3A_552 = tpu.memref_slice %dma_start3A_550[%dma_start3A_537, %dma_start3A_551] : memref<26x32xi32, #tpu.memory_space<vmem>> -> memref<1x32xi32, #tpu.memory_space<vmem>>
    %dma_start3A_553 = tpu.memref_squeeze %dma_start3A_552 : memref<1x32xi32, #tpu.memory_space<vmem>> -> memref<32xi32, #tpu.memory_space<vmem>>
    %dma_start3A_554 = arith.constant 0 : i32
    %dma_start3A_555 = arith.constant 0 : i32
    %dma_start3A_556 = tpu.memref_slice %arg4[%dma_start3A_554, %dma_start3A_555] : memref<2000000x64xf32, #tpu.memory_space<hbm>> -> memref<2000000x64xf32, #tpu.memory_space<hbm>>
    %dma_start3A_557 = tpu.memref_slice %arg12[%dma_start3A_539] : memref<2x!tpu.dma_semaphore, #tpu.memory_space<semaphore_mem>> -> memref<1x!tpu.dma_semaphore, #tpu.memory_space<semaphore_mem>>
    %dma_start3A_558 = tpu.memref_squeeze %dma_start3A_557 : memref<1x!tpu.dma_semaphore, #tpu.memory_space<semaphore_mem>> -> memref<!tpu.dma_semaphore, #tpu.memory_space<semaphore_mem>>
    tpu.enqueue_indirect_dma source(%dma_start3A_556 : memref<2000000x64xf32, #tpu.memory_space<hbm>>) target(%dma_start3A_546 : memref<32x64xf32, #tpu.memory_space<vmem>>) offsets(%dma_start3A_553 : memref<32xi32, #tpu.memory_space<vmem>>) semaphore(%dma_start3A_558 : memref<!tpu.dma_semaphore, #tpu.memory_space<semaphore_mem>>)
    %dma_start3A_559 = arith.constant 0 : i32
    %dma_start3A_560 = arith.constant 20 : i32
    %dma_start3A_561 = arith.constant 0 : i32
    %dma_start3A_562 = arith.constant 0 : i32
    %dma_start3A_563 = arith.constant 0 : i32
    %dma_start3A_564 = arith.constant 0 : i32
    %dma_start3A_565 = tpu.memref_slice %arg7[%dma_start3A_561, %dma_start3A_563, %dma_start3A_564] : memref<2x832x64xf32, #tpu.memory_space<vmem>> -> memref<1x832x64xf32, #tpu.memory_space<vmem>>
    %dma_start3A_566 = tpu.memref_squeeze %dma_start3A_565 : memref<1x832x64xf32, #tpu.memory_space<vmem>> -> memref<832x64xf32, #tpu.memory_space<vmem>>
    %dma_start3A_567 = arith.constant 640 : i32
    %dma_start3A_568 = arith.constant 0 : i32
    %dma_start3A_569 = tpu.memref_slice %dma_start3A_566[%dma_start3A_567, %dma_start3A_568] : memref<832x64xf32, #tpu.memory_space<vmem>> -> memref<32x64xf32, #tpu.memory_space<vmem>>
    %dma_start3A_570 = arith.constant 0 : i32
    %dma_start3A_571 = arith.constant 0 : i32
    %dma_start3A_572 = tpu.memref_slice %arg6[%dma_start3A_559, %dma_start3A_570, %dma_start3A_571] : memref<2x26x32xi32, #tpu.memory_space<vmem>> -> memref<1x26x32xi32, #tpu.memory_space<vmem>>
    %dma_start3A_573 = tpu.memref_squeeze %dma_start3A_572 : memref<1x26x32xi32, #tpu.memory_space<vmem>> -> memref<26x32xi32, #tpu.memory_space<vmem>>
    %dma_start3A_574 = arith.constant 0 : i32
    %dma_start3A_575 = tpu.memref_slice %dma_start3A_573[%dma_start3A_560, %dma_start3A_574] : memref<26x32xi32, #tpu.memory_space<vmem>> -> memref<1x32xi32, #tpu.memory_space<vmem>>
    %dma_start3A_576 = tpu.memref_squeeze %dma_start3A_575 : memref<1x32xi32, #tpu.memory_space<vmem>> -> memref<32xi32, #tpu.memory_space<vmem>>
    %dma_start3A_577 = arith.constant 0 : i32
    %dma_start3A_578 = arith.constant 0 : i32
    %dma_start3A_579 = tpu.memref_slice %arg4[%dma_start3A_577, %dma_start3A_578] : memref<2000000x64xf32, #tpu.memory_space<hbm>> -> memref<2000000x64xf32, #tpu.memory_space<hbm>>
    %dma_start3A_580 = tpu.memref_slice %arg12[%dma_start3A_562] : memref<2x!tpu.dma_semaphore, #tpu.memory_space<semaphore_mem>> -> memref<1x!tpu.dma_semaphore, #tpu.memory_space<semaphore_mem>>
    %dma_start3A_581 = tpu.memref_squeeze %dma_start3A_580 : memref<1x!tpu.dma_semaphore, #tpu.memory_space<semaphore_mem>> -> memref<!tpu.dma_semaphore, #tpu.memory_space<semaphore_mem>>
    tpu.enqueue_indirect_dma source(%dma_start3A_579 : memref<2000000x64xf32, #tpu.memory_space<hbm>>) target(%dma_start3A_569 : memref<32x64xf32, #tpu.memory_space<vmem>>) offsets(%dma_start3A_576 : memref<32xi32, #tpu.memory_space<vmem>>) semaphore(%dma_start3A_581 : memref<!tpu.dma_semaphore, #tpu.memory_space<semaphore_mem>>)
    %dma_start3A_582 = arith.constant 0 : i32
    %dma_start3A_583 = arith.constant 21 : i32
    %dma_start3A_584 = arith.constant 0 : i32
    %dma_start3A_585 = arith.constant 0 : i32
    %dma_start3A_586 = arith.constant 0 : i32
    %dma_start3A_587 = arith.constant 0 : i32
    %dma_start3A_588 = tpu.memref_slice %arg7[%dma_start3A_584, %dma_start3A_586, %dma_start3A_587] : memref<2x832x64xf32, #tpu.memory_space<vmem>> -> memref<1x832x64xf32, #tpu.memory_space<vmem>>
    %dma_start3A_589 = tpu.memref_squeeze %dma_start3A_588 : memref<1x832x64xf32, #tpu.memory_space<vmem>> -> memref<832x64xf32, #tpu.memory_space<vmem>>
    %dma_start3A_590 = arith.constant 672 : i32
    %dma_start3A_591 = arith.constant 0 : i32
    %dma_start3A_592 = tpu.memref_slice %dma_start3A_589[%dma_start3A_590, %dma_start3A_591] : memref<832x64xf32, #tpu.memory_space<vmem>> -> memref<32x64xf32, #tpu.memory_space<vmem>>
    %dma_start3A_593 = arith.constant 0 : i32
    %dma_start3A_594 = arith.constant 0 : i32
    %dma_start3A_595 = tpu.memref_slice %arg6[%dma_start3A_582, %dma_start3A_593, %dma_start3A_594] : memref<2x26x32xi32, #tpu.memory_space<vmem>> -> memref<1x26x32xi32, #tpu.memory_space<vmem>>
    %dma_start3A_596 = tpu.memref_squeeze %dma_start3A_595 : memref<1x26x32xi32, #tpu.memory_space<vmem>> -> memref<26x32xi32, #tpu.memory_space<vmem>>
    %dma_start3A_597 = arith.constant 0 : i32
    %dma_start3A_598 = tpu.memref_slice %dma_start3A_596[%dma_start3A_583, %dma_start3A_597] : memref<26x32xi32, #tpu.memory_space<vmem>> -> memref<1x32xi32, #tpu.memory_space<vmem>>
    %dma_start3A_599 = tpu.memref_squeeze %dma_start3A_598 : memref<1x32xi32, #tpu.memory_space<vmem>> -> memref<32xi32, #tpu.memory_space<vmem>>
    %dma_start3A_600 = arith.constant 0 : i32
    %dma_start3A_601 = arith.constant 0 : i32
    %dma_start3A_602 = tpu.memref_slice %arg4[%dma_start3A_600, %dma_start3A_601] : memref<2000000x64xf32, #tpu.memory_space<hbm>> -> memref<2000000x64xf32, #tpu.memory_space<hbm>>
    %dma_start3A_603 = tpu.memref_slice %arg12[%dma_start3A_585] : memref<2x!tpu.dma_semaphore, #tpu.memory_space<semaphore_mem>> -> memref<1x!tpu.dma_semaphore, #tpu.memory_space<semaphore_mem>>
    %dma_start3A_604 = tpu.memref_squeeze %dma_start3A_603 : memref<1x!tpu.dma_semaphore, #tpu.memory_space<semaphore_mem>> -> memref<!tpu.dma_semaphore, #tpu.memory_space<semaphore_mem>>
    tpu.enqueue_indirect_dma source(%dma_start3A_602 : memref<2000000x64xf32, #tpu.memory_space<hbm>>) target(%dma_start3A_592 : memref<32x64xf32, #tpu.memory_space<vmem>>) offsets(%dma_start3A_599 : memref<32xi32, #tpu.memory_space<vmem>>) semaphore(%dma_start3A_604 : memref<!tpu.dma_semaphore, #tpu.memory_space<semaphore_mem>>)
    %dma_start3A_605 = arith.constant 0 : i32
    %dma_start3A_606 = arith.constant 22 : i32
    %dma_start3A_607 = arith.constant 0 : i32
    %dma_start3A_608 = arith.constant 0 : i32
    %dma_start3A_609 = arith.constant 0 : i32
    %dma_start3A_610 = arith.constant 0 : i32
    %dma_start3A_611 = tpu.memref_slice %arg7[%dma_start3A_607, %dma_start3A_609, %dma_start3A_610] : memref<2x832x64xf32, #tpu.memory_space<vmem>> -> memref<1x832x64xf32, #tpu.memory_space<vmem>>
    %dma_start3A_612 = tpu.memref_squeeze %dma_start3A_611 : memref<1x832x64xf32, #tpu.memory_space<vmem>> -> memref<832x64xf32, #tpu.memory_space<vmem>>
    %dma_start3A_613 = arith.constant 704 : i32
    %dma_start3A_614 = arith.constant 0 : i32
    %dma_start3A_615 = tpu.memref_slice %dma_start3A_612[%dma_start3A_613, %dma_start3A_614] : memref<832x64xf32, #tpu.memory_space<vmem>> -> memref<32x64xf32, #tpu.memory_space<vmem>>
    %dma_start3A_616 = arith.constant 0 : i32
    %dma_start3A_617 = arith.constant 0 : i32
    %dma_start3A_618 = tpu.memref_slice %arg6[%dma_start3A_605, %dma_start3A_616, %dma_start3A_617] : memref<2x26x32xi32, #tpu.memory_space<vmem>> -> memref<1x26x32xi32, #tpu.memory_space<vmem>>
    %dma_start3A_619 = tpu.memref_squeeze %dma_start3A_618 : memref<1x26x32xi32, #tpu.memory_space<vmem>> -> memref<26x32xi32, #tpu.memory_space<vmem>>
    %dma_start3A_620 = arith.constant 0 : i32
    %dma_start3A_621 = tpu.memref_slice %dma_start3A_619[%dma_start3A_606, %dma_start3A_620] : memref<26x32xi32, #tpu.memory_space<vmem>> -> memref<1x32xi32, #tpu.memory_space<vmem>>
    %dma_start3A_622 = tpu.memref_squeeze %dma_start3A_621 : memref<1x32xi32, #tpu.memory_space<vmem>> -> memref<32xi32, #tpu.memory_space<vmem>>
    %dma_start3A_623 = arith.constant 0 : i32
    %dma_start3A_624 = arith.constant 0 : i32
    %dma_start3A_625 = tpu.memref_slice %arg4[%dma_start3A_623, %dma_start3A_624] : memref<2000000x64xf32, #tpu.memory_space<hbm>> -> memref<2000000x64xf32, #tpu.memory_space<hbm>>
    %dma_start3A_626 = tpu.memref_slice %arg12[%dma_start3A_608] : memref<2x!tpu.dma_semaphore, #tpu.memory_space<semaphore_mem>> -> memref<1x!tpu.dma_semaphore, #tpu.memory_space<semaphore_mem>>
    %dma_start3A_627 = tpu.memref_squeeze %dma_start3A_626 : memref<1x!tpu.dma_semaphore, #tpu.memory_space<semaphore_mem>> -> memref<!tpu.dma_semaphore, #tpu.memory_space<semaphore_mem>>
    tpu.enqueue_indirect_dma source(%dma_start3A_625 : memref<2000000x64xf32, #tpu.memory_space<hbm>>) target(%dma_start3A_615 : memref<32x64xf32, #tpu.memory_space<vmem>>) offsets(%dma_start3A_622 : memref<32xi32, #tpu.memory_space<vmem>>) semaphore(%dma_start3A_627 : memref<!tpu.dma_semaphore, #tpu.memory_space<semaphore_mem>>)
    %dma_start3A_628 = arith.constant 0 : i32
    %dma_start3A_629 = arith.constant 23 : i32
    %dma_start3A_630 = arith.constant 0 : i32
    %dma_start3A_631 = arith.constant 0 : i32
    %dma_start3A_632 = arith.constant 0 : i32
    %dma_start3A_633 = arith.constant 0 : i32
    %dma_start3A_634 = tpu.memref_slice %arg7[%dma_start3A_630, %dma_start3A_632, %dma_start3A_633] : memref<2x832x64xf32, #tpu.memory_space<vmem>> -> memref<1x832x64xf32, #tpu.memory_space<vmem>>
    %dma_start3A_635 = tpu.memref_squeeze %dma_start3A_634 : memref<1x832x64xf32, #tpu.memory_space<vmem>> -> memref<832x64xf32, #tpu.memory_space<vmem>>
    %dma_start3A_636 = arith.constant 736 : i32
    %dma_start3A_637 = arith.constant 0 : i32
    %dma_start3A_638 = tpu.memref_slice %dma_start3A_635[%dma_start3A_636, %dma_start3A_637] : memref<832x64xf32, #tpu.memory_space<vmem>> -> memref<32x64xf32, #tpu.memory_space<vmem>>
    %dma_start3A_639 = arith.constant 0 : i32
    %dma_start3A_640 = arith.constant 0 : i32
    %dma_start3A_641 = tpu.memref_slice %arg6[%dma_start3A_628, %dma_start3A_639, %dma_start3A_640] : memref<2x26x32xi32, #tpu.memory_space<vmem>> -> memref<1x26x32xi32, #tpu.memory_space<vmem>>
    %dma_start3A_642 = tpu.memref_squeeze %dma_start3A_641 : memref<1x26x32xi32, #tpu.memory_space<vmem>> -> memref<26x32xi32, #tpu.memory_space<vmem>>
    %dma_start3A_643 = arith.constant 0 : i32
    %dma_start3A_644 = tpu.memref_slice %dma_start3A_642[%dma_start3A_629, %dma_start3A_643] : memref<26x32xi32, #tpu.memory_space<vmem>> -> memref<1x32xi32, #tpu.memory_space<vmem>>
    %dma_start3A_645 = tpu.memref_squeeze %dma_start3A_644 : memref<1x32xi32, #tpu.memory_space<vmem>> -> memref<32xi32, #tpu.memory_space<vmem>>
    %dma_start3A_646 = arith.constant 0 : i32
    %dma_start3A_647 = arith.constant 0 : i32
    %dma_start3A_648 = tpu.memref_slice %arg4[%dma_start3A_646, %dma_start3A_647] : memref<2000000x64xf32, #tpu.memory_space<hbm>> -> memref<2000000x64xf32, #tpu.memory_space<hbm>>
    %dma_start3A_649 = tpu.memref_slice %arg12[%dma_start3A_631] : memref<2x!tpu.dma_semaphore, #tpu.memory_space<semaphore_mem>> -> memref<1x!tpu.dma_semaphore, #tpu.memory_space<semaphore_mem>>
    %dma_start3A_650 = tpu.memref_squeeze %dma_start3A_649 : memref<1x!tpu.dma_semaphore, #tpu.memory_space<semaphore_mem>> -> memref<!tpu.dma_semaphore, #tpu.memory_space<semaphore_mem>>
    tpu.enqueue_indirect_dma source(%dma_start3A_648 : memref<2000000x64xf32, #tpu.memory_space<hbm>>) target(%dma_start3A_638 : memref<32x64xf32, #tpu.memory_space<vmem>>) offsets(%dma_start3A_645 : memref<32xi32, #tpu.memory_space<vmem>>) semaphore(%dma_start3A_650 : memref<!tpu.dma_semaphore, #tpu.memory_space<semaphore_mem>>)
    %dma_start3A_651 = arith.constant 0 : i32
    %dma_start3A_652 = arith.constant 24 : i32
    %dma_start3A_653 = arith.constant 0 : i32
    %dma_start3A_654 = arith.constant 0 : i32
    %dma_start3A_655 = arith.constant 0 : i32
    %dma_start3A_656 = arith.constant 0 : i32
    %dma_start3A_657 = tpu.memref_slice %arg7[%dma_start3A_653, %dma_start3A_655, %dma_start3A_656] : memref<2x832x64xf32, #tpu.memory_space<vmem>> -> memref<1x832x64xf32, #tpu.memory_space<vmem>>
    %dma_start3A_658 = tpu.memref_squeeze %dma_start3A_657 : memref<1x832x64xf32, #tpu.memory_space<vmem>> -> memref<832x64xf32, #tpu.memory_space<vmem>>
    %dma_start3A_659 = arith.constant 768 : i32
    %dma_start3A_660 = arith.constant 0 : i32
    %dma_start3A_661 = tpu.memref_slice %dma_start3A_658[%dma_start3A_659, %dma_start3A_660] : memref<832x64xf32, #tpu.memory_space<vmem>> -> memref<32x64xf32, #tpu.memory_space<vmem>>
    %dma_start3A_662 = arith.constant 0 : i32
    %dma_start3A_663 = arith.constant 0 : i32
    %dma_start3A_664 = tpu.memref_slice %arg6[%dma_start3A_651, %dma_start3A_662, %dma_start3A_663] : memref<2x26x32xi32, #tpu.memory_space<vmem>> -> memref<1x26x32xi32, #tpu.memory_space<vmem>>
    %dma_start3A_665 = tpu.memref_squeeze %dma_start3A_664 : memref<1x26x32xi32, #tpu.memory_space<vmem>> -> memref<26x32xi32, #tpu.memory_space<vmem>>
    %dma_start3A_666 = arith.constant 0 : i32
    %dma_start3A_667 = tpu.memref_slice %dma_start3A_665[%dma_start3A_652, %dma_start3A_666] : memref<26x32xi32, #tpu.memory_space<vmem>> -> memref<1x32xi32, #tpu.memory_space<vmem>>
    %dma_start3A_668 = tpu.memref_squeeze %dma_start3A_667 : memref<1x32xi32, #tpu.memory_space<vmem>> -> memref<32xi32, #tpu.memory_space<vmem>>
    %dma_start3A_669 = arith.constant 0 : i32
    %dma_start3A_670 = arith.constant 0 : i32
    %dma_start3A_671 = tpu.memref_slice %arg4[%dma_start3A_669, %dma_start3A_670] : memref<2000000x64xf32, #tpu.memory_space<hbm>> -> memref<2000000x64xf32, #tpu.memory_space<hbm>>
    %dma_start3A_672 = tpu.memref_slice %arg12[%dma_start3A_654] : memref<2x!tpu.dma_semaphore, #tpu.memory_space<semaphore_mem>> -> memref<1x!tpu.dma_semaphore, #tpu.memory_space<semaphore_mem>>
    %dma_start3A_673 = tpu.memref_squeeze %dma_start3A_672 : memref<1x!tpu.dma_semaphore, #tpu.memory_space<semaphore_mem>> -> memref<!tpu.dma_semaphore, #tpu.memory_space<semaphore_mem>>
    tpu.enqueue_indirect_dma source(%dma_start3A_671 : memref<2000000x64xf32, #tpu.memory_space<hbm>>) target(%dma_start3A_661 : memref<32x64xf32, #tpu.memory_space<vmem>>) offsets(%dma_start3A_668 : memref<32xi32, #tpu.memory_space<vmem>>) semaphore(%dma_start3A_673 : memref<!tpu.dma_semaphore, #tpu.memory_space<semaphore_mem>>)
    %dma_start3A_674 = arith.constant 0 : i32
    %dma_start3A_675 = arith.constant 25 : i32
    %dma_start3A_676 = arith.constant 0 : i32
    %dma_start3A_677 = arith.constant 0 : i32
    %dma_start3A_678 = arith.constant 0 : i32
    %dma_start3A_679 = arith.constant 0 : i32
    %dma_start3A_680 = tpu.memref_slice %arg7[%dma_start3A_676, %dma_start3A_678, %dma_start3A_679] : memref<2x832x64xf32, #tpu.memory_space<vmem>> -> memref<1x832x64xf32, #tpu.memory_space<vmem>>
    %dma_start3A_681 = tpu.memref_squeeze %dma_start3A_680 : memref<1x832x64xf32, #tpu.memory_space<vmem>> -> memref<832x64xf32, #tpu.memory_space<vmem>>
    %dma_start3A_682 = arith.constant 800 : i32
    %dma_start3A_683 = arith.constant 0 : i32
    %dma_start3A_684 = tpu.memref_slice %dma_start3A_681[%dma_start3A_682, %dma_start3A_683] : memref<832x64xf32, #tpu.memory_space<vmem>> -> memref<32x64xf32, #tpu.memory_space<vmem>>
    %dma_start3A_685 = arith.constant 0 : i32
    %dma_start3A_686 = arith.constant 0 : i32
    %dma_start3A_687 = tpu.memref_slice %arg6[%dma_start3A_674, %dma_start3A_685, %dma_start3A_686] : memref<2x26x32xi32, #tpu.memory_space<vmem>> -> memref<1x26x32xi32, #tpu.memory_space<vmem>>
    %dma_start3A_688 = tpu.memref_squeeze %dma_start3A_687 : memref<1x26x32xi32, #tpu.memory_space<vmem>> -> memref<26x32xi32, #tpu.memory_space<vmem>>
    %dma_start3A_689 = arith.constant 0 : i32
    %dma_start3A_690 = tpu.memref_slice %dma_start3A_688[%dma_start3A_675, %dma_start3A_689] : memref<26x32xi32, #tpu.memory_space<vmem>> -> memref<1x32xi32, #tpu.memory_space<vmem>>
    %dma_start3A_691 = tpu.memref_squeeze %dma_start3A_690 : memref<1x32xi32, #tpu.memory_space<vmem>> -> memref<32xi32, #tpu.memory_space<vmem>>
    %dma_start3A_692 = arith.constant 0 : i32
    %dma_start3A_693 = arith.constant 0 : i32
    %dma_start3A_694 = tpu.memref_slice %arg4[%dma_start3A_692, %dma_start3A_693] : memref<2000000x64xf32, #tpu.memory_space<hbm>> -> memref<2000000x64xf32, #tpu.memory_space<hbm>>
    %dma_start3A_695 = tpu.memref_slice %arg12[%dma_start3A_677] : memref<2x!tpu.dma_semaphore, #tpu.memory_space<semaphore_mem>> -> memref<1x!tpu.dma_semaphore, #tpu.memory_space<semaphore_mem>>
    %dma_start3A_696 = tpu.memref_squeeze %dma_start3A_695 : memref<1x!tpu.dma_semaphore, #tpu.memory_space<semaphore_mem>> -> memref<!tpu.dma_semaphore, #tpu.memory_space<semaphore_mem>>
    tpu.enqueue_indirect_dma source(%dma_start3A_694 : memref<2000000x64xf32, #tpu.memory_space<hbm>>) target(%dma_start3A_684 : memref<32x64xf32, #tpu.memory_space<vmem>>) offsets(%dma_start3A_691 : memref<32xi32, #tpu.memory_space<vmem>>) semaphore(%dma_start3A_696 : memref<!tpu.dma_semaphore, #tpu.memory_space<semaphore_mem>>)
    %dma_start3A_697 = arith.constant 0 : i32
    %dma_start3A_698 = arith.constant 1 : i32
    %dma_start3A_699 = arith.constant 1 : i32
    %dma_start3A_700 = arith.constant 1 : i32
    %dma_start3A_701 = arith.constant 0 : i32
    %dma_start3A_702 = arith.constant 0 : i32
    %dma_start3A_703 = tpu.memref_slice %arg6[%dma_start3A_699, %dma_start3A_701, %dma_start3A_702] : memref<2x26x32xi32, #tpu.memory_space<vmem>> -> memref<1x26x32xi32, #tpu.memory_space<vmem>>
    %dma_start3A_704 = tpu.memref_squeeze %dma_start3A_703 : memref<1x26x32xi32, #tpu.memory_space<vmem>> -> memref<26x32xi32, #tpu.memory_space<vmem>>
    %dma_start3A_705 = arith.constant 0 : i32
    %dma_start3A_706 = tpu.memref_slice %arg2[%dma_start3A_705, %dma_start3A_697, %select_n3A, %dma_start3A_698, %select_n3A_32] : memref<26x7x8x8x128xi32, #tpu.memory_space<hbm>> -> memref<26x1x1x1x32xi32, #tpu.memory_space<hbm>>
    %dma_start3A_707 = tpu.memref_squeeze %dma_start3A_706 : memref<26x1x1x1x32xi32, #tpu.memory_space<hbm>> -> memref<26x32xi32, #tpu.memory_space<hbm>>
    %dma_start3A_708 = tpu.memref_slice %arg10[%dma_start3A_700] : memref<2x!tpu.dma_semaphore, #tpu.memory_space<semaphore_mem>> -> memref<1x!tpu.dma_semaphore, #tpu.memory_space<semaphore_mem>>
    %dma_start3A_709 = tpu.memref_squeeze %dma_start3A_708 : memref<1x!tpu.dma_semaphore, #tpu.memory_space<semaphore_mem>> -> memref<!tpu.dma_semaphore, #tpu.memory_space<semaphore_mem>>
    %dma_start3A_710 = arith.constant 0 : i32
    %dma_start3A_711 = arith.constant 0 : i32
    %dma_start3A_712 = tpu.memref_slice %arg6[%dma_start3A_699, %dma_start3A_710, %dma_start3A_711] : memref<2x26x32xi32, #tpu.memory_space<vmem>> -> memref<1x26x32xi32, #tpu.memory_space<vmem>>
    %dma_start3A_713 = tpu.memref_squeeze %dma_start3A_712 : memref<1x26x32xi32, #tpu.memory_space<vmem>> -> memref<26x32xi32, #tpu.memory_space<vmem>>
    %dma_start3A_714 = arith.constant 0 : i32
    %dma_start3A_715 = tpu.memref_slice %arg2[%dma_start3A_714, %dma_start3A_697, %select_n3A, %dma_start3A_698, %select_n3A_32] : memref<26x7x8x8x128xi32, #tpu.memory_space<hbm>> -> memref<26x1x1x1x32xi32, #tpu.memory_space<hbm>>
    %dma_start3A_716 = tpu.memref_squeeze %dma_start3A_715 : memref<26x1x1x1x32xi32, #tpu.memory_space<hbm>> -> memref<26x32xi32, #tpu.memory_space<hbm>>
    tpu.enqueue_dma source(%dma_start3A_716 : memref<26x32xi32, #tpu.memory_space<hbm>>) target(%dma_start3A_713 : memref<26x32xi32, #tpu.memory_space<vmem>>) target_semaphore(%dma_start3A_709 : memref<!tpu.dma_semaphore, #tpu.memory_space<semaphore_mem>>)
    %dma_start3A_717 = arith.constant 1 : i32
    %dma_start3A_718 = arith.constant 1 : i32
    %dma_start3A_719 = arith.constant 1 : i32
    %dma_start3A_720 = arith.constant 0 : i32
    %dma_start3A_721 = arith.constant 0 : i32
    %dma_start3A_722 = arith.constant 0 : i32
    %dma_start3A_723 = tpu.memref_slice %arg8[%dma_start3A_718, %dma_start3A_720, %dma_start3A_721, %dma_start3A_722] : memref<2x2x8x32xf32, #tpu.memory_space<vmem>> -> memref<1x2x8x32xf32, #tpu.memory_space<vmem>>
    %dma_start3A_724 = tpu.memref_squeeze %dma_start3A_723 : memref<1x2x8x32xf32, #tpu.memory_space<vmem>> -> memref<2x8x32xf32, #tpu.memory_space<vmem>>
    %dma_start3A_725 = arith.constant 0 : i32
    %dma_start3A_726 = arith.constant 0 : i32
    %dma_start3A_727 = tpu.memref_slice %arg3[%dma_start3A_717, %dma_start3A_725, %select_n3A, %dma_start3A_726, %select_n3A_32] : memref<50x2x8x8x128xf32, #tpu.memory_space<hbm>> -> memref<1x2x1x8x32xf32, #tpu.memory_space<hbm>>
    %dma_start3A_728 = tpu.memref_squeeze %dma_start3A_727 : memref<1x2x1x8x32xf32, #tpu.memory_space<hbm>> -> memref<2x8x32xf32, #tpu.memory_space<hbm>>
    %dma_start3A_729 = tpu.memref_slice %arg11[%dma_start3A_719] : memref<2x!tpu.dma_semaphore, #tpu.memory_space<semaphore_mem>> -> memref<1x!tpu.dma_semaphore, #tpu.memory_space<semaphore_mem>>
    %dma_start3A_730 = tpu.memref_squeeze %dma_start3A_729 : memref<1x!tpu.dma_semaphore, #tpu.memory_space<semaphore_mem>> -> memref<!tpu.dma_semaphore, #tpu.memory_space<semaphore_mem>>
    %dma_start3A_731 = arith.constant 0 : i32
    %dma_start3A_732 = arith.constant 0 : i32
    %dma_start3A_733 = arith.constant 0 : i32
    %dma_start3A_734 = tpu.memref_slice %arg8[%dma_start3A_718, %dma_start3A_731, %dma_start3A_732, %dma_start3A_733] : memref<2x2x8x32xf32, #tpu.memory_space<vmem>> -> memref<1x2x8x32xf32, #tpu.memory_space<vmem>>
    %dma_start3A_735 = tpu.memref_squeeze %dma_start3A_734 : memref<1x2x8x32xf32, #tpu.memory_space<vmem>> -> memref<2x8x32xf32, #tpu.memory_space<vmem>>
    %dma_start3A_736 = arith.constant 0 : i32
    %dma_start3A_737 = arith.constant 0 : i32
    %dma_start3A_738 = tpu.memref_slice %arg3[%dma_start3A_717, %dma_start3A_736, %select_n3A, %dma_start3A_737, %select_n3A_32] : memref<50x2x8x8x128xf32, #tpu.memory_space<hbm>> -> memref<1x2x1x8x32xf32, #tpu.memory_space<hbm>>
    %dma_start3A_739 = tpu.memref_squeeze %dma_start3A_738 : memref<1x2x1x8x32xf32, #tpu.memory_space<hbm>> -> memref<2x8x32xf32, #tpu.memory_space<hbm>>
    tpu.enqueue_dma source(%dma_start3A_739 : memref<2x8x32xf32, #tpu.memory_space<hbm>>) target(%dma_start3A_735 : memref<2x8x32xf32, #tpu.memory_space<vmem>>) target_semaphore(%dma_start3A_730 : memref<!tpu.dma_semaphore, #tpu.memory_space<semaphore_mem>>)
    %scan3A = arith.constant 0 : i32
    %scan3A_740 = arith.constant 0 : i32
    %scan3A_741 = arith.constant 25 : i32
    %scan3A_742 = arith.addi %scan3A_740, %scan3A_741 : i32
    %scan3A_743 = arith.constant 1 : i32
    scf.for %scan3A_783 = %scan3A_740 to %scan3A_742 step %scan3A_743  : i32 {
      %mul3A_784 = arith.constant 2 : i32
      %mul3A_785 = arith.muli %scan3A_783, %mul3A_784 : i32
      %add3A_786 = arith.constant 0 : i32
      %add3A_787 = arith.addi %mul3A_785, %add3A_786 : i32
      %add3A_788 = arith.constant 1 : i32
      %add3A_789 = arith.addi %add3A_787, %add3A_788 : i32
      %lt3A_790 = arith.constant 50 : i32
      %lt3A_791 = arith.cmpi slt, %add3A_789, %lt3A_790 : i32
      %convert_element_type3A = arith.extui %lt3A_791 : i1 to i32
      %cond3A = arith.constant 0 : i32
      %cond3A_792 = arith.cmpi ne, %convert_element_type3A, %cond3A : i32
      scf.if %cond3A_792 {
        %add3A_969 = arith.constant 1 : i32
        %add3A_970 = arith.addi %add3A_787, %add3A_969 : i32
        %jit3A_971 = arith.constant 8 : i32
        %div3A_972 = arith.divsi %add3A_970, %jit3A_971 : i32
        %sign3A_973 = arith.constant 0 : i32
        %sign3A_974 = arith.cmpi sgt, %add3A_970, %sign3A_973 : i32
        %sign3A_975 = arith.extui %sign3A_974 : i1 to i32
        %sign3A_976 = arith.constant 0 : i32
        %sign3A_977 = arith.cmpi slt, %add3A_970, %sign3A_976 : i32
        %sign3A_978 = arith.extui %sign3A_977 : i1 to i32
        %sign3A_979 = arith.subi %sign3A_975, %sign3A_978 : i32
        %sign3A_980 = arith.constant 0 : i32
        %sign3A_981 = arith.cmpi sgt, %jit3A_971, %sign3A_980 : i32
        %sign3A_982 = arith.extui %sign3A_981 : i1 to i32
        %sign3A_983 = arith.constant 0 : i32
        %sign3A_984 = arith.cmpi slt, %jit3A_971, %sign3A_983 : i32
        %sign3A_985 = arith.extui %sign3A_984 : i1 to i32
        %sign3A_986 = arith.subi %sign3A_982, %sign3A_985 : i32
        %ne3A_987 = arith.cmpi ne, %sign3A_979, %sign3A_986 : i32
        %rem3A_988 = arith.remsi %add3A_970, %jit3A_971 : i32
        %ne3A_989 = arith.constant 0 : i32
        %ne3A_990 = arith.cmpi ne, %rem3A_988, %ne3A_989 : i32
        %and3A_991 = arith.andi %ne3A_987, %ne3A_990 : i1
        %sub3A_992 = arith.constant 1 : i32
        %sub3A_993 = arith.subi %div3A_972, %sub3A_992 : i32
        %select_n3A_994 = arith.select %and3A_991, %sub3A_993, %div3A_972 : i32
        %jit3A_995 = arith.constant 8 : i32
        %eq3A_996 = arith.constant 0 : i32
        %eq3A_997 = arith.cmpi eq, %jit3A_995, %eq3A_996 : i32
        %jit3A_998 = arith.constant 1 : i32
        %select_n3A_999 = arith.select %eq3A_997, %jit3A_998, %jit3A_995 : i32
        %rem3A_1000 = arith.remsi %add3A_970, %select_n3A_999 : i32
        %ne3A_1001 = arith.constant 0 : i32
        %ne3A_1002 = arith.cmpi ne, %rem3A_1000, %ne3A_1001 : i32
        %lt3A_1003 = arith.constant 0 : i32
        %lt3A_1004 = arith.cmpi slt, %rem3A_1000, %lt3A_1003 : i32
        %lt3A_1005 = arith.constant 0 : i32
        %lt3A_1006 = arith.cmpi slt, %select_n3A_999, %lt3A_1005 : i32
        %ne3A_1007 = arith.xori %lt3A_1004, %lt3A_1006 : i1
        %and3A_1008 = arith.andi %ne3A_1007, %ne3A_1002 : i1
        %add3A_1009 = arith.addi %rem3A_1000, %select_n3A_999 : i32
        %select_n3A_1010 = arith.select %and3A_1008, %add3A_1009, %rem3A_1000 : i32
        %dma_wait3A_1011 = arith.constant 1 : i32
        %dma_wait3A_1012 = arith.constant 1 : i32
        %dma_wait3A_1013 = arith.constant 0 : i32
        %dma_wait3A_1014 = arith.constant 0 : i32
        %dma_wait3A_1015 = tpu.memref_slice %arg6[%dma_wait3A_1011, %dma_wait3A_1013, %dma_wait3A_1014] : memref<2x26x32xi32, #tpu.memory_space<vmem>> -> memref<1x26x32xi32, #tpu.memory_space<vmem>>
        %dma_wait3A_1016 = tpu.memref_squeeze %dma_wait3A_1015 : memref<1x26x32xi32, #tpu.memory_space<vmem>> -> memref<26x32xi32, #tpu.memory_space<vmem>>
        %dma_wait3A_1017 = arith.constant 0 : i32
        %dma_wait3A_1018 = tpu.memref_slice %arg2[%dma_wait3A_1017, %select_n3A_994, %select_n3A, %select_n3A_1010, %select_n3A_32] : memref<26x7x8x8x128xi32, #tpu.memory_space<hbm>> -> memref<26x1x1x1x32xi32, #tpu.memory_space<hbm>>
        %dma_wait3A_1019 = tpu.memref_squeeze %dma_wait3A_1018 : memref<26x1x1x1x32xi32, #tpu.memory_space<hbm>> -> memref<26x32xi32, #tpu.memory_space<hbm>>
        %dma_wait3A_1020 = tpu.memref_slice %arg10[%dma_wait3A_1012] : memref<2x!tpu.dma_semaphore, #tpu.memory_space<semaphore_mem>> -> memref<1x!tpu.dma_semaphore, #tpu.memory_space<semaphore_mem>>
        %dma_wait3A_1021 = tpu.memref_squeeze %dma_wait3A_1020 : memref<1x!tpu.dma_semaphore, #tpu.memory_space<semaphore_mem>> -> memref<!tpu.dma_semaphore, #tpu.memory_space<semaphore_mem>>
        %dma_wait3A_1022 = arith.constant 0 : i32
        %dma_wait3A_1023 = arith.constant 0 : i32
        %dma_wait3A_1024 = tpu.memref_slice %arg6[%dma_wait3A_1011, %dma_wait3A_1022, %dma_wait3A_1023] : memref<2x26x32xi32, #tpu.memory_space<vmem>> -> memref<1x26x32xi32, #tpu.memory_space<vmem>>
        %dma_wait3A_1025 = tpu.memref_squeeze %dma_wait3A_1024 : memref<1x26x32xi32, #tpu.memory_space<vmem>> -> memref<26x32xi32, #tpu.memory_space<vmem>>
        %dma_wait3A_1026 = arith.constant 0 : i32
        %dma_wait3A_1027 = tpu.memref_slice %arg2[%dma_wait3A_1026, %select_n3A_994, %select_n3A, %select_n3A_1010, %select_n3A_32] : memref<26x7x8x8x128xi32, #tpu.memory_space<hbm>> -> memref<26x1x1x1x32xi32, #tpu.memory_space<hbm>>
        %dma_wait3A_1028 = tpu.memref_squeeze %dma_wait3A_1027 : memref<26x1x1x1x32xi32, #tpu.memory_space<hbm>> -> memref<26x32xi32, #tpu.memory_space<hbm>>
        tpu.wait_dma2 semaphore(%dma_wait3A_1021 : memref<!tpu.dma_semaphore, #tpu.memory_space<semaphore_mem>>) src(%dma_wait3A_1028 : memref<26x32xi32, #tpu.memory_space<hbm>>) dst(%dma_wait3A_1025 : memref<26x32xi32, #tpu.memory_space<vmem>>)
        %dma_start3A_1029 = arith.constant 1 : i32
        %dma_start3A_1030 = arith.constant 0 : i32
        %dma_start3A_1031 = arith.constant 1 : i32
        %dma_start3A_1032 = arith.constant 1 : i32
        %dma_start3A_1033 = arith.constant 0 : i32
        %dma_start3A_1034 = arith.constant 0 : i32
        %dma_start3A_1035 = tpu.memref_slice %arg7[%dma_start3A_1031, %dma_start3A_1033, %dma_start3A_1034] : memref<2x832x64xf32, #tpu.memory_space<vmem>> -> memref<1x832x64xf32, #tpu.memory_space<vmem>>
        %dma_start3A_1036 = tpu.memref_squeeze %dma_start3A_1035 : memref<1x832x64xf32, #tpu.memory_space<vmem>> -> memref<832x64xf32, #tpu.memory_space<vmem>>
        %dma_start3A_1037 = arith.constant 0 : i32
        %dma_start3A_1038 = arith.constant 0 : i32
        %dma_start3A_1039 = tpu.memref_slice %dma_start3A_1036[%dma_start3A_1037, %dma_start3A_1038] : memref<832x64xf32, #tpu.memory_space<vmem>> -> memref<32x64xf32, #tpu.memory_space<vmem>>
        %dma_start3A_1040 = arith.constant 0 : i32
        %dma_start3A_1041 = arith.constant 0 : i32
        %dma_start3A_1042 = tpu.memref_slice %arg6[%dma_start3A_1029, %dma_start3A_1040, %dma_start3A_1041] : memref<2x26x32xi32, #tpu.memory_space<vmem>> -> memref<1x26x32xi32, #tpu.memory_space<vmem>>
        %dma_start3A_1043 = tpu.memref_squeeze %dma_start3A_1042 : memref<1x26x32xi32, #tpu.memory_space<vmem>> -> memref<26x32xi32, #tpu.memory_space<vmem>>
        %dma_start3A_1044 = arith.constant 0 : i32
        %dma_start3A_1045 = tpu.memref_slice %dma_start3A_1043[%dma_start3A_1030, %dma_start3A_1044] : memref<26x32xi32, #tpu.memory_space<vmem>> -> memref<1x32xi32, #tpu.memory_space<vmem>>
        %dma_start3A_1046 = tpu.memref_squeeze %dma_start3A_1045 : memref<1x32xi32, #tpu.memory_space<vmem>> -> memref<32xi32, #tpu.memory_space<vmem>>
        %dma_start3A_1047 = arith.constant 0 : i32
        %dma_start3A_1048 = arith.constant 0 : i32
        %dma_start3A_1049 = tpu.memref_slice %arg4[%dma_start3A_1047, %dma_start3A_1048] : memref<2000000x64xf32, #tpu.memory_space<hbm>> -> memref<2000000x64xf32, #tpu.memory_space<hbm>>
        %dma_start3A_1050 = tpu.memref_slice %arg12[%dma_start3A_1032] : memref<2x!tpu.dma_semaphore, #tpu.memory_space<semaphore_mem>> -> memref<1x!tpu.dma_semaphore, #tpu.memory_space<semaphore_mem>>
        %dma_start3A_1051 = tpu.memref_squeeze %dma_start3A_1050 : memref<1x!tpu.dma_semaphore, #tpu.memory_space<semaphore_mem>> -> memref<!tpu.dma_semaphore, #tpu.memory_space<semaphore_mem>>
        tpu.enqueue_indirect_dma source(%dma_start3A_1049 : memref<2000000x64xf32, #tpu.memory_space<hbm>>) target(%dma_start3A_1039 : memref<32x64xf32, #tpu.memory_space<vmem>>) offsets(%dma_start3A_1046 : memref<32xi32, #tpu.memory_space<vmem>>) semaphore(%dma_start3A_1051 : memref<!tpu.dma_semaphore, #tpu.memory_space<semaphore_mem>>)
        %dma_start3A_1052 = arith.constant 1 : i32
        %dma_start3A_1053 = arith.constant 1 : i32
        %dma_start3A_1054 = arith.constant 1 : i32
        %dma_start3A_1055 = arith.constant 1 : i32
        %dma_start3A_1056 = arith.constant 0 : i32
        %dma_start3A_1057 = arith.constant 0 : i32
        %dma_start3A_1058 = tpu.memref_slice %arg7[%dma_start3A_1054, %dma_start3A_1056, %dma_start3A_1057] : memref<2x832x64xf32, #tpu.memory_space<vmem>> -> memref<1x832x64xf32, #tpu.memory_space<vmem>>
        %dma_start3A_1059 = tpu.memref_squeeze %dma_start3A_1058 : memref<1x832x64xf32, #tpu.memory_space<vmem>> -> memref<832x64xf32, #tpu.memory_space<vmem>>
        %dma_start3A_1060 = arith.constant 32 : i32
        %dma_start3A_1061 = arith.constant 0 : i32
        %dma_start3A_1062 = tpu.memref_slice %dma_start3A_1059[%dma_start3A_1060, %dma_start3A_1061] : memref<832x64xf32, #tpu.memory_space<vmem>> -> memref<32x64xf32, #tpu.memory_space<vmem>>
        %dma_start3A_1063 = arith.constant 0 : i32
        %dma_start3A_1064 = arith.constant 0 : i32
        %dma_start3A_1065 = tpu.memref_slice %arg6[%dma_start3A_1052, %dma_start3A_1063, %dma_start3A_1064] : memref<2x26x32xi32, #tpu.memory_space<vmem>> -> memref<1x26x32xi32, #tpu.memory_space<vmem>>
        %dma_start3A_1066 = tpu.memref_squeeze %dma_start3A_1065 : memref<1x26x32xi32, #tpu.memory_space<vmem>> -> memref<26x32xi32, #tpu.memory_space<vmem>>
        %dma_start3A_1067 = arith.constant 0 : i32
        %dma_start3A_1068 = tpu.memref_slice %dma_start3A_1066[%dma_start3A_1053, %dma_start3A_1067] : memref<26x32xi32, #tpu.memory_space<vmem>> -> memref<1x32xi32, #tpu.memory_space<vmem>>
        %dma_start3A_1069 = tpu.memref_squeeze %dma_start3A_1068 : memref<1x32xi32, #tpu.memory_space<vmem>> -> memref<32xi32, #tpu.memory_space<vmem>>
        %dma_start3A_1070 = arith.constant 0 : i32
        %dma_start3A_1071 = arith.constant 0 : i32
        %dma_start3A_1072 = tpu.memref_slice %arg4[%dma_start3A_1070, %dma_start3A_1071] : memref<2000000x64xf32, #tpu.memory_space<hbm>> -> memref<2000000x64xf32, #tpu.memory_space<hbm>>
        %dma_start3A_1073 = tpu.memref_slice %arg12[%dma_start3A_1055] : memref<2x!tpu.dma_semaphore, #tpu.memory_space<semaphore_mem>> -> memref<1x!tpu.dma_semaphore, #tpu.memory_space<semaphore_mem>>
        %dma_start3A_1074 = tpu.memref_squeeze %dma_start3A_1073 : memref<1x!tpu.dma_semaphore, #tpu.memory_space<semaphore_mem>> -> memref<!tpu.dma_semaphore, #tpu.memory_space<semaphore_mem>>
        tpu.enqueue_indirect_dma source(%dma_start3A_1072 : memref<2000000x64xf32, #tpu.memory_space<hbm>>) target(%dma_start3A_1062 : memref<32x64xf32, #tpu.memory_space<vmem>>) offsets(%dma_start3A_1069 : memref<32xi32, #tpu.memory_space<vmem>>) semaphore(%dma_start3A_1074 : memref<!tpu.dma_semaphore, #tpu.memory_space<semaphore_mem>>)
        %dma_start3A_1075 = arith.constant 1 : i32
        %dma_start3A_1076 = arith.constant 2 : i32
        %dma_start3A_1077 = arith.constant 1 : i32
        %dma_start3A_1078 = arith.constant 1 : i32
        %dma_start3A_1079 = arith.constant 0 : i32
        %dma_start3A_1080 = arith.constant 0 : i32
        %dma_start3A_1081 = tpu.memref_slice %arg7[%dma_start3A_1077, %dma_start3A_1079, %dma_start3A_1080] : memref<2x832x64xf32, #tpu.memory_space<vmem>> -> memref<1x832x64xf32, #tpu.memory_space<vmem>>
        %dma_start3A_1082 = tpu.memref_squeeze %dma_start3A_1081 : memref<1x832x64xf32, #tpu.memory_space<vmem>> -> memref<832x64xf32, #tpu.memory_space<vmem>>
        %dma_start3A_1083 = arith.constant 64 : i32
        %dma_start3A_1084 = arith.constant 0 : i32
        %dma_start3A_1085 = tpu.memref_slice %dma_start3A_1082[%dma_start3A_1083, %dma_start3A_1084] : memref<832x64xf32, #tpu.memory_space<vmem>> -> memref<32x64xf32, #tpu.memory_space<vmem>>
        %dma_start3A_1086 = arith.constant 0 : i32
        %dma_start3A_1087 = arith.constant 0 : i32
        %dma_start3A_1088 = tpu.memref_slice %arg6[%dma_start3A_1075, %dma_start3A_1086, %dma_start3A_1087] : memref<2x26x32xi32, #tpu.memory_space<vmem>> -> memref<1x26x32xi32, #tpu.memory_space<vmem>>
        %dma_start3A_1089 = tpu.memref_squeeze %dma_start3A_1088 : memref<1x26x32xi32, #tpu.memory_space<vmem>> -> memref<26x32xi32, #tpu.memory_space<vmem>>
        %dma_start3A_1090 = arith.constant 0 : i32
        %dma_start3A_1091 = tpu.memref_slice %dma_start3A_1089[%dma_start3A_1076, %dma_start3A_1090] : memref<26x32xi32, #tpu.memory_space<vmem>> -> memref<1x32xi32, #tpu.memory_space<vmem>>
        %dma_start3A_1092 = tpu.memref_squeeze %dma_start3A_1091 : memref<1x32xi32, #tpu.memory_space<vmem>> -> memref<32xi32, #tpu.memory_space<vmem>>
        %dma_start3A_1093 = arith.constant 0 : i32
        %dma_start3A_1094 = arith.constant 0 : i32
        %dma_start3A_1095 = tpu.memref_slice %arg4[%dma_start3A_1093, %dma_start3A_1094] : memref<2000000x64xf32, #tpu.memory_space<hbm>> -> memref<2000000x64xf32, #tpu.memory_space<hbm>>
        %dma_start3A_1096 = tpu.memref_slice %arg12[%dma_start3A_1078] : memref<2x!tpu.dma_semaphore, #tpu.memory_space<semaphore_mem>> -> memref<1x!tpu.dma_semaphore, #tpu.memory_space<semaphore_mem>>
        %dma_start3A_1097 = tpu.memref_squeeze %dma_start3A_1096 : memref<1x!tpu.dma_semaphore, #tpu.memory_space<semaphore_mem>> -> memref<!tpu.dma_semaphore, #tpu.memory_space<semaphore_mem>>
        tpu.enqueue_indirect_dma source(%dma_start3A_1095 : memref<2000000x64xf32, #tpu.memory_space<hbm>>) target(%dma_start3A_1085 : memref<32x64xf32, #tpu.memory_space<vmem>>) offsets(%dma_start3A_1092 : memref<32xi32, #tpu.memory_space<vmem>>) semaphore(%dma_start3A_1097 : memref<!tpu.dma_semaphore, #tpu.memory_space<semaphore_mem>>)
        %dma_start3A_1098 = arith.constant 1 : i32
        %dma_start3A_1099 = arith.constant 3 : i32
        %dma_start3A_1100 = arith.constant 1 : i32
        %dma_start3A_1101 = arith.constant 1 : i32
        %dma_start3A_1102 = arith.constant 0 : i32
        %dma_start3A_1103 = arith.constant 0 : i32
        %dma_start3A_1104 = tpu.memref_slice %arg7[%dma_start3A_1100, %dma_start3A_1102, %dma_start3A_1103] : memref<2x832x64xf32, #tpu.memory_space<vmem>> -> memref<1x832x64xf32, #tpu.memory_space<vmem>>
        %dma_start3A_1105 = tpu.memref_squeeze %dma_start3A_1104 : memref<1x832x64xf32, #tpu.memory_space<vmem>> -> memref<832x64xf32, #tpu.memory_space<vmem>>
        %dma_start3A_1106 = arith.constant 96 : i32
        %dma_start3A_1107 = arith.constant 0 : i32
        %dma_start3A_1108 = tpu.memref_slice %dma_start3A_1105[%dma_start3A_1106, %dma_start3A_1107] : memref<832x64xf32, #tpu.memory_space<vmem>> -> memref<32x64xf32, #tpu.memory_space<vmem>>
        %dma_start3A_1109 = arith.constant 0 : i32
        %dma_start3A_1110 = arith.constant 0 : i32
        %dma_start3A_1111 = tpu.memref_slice %arg6[%dma_start3A_1098, %dma_start3A_1109, %dma_start3A_1110] : memref<2x26x32xi32, #tpu.memory_space<vmem>> -> memref<1x26x32xi32, #tpu.memory_space<vmem>>
        %dma_start3A_1112 = tpu.memref_squeeze %dma_start3A_1111 : memref<1x26x32xi32, #tpu.memory_space<vmem>> -> memref<26x32xi32, #tpu.memory_space<vmem>>
        %dma_start3A_1113 = arith.constant 0 : i32
        %dma_start3A_1114 = tpu.memref_slice %dma_start3A_1112[%dma_start3A_1099, %dma_start3A_1113] : memref<26x32xi32, #tpu.memory_space<vmem>> -> memref<1x32xi32, #tpu.memory_space<vmem>>
        %dma_start3A_1115 = tpu.memref_squeeze %dma_start3A_1114 : memref<1x32xi32, #tpu.memory_space<vmem>> -> memref<32xi32, #tpu.memory_space<vmem>>
        %dma_start3A_1116 = arith.constant 0 : i32
        %dma_start3A_1117 = arith.constant 0 : i32
        %dma_start3A_1118 = tpu.memref_slice %arg4[%dma_start3A_1116, %dma_start3A_1117] : memref<2000000x64xf32, #tpu.memory_space<hbm>> -> memref<2000000x64xf32, #tpu.memory_space<hbm>>
        %dma_start3A_1119 = tpu.memref_slice %arg12[%dma_start3A_1101] : memref<2x!tpu.dma_semaphore, #tpu.memory_space<semaphore_mem>> -> memref<1x!tpu.dma_semaphore, #tpu.memory_space<semaphore_mem>>
        %dma_start3A_1120 = tpu.memref_squeeze %dma_start3A_1119 : memref<1x!tpu.dma_semaphore, #tpu.memory_space<semaphore_mem>> -> memref<!tpu.dma_semaphore, #tpu.memory_space<semaphore_mem>>
        tpu.enqueue_indirect_dma source(%dma_start3A_1118 : memref<2000000x64xf32, #tpu.memory_space<hbm>>) target(%dma_start3A_1108 : memref<32x64xf32, #tpu.memory_space<vmem>>) offsets(%dma_start3A_1115 : memref<32xi32, #tpu.memory_space<vmem>>) semaphore(%dma_start3A_1120 : memref<!tpu.dma_semaphore, #tpu.memory_space<semaphore_mem>>)
        %dma_start3A_1121 = arith.constant 1 : i32
        %dma_start3A_1122 = arith.constant 4 : i32
        %dma_start3A_1123 = arith.constant 1 : i32
        %dma_start3A_1124 = arith.constant 1 : i32
        %dma_start3A_1125 = arith.constant 0 : i32
        %dma_start3A_1126 = arith.constant 0 : i32
        %dma_start3A_1127 = tpu.memref_slice %arg7[%dma_start3A_1123, %dma_start3A_1125, %dma_start3A_1126] : memref<2x832x64xf32, #tpu.memory_space<vmem>> -> memref<1x832x64xf32, #tpu.memory_space<vmem>>
        %dma_start3A_1128 = tpu.memref_squeeze %dma_start3A_1127 : memref<1x832x64xf32, #tpu.memory_space<vmem>> -> memref<832x64xf32, #tpu.memory_space<vmem>>
        %dma_start3A_1129 = arith.constant 128 : i32
        %dma_start3A_1130 = arith.constant 0 : i32
        %dma_start3A_1131 = tpu.memref_slice %dma_start3A_1128[%dma_start3A_1129, %dma_start3A_1130] : memref<832x64xf32, #tpu.memory_space<vmem>> -> memref<32x64xf32, #tpu.memory_space<vmem>>
        %dma_start3A_1132 = arith.constant 0 : i32
        %dma_start3A_1133 = arith.constant 0 : i32
        %dma_start3A_1134 = tpu.memref_slice %arg6[%dma_start3A_1121, %dma_start3A_1132, %dma_start3A_1133] : memref<2x26x32xi32, #tpu.memory_space<vmem>> -> memref<1x26x32xi32, #tpu.memory_space<vmem>>
        %dma_start3A_1135 = tpu.memref_squeeze %dma_start3A_1134 : memref<1x26x32xi32, #tpu.memory_space<vmem>> -> memref<26x32xi32, #tpu.memory_space<vmem>>
        %dma_start3A_1136 = arith.constant 0 : i32
        %dma_start3A_1137 = tpu.memref_slice %dma_start3A_1135[%dma_start3A_1122, %dma_start3A_1136] : memref<26x32xi32, #tpu.memory_space<vmem>> -> memref<1x32xi32, #tpu.memory_space<vmem>>
        %dma_start3A_1138 = tpu.memref_squeeze %dma_start3A_1137 : memref<1x32xi32, #tpu.memory_space<vmem>> -> memref<32xi32, #tpu.memory_space<vmem>>
        %dma_start3A_1139 = arith.constant 0 : i32
        %dma_start3A_1140 = arith.constant 0 : i32
        %dma_start3A_1141 = tpu.memref_slice %arg4[%dma_start3A_1139, %dma_start3A_1140] : memref<2000000x64xf32, #tpu.memory_space<hbm>> -> memref<2000000x64xf32, #tpu.memory_space<hbm>>
        %dma_start3A_1142 = tpu.memref_slice %arg12[%dma_start3A_1124] : memref<2x!tpu.dma_semaphore, #tpu.memory_space<semaphore_mem>> -> memref<1x!tpu.dma_semaphore, #tpu.memory_space<semaphore_mem>>
        %dma_start3A_1143 = tpu.memref_squeeze %dma_start3A_1142 : memref<1x!tpu.dma_semaphore, #tpu.memory_space<semaphore_mem>> -> memref<!tpu.dma_semaphore, #tpu.memory_space<semaphore_mem>>
        tpu.enqueue_indirect_dma source(%dma_start3A_1141 : memref<2000000x64xf32, #tpu.memory_space<hbm>>) target(%dma_start3A_1131 : memref<32x64xf32, #tpu.memory_space<vmem>>) offsets(%dma_start3A_1138 : memref<32xi32, #tpu.memory_space<vmem>>) semaphore(%dma_start3A_1143 : memref<!tpu.dma_semaphore, #tpu.memory_space<semaphore_mem>>)
        %dma_start3A_1144 = arith.constant 1 : i32
        %dma_start3A_1145 = arith.constant 5 : i32
        %dma_start3A_1146 = arith.constant 1 : i32
        %dma_start3A_1147 = arith.constant 1 : i32
        %dma_start3A_1148 = arith.constant 0 : i32
        %dma_start3A_1149 = arith.constant 0 : i32
        %dma_start3A_1150 = tpu.memref_slice %arg7[%dma_start3A_1146, %dma_start3A_1148, %dma_start3A_1149] : memref<2x832x64xf32, #tpu.memory_space<vmem>> -> memref<1x832x64xf32, #tpu.memory_space<vmem>>
        %dma_start3A_1151 = tpu.memref_squeeze %dma_start3A_1150 : memref<1x832x64xf32, #tpu.memory_space<vmem>> -> memref<832x64xf32, #tpu.memory_space<vmem>>
        %dma_start3A_1152 = arith.constant 160 : i32
        %dma_start3A_1153 = arith.constant 0 : i32
        %dma_start3A_1154 = tpu.memref_slice %dma_start3A_1151[%dma_start3A_1152, %dma_start3A_1153] : memref<832x64xf32, #tpu.memory_space<vmem>> -> memref<32x64xf32, #tpu.memory_space<vmem>>
        %dma_start3A_1155 = arith.constant 0 : i32
        %dma_start3A_1156 = arith.constant 0 : i32
        %dma_start3A_1157 = tpu.memref_slice %arg6[%dma_start3A_1144, %dma_start3A_1155, %dma_start3A_1156] : memref<2x26x32xi32, #tpu.memory_space<vmem>> -> memref<1x26x32xi32, #tpu.memory_space<vmem>>
        %dma_start3A_1158 = tpu.memref_squeeze %dma_start3A_1157 : memref<1x26x32xi32, #tpu.memory_space<vmem>> -> memref<26x32xi32, #tpu.memory_space<vmem>>
        %dma_start3A_1159 = arith.constant 0 : i32
        %dma_start3A_1160 = tpu.memref_slice %dma_start3A_1158[%dma_start3A_1145, %dma_start3A_1159] : memref<26x32xi32, #tpu.memory_space<vmem>> -> memref<1x32xi32, #tpu.memory_space<vmem>>
        %dma_start3A_1161 = tpu.memref_squeeze %dma_start3A_1160 : memref<1x32xi32, #tpu.memory_space<vmem>> -> memref<32xi32, #tpu.memory_space<vmem>>
        %dma_start3A_1162 = arith.constant 0 : i32
        %dma_start3A_1163 = arith.constant 0 : i32
        %dma_start3A_1164 = tpu.memref_slice %arg4[%dma_start3A_1162, %dma_start3A_1163] : memref<2000000x64xf32, #tpu.memory_space<hbm>> -> memref<2000000x64xf32, #tpu.memory_space<hbm>>
        %dma_start3A_1165 = tpu.memref_slice %arg12[%dma_start3A_1147] : memref<2x!tpu.dma_semaphore, #tpu.memory_space<semaphore_mem>> -> memref<1x!tpu.dma_semaphore, #tpu.memory_space<semaphore_mem>>
        %dma_start3A_1166 = tpu.memref_squeeze %dma_start3A_1165 : memref<1x!tpu.dma_semaphore, #tpu.memory_space<semaphore_mem>> -> memref<!tpu.dma_semaphore, #tpu.memory_space<semaphore_mem>>
        tpu.enqueue_indirect_dma source(%dma_start3A_1164 : memref<2000000x64xf32, #tpu.memory_space<hbm>>) target(%dma_start3A_1154 : memref<32x64xf32, #tpu.memory_space<vmem>>) offsets(%dma_start3A_1161 : memref<32xi32, #tpu.memory_space<vmem>>) semaphore(%dma_start3A_1166 : memref<!tpu.dma_semaphore, #tpu.memory_space<semaphore_mem>>)
        %dma_start3A_1167 = arith.constant 1 : i32
        %dma_start3A_1168 = arith.constant 6 : i32
        %dma_start3A_1169 = arith.constant 1 : i32
        %dma_start3A_1170 = arith.constant 1 : i32
        %dma_start3A_1171 = arith.constant 0 : i32
        %dma_start3A_1172 = arith.constant 0 : i32
        %dma_start3A_1173 = tpu.memref_slice %arg7[%dma_start3A_1169, %dma_start3A_1171, %dma_start3A_1172] : memref<2x832x64xf32, #tpu.memory_space<vmem>> -> memref<1x832x64xf32, #tpu.memory_space<vmem>>
        %dma_start3A_1174 = tpu.memref_squeeze %dma_start3A_1173 : memref<1x832x64xf32, #tpu.memory_space<vmem>> -> memref<832x64xf32, #tpu.memory_space<vmem>>
        %dma_start3A_1175 = arith.constant 192 : i32
        %dma_start3A_1176 = arith.constant 0 : i32
        %dma_start3A_1177 = tpu.memref_slice %dma_start3A_1174[%dma_start3A_1175, %dma_start3A_1176] : memref<832x64xf32, #tpu.memory_space<vmem>> -> memref<32x64xf32, #tpu.memory_space<vmem>>
        %dma_start3A_1178 = arith.constant 0 : i32
        %dma_start3A_1179 = arith.constant 0 : i32
        %dma_start3A_1180 = tpu.memref_slice %arg6[%dma_start3A_1167, %dma_start3A_1178, %dma_start3A_1179] : memref<2x26x32xi32, #tpu.memory_space<vmem>> -> memref<1x26x32xi32, #tpu.memory_space<vmem>>
        %dma_start3A_1181 = tpu.memref_squeeze %dma_start3A_1180 : memref<1x26x32xi32, #tpu.memory_space<vmem>> -> memref<26x32xi32, #tpu.memory_space<vmem>>
        %dma_start3A_1182 = arith.constant 0 : i32
        %dma_start3A_1183 = tpu.memref_slice %dma_start3A_1181[%dma_start3A_1168, %dma_start3A_1182] : memref<26x32xi32, #tpu.memory_space<vmem>> -> memref<1x32xi32, #tpu.memory_space<vmem>>
        %dma_start3A_1184 = tpu.memref_squeeze %dma_start3A_1183 : memref<1x32xi32, #tpu.memory_space<vmem>> -> memref<32xi32, #tpu.memory_space<vmem>>
        %dma_start3A_1185 = arith.constant 0 : i32
        %dma_start3A_1186 = arith.constant 0 : i32
        %dma_start3A_1187 = tpu.memref_slice %arg4[%dma_start3A_1185, %dma_start3A_1186] : memref<2000000x64xf32, #tpu.memory_space<hbm>> -> memref<2000000x64xf32, #tpu.memory_space<hbm>>
        %dma_start3A_1188 = tpu.memref_slice %arg12[%dma_start3A_1170] : memref<2x!tpu.dma_semaphore, #tpu.memory_space<semaphore_mem>> -> memref<1x!tpu.dma_semaphore, #tpu.memory_space<semaphore_mem>>
        %dma_start3A_1189 = tpu.memref_squeeze %dma_start3A_1188 : memref<1x!tpu.dma_semaphore, #tpu.memory_space<semaphore_mem>> -> memref<!tpu.dma_semaphore, #tpu.memory_space<semaphore_mem>>
        tpu.enqueue_indirect_dma source(%dma_start3A_1187 : memref<2000000x64xf32, #tpu.memory_space<hbm>>) target(%dma_start3A_1177 : memref<32x64xf32, #tpu.memory_space<vmem>>) offsets(%dma_start3A_1184 : memref<32xi32, #tpu.memory_space<vmem>>) semaphore(%dma_start3A_1189 : memref<!tpu.dma_semaphore, #tpu.memory_space<semaphore_mem>>)
        %dma_start3A_1190 = arith.constant 1 : i32
        %dma_start3A_1191 = arith.constant 7 : i32
        %dma_start3A_1192 = arith.constant 1 : i32
        %dma_start3A_1193 = arith.constant 1 : i32
        %dma_start3A_1194 = arith.constant 0 : i32
        %dma_start3A_1195 = arith.constant 0 : i32
        %dma_start3A_1196 = tpu.memref_slice %arg7[%dma_start3A_1192, %dma_start3A_1194, %dma_start3A_1195] : memref<2x832x64xf32, #tpu.memory_space<vmem>> -> memref<1x832x64xf32, #tpu.memory_space<vmem>>
        %dma_start3A_1197 = tpu.memref_squeeze %dma_start3A_1196 : memref<1x832x64xf32, #tpu.memory_space<vmem>> -> memref<832x64xf32, #tpu.memory_space<vmem>>
        %dma_start3A_1198 = arith.constant 224 : i32
        %dma_start3A_1199 = arith.constant 0 : i32
        %dma_start3A_1200 = tpu.memref_slice %dma_start3A_1197[%dma_start3A_1198, %dma_start3A_1199] : memref<832x64xf32, #tpu.memory_space<vmem>> -> memref<32x64xf32, #tpu.memory_space<vmem>>
        %dma_start3A_1201 = arith.constant 0 : i32
        %dma_start3A_1202 = arith.constant 0 : i32
        %dma_start3A_1203 = tpu.memref_slice %arg6[%dma_start3A_1190, %dma_start3A_1201, %dma_start3A_1202] : memref<2x26x32xi32, #tpu.memory_space<vmem>> -> memref<1x26x32xi32, #tpu.memory_space<vmem>>
        %dma_start3A_1204 = tpu.memref_squeeze %dma_start3A_1203 : memref<1x26x32xi32, #tpu.memory_space<vmem>> -> memref<26x32xi32, #tpu.memory_space<vmem>>
        %dma_start3A_1205 = arith.constant 0 : i32
        %dma_start3A_1206 = tpu.memref_slice %dma_start3A_1204[%dma_start3A_1191, %dma_start3A_1205] : memref<26x32xi32, #tpu.memory_space<vmem>> -> memref<1x32xi32, #tpu.memory_space<vmem>>
        %dma_start3A_1207 = tpu.memref_squeeze %dma_start3A_1206 : memref<1x32xi32, #tpu.memory_space<vmem>> -> memref<32xi32, #tpu.memory_space<vmem>>
        %dma_start3A_1208 = arith.constant 0 : i32
        %dma_start3A_1209 = arith.constant 0 : i32
        %dma_start3A_1210 = tpu.memref_slice %arg4[%dma_start3A_1208, %dma_start3A_1209] : memref<2000000x64xf32, #tpu.memory_space<hbm>> -> memref<2000000x64xf32, #tpu.memory_space<hbm>>
        %dma_start3A_1211 = tpu.memref_slice %arg12[%dma_start3A_1193] : memref<2x!tpu.dma_semaphore, #tpu.memory_space<semaphore_mem>> -> memref<1x!tpu.dma_semaphore, #tpu.memory_space<semaphore_mem>>
        %dma_start3A_1212 = tpu.memref_squeeze %dma_start3A_1211 : memref<1x!tpu.dma_semaphore, #tpu.memory_space<semaphore_mem>> -> memref<!tpu.dma_semaphore, #tpu.memory_space<semaphore_mem>>
        tpu.enqueue_indirect_dma source(%dma_start3A_1210 : memref<2000000x64xf32, #tpu.memory_space<hbm>>) target(%dma_start3A_1200 : memref<32x64xf32, #tpu.memory_space<vmem>>) offsets(%dma_start3A_1207 : memref<32xi32, #tpu.memory_space<vmem>>) semaphore(%dma_start3A_1212 : memref<!tpu.dma_semaphore, #tpu.memory_space<semaphore_mem>>)
        %dma_start3A_1213 = arith.constant 1 : i32
        %dma_start3A_1214 = arith.constant 8 : i32
        %dma_start3A_1215 = arith.constant 1 : i32
        %dma_start3A_1216 = arith.constant 1 : i32
        %dma_start3A_1217 = arith.constant 0 : i32
        %dma_start3A_1218 = arith.constant 0 : i32
        %dma_start3A_1219 = tpu.memref_slice %arg7[%dma_start3A_1215, %dma_start3A_1217, %dma_start3A_1218] : memref<2x832x64xf32, #tpu.memory_space<vmem>> -> memref<1x832x64xf32, #tpu.memory_space<vmem>>
        %dma_start3A_1220 = tpu.memref_squeeze %dma_start3A_1219 : memref<1x832x64xf32, #tpu.memory_space<vmem>> -> memref<832x64xf32, #tpu.memory_space<vmem>>
        %dma_start3A_1221 = arith.constant 256 : i32
        %dma_start3A_1222 = arith.constant 0 : i32
        %dma_start3A_1223 = tpu.memref_slice %dma_start3A_1220[%dma_start3A_1221, %dma_start3A_1222] : memref<832x64xf32, #tpu.memory_space<vmem>> -> memref<32x64xf32, #tpu.memory_space<vmem>>
        %dma_start3A_1224 = arith.constant 0 : i32
        %dma_start3A_1225 = arith.constant 0 : i32
        %dma_start3A_1226 = tpu.memref_slice %arg6[%dma_start3A_1213, %dma_start3A_1224, %dma_start3A_1225] : memref<2x26x32xi32, #tpu.memory_space<vmem>> -> memref<1x26x32xi32, #tpu.memory_space<vmem>>
        %dma_start3A_1227 = tpu.memref_squeeze %dma_start3A_1226 : memref<1x26x32xi32, #tpu.memory_space<vmem>> -> memref<26x32xi32, #tpu.memory_space<vmem>>
        %dma_start3A_1228 = arith.constant 0 : i32
        %dma_start3A_1229 = tpu.memref_slice %dma_start3A_1227[%dma_start3A_1214, %dma_start3A_1228] : memref<26x32xi32, #tpu.memory_space<vmem>> -> memref<1x32xi32, #tpu.memory_space<vmem>>
        %dma_start3A_1230 = tpu.memref_squeeze %dma_start3A_1229 : memref<1x32xi32, #tpu.memory_space<vmem>> -> memref<32xi32, #tpu.memory_space<vmem>>
        %dma_start3A_1231 = arith.constant 0 : i32
        %dma_start3A_1232 = arith.constant 0 : i32
        %dma_start3A_1233 = tpu.memref_slice %arg4[%dma_start3A_1231, %dma_start3A_1232] : memref<2000000x64xf32, #tpu.memory_space<hbm>> -> memref<2000000x64xf32, #tpu.memory_space<hbm>>
        %dma_start3A_1234 = tpu.memref_slice %arg12[%dma_start3A_1216] : memref<2x!tpu.dma_semaphore, #tpu.memory_space<semaphore_mem>> -> memref<1x!tpu.dma_semaphore, #tpu.memory_space<semaphore_mem>>
        %dma_start3A_1235 = tpu.memref_squeeze %dma_start3A_1234 : memref<1x!tpu.dma_semaphore, #tpu.memory_space<semaphore_mem>> -> memref<!tpu.dma_semaphore, #tpu.memory_space<semaphore_mem>>
        tpu.enqueue_indirect_dma source(%dma_start3A_1233 : memref<2000000x64xf32, #tpu.memory_space<hbm>>) target(%dma_start3A_1223 : memref<32x64xf32, #tpu.memory_space<vmem>>) offsets(%dma_start3A_1230 : memref<32xi32, #tpu.memory_space<vmem>>) semaphore(%dma_start3A_1235 : memref<!tpu.dma_semaphore, #tpu.memory_space<semaphore_mem>>)
        %dma_start3A_1236 = arith.constant 1 : i32
        %dma_start3A_1237 = arith.constant 9 : i32
        %dma_start3A_1238 = arith.constant 1 : i32
        %dma_start3A_1239 = arith.constant 1 : i32
        %dma_start3A_1240 = arith.constant 0 : i32
        %dma_start3A_1241 = arith.constant 0 : i32
        %dma_start3A_1242 = tpu.memref_slice %arg7[%dma_start3A_1238, %dma_start3A_1240, %dma_start3A_1241] : memref<2x832x64xf32, #tpu.memory_space<vmem>> -> memref<1x832x64xf32, #tpu.memory_space<vmem>>
        %dma_start3A_1243 = tpu.memref_squeeze %dma_start3A_1242 : memref<1x832x64xf32, #tpu.memory_space<vmem>> -> memref<832x64xf32, #tpu.memory_space<vmem>>
        %dma_start3A_1244 = arith.constant 288 : i32
        %dma_start3A_1245 = arith.constant 0 : i32
        %dma_start3A_1246 = tpu.memref_slice %dma_start3A_1243[%dma_start3A_1244, %dma_start3A_1245] : memref<832x64xf32, #tpu.memory_space<vmem>> -> memref<32x64xf32, #tpu.memory_space<vmem>>
        %dma_start3A_1247 = arith.constant 0 : i32
        %dma_start3A_1248 = arith.constant 0 : i32
        %dma_start3A_1249 = tpu.memref_slice %arg6[%dma_start3A_1236, %dma_start3A_1247, %dma_start3A_1248] : memref<2x26x32xi32, #tpu.memory_space<vmem>> -> memref<1x26x32xi32, #tpu.memory_space<vmem>>
        %dma_start3A_1250 = tpu.memref_squeeze %dma_start3A_1249 : memref<1x26x32xi32, #tpu.memory_space<vmem>> -> memref<26x32xi32, #tpu.memory_space<vmem>>
        %dma_start3A_1251 = arith.constant 0 : i32
        %dma_start3A_1252 = tpu.memref_slice %dma_start3A_1250[%dma_start3A_1237, %dma_start3A_1251] : memref<26x32xi32, #tpu.memory_space<vmem>> -> memref<1x32xi32, #tpu.memory_space<vmem>>
        %dma_start3A_1253 = tpu.memref_squeeze %dma_start3A_1252 : memref<1x32xi32, #tpu.memory_space<vmem>> -> memref<32xi32, #tpu.memory_space<vmem>>
        %dma_start3A_1254 = arith.constant 0 : i32
        %dma_start3A_1255 = arith.constant 0 : i32
        %dma_start3A_1256 = tpu.memref_slice %arg4[%dma_start3A_1254, %dma_start3A_1255] : memref<2000000x64xf32, #tpu.memory_space<hbm>> -> memref<2000000x64xf32, #tpu.memory_space<hbm>>
        %dma_start3A_1257 = tpu.memref_slice %arg12[%dma_start3A_1239] : memref<2x!tpu.dma_semaphore, #tpu.memory_space<semaphore_mem>> -> memref<1x!tpu.dma_semaphore, #tpu.memory_space<semaphore_mem>>
        %dma_start3A_1258 = tpu.memref_squeeze %dma_start3A_1257 : memref<1x!tpu.dma_semaphore, #tpu.memory_space<semaphore_mem>> -> memref<!tpu.dma_semaphore, #tpu.memory_space<semaphore_mem>>
        tpu.enqueue_indirect_dma source(%dma_start3A_1256 : memref<2000000x64xf32, #tpu.memory_space<hbm>>) target(%dma_start3A_1246 : memref<32x64xf32, #tpu.memory_space<vmem>>) offsets(%dma_start3A_1253 : memref<32xi32, #tpu.memory_space<vmem>>) semaphore(%dma_start3A_1258 : memref<!tpu.dma_semaphore, #tpu.memory_space<semaphore_mem>>)
        %dma_start3A_1259 = arith.constant 1 : i32
        %dma_start3A_1260 = arith.constant 10 : i32
        %dma_start3A_1261 = arith.constant 1 : i32
        %dma_start3A_1262 = arith.constant 1 : i32
        %dma_start3A_1263 = arith.constant 0 : i32
        %dma_start3A_1264 = arith.constant 0 : i32
        %dma_start3A_1265 = tpu.memref_slice %arg7[%dma_start3A_1261, %dma_start3A_1263, %dma_start3A_1264] : memref<2x832x64xf32, #tpu.memory_space<vmem>> -> memref<1x832x64xf32, #tpu.memory_space<vmem>>
        %dma_start3A_1266 = tpu.memref_squeeze %dma_start3A_1265 : memref<1x832x64xf32, #tpu.memory_space<vmem>> -> memref<832x64xf32, #tpu.memory_space<vmem>>
        %dma_start3A_1267 = arith.constant 320 : i32
        %dma_start3A_1268 = arith.constant 0 : i32
        %dma_start3A_1269 = tpu.memref_slice %dma_start3A_1266[%dma_start3A_1267, %dma_start3A_1268] : memref<832x64xf32, #tpu.memory_space<vmem>> -> memref<32x64xf32, #tpu.memory_space<vmem>>
        %dma_start3A_1270 = arith.constant 0 : i32
        %dma_start3A_1271 = arith.constant 0 : i32
        %dma_start3A_1272 = tpu.memref_slice %arg6[%dma_start3A_1259, %dma_start3A_1270, %dma_start3A_1271] : memref<2x26x32xi32, #tpu.memory_space<vmem>> -> memref<1x26x32xi32, #tpu.memory_space<vmem>>
        %dma_start3A_1273 = tpu.memref_squeeze %dma_start3A_1272 : memref<1x26x32xi32, #tpu.memory_space<vmem>> -> memref<26x32xi32, #tpu.memory_space<vmem>>
        %dma_start3A_1274 = arith.constant 0 : i32
        %dma_start3A_1275 = tpu.memref_slice %dma_start3A_1273[%dma_start3A_1260, %dma_start3A_1274] : memref<26x32xi32, #tpu.memory_space<vmem>> -> memref<1x32xi32, #tpu.memory_space<vmem>>
        %dma_start3A_1276 = tpu.memref_squeeze %dma_start3A_1275 : memref<1x32xi32, #tpu.memory_space<vmem>> -> memref<32xi32, #tpu.memory_space<vmem>>
        %dma_start3A_1277 = arith.constant 0 : i32
        %dma_start3A_1278 = arith.constant 0 : i32
        %dma_start3A_1279 = tpu.memref_slice %arg4[%dma_start3A_1277, %dma_start3A_1278] : memref<2000000x64xf32, #tpu.memory_space<hbm>> -> memref<2000000x64xf32, #tpu.memory_space<hbm>>
        %dma_start3A_1280 = tpu.memref_slice %arg12[%dma_start3A_1262] : memref<2x!tpu.dma_semaphore, #tpu.memory_space<semaphore_mem>> -> memref<1x!tpu.dma_semaphore, #tpu.memory_space<semaphore_mem>>
        %dma_start3A_1281 = tpu.memref_squeeze %dma_start3A_1280 : memref<1x!tpu.dma_semaphore, #tpu.memory_space<semaphore_mem>> -> memref<!tpu.dma_semaphore, #tpu.memory_space<semaphore_mem>>
        tpu.enqueue_indirect_dma source(%dma_start3A_1279 : memref<2000000x64xf32, #tpu.memory_space<hbm>>) target(%dma_start3A_1269 : memref<32x64xf32, #tpu.memory_space<vmem>>) offsets(%dma_start3A_1276 : memref<32xi32, #tpu.memory_space<vmem>>) semaphore(%dma_start3A_1281 : memref<!tpu.dma_semaphore, #tpu.memory_space<semaphore_mem>>)
        %dma_start3A_1282 = arith.constant 1 : i32
        %dma_start3A_1283 = arith.constant 11 : i32
        %dma_start3A_1284 = arith.constant 1 : i32
        %dma_start3A_1285 = arith.constant 1 : i32
        %dma_start3A_1286 = arith.constant 0 : i32
        %dma_start3A_1287 = arith.constant 0 : i32
        %dma_start3A_1288 = tpu.memref_slice %arg7[%dma_start3A_1284, %dma_start3A_1286, %dma_start3A_1287] : memref<2x832x64xf32, #tpu.memory_space<vmem>> -> memref<1x832x64xf32, #tpu.memory_space<vmem>>
        %dma_start3A_1289 = tpu.memref_squeeze %dma_start3A_1288 : memref<1x832x64xf32, #tpu.memory_space<vmem>> -> memref<832x64xf32, #tpu.memory_space<vmem>>
        %dma_start3A_1290 = arith.constant 352 : i32
        %dma_start3A_1291 = arith.constant 0 : i32
        %dma_start3A_1292 = tpu.memref_slice %dma_start3A_1289[%dma_start3A_1290, %dma_start3A_1291] : memref<832x64xf32, #tpu.memory_space<vmem>> -> memref<32x64xf32, #tpu.memory_space<vmem>>
        %dma_start3A_1293 = arith.constant 0 : i32
        %dma_start3A_1294 = arith.constant 0 : i32
        %dma_start3A_1295 = tpu.memref_slice %arg6[%dma_start3A_1282, %dma_start3A_1293, %dma_start3A_1294] : memref<2x26x32xi32, #tpu.memory_space<vmem>> -> memref<1x26x32xi32, #tpu.memory_space<vmem>>
        %dma_start3A_1296 = tpu.memref_squeeze %dma_start3A_1295 : memref<1x26x32xi32, #tpu.memory_space<vmem>> -> memref<26x32xi32, #tpu.memory_space<vmem>>
        %dma_start3A_1297 = arith.constant 0 : i32
        %dma_start3A_1298 = tpu.memref_slice %dma_start3A_1296[%dma_start3A_1283, %dma_start3A_1297] : memref<26x32xi32, #tpu.memory_space<vmem>> -> memref<1x32xi32, #tpu.memory_space<vmem>>
        %dma_start3A_1299 = tpu.memref_squeeze %dma_start3A_1298 : memref<1x32xi32, #tpu.memory_space<vmem>> -> memref<32xi32, #tpu.memory_space<vmem>>
        %dma_start3A_1300 = arith.constant 0 : i32
        %dma_start3A_1301 = arith.constant 0 : i32
        %dma_start3A_1302 = tpu.memref_slice %arg4[%dma_start3A_1300, %dma_start3A_1301] : memref<2000000x64xf32, #tpu.memory_space<hbm>> -> memref<2000000x64xf32, #tpu.memory_space<hbm>>
        %dma_start3A_1303 = tpu.memref_slice %arg12[%dma_start3A_1285] : memref<2x!tpu.dma_semaphore, #tpu.memory_space<semaphore_mem>> -> memref<1x!tpu.dma_semaphore, #tpu.memory_space<semaphore_mem>>
        %dma_start3A_1304 = tpu.memref_squeeze %dma_start3A_1303 : memref<1x!tpu.dma_semaphore, #tpu.memory_space<semaphore_mem>> -> memref<!tpu.dma_semaphore, #tpu.memory_space<semaphore_mem>>
        tpu.enqueue_indirect_dma source(%dma_start3A_1302 : memref<2000000x64xf32, #tpu.memory_space<hbm>>) target(%dma_start3A_1292 : memref<32x64xf32, #tpu.memory_space<vmem>>) offsets(%dma_start3A_1299 : memref<32xi32, #tpu.memory_space<vmem>>) semaphore(%dma_start3A_1304 : memref<!tpu.dma_semaphore, #tpu.memory_space<semaphore_mem>>)
        %dma_start3A_1305 = arith.constant 1 : i32
        %dma_start3A_1306 = arith.constant 12 : i32
        %dma_start3A_1307 = arith.constant 1 : i32
        %dma_start3A_1308 = arith.constant 1 : i32
        %dma_start3A_1309 = arith.constant 0 : i32
        %dma_start3A_1310 = arith.constant 0 : i32
        %dma_start3A_1311 = tpu.memref_slice %arg7[%dma_start3A_1307, %dma_start3A_1309, %dma_start3A_1310] : memref<2x832x64xf32, #tpu.memory_space<vmem>> -> memref<1x832x64xf32, #tpu.memory_space<vmem>>
        %dma_start3A_1312 = tpu.memref_squeeze %dma_start3A_1311 : memref<1x832x64xf32, #tpu.memory_space<vmem>> -> memref<832x64xf32, #tpu.memory_space<vmem>>
        %dma_start3A_1313 = arith.constant 384 : i32
        %dma_start3A_1314 = arith.constant 0 : i32
        %dma_start3A_1315 = tpu.memref_slice %dma_start3A_1312[%dma_start3A_1313, %dma_start3A_1314] : memref<832x64xf32, #tpu.memory_space<vmem>> -> memref<32x64xf32, #tpu.memory_space<vmem>>
        %dma_start3A_1316 = arith.constant 0 : i32
        %dma_start3A_1317 = arith.constant 0 : i32
        %dma_start3A_1318 = tpu.memref_slice %arg6[%dma_start3A_1305, %dma_start3A_1316, %dma_start3A_1317] : memref<2x26x32xi32, #tpu.memory_space<vmem>> -> memref<1x26x32xi32, #tpu.memory_space<vmem>>
        %dma_start3A_1319 = tpu.memref_squeeze %dma_start3A_1318 : memref<1x26x32xi32, #tpu.memory_space<vmem>> -> memref<26x32xi32, #tpu.memory_space<vmem>>
        %dma_start3A_1320 = arith.constant 0 : i32
        %dma_start3A_1321 = tpu.memref_slice %dma_start3A_1319[%dma_start3A_1306, %dma_start3A_1320] : memref<26x32xi32, #tpu.memory_space<vmem>> -> memref<1x32xi32, #tpu.memory_space<vmem>>
        %dma_start3A_1322 = tpu.memref_squeeze %dma_start3A_1321 : memref<1x32xi32, #tpu.memory_space<vmem>> -> memref<32xi32, #tpu.memory_space<vmem>>
        %dma_start3A_1323 = arith.constant 0 : i32
        %dma_start3A_1324 = arith.constant 0 : i32
        %dma_start3A_1325 = tpu.memref_slice %arg4[%dma_start3A_1323, %dma_start3A_1324] : memref<2000000x64xf32, #tpu.memory_space<hbm>> -> memref<2000000x64xf32, #tpu.memory_space<hbm>>
        %dma_start3A_1326 = tpu.memref_slice %arg12[%dma_start3A_1308] : memref<2x!tpu.dma_semaphore, #tpu.memory_space<semaphore_mem>> -> memref<1x!tpu.dma_semaphore, #tpu.memory_space<semaphore_mem>>
        %dma_start3A_1327 = tpu.memref_squeeze %dma_start3A_1326 : memref<1x!tpu.dma_semaphore, #tpu.memory_space<semaphore_mem>> -> memref<!tpu.dma_semaphore, #tpu.memory_space<semaphore_mem>>
        tpu.enqueue_indirect_dma source(%dma_start3A_1325 : memref<2000000x64xf32, #tpu.memory_space<hbm>>) target(%dma_start3A_1315 : memref<32x64xf32, #tpu.memory_space<vmem>>) offsets(%dma_start3A_1322 : memref<32xi32, #tpu.memory_space<vmem>>) semaphore(%dma_start3A_1327 : memref<!tpu.dma_semaphore, #tpu.memory_space<semaphore_mem>>)
        %dma_start3A_1328 = arith.constant 1 : i32
        %dma_start3A_1329 = arith.constant 13 : i32
        %dma_start3A_1330 = arith.constant 1 : i32
        %dma_start3A_1331 = arith.constant 1 : i32
        %dma_start3A_1332 = arith.constant 0 : i32
        %dma_start3A_1333 = arith.constant 0 : i32
        %dma_start3A_1334 = tpu.memref_slice %arg7[%dma_start3A_1330, %dma_start3A_1332, %dma_start3A_1333] : memref<2x832x64xf32, #tpu.memory_space<vmem>> -> memref<1x832x64xf32, #tpu.memory_space<vmem>>
        %dma_start3A_1335 = tpu.memref_squeeze %dma_start3A_1334 : memref<1x832x64xf32, #tpu.memory_space<vmem>> -> memref<832x64xf32, #tpu.memory_space<vmem>>
        %dma_start3A_1336 = arith.constant 416 : i32
        %dma_start3A_1337 = arith.constant 0 : i32
        %dma_start3A_1338 = tpu.memref_slice %dma_start3A_1335[%dma_start3A_1336, %dma_start3A_1337] : memref<832x64xf32, #tpu.memory_space<vmem>> -> memref<32x64xf32, #tpu.memory_space<vmem>>
        %dma_start3A_1339 = arith.constant 0 : i32
        %dma_start3A_1340 = arith.constant 0 : i32
        %dma_start3A_1341 = tpu.memref_slice %arg6[%dma_start3A_1328, %dma_start3A_1339, %dma_start3A_1340] : memref<2x26x32xi32, #tpu.memory_space<vmem>> -> memref<1x26x32xi32, #tpu.memory_space<vmem>>
        %dma_start3A_1342 = tpu.memref_squeeze %dma_start3A_1341 : memref<1x26x32xi32, #tpu.memory_space<vmem>> -> memref<26x32xi32, #tpu.memory_space<vmem>>
        %dma_start3A_1343 = arith.constant 0 : i32
        %dma_start3A_1344 = tpu.memref_slice %dma_start3A_1342[%dma_start3A_1329, %dma_start3A_1343] : memref<26x32xi32, #tpu.memory_space<vmem>> -> memref<1x32xi32, #tpu.memory_space<vmem>>
        %dma_start3A_1345 = tpu.memref_squeeze %dma_start3A_1344 : memref<1x32xi32, #tpu.memory_space<vmem>> -> memref<32xi32, #tpu.memory_space<vmem>>
        %dma_start3A_1346 = arith.constant 0 : i32
        %dma_start3A_1347 = arith.constant 0 : i32
        %dma_start3A_1348 = tpu.memref_slice %arg4[%dma_start3A_1346, %dma_start3A_1347] : memref<2000000x64xf32, #tpu.memory_space<hbm>> -> memref<2000000x64xf32, #tpu.memory_space<hbm>>
        %dma_start3A_1349 = tpu.memref_slice %arg12[%dma_start3A_1331] : memref<2x!tpu.dma_semaphore, #tpu.memory_space<semaphore_mem>> -> memref<1x!tpu.dma_semaphore, #tpu.memory_space<semaphore_mem>>
        %dma_start3A_1350 = tpu.memref_squeeze %dma_start3A_1349 : memref<1x!tpu.dma_semaphore, #tpu.memory_space<semaphore_mem>> -> memref<!tpu.dma_semaphore, #tpu.memory_space<semaphore_mem>>
        tpu.enqueue_indirect_dma source(%dma_start3A_1348 : memref<2000000x64xf32, #tpu.memory_space<hbm>>) target(%dma_start3A_1338 : memref<32x64xf32, #tpu.memory_space<vmem>>) offsets(%dma_start3A_1345 : memref<32xi32, #tpu.memory_space<vmem>>) semaphore(%dma_start3A_1350 : memref<!tpu.dma_semaphore, #tpu.memory_space<semaphore_mem>>)
        %dma_start3A_1351 = arith.constant 1 : i32
        %dma_start3A_1352 = arith.constant 14 : i32
        %dma_start3A_1353 = arith.constant 1 : i32
        %dma_start3A_1354 = arith.constant 1 : i32
        %dma_start3A_1355 = arith.constant 0 : i32
        %dma_start3A_1356 = arith.constant 0 : i32
        %dma_start3A_1357 = tpu.memref_slice %arg7[%dma_start3A_1353, %dma_start3A_1355, %dma_start3A_1356] : memref<2x832x64xf32, #tpu.memory_space<vmem>> -> memref<1x832x64xf32, #tpu.memory_space<vmem>>
        %dma_start3A_1358 = tpu.memref_squeeze %dma_start3A_1357 : memref<1x832x64xf32, #tpu.memory_space<vmem>> -> memref<832x64xf32, #tpu.memory_space<vmem>>
        %dma_start3A_1359 = arith.constant 448 : i32
        %dma_start3A_1360 = arith.constant 0 : i32
        %dma_start3A_1361 = tpu.memref_slice %dma_start3A_1358[%dma_start3A_1359, %dma_start3A_1360] : memref<832x64xf32, #tpu.memory_space<vmem>> -> memref<32x64xf32, #tpu.memory_space<vmem>>
        %dma_start3A_1362 = arith.constant 0 : i32
        %dma_start3A_1363 = arith.constant 0 : i32
        %dma_start3A_1364 = tpu.memref_slice %arg6[%dma_start3A_1351, %dma_start3A_1362, %dma_start3A_1363] : memref<2x26x32xi32, #tpu.memory_space<vmem>> -> memref<1x26x32xi32, #tpu.memory_space<vmem>>
        %dma_start3A_1365 = tpu.memref_squeeze %dma_start3A_1364 : memref<1x26x32xi32, #tpu.memory_space<vmem>> -> memref<26x32xi32, #tpu.memory_space<vmem>>
        %dma_start3A_1366 = arith.constant 0 : i32
        %dma_start3A_1367 = tpu.memref_slice %dma_start3A_1365[%dma_start3A_1352, %dma_start3A_1366] : memref<26x32xi32, #tpu.memory_space<vmem>> -> memref<1x32xi32, #tpu.memory_space<vmem>>
        %dma_start3A_1368 = tpu.memref_squeeze %dma_start3A_1367 : memref<1x32xi32, #tpu.memory_space<vmem>> -> memref<32xi32, #tpu.memory_space<vmem>>
        %dma_start3A_1369 = arith.constant 0 : i32
        %dma_start3A_1370 = arith.constant 0 : i32
        %dma_start3A_1371 = tpu.memref_slice %arg4[%dma_start3A_1369, %dma_start3A_1370] : memref<2000000x64xf32, #tpu.memory_space<hbm>> -> memref<2000000x64xf32, #tpu.memory_space<hbm>>
        %dma_start3A_1372 = tpu.memref_slice %arg12[%dma_start3A_1354] : memref<2x!tpu.dma_semaphore, #tpu.memory_space<semaphore_mem>> -> memref<1x!tpu.dma_semaphore, #tpu.memory_space<semaphore_mem>>
        %dma_start3A_1373 = tpu.memref_squeeze %dma_start3A_1372 : memref<1x!tpu.dma_semaphore, #tpu.memory_space<semaphore_mem>> -> memref<!tpu.dma_semaphore, #tpu.memory_space<semaphore_mem>>
        tpu.enqueue_indirect_dma source(%dma_start3A_1371 : memref<2000000x64xf32, #tpu.memory_space<hbm>>) target(%dma_start3A_1361 : memref<32x64xf32, #tpu.memory_space<vmem>>) offsets(%dma_start3A_1368 : memref<32xi32, #tpu.memory_space<vmem>>) semaphore(%dma_start3A_1373 : memref<!tpu.dma_semaphore, #tpu.memory_space<semaphore_mem>>)
        %dma_start3A_1374 = arith.constant 1 : i32
        %dma_start3A_1375 = arith.constant 15 : i32
        %dma_start3A_1376 = arith.constant 1 : i32
        %dma_start3A_1377 = arith.constant 1 : i32
        %dma_start3A_1378 = arith.constant 0 : i32
        %dma_start3A_1379 = arith.constant 0 : i32
        %dma_start3A_1380 = tpu.memref_slice %arg7[%dma_start3A_1376, %dma_start3A_1378, %dma_start3A_1379] : memref<2x832x64xf32, #tpu.memory_space<vmem>> -> memref<1x832x64xf32, #tpu.memory_space<vmem>>
        %dma_start3A_1381 = tpu.memref_squeeze %dma_start3A_1380 : memref<1x832x64xf32, #tpu.memory_space<vmem>> -> memref<832x64xf32, #tpu.memory_space<vmem>>
        %dma_start3A_1382 = arith.constant 480 : i32
        %dma_start3A_1383 = arith.constant 0 : i32
        %dma_start3A_1384 = tpu.memref_slice %dma_start3A_1381[%dma_start3A_1382, %dma_start3A_1383] : memref<832x64xf32, #tpu.memory_space<vmem>> -> memref<32x64xf32, #tpu.memory_space<vmem>>
        %dma_start3A_1385 = arith.constant 0 : i32
        %dma_start3A_1386 = arith.constant 0 : i32
        %dma_start3A_1387 = tpu.memref_slice %arg6[%dma_start3A_1374, %dma_start3A_1385, %dma_start3A_1386] : memref<2x26x32xi32, #tpu.memory_space<vmem>> -> memref<1x26x32xi32, #tpu.memory_space<vmem>>
        %dma_start3A_1388 = tpu.memref_squeeze %dma_start3A_1387 : memref<1x26x32xi32, #tpu.memory_space<vmem>> -> memref<26x32xi32, #tpu.memory_space<vmem>>
        %dma_start3A_1389 = arith.constant 0 : i32
        %dma_start3A_1390 = tpu.memref_slice %dma_start3A_1388[%dma_start3A_1375, %dma_start3A_1389] : memref<26x32xi32, #tpu.memory_space<vmem>> -> memref<1x32xi32, #tpu.memory_space<vmem>>
        %dma_start3A_1391 = tpu.memref_squeeze %dma_start3A_1390 : memref<1x32xi32, #tpu.memory_space<vmem>> -> memref<32xi32, #tpu.memory_space<vmem>>
        %dma_start3A_1392 = arith.constant 0 : i32
        %dma_start3A_1393 = arith.constant 0 : i32
        %dma_start3A_1394 = tpu.memref_slice %arg4[%dma_start3A_1392, %dma_start3A_1393] : memref<2000000x64xf32, #tpu.memory_space<hbm>> -> memref<2000000x64xf32, #tpu.memory_space<hbm>>
        %dma_start3A_1395 = tpu.memref_slice %arg12[%dma_start3A_1377] : memref<2x!tpu.dma_semaphore, #tpu.memory_space<semaphore_mem>> -> memref<1x!tpu.dma_semaphore, #tpu.memory_space<semaphore_mem>>
        %dma_start3A_1396 = tpu.memref_squeeze %dma_start3A_1395 : memref<1x!tpu.dma_semaphore, #tpu.memory_space<semaphore_mem>> -> memref<!tpu.dma_semaphore, #tpu.memory_space<semaphore_mem>>
        tpu.enqueue_indirect_dma source(%dma_start3A_1394 : memref<2000000x64xf32, #tpu.memory_space<hbm>>) target(%dma_start3A_1384 : memref<32x64xf32, #tpu.memory_space<vmem>>) offsets(%dma_start3A_1391 : memref<32xi32, #tpu.memory_space<vmem>>) semaphore(%dma_start3A_1396 : memref<!tpu.dma_semaphore, #tpu.memory_space<semaphore_mem>>)
        %dma_start3A_1397 = arith.constant 1 : i32
        %dma_start3A_1398 = arith.constant 16 : i32
        %dma_start3A_1399 = arith.constant 1 : i32
        %dma_start3A_1400 = arith.constant 1 : i32
        %dma_start3A_1401 = arith.constant 0 : i32
        %dma_start3A_1402 = arith.constant 0 : i32
        %dma_start3A_1403 = tpu.memref_slice %arg7[%dma_start3A_1399, %dma_start3A_1401, %dma_start3A_1402] : memref<2x832x64xf32, #tpu.memory_space<vmem>> -> memref<1x832x64xf32, #tpu.memory_space<vmem>>
        %dma_start3A_1404 = tpu.memref_squeeze %dma_start3A_1403 : memref<1x832x64xf32, #tpu.memory_space<vmem>> -> memref<832x64xf32, #tpu.memory_space<vmem>>
        %dma_start3A_1405 = arith.constant 512 : i32
        %dma_start3A_1406 = arith.constant 0 : i32
        %dma_start3A_1407 = tpu.memref_slice %dma_start3A_1404[%dma_start3A_1405, %dma_start3A_1406] : memref<832x64xf32, #tpu.memory_space<vmem>> -> memref<32x64xf32, #tpu.memory_space<vmem>>
        %dma_start3A_1408 = arith.constant 0 : i32
        %dma_start3A_1409 = arith.constant 0 : i32
        %dma_start3A_1410 = tpu.memref_slice %arg6[%dma_start3A_1397, %dma_start3A_1408, %dma_start3A_1409] : memref<2x26x32xi32, #tpu.memory_space<vmem>> -> memref<1x26x32xi32, #tpu.memory_space<vmem>>
        %dma_start3A_1411 = tpu.memref_squeeze %dma_start3A_1410 : memref<1x26x32xi32, #tpu.memory_space<vmem>> -> memref<26x32xi32, #tpu.memory_space<vmem>>
        %dma_start3A_1412 = arith.constant 0 : i32
        %dma_start3A_1413 = tpu.memref_slice %dma_start3A_1411[%dma_start3A_1398, %dma_start3A_1412] : memref<26x32xi32, #tpu.memory_space<vmem>> -> memref<1x32xi32, #tpu.memory_space<vmem>>
        %dma_start3A_1414 = tpu.memref_squeeze %dma_start3A_1413 : memref<1x32xi32, #tpu.memory_space<vmem>> -> memref<32xi32, #tpu.memory_space<vmem>>
        %dma_start3A_1415 = arith.constant 0 : i32
        %dma_start3A_1416 = arith.constant 0 : i32
        %dma_start3A_1417 = tpu.memref_slice %arg4[%dma_start3A_1415, %dma_start3A_1416] : memref<2000000x64xf32, #tpu.memory_space<hbm>> -> memref<2000000x64xf32, #tpu.memory_space<hbm>>
        %dma_start3A_1418 = tpu.memref_slice %arg12[%dma_start3A_1400] : memref<2x!tpu.dma_semaphore, #tpu.memory_space<semaphore_mem>> -> memref<1x!tpu.dma_semaphore, #tpu.memory_space<semaphore_mem>>
        %dma_start3A_1419 = tpu.memref_squeeze %dma_start3A_1418 : memref<1x!tpu.dma_semaphore, #tpu.memory_space<semaphore_mem>> -> memref<!tpu.dma_semaphore, #tpu.memory_space<semaphore_mem>>
        tpu.enqueue_indirect_dma source(%dma_start3A_1417 : memref<2000000x64xf32, #tpu.memory_space<hbm>>) target(%dma_start3A_1407 : memref<32x64xf32, #tpu.memory_space<vmem>>) offsets(%dma_start3A_1414 : memref<32xi32, #tpu.memory_space<vmem>>) semaphore(%dma_start3A_1419 : memref<!tpu.dma_semaphore, #tpu.memory_space<semaphore_mem>>)
        %dma_start3A_1420 = arith.constant 1 : i32
        %dma_start3A_1421 = arith.constant 17 : i32
        %dma_start3A_1422 = arith.constant 1 : i32
        %dma_start3A_1423 = arith.constant 1 : i32
        %dma_start3A_1424 = arith.constant 0 : i32
        %dma_start3A_1425 = arith.constant 0 : i32
        %dma_start3A_1426 = tpu.memref_slice %arg7[%dma_start3A_1422, %dma_start3A_1424, %dma_start3A_1425] : memref<2x832x64xf32, #tpu.memory_space<vmem>> -> memref<1x832x64xf32, #tpu.memory_space<vmem>>
        %dma_start3A_1427 = tpu.memref_squeeze %dma_start3A_1426 : memref<1x832x64xf32, #tpu.memory_space<vmem>> -> memref<832x64xf32, #tpu.memory_space<vmem>>
        %dma_start3A_1428 = arith.constant 544 : i32
        %dma_start3A_1429 = arith.constant 0 : i32
        %dma_start3A_1430 = tpu.memref_slice %dma_start3A_1427[%dma_start3A_1428, %dma_start3A_1429] : memref<832x64xf32, #tpu.memory_space<vmem>> -> memref<32x64xf32, #tpu.memory_space<vmem>>
        %dma_start3A_1431 = arith.constant 0 : i32
        %dma_start3A_1432 = arith.constant 0 : i32
        %dma_start3A_1433 = tpu.memref_slice %arg6[%dma_start3A_1420, %dma_start3A_1431, %dma_start3A_1432] : memref<2x26x32xi32, #tpu.memory_space<vmem>> -> memref<1x26x32xi32, #tpu.memory_space<vmem>>
        %dma_start3A_1434 = tpu.memref_squeeze %dma_start3A_1433 : memref<1x26x32xi32, #tpu.memory_space<vmem>> -> memref<26x32xi32, #tpu.memory_space<vmem>>
        %dma_start3A_1435 = arith.constant 0 : i32
        %dma_start3A_1436 = tpu.memref_slice %dma_start3A_1434[%dma_start3A_1421, %dma_start3A_1435] : memref<26x32xi32, #tpu.memory_space<vmem>> -> memref<1x32xi32, #tpu.memory_space<vmem>>
        %dma_start3A_1437 = tpu.memref_squeeze %dma_start3A_1436 : memref<1x32xi32, #tpu.memory_space<vmem>> -> memref<32xi32, #tpu.memory_space<vmem>>
        %dma_start3A_1438 = arith.constant 0 : i32
        %dma_start3A_1439 = arith.constant 0 : i32
        %dma_start3A_1440 = tpu.memref_slice %arg4[%dma_start3A_1438, %dma_start3A_1439] : memref<2000000x64xf32, #tpu.memory_space<hbm>> -> memref<2000000x64xf32, #tpu.memory_space<hbm>>
        %dma_start3A_1441 = tpu.memref_slice %arg12[%dma_start3A_1423] : memref<2x!tpu.dma_semaphore, #tpu.memory_space<semaphore_mem>> -> memref<1x!tpu.dma_semaphore, #tpu.memory_space<semaphore_mem>>
        %dma_start3A_1442 = tpu.memref_squeeze %dma_start3A_1441 : memref<1x!tpu.dma_semaphore, #tpu.memory_space<semaphore_mem>> -> memref<!tpu.dma_semaphore, #tpu.memory_space<semaphore_mem>>
        tpu.enqueue_indirect_dma source(%dma_start3A_1440 : memref<2000000x64xf32, #tpu.memory_space<hbm>>) target(%dma_start3A_1430 : memref<32x64xf32, #tpu.memory_space<vmem>>) offsets(%dma_start3A_1437 : memref<32xi32, #tpu.memory_space<vmem>>) semaphore(%dma_start3A_1442 : memref<!tpu.dma_semaphore, #tpu.memory_space<semaphore_mem>>)
        %dma_start3A_1443 = arith.constant 1 : i32
        %dma_start3A_1444 = arith.constant 18 : i32
        %dma_start3A_1445 = arith.constant 1 : i32
        %dma_start3A_1446 = arith.constant 1 : i32
        %dma_start3A_1447 = arith.constant 0 : i32
        %dma_start3A_1448 = arith.constant 0 : i32
        %dma_start3A_1449 = tpu.memref_slice %arg7[%dma_start3A_1445, %dma_start3A_1447, %dma_start3A_1448] : memref<2x832x64xf32, #tpu.memory_space<vmem>> -> memref<1x832x64xf32, #tpu.memory_space<vmem>>
        %dma_start3A_1450 = tpu.memref_squeeze %dma_start3A_1449 : memref<1x832x64xf32, #tpu.memory_space<vmem>> -> memref<832x64xf32, #tpu.memory_space<vmem>>
        %dma_start3A_1451 = arith.constant 576 : i32
        %dma_start3A_1452 = arith.constant 0 : i32
        %dma_start3A_1453 = tpu.memref_slice %dma_start3A_1450[%dma_start3A_1451, %dma_start3A_1452] : memref<832x64xf32, #tpu.memory_space<vmem>> -> memref<32x64xf32, #tpu.memory_space<vmem>>
        %dma_start3A_1454 = arith.constant 0 : i32
        %dma_start3A_1455 = arith.constant 0 : i32
        %dma_start3A_1456 = tpu.memref_slice %arg6[%dma_start3A_1443, %dma_start3A_1454, %dma_start3A_1455] : memref<2x26x32xi32, #tpu.memory_space<vmem>> -> memref<1x26x32xi32, #tpu.memory_space<vmem>>
        %dma_start3A_1457 = tpu.memref_squeeze %dma_start3A_1456 : memref<1x26x32xi32, #tpu.memory_space<vmem>> -> memref<26x32xi32, #tpu.memory_space<vmem>>
        %dma_start3A_1458 = arith.constant 0 : i32
        %dma_start3A_1459 = tpu.memref_slice %dma_start3A_1457[%dma_start3A_1444, %dma_start3A_1458] : memref<26x32xi32, #tpu.memory_space<vmem>> -> memref<1x32xi32, #tpu.memory_space<vmem>>
        %dma_start3A_1460 = tpu.memref_squeeze %dma_start3A_1459 : memref<1x32xi32, #tpu.memory_space<vmem>> -> memref<32xi32, #tpu.memory_space<vmem>>
        %dma_start3A_1461 = arith.constant 0 : i32
        %dma_start3A_1462 = arith.constant 0 : i32
        %dma_start3A_1463 = tpu.memref_slice %arg4[%dma_start3A_1461, %dma_start3A_1462] : memref<2000000x64xf32, #tpu.memory_space<hbm>> -> memref<2000000x64xf32, #tpu.memory_space<hbm>>
        %dma_start3A_1464 = tpu.memref_slice %arg12[%dma_start3A_1446] : memref<2x!tpu.dma_semaphore, #tpu.memory_space<semaphore_mem>> -> memref<1x!tpu.dma_semaphore, #tpu.memory_space<semaphore_mem>>
        %dma_start3A_1465 = tpu.memref_squeeze %dma_start3A_1464 : memref<1x!tpu.dma_semaphore, #tpu.memory_space<semaphore_mem>> -> memref<!tpu.dma_semaphore, #tpu.memory_space<semaphore_mem>>
        tpu.enqueue_indirect_dma source(%dma_start3A_1463 : memref<2000000x64xf32, #tpu.memory_space<hbm>>) target(%dma_start3A_1453 : memref<32x64xf32, #tpu.memory_space<vmem>>) offsets(%dma_start3A_1460 : memref<32xi32, #tpu.memory_space<vmem>>) semaphore(%dma_start3A_1465 : memref<!tpu.dma_semaphore, #tpu.memory_space<semaphore_mem>>)
        %dma_start3A_1466 = arith.constant 1 : i32
        %dma_start3A_1467 = arith.constant 19 : i32
        %dma_start3A_1468 = arith.constant 1 : i32
        %dma_start3A_1469 = arith.constant 1 : i32
        %dma_start3A_1470 = arith.constant 0 : i32
        %dma_start3A_1471 = arith.constant 0 : i32
        %dma_start3A_1472 = tpu.memref_slice %arg7[%dma_start3A_1468, %dma_start3A_1470, %dma_start3A_1471] : memref<2x832x64xf32, #tpu.memory_space<vmem>> -> memref<1x832x64xf32, #tpu.memory_space<vmem>>
        %dma_start3A_1473 = tpu.memref_squeeze %dma_start3A_1472 : memref<1x832x64xf32, #tpu.memory_space<vmem>> -> memref<832x64xf32, #tpu.memory_space<vmem>>
        %dma_start3A_1474 = arith.constant 608 : i32
        %dma_start3A_1475 = arith.constant 0 : i32
        %dma_start3A_1476 = tpu.memref_slice %dma_start3A_1473[%dma_start3A_1474, %dma_start3A_1475] : memref<832x64xf32, #tpu.memory_space<vmem>> -> memref<32x64xf32, #tpu.memory_space<vmem>>
        %dma_start3A_1477 = arith.constant 0 : i32
        %dma_start3A_1478 = arith.constant 0 : i32
        %dma_start3A_1479 = tpu.memref_slice %arg6[%dma_start3A_1466, %dma_start3A_1477, %dma_start3A_1478] : memref<2x26x32xi32, #tpu.memory_space<vmem>> -> memref<1x26x32xi32, #tpu.memory_space<vmem>>
        %dma_start3A_1480 = tpu.memref_squeeze %dma_start3A_1479 : memref<1x26x32xi32, #tpu.memory_space<vmem>> -> memref<26x32xi32, #tpu.memory_space<vmem>>
        %dma_start3A_1481 = arith.constant 0 : i32
        %dma_start3A_1482 = tpu.memref_slice %dma_start3A_1480[%dma_start3A_1467, %dma_start3A_1481] : memref<26x32xi32, #tpu.memory_space<vmem>> -> memref<1x32xi32, #tpu.memory_space<vmem>>
        %dma_start3A_1483 = tpu.memref_squeeze %dma_start3A_1482 : memref<1x32xi32, #tpu.memory_space<vmem>> -> memref<32xi32, #tpu.memory_space<vmem>>
        %dma_start3A_1484 = arith.constant 0 : i32
        %dma_start3A_1485 = arith.constant 0 : i32
        %dma_start3A_1486 = tpu.memref_slice %arg4[%dma_start3A_1484, %dma_start3A_1485] : memref<2000000x64xf32, #tpu.memory_space<hbm>> -> memref<2000000x64xf32, #tpu.memory_space<hbm>>
        %dma_start3A_1487 = tpu.memref_slice %arg12[%dma_start3A_1469] : memref<2x!tpu.dma_semaphore, #tpu.memory_space<semaphore_mem>> -> memref<1x!tpu.dma_semaphore, #tpu.memory_space<semaphore_mem>>
        %dma_start3A_1488 = tpu.memref_squeeze %dma_start3A_1487 : memref<1x!tpu.dma_semaphore, #tpu.memory_space<semaphore_mem>> -> memref<!tpu.dma_semaphore, #tpu.memory_space<semaphore_mem>>
        tpu.enqueue_indirect_dma source(%dma_start3A_1486 : memref<2000000x64xf32, #tpu.memory_space<hbm>>) target(%dma_start3A_1476 : memref<32x64xf32, #tpu.memory_space<vmem>>) offsets(%dma_start3A_1483 : memref<32xi32, #tpu.memory_space<vmem>>) semaphore(%dma_start3A_1488 : memref<!tpu.dma_semaphore, #tpu.memory_space<semaphore_mem>>)
        %dma_start3A_1489 = arith.constant 1 : i32
        %dma_start3A_1490 = arith.constant 20 : i32
        %dma_start3A_1491 = arith.constant 1 : i32
        %dma_start3A_1492 = arith.constant 1 : i32
        %dma_start3A_1493 = arith.constant 0 : i32
        %dma_start3A_1494 = arith.constant 0 : i32
        %dma_start3A_1495 = tpu.memref_slice %arg7[%dma_start3A_1491, %dma_start3A_1493, %dma_start3A_1494] : memref<2x832x64xf32, #tpu.memory_space<vmem>> -> memref<1x832x64xf32, #tpu.memory_space<vmem>>
        %dma_start3A_1496 = tpu.memref_squeeze %dma_start3A_1495 : memref<1x832x64xf32, #tpu.memory_space<vmem>> -> memref<832x64xf32, #tpu.memory_space<vmem>>
        %dma_start3A_1497 = arith.constant 640 : i32
        %dma_start3A_1498 = arith.constant 0 : i32
        %dma_start3A_1499 = tpu.memref_slice %dma_start3A_1496[%dma_start3A_1497, %dma_start3A_1498] : memref<832x64xf32, #tpu.memory_space<vmem>> -> memref<32x64xf32, #tpu.memory_space<vmem>>
        %dma_start3A_1500 = arith.constant 0 : i32
        %dma_start3A_1501 = arith.constant 0 : i32
        %dma_start3A_1502 = tpu.memref_slice %arg6[%dma_start3A_1489, %dma_start3A_1500, %dma_start3A_1501] : memref<2x26x32xi32, #tpu.memory_space<vmem>> -> memref<1x26x32xi32, #tpu.memory_space<vmem>>
        %dma_start3A_1503 = tpu.memref_squeeze %dma_start3A_1502 : memref<1x26x32xi32, #tpu.memory_space<vmem>> -> memref<26x32xi32, #tpu.memory_space<vmem>>
        %dma_start3A_1504 = arith.constant 0 : i32
        %dma_start3A_1505 = tpu.memref_slice %dma_start3A_1503[%dma_start3A_1490, %dma_start3A_1504] : memref<26x32xi32, #tpu.memory_space<vmem>> -> memref<1x32xi32, #tpu.memory_space<vmem>>
        %dma_start3A_1506 = tpu.memref_squeeze %dma_start3A_1505 : memref<1x32xi32, #tpu.memory_space<vmem>> -> memref<32xi32, #tpu.memory_space<vmem>>
        %dma_start3A_1507 = arith.constant 0 : i32
        %dma_start3A_1508 = arith.constant 0 : i32
        %dma_start3A_1509 = tpu.memref_slice %arg4[%dma_start3A_1507, %dma_start3A_1508] : memref<2000000x64xf32, #tpu.memory_space<hbm>> -> memref<2000000x64xf32, #tpu.memory_space<hbm>>
        %dma_start3A_1510 = tpu.memref_slice %arg12[%dma_start3A_1492] : memref<2x!tpu.dma_semaphore, #tpu.memory_space<semaphore_mem>> -> memref<1x!tpu.dma_semaphore, #tpu.memory_space<semaphore_mem>>
        %dma_start3A_1511 = tpu.memref_squeeze %dma_start3A_1510 : memref<1x!tpu.dma_semaphore, #tpu.memory_space<semaphore_mem>> -> memref<!tpu.dma_semaphore, #tpu.memory_space<semaphore_mem>>
        tpu.enqueue_indirect_dma source(%dma_start3A_1509 : memref<2000000x64xf32, #tpu.memory_space<hbm>>) target(%dma_start3A_1499 : memref<32x64xf32, #tpu.memory_space<vmem>>) offsets(%dma_start3A_1506 : memref<32xi32, #tpu.memory_space<vmem>>) semaphore(%dma_start3A_1511 : memref<!tpu.dma_semaphore, #tpu.memory_space<semaphore_mem>>)
        %dma_start3A_1512 = arith.constant 1 : i32
        %dma_start3A_1513 = arith.constant 21 : i32
        %dma_start3A_1514 = arith.constant 1 : i32
        %dma_start3A_1515 = arith.constant 1 : i32
        %dma_start3A_1516 = arith.constant 0 : i32
        %dma_start3A_1517 = arith.constant 0 : i32
        %dma_start3A_1518 = tpu.memref_slice %arg7[%dma_start3A_1514, %dma_start3A_1516, %dma_start3A_1517] : memref<2x832x64xf32, #tpu.memory_space<vmem>> -> memref<1x832x64xf32, #tpu.memory_space<vmem>>
        %dma_start3A_1519 = tpu.memref_squeeze %dma_start3A_1518 : memref<1x832x64xf32, #tpu.memory_space<vmem>> -> memref<832x64xf32, #tpu.memory_space<vmem>>
        %dma_start3A_1520 = arith.constant 672 : i32
        %dma_start3A_1521 = arith.constant 0 : i32
        %dma_start3A_1522 = tpu.memref_slice %dma_start3A_1519[%dma_start3A_1520, %dma_start3A_1521] : memref<832x64xf32, #tpu.memory_space<vmem>> -> memref<32x64xf32, #tpu.memory_space<vmem>>
        %dma_start3A_1523 = arith.constant 0 : i32
        %dma_start3A_1524 = arith.constant 0 : i32
        %dma_start3A_1525 = tpu.memref_slice %arg6[%dma_start3A_1512, %dma_start3A_1523, %dma_start3A_1524] : memref<2x26x32xi32, #tpu.memory_space<vmem>> -> memref<1x26x32xi32, #tpu.memory_space<vmem>>
        %dma_start3A_1526 = tpu.memref_squeeze %dma_start3A_1525 : memref<1x26x32xi32, #tpu.memory_space<vmem>> -> memref<26x32xi32, #tpu.memory_space<vmem>>
        %dma_start3A_1527 = arith.constant 0 : i32
        %dma_start3A_1528 = tpu.memref_slice %dma_start3A_1526[%dma_start3A_1513, %dma_start3A_1527] : memref<26x32xi32, #tpu.memory_space<vmem>> -> memref<1x32xi32, #tpu.memory_space<vmem>>
        %dma_start3A_1529 = tpu.memref_squeeze %dma_start3A_1528 : memref<1x32xi32, #tpu.memory_space<vmem>> -> memref<32xi32, #tpu.memory_space<vmem>>
        %dma_start3A_1530 = arith.constant 0 : i32
        %dma_start3A_1531 = arith.constant 0 : i32
        %dma_start3A_1532 = tpu.memref_slice %arg4[%dma_start3A_1530, %dma_start3A_1531] : memref<2000000x64xf32, #tpu.memory_space<hbm>> -> memref<2000000x64xf32, #tpu.memory_space<hbm>>
        %dma_start3A_1533 = tpu.memref_slice %arg12[%dma_start3A_1515] : memref<2x!tpu.dma_semaphore, #tpu.memory_space<semaphore_mem>> -> memref<1x!tpu.dma_semaphore, #tpu.memory_space<semaphore_mem>>
        %dma_start3A_1534 = tpu.memref_squeeze %dma_start3A_1533 : memref<1x!tpu.dma_semaphore, #tpu.memory_space<semaphore_mem>> -> memref<!tpu.dma_semaphore, #tpu.memory_space<semaphore_mem>>
        tpu.enqueue_indirect_dma source(%dma_start3A_1532 : memref<2000000x64xf32, #tpu.memory_space<hbm>>) target(%dma_start3A_1522 : memref<32x64xf32, #tpu.memory_space<vmem>>) offsets(%dma_start3A_1529 : memref<32xi32, #tpu.memory_space<vmem>>) semaphore(%dma_start3A_1534 : memref<!tpu.dma_semaphore, #tpu.memory_space<semaphore_mem>>)
        %dma_start3A_1535 = arith.constant 1 : i32
        %dma_start3A_1536 = arith.constant 22 : i32
        %dma_start3A_1537 = arith.constant 1 : i32
        %dma_start3A_1538 = arith.constant 1 : i32
        %dma_start3A_1539 = arith.constant 0 : i32
        %dma_start3A_1540 = arith.constant 0 : i32
        %dma_start3A_1541 = tpu.memref_slice %arg7[%dma_start3A_1537, %dma_start3A_1539, %dma_start3A_1540] : memref<2x832x64xf32, #tpu.memory_space<vmem>> -> memref<1x832x64xf32, #tpu.memory_space<vmem>>
        %dma_start3A_1542 = tpu.memref_squeeze %dma_start3A_1541 : memref<1x832x64xf32, #tpu.memory_space<vmem>> -> memref<832x64xf32, #tpu.memory_space<vmem>>
        %dma_start3A_1543 = arith.constant 704 : i32
        %dma_start3A_1544 = arith.constant 0 : i32
        %dma_start3A_1545 = tpu.memref_slice %dma_start3A_1542[%dma_start3A_1543, %dma_start3A_1544] : memref<832x64xf32, #tpu.memory_space<vmem>> -> memref<32x64xf32, #tpu.memory_space<vmem>>
        %dma_start3A_1546 = arith.constant 0 : i32
        %dma_start3A_1547 = arith.constant 0 : i32
        %dma_start3A_1548 = tpu.memref_slice %arg6[%dma_start3A_1535, %dma_start3A_1546, %dma_start3A_1547] : memref<2x26x32xi32, #tpu.memory_space<vmem>> -> memref<1x26x32xi32, #tpu.memory_space<vmem>>
        %dma_start3A_1549 = tpu.memref_squeeze %dma_start3A_1548 : memref<1x26x32xi32, #tpu.memory_space<vmem>> -> memref<26x32xi32, #tpu.memory_space<vmem>>
        %dma_start3A_1550 = arith.constant 0 : i32
        %dma_start3A_1551 = tpu.memref_slice %dma_start3A_1549[%dma_start3A_1536, %dma_start3A_1550] : memref<26x32xi32, #tpu.memory_space<vmem>> -> memref<1x32xi32, #tpu.memory_space<vmem>>
        %dma_start3A_1552 = tpu.memref_squeeze %dma_start3A_1551 : memref<1x32xi32, #tpu.memory_space<vmem>> -> memref<32xi32, #tpu.memory_space<vmem>>
        %dma_start3A_1553 = arith.constant 0 : i32
        %dma_start3A_1554 = arith.constant 0 : i32
        %dma_start3A_1555 = tpu.memref_slice %arg4[%dma_start3A_1553, %dma_start3A_1554] : memref<2000000x64xf32, #tpu.memory_space<hbm>> -> memref<2000000x64xf32, #tpu.memory_space<hbm>>
        %dma_start3A_1556 = tpu.memref_slice %arg12[%dma_start3A_1538] : memref<2x!tpu.dma_semaphore, #tpu.memory_space<semaphore_mem>> -> memref<1x!tpu.dma_semaphore, #tpu.memory_space<semaphore_mem>>
        %dma_start3A_1557 = tpu.memref_squeeze %dma_start3A_1556 : memref<1x!tpu.dma_semaphore, #tpu.memory_space<semaphore_mem>> -> memref<!tpu.dma_semaphore, #tpu.memory_space<semaphore_mem>>
        tpu.enqueue_indirect_dma source(%dma_start3A_1555 : memref<2000000x64xf32, #tpu.memory_space<hbm>>) target(%dma_start3A_1545 : memref<32x64xf32, #tpu.memory_space<vmem>>) offsets(%dma_start3A_1552 : memref<32xi32, #tpu.memory_space<vmem>>) semaphore(%dma_start3A_1557 : memref<!tpu.dma_semaphore, #tpu.memory_space<semaphore_mem>>)
        %dma_start3A_1558 = arith.constant 1 : i32
        %dma_start3A_1559 = arith.constant 23 : i32
        %dma_start3A_1560 = arith.constant 1 : i32
        %dma_start3A_1561 = arith.constant 1 : i32
        %dma_start3A_1562 = arith.constant 0 : i32
        %dma_start3A_1563 = arith.constant 0 : i32
        %dma_start3A_1564 = tpu.memref_slice %arg7[%dma_start3A_1560, %dma_start3A_1562, %dma_start3A_1563] : memref<2x832x64xf32, #tpu.memory_space<vmem>> -> memref<1x832x64xf32, #tpu.memory_space<vmem>>
        %dma_start3A_1565 = tpu.memref_squeeze %dma_start3A_1564 : memref<1x832x64xf32, #tpu.memory_space<vmem>> -> memref<832x64xf32, #tpu.memory_space<vmem>>
        %dma_start3A_1566 = arith.constant 736 : i32
        %dma_start3A_1567 = arith.constant 0 : i32
        %dma_start3A_1568 = tpu.memref_slice %dma_start3A_1565[%dma_start3A_1566, %dma_start3A_1567] : memref<832x64xf32, #tpu.memory_space<vmem>> -> memref<32x64xf32, #tpu.memory_space<vmem>>
        %dma_start3A_1569 = arith.constant 0 : i32
        %dma_start3A_1570 = arith.constant 0 : i32
        %dma_start3A_1571 = tpu.memref_slice %arg6[%dma_start3A_1558, %dma_start3A_1569, %dma_start3A_1570] : memref<2x26x32xi32, #tpu.memory_space<vmem>> -> memref<1x26x32xi32, #tpu.memory_space<vmem>>
        %dma_start3A_1572 = tpu.memref_squeeze %dma_start3A_1571 : memref<1x26x32xi32, #tpu.memory_space<vmem>> -> memref<26x32xi32, #tpu.memory_space<vmem>>
        %dma_start3A_1573 = arith.constant 0 : i32
        %dma_start3A_1574 = tpu.memref_slice %dma_start3A_1572[%dma_start3A_1559, %dma_start3A_1573] : memref<26x32xi32, #tpu.memory_space<vmem>> -> memref<1x32xi32, #tpu.memory_space<vmem>>
        %dma_start3A_1575 = tpu.memref_squeeze %dma_start3A_1574 : memref<1x32xi32, #tpu.memory_space<vmem>> -> memref<32xi32, #tpu.memory_space<vmem>>
        %dma_start3A_1576 = arith.constant 0 : i32
        %dma_start3A_1577 = arith.constant 0 : i32
        %dma_start3A_1578 = tpu.memref_slice %arg4[%dma_start3A_1576, %dma_start3A_1577] : memref<2000000x64xf32, #tpu.memory_space<hbm>> -> memref<2000000x64xf32, #tpu.memory_space<hbm>>
        %dma_start3A_1579 = tpu.memref_slice %arg12[%dma_start3A_1561] : memref<2x!tpu.dma_semaphore, #tpu.memory_space<semaphore_mem>> -> memref<1x!tpu.dma_semaphore, #tpu.memory_space<semaphore_mem>>
        %dma_start3A_1580 = tpu.memref_squeeze %dma_start3A_1579 : memref<1x!tpu.dma_semaphore, #tpu.memory_space<semaphore_mem>> -> memref<!tpu.dma_semaphore, #tpu.memory_space<semaphore_mem>>
        tpu.enqueue_indirect_dma source(%dma_start3A_1578 : memref<2000000x64xf32, #tpu.memory_space<hbm>>) target(%dma_start3A_1568 : memref<32x64xf32, #tpu.memory_space<vmem>>) offsets(%dma_start3A_1575 : memref<32xi32, #tpu.memory_space<vmem>>) semaphore(%dma_start3A_1580 : memref<!tpu.dma_semaphore, #tpu.memory_space<semaphore_mem>>)
        %dma_start3A_1581 = arith.constant 1 : i32
        %dma_start3A_1582 = arith.constant 24 : i32
        %dma_start3A_1583 = arith.constant 1 : i32
        %dma_start3A_1584 = arith.constant 1 : i32
        %dma_start3A_1585 = arith.constant 0 : i32
        %dma_start3A_1586 = arith.constant 0 : i32
        %dma_start3A_1587 = tpu.memref_slice %arg7[%dma_start3A_1583, %dma_start3A_1585, %dma_start3A_1586] : memref<2x832x64xf32, #tpu.memory_space<vmem>> -> memref<1x832x64xf32, #tpu.memory_space<vmem>>
        %dma_start3A_1588 = tpu.memref_squeeze %dma_start3A_1587 : memref<1x832x64xf32, #tpu.memory_space<vmem>> -> memref<832x64xf32, #tpu.memory_space<vmem>>
        %dma_start3A_1589 = arith.constant 768 : i32
        %dma_start3A_1590 = arith.constant 0 : i32
        %dma_start3A_1591 = tpu.memref_slice %dma_start3A_1588[%dma_start3A_1589, %dma_start3A_1590] : memref<832x64xf32, #tpu.memory_space<vmem>> -> memref<32x64xf32, #tpu.memory_space<vmem>>
        %dma_start3A_1592 = arith.constant 0 : i32
        %dma_start3A_1593 = arith.constant 0 : i32
        %dma_start3A_1594 = tpu.memref_slice %arg6[%dma_start3A_1581, %dma_start3A_1592, %dma_start3A_1593] : memref<2x26x32xi32, #tpu.memory_space<vmem>> -> memref<1x26x32xi32, #tpu.memory_space<vmem>>
        %dma_start3A_1595 = tpu.memref_squeeze %dma_start3A_1594 : memref<1x26x32xi32, #tpu.memory_space<vmem>> -> memref<26x32xi32, #tpu.memory_space<vmem>>
        %dma_start3A_1596 = arith.constant 0 : i32
        %dma_start3A_1597 = tpu.memref_slice %dma_start3A_1595[%dma_start3A_1582, %dma_start3A_1596] : memref<26x32xi32, #tpu.memory_space<vmem>> -> memref<1x32xi32, #tpu.memory_space<vmem>>
        %dma_start3A_1598 = tpu.memref_squeeze %dma_start3A_1597 : memref<1x32xi32, #tpu.memory_space<vmem>> -> memref<32xi32, #tpu.memory_space<vmem>>
        %dma_start3A_1599 = arith.constant 0 : i32
        %dma_start3A_1600 = arith.constant 0 : i32
        %dma_start3A_1601 = tpu.memref_slice %arg4[%dma_start3A_1599, %dma_start3A_1600] : memref<2000000x64xf32, #tpu.memory_space<hbm>> -> memref<2000000x64xf32, #tpu.memory_space<hbm>>
        %dma_start3A_1602 = tpu.memref_slice %arg12[%dma_start3A_1584] : memref<2x!tpu.dma_semaphore, #tpu.memory_space<semaphore_mem>> -> memref<1x!tpu.dma_semaphore, #tpu.memory_space<semaphore_mem>>
        %dma_start3A_1603 = tpu.memref_squeeze %dma_start3A_1602 : memref<1x!tpu.dma_semaphore, #tpu.memory_space<semaphore_mem>> -> memref<!tpu.dma_semaphore, #tpu.memory_space<semaphore_mem>>
        tpu.enqueue_indirect_dma source(%dma_start3A_1601 : memref<2000000x64xf32, #tpu.memory_space<hbm>>) target(%dma_start3A_1591 : memref<32x64xf32, #tpu.memory_space<vmem>>) offsets(%dma_start3A_1598 : memref<32xi32, #tpu.memory_space<vmem>>) semaphore(%dma_start3A_1603 : memref<!tpu.dma_semaphore, #tpu.memory_space<semaphore_mem>>)
        %dma_start3A_1604 = arith.constant 1 : i32
        %dma_start3A_1605 = arith.constant 25 : i32
        %dma_start3A_1606 = arith.constant 1 : i32
        %dma_start3A_1607 = arith.constant 1 : i32
        %dma_start3A_1608 = arith.constant 0 : i32
        %dma_start3A_1609 = arith.constant 0 : i32
        %dma_start3A_1610 = tpu.memref_slice %arg7[%dma_start3A_1606, %dma_start3A_1608, %dma_start3A_1609] : memref<2x832x64xf32, #tpu.memory_space<vmem>> -> memref<1x832x64xf32, #tpu.memory_space<vmem>>
        %dma_start3A_1611 = tpu.memref_squeeze %dma_start3A_1610 : memref<1x832x64xf32, #tpu.memory_space<vmem>> -> memref<832x64xf32, #tpu.memory_space<vmem>>
        %dma_start3A_1612 = arith.constant 800 : i32
        %dma_start3A_1613 = arith.constant 0 : i32
        %dma_start3A_1614 = tpu.memref_slice %dma_start3A_1611[%dma_start3A_1612, %dma_start3A_1613] : memref<832x64xf32, #tpu.memory_space<vmem>> -> memref<32x64xf32, #tpu.memory_space<vmem>>
        %dma_start3A_1615 = arith.constant 0 : i32
        %dma_start3A_1616 = arith.constant 0 : i32
        %dma_start3A_1617 = tpu.memref_slice %arg6[%dma_start3A_1604, %dma_start3A_1615, %dma_start3A_1616] : memref<2x26x32xi32, #tpu.memory_space<vmem>> -> memref<1x26x32xi32, #tpu.memory_space<vmem>>
        %dma_start3A_1618 = tpu.memref_squeeze %dma_start3A_1617 : memref<1x26x32xi32, #tpu.memory_space<vmem>> -> memref<26x32xi32, #tpu.memory_space<vmem>>
        %dma_start3A_1619 = arith.constant 0 : i32
        %dma_start3A_1620 = tpu.memref_slice %dma_start3A_1618[%dma_start3A_1605, %dma_start3A_1619] : memref<26x32xi32, #tpu.memory_space<vmem>> -> memref<1x32xi32, #tpu.memory_space<vmem>>
        %dma_start3A_1621 = tpu.memref_squeeze %dma_start3A_1620 : memref<1x32xi32, #tpu.memory_space<vmem>> -> memref<32xi32, #tpu.memory_space<vmem>>
        %dma_start3A_1622 = arith.constant 0 : i32
        %dma_start3A_1623 = arith.constant 0 : i32
        %dma_start3A_1624 = tpu.memref_slice %arg4[%dma_start3A_1622, %dma_start3A_1623] : memref<2000000x64xf32, #tpu.memory_space<hbm>> -> memref<2000000x64xf32, #tpu.memory_space<hbm>>
        %dma_start3A_1625 = tpu.memref_slice %arg12[%dma_start3A_1607] : memref<2x!tpu.dma_semaphore, #tpu.memory_space<semaphore_mem>> -> memref<1x!tpu.dma_semaphore, #tpu.memory_space<semaphore_mem>>
        %dma_start3A_1626 = tpu.memref_squeeze %dma_start3A_1625 : memref<1x!tpu.dma_semaphore, #tpu.memory_space<semaphore_mem>> -> memref<!tpu.dma_semaphore, #tpu.memory_space<semaphore_mem>>
        tpu.enqueue_indirect_dma source(%dma_start3A_1624 : memref<2000000x64xf32, #tpu.memory_space<hbm>>) target(%dma_start3A_1614 : memref<32x64xf32, #tpu.memory_space<vmem>>) offsets(%dma_start3A_1621 : memref<32xi32, #tpu.memory_space<vmem>>) semaphore(%dma_start3A_1626 : memref<!tpu.dma_semaphore, #tpu.memory_space<semaphore_mem>>)
      } else {
      }
      %dma_wait3A_793 = arith.constant 0 : i32
      %dma_wait3A_794 = arith.constant 0 : i32
      %dma_wait3A_795 = arith.constant 0 : i32
      %dma_wait3A_796 = arith.constant 0 : i32
      %dma_wait3A_797 = tpu.memref_slice %arg7[%dma_wait3A_793, %dma_wait3A_795, %dma_wait3A_796] : memref<2x832x64xf32, #tpu.memory_space<vmem>> -> memref<1x832x64xf32, #tpu.memory_space<vmem>>
      %dma_wait3A_798 = tpu.memref_squeeze %dma_wait3A_797 : memref<1x832x64xf32, #tpu.memory_space<vmem>> -> memref<832x64xf32, #tpu.memory_space<vmem>>
      %dma_wait3A_799 = arith.constant 0 : i32
      %dma_wait3A_800 = arith.constant 0 : i32
      %dma_wait3A_801 = tpu.memref_slice %arg4[%dma_wait3A_799, %dma_wait3A_800] : memref<2000000x64xf32, #tpu.memory_space<hbm>> -> memref<832x64xf32, #tpu.memory_space<hbm>>
      %dma_wait3A_802 = tpu.memref_slice %arg12[%dma_wait3A_794] : memref<2x!tpu.dma_semaphore, #tpu.memory_space<semaphore_mem>> -> memref<1x!tpu.dma_semaphore, #tpu.memory_space<semaphore_mem>>
      %dma_wait3A_803 = tpu.memref_squeeze %dma_wait3A_802 : memref<1x!tpu.dma_semaphore, #tpu.memory_space<semaphore_mem>> -> memref<!tpu.dma_semaphore, #tpu.memory_space<semaphore_mem>>
      %dma_wait3A_804 = arith.constant 0 : i32
      %dma_wait3A_805 = arith.constant 0 : i32
      %dma_wait3A_806 = tpu.memref_slice %arg7[%dma_wait3A_793, %dma_wait3A_804, %dma_wait3A_805] : memref<2x832x64xf32, #tpu.memory_space<vmem>> -> memref<1x832x64xf32, #tpu.memory_space<vmem>>
      %dma_wait3A_807 = tpu.memref_squeeze %dma_wait3A_806 : memref<1x832x64xf32, #tpu.memory_space<vmem>> -> memref<832x64xf32, #tpu.memory_space<vmem>>
      %dma_wait3A_808 = arith.constant 0 : i32
      %dma_wait3A_809 = arith.constant 0 : i32
      %dma_wait3A_810 = tpu.memref_slice %arg4[%dma_wait3A_808, %dma_wait3A_809] : memref<2000000x64xf32, #tpu.memory_space<hbm>> -> memref<832x64xf32, #tpu.memory_space<hbm>>
      tpu.wait_dma2 semaphore(%dma_wait3A_803 : memref<!tpu.dma_semaphore, #tpu.memory_space<semaphore_mem>>) src(%dma_wait3A_810 : memref<832x64xf32, #tpu.memory_space<hbm>>) dst(%dma_wait3A_807 : memref<832x64xf32, #tpu.memory_space<vmem>>)
      %add3A_811 = arith.constant 2 : i32
      %add3A_812 = arith.addi %add3A_787, %add3A_811 : i32
      %lt3A_813 = arith.constant 50 : i32
      %lt3A_814 = arith.cmpi slt, %add3A_812, %lt3A_813 : i32
      %convert_element_type3A_815 = arith.extui %lt3A_814 : i1 to i32
      %cond3A_816 = arith.constant 0 : i32
      %cond3A_817 = arith.cmpi ne, %convert_element_type3A_815, %cond3A_816 : i32
      scf.if %cond3A_817 {
        %add3A_969 = arith.constant 2 : i32
        %add3A_970 = arith.addi %add3A_787, %add3A_969 : i32
        %jit3A_971 = arith.constant 8 : i32
        %div3A_972 = arith.divsi %add3A_970, %jit3A_971 : i32
        %sign3A_973 = arith.constant 0 : i32
        %sign3A_974 = arith.cmpi sgt, %add3A_970, %sign3A_973 : i32
        %sign3A_975 = arith.extui %sign3A_974 : i1 to i32
        %sign3A_976 = arith.constant 0 : i32
        %sign3A_977 = arith.cmpi slt, %add3A_970, %sign3A_976 : i32
        %sign3A_978 = arith.extui %sign3A_977 : i1 to i32
        %sign3A_979 = arith.subi %sign3A_975, %sign3A_978 : i32
        %sign3A_980 = arith.constant 0 : i32
        %sign3A_981 = arith.cmpi sgt, %jit3A_971, %sign3A_980 : i32
        %sign3A_982 = arith.extui %sign3A_981 : i1 to i32
        %sign3A_983 = arith.constant 0 : i32
        %sign3A_984 = arith.cmpi slt, %jit3A_971, %sign3A_983 : i32
        %sign3A_985 = arith.extui %sign3A_984 : i1 to i32
        %sign3A_986 = arith.subi %sign3A_982, %sign3A_985 : i32
        %ne3A_987 = arith.cmpi ne, %sign3A_979, %sign3A_986 : i32
        %rem3A_988 = arith.remsi %add3A_970, %jit3A_971 : i32
        %ne3A_989 = arith.constant 0 : i32
        %ne3A_990 = arith.cmpi ne, %rem3A_988, %ne3A_989 : i32
        %and3A_991 = arith.andi %ne3A_987, %ne3A_990 : i1
        %sub3A_992 = arith.constant 1 : i32
        %sub3A_993 = arith.subi %div3A_972, %sub3A_992 : i32
        %select_n3A_994 = arith.select %and3A_991, %sub3A_993, %div3A_972 : i32
        %jit3A_995 = arith.constant 8 : i32
        %eq3A_996 = arith.constant 0 : i32
        %eq3A_997 = arith.cmpi eq, %jit3A_995, %eq3A_996 : i32
        %jit3A_998 = arith.constant 1 : i32
        %select_n3A_999 = arith.select %eq3A_997, %jit3A_998, %jit3A_995 : i32
        %rem3A_1000 = arith.remsi %add3A_970, %select_n3A_999 : i32
        %ne3A_1001 = arith.constant 0 : i32
        %ne3A_1002 = arith.cmpi ne, %rem3A_1000, %ne3A_1001 : i32
        %lt3A_1003 = arith.constant 0 : i32
        %lt3A_1004 = arith.cmpi slt, %rem3A_1000, %lt3A_1003 : i32
        %lt3A_1005 = arith.constant 0 : i32
        %lt3A_1006 = arith.cmpi slt, %select_n3A_999, %lt3A_1005 : i32
        %ne3A_1007 = arith.xori %lt3A_1004, %lt3A_1006 : i1
        %and3A_1008 = arith.andi %ne3A_1007, %ne3A_1002 : i1
        %add3A_1009 = arith.addi %rem3A_1000, %select_n3A_999 : i32
        %select_n3A_1010 = arith.select %and3A_1008, %add3A_1009, %rem3A_1000 : i32
        %dma_start3A_1011 = arith.constant 0 : i32
        %dma_start3A_1012 = arith.constant 0 : i32
        %dma_start3A_1013 = arith.constant 0 : i32
        %dma_start3A_1014 = arith.constant 0 : i32
        %dma_start3A_1015 = tpu.memref_slice %arg6[%dma_start3A_1011, %dma_start3A_1013, %dma_start3A_1014] : memref<2x26x32xi32, #tpu.memory_space<vmem>> -> memref<1x26x32xi32, #tpu.memory_space<vmem>>
        %dma_start3A_1016 = tpu.memref_squeeze %dma_start3A_1015 : memref<1x26x32xi32, #tpu.memory_space<vmem>> -> memref<26x32xi32, #tpu.memory_space<vmem>>
        %dma_start3A_1017 = arith.constant 0 : i32
        %dma_start3A_1018 = tpu.memref_slice %arg2[%dma_start3A_1017, %select_n3A_994, %select_n3A, %select_n3A_1010, %select_n3A_32] : memref<26x7x8x8x128xi32, #tpu.memory_space<hbm>> -> memref<26x1x1x1x32xi32, #tpu.memory_space<hbm>>
        %dma_start3A_1019 = tpu.memref_squeeze %dma_start3A_1018 : memref<26x1x1x1x32xi32, #tpu.memory_space<hbm>> -> memref<26x32xi32, #tpu.memory_space<hbm>>
        %dma_start3A_1020 = tpu.memref_slice %arg10[%dma_start3A_1012] : memref<2x!tpu.dma_semaphore, #tpu.memory_space<semaphore_mem>> -> memref<1x!tpu.dma_semaphore, #tpu.memory_space<semaphore_mem>>
        %dma_start3A_1021 = tpu.memref_squeeze %dma_start3A_1020 : memref<1x!tpu.dma_semaphore, #tpu.memory_space<semaphore_mem>> -> memref<!tpu.dma_semaphore, #tpu.memory_space<semaphore_mem>>
        %dma_start3A_1022 = arith.constant 0 : i32
        %dma_start3A_1023 = arith.constant 0 : i32
        %dma_start3A_1024 = tpu.memref_slice %arg6[%dma_start3A_1011, %dma_start3A_1022, %dma_start3A_1023] : memref<2x26x32xi32, #tpu.memory_space<vmem>> -> memref<1x26x32xi32, #tpu.memory_space<vmem>>
        %dma_start3A_1025 = tpu.memref_squeeze %dma_start3A_1024 : memref<1x26x32xi32, #tpu.memory_space<vmem>> -> memref<26x32xi32, #tpu.memory_space<vmem>>
        %dma_start3A_1026 = arith.constant 0 : i32
        %dma_start3A_1027 = tpu.memref_slice %arg2[%dma_start3A_1026, %select_n3A_994, %select_n3A, %select_n3A_1010, %select_n3A_32] : memref<26x7x8x8x128xi32, #tpu.memory_space<hbm>> -> memref<26x1x1x1x32xi32, #tpu.memory_space<hbm>>
        %dma_start3A_1028 = tpu.memref_squeeze %dma_start3A_1027 : memref<26x1x1x1x32xi32, #tpu.memory_space<hbm>> -> memref<26x32xi32, #tpu.memory_space<hbm>>
        tpu.enqueue_dma source(%dma_start3A_1028 : memref<26x32xi32, #tpu.memory_space<hbm>>) target(%dma_start3A_1025 : memref<26x32xi32, #tpu.memory_space<vmem>>) target_semaphore(%dma_start3A_1021 : memref<!tpu.dma_semaphore, #tpu.memory_space<semaphore_mem>>)
      } else {
      }
      %dma_wait3A_818 = arith.constant 0 : i32
      %dma_wait3A_819 = arith.constant 0 : i32
      %dma_wait3A_820 = arith.constant 0 : i32
      %dma_wait3A_821 = arith.constant 0 : i32
      %dma_wait3A_822 = arith.constant 0 : i32
      %dma_wait3A_823 = tpu.memref_slice %arg8[%dma_wait3A_818, %dma_wait3A_820, %dma_wait3A_821, %dma_wait3A_822] : memref<2x2x8x32xf32, #tpu.memory_space<vmem>> -> memref<1x2x8x32xf32, #tpu.memory_space<vmem>>
      %dma_wait3A_824 = tpu.memref_squeeze %dma_wait3A_823 : memref<1x2x8x32xf32, #tpu.memory_space<vmem>> -> memref<2x8x32xf32, #tpu.memory_space<vmem>>
      %dma_wait3A_825 = arith.constant 0 : i32
      %dma_wait3A_826 = arith.constant 0 : i32
      %dma_wait3A_827 = tpu.memref_slice %arg3[%add3A_787, %dma_wait3A_825, %select_n3A, %dma_wait3A_826, %select_n3A_32] : memref<50x2x8x8x128xf32, #tpu.memory_space<hbm>> -> memref<1x2x1x8x32xf32, #tpu.memory_space<hbm>>
      %dma_wait3A_828 = tpu.memref_squeeze %dma_wait3A_827 : memref<1x2x1x8x32xf32, #tpu.memory_space<hbm>> -> memref<2x8x32xf32, #tpu.memory_space<hbm>>
      %dma_wait3A_829 = tpu.memref_slice %arg11[%dma_wait3A_819] : memref<2x!tpu.dma_semaphore, #tpu.memory_space<semaphore_mem>> -> memref<1x!tpu.dma_semaphore, #tpu.memory_space<semaphore_mem>>
      %dma_wait3A_830 = tpu.memref_squeeze %dma_wait3A_829 : memref<1x!tpu.dma_semaphore, #tpu.memory_space<semaphore_mem>> -> memref<!tpu.dma_semaphore, #tpu.memory_space<semaphore_mem>>
      %dma_wait3A_831 = arith.constant 0 : i32
      %dma_wait3A_832 = arith.constant 0 : i32
      %dma_wait3A_833 = arith.constant 0 : i32
      %dma_wait3A_834 = tpu.memref_slice %arg8[%dma_wait3A_818, %dma_wait3A_831, %dma_wait3A_832, %dma_wait3A_833] : memref<2x2x8x32xf32, #tpu.memory_space<vmem>> -> memref<1x2x8x32xf32, #tpu.memory_space<vmem>>
      %dma_wait3A_835 = tpu.memref_squeeze %dma_wait3A_834 : memref<1x2x8x32xf32, #tpu.memory_space<vmem>> -> memref<2x8x32xf32, #tpu.memory_space<vmem>>
      %dma_wait3A_836 = arith.constant 0 : i32
      %dma_wait3A_837 = arith.constant 0 : i32
      %dma_wait3A_838 = tpu.memref_slice %arg3[%add3A_787, %dma_wait3A_836, %select_n3A, %dma_wait3A_837, %select_n3A_32] : memref<50x2x8x8x128xf32, #tpu.memory_space<hbm>> -> memref<1x2x1x8x32xf32, #tpu.memory_space<hbm>>
      %dma_wait3A_839 = tpu.memref_squeeze %dma_wait3A_838 : memref<1x2x1x8x32xf32, #tpu.memory_space<hbm>> -> memref<2x8x32xf32, #tpu.memory_space<hbm>>
      tpu.wait_dma2 semaphore(%dma_wait3A_830 : memref<!tpu.dma_semaphore, #tpu.memory_space<semaphore_mem>>) src(%dma_wait3A_839 : memref<2x8x32xf32, #tpu.memory_space<hbm>>) dst(%dma_wait3A_835 : memref<2x8x32xf32, #tpu.memory_space<vmem>>)
      %ge3A = arith.constant 2 : i32
      %ge3A_840 = arith.cmpi sge, %add3A_787, %ge3A : i32
      %convert_element_type3A_841 = arith.extui %ge3A_840 : i1 to i32
      %cond3A_842 = arith.constant 0 : i32
      %cond3A_843 = arith.cmpi ne, %convert_element_type3A_841, %cond3A_842 : i32
      scf.if %cond3A_843 {
        %sub3A_969 = arith.constant 2 : i32
        %sub3A_970 = arith.subi %add3A_787, %sub3A_969 : i32
        %dma_wait3A_971 = arith.constant 0 : i32
        %dma_wait3A_972 = arith.constant 0 : i32
        %dma_wait3A_973 = arith.constant 0 : i32
        %dma_wait3A_974 = arith.constant 0 : i32
        %dma_wait3A_975 = tpu.memref_slice %arg9[%dma_wait3A_971, %dma_wait3A_973, %dma_wait3A_974] : memref<2x32x80xf32, #tpu.memory_space<vmem>> -> memref<1x32x80xf32, #tpu.memory_space<vmem>>
        %dma_wait3A_976 = tpu.memref_squeeze %dma_wait3A_975 : memref<1x32x80xf32, #tpu.memory_space<vmem>> -> memref<32x80xf32, #tpu.memory_space<vmem>>
        %dma_wait3A_977 = arith.constant 0 : i32
        %dma_wait3A_978 = tpu.memref_slice %arg5[%mul3A_2, %sub3A_970, %dma_wait3A_977] : memref<1024x50x80xf32, #tpu.memory_space<hbm>> -> memref<32x1x80xf32, #tpu.memory_space<hbm>>
        %dma_wait3A_979 = tpu.memref_squeeze %dma_wait3A_978 : memref<32x1x80xf32, #tpu.memory_space<hbm>> -> memref<32x80xf32, #tpu.memory_space<hbm>>
        %dma_wait3A_980 = tpu.memref_slice %arg13[%dma_wait3A_972] : memref<2x!tpu.dma_semaphore, #tpu.memory_space<semaphore_mem>> -> memref<1x!tpu.dma_semaphore, #tpu.memory_space<semaphore_mem>>
        %dma_wait3A_981 = tpu.memref_squeeze %dma_wait3A_980 : memref<1x!tpu.dma_semaphore, #tpu.memory_space<semaphore_mem>> -> memref<!tpu.dma_semaphore, #tpu.memory_space<semaphore_mem>>
        %dma_wait3A_982 = arith.constant 0 : i32
        %dma_wait3A_983 = tpu.memref_slice %arg5[%mul3A_2, %sub3A_970, %dma_wait3A_982] : memref<1024x50x80xf32, #tpu.memory_space<hbm>> -> memref<32x1x80xf32, #tpu.memory_space<hbm>>
        %dma_wait3A_984 = tpu.memref_squeeze %dma_wait3A_983 : memref<32x1x80xf32, #tpu.memory_space<hbm>> -> memref<32x80xf32, #tpu.memory_space<hbm>>
        %dma_wait3A_985 = arith.constant 0 : i32
        %dma_wait3A_986 = arith.constant 0 : i32
        %dma_wait3A_987 = tpu.memref_slice %arg9[%dma_wait3A_971, %dma_wait3A_985, %dma_wait3A_986] : memref<2x32x80xf32, #tpu.memory_space<vmem>> -> memref<1x32x80xf32, #tpu.memory_space<vmem>>
        %dma_wait3A_988 = tpu.memref_squeeze %dma_wait3A_987 : memref<1x32x80xf32, #tpu.memory_space<vmem>> -> memref<32x80xf32, #tpu.memory_space<vmem>>
        tpu.wait_dma2 semaphore(%dma_wait3A_981 : memref<!tpu.dma_semaphore, #tpu.memory_space<semaphore_mem>>) src(%dma_wait3A_988 : memref<32x80xf32, #tpu.memory_space<vmem>>) dst(%dma_wait3A_984 : memref<32x80xf32, #tpu.memory_space<hbm>>)
      } else {
      }
      %scan3A_844 = arith.constant 0 : i32
      %scan3A_845 = arith.constant 0 : i32
      %scan3A_846 = arith.constant 32 : i32
      %scan3A_847 = arith.addi %scan3A_845, %scan3A_846 : i32
      %scan3A_848 = arith.constant 1 : i32
      scf.for %scan3A_969 = %scan3A_845 to %scan3A_847 step %scan3A_848  : i32 {
        %get3A = arith.constant 0 : i32
        %get3A_970 = arith.index_cast %get3A : i32 to index
        %get3A_971 = arith.index_cast %scan3A_969 : i32 to index
        %get3A_972 = arith.constant 0 : index
        %get3A_973 = tpu.vector_load %arg7[%get3A_970, %get3A_971, %get3A_972] {strides = array<i32>} : memref<2x832x64xf32, #tpu.memory_space<vmem>>, vector<16xf32>,
        %add3A_974 = arith.constant 32 : i32
        %add3A_975 = arith.addi %add3A_974, %scan3A_969 : i32
        %get3A_976 = arith.constant 0 : i32
        %get3A_977 = arith.index_cast %get3A_976 : i32 to index
        %get3A_978 = arith.index_cast %add3A_975 : i32 to index
        %get3A_979 = arith.constant 0 : index
        %get3A_980 = tpu.vector_load %arg7[%get3A_977, %get3A_978, %get3A_979] {strides = array<i32>} : memref<2x832x64xf32, #tpu.memory_space<vmem>>, vector<16xf32>,
        %add3A_981 = arith.addf %get3A_973, %get3A_980 : vector<16xf32>
        %add3A_982 = arith.constant 64 : i32
        %add3A_983 = arith.addi %add3A_982, %scan3A_969 : i32
        %get3A_984 = arith.constant 0 : i32
        %get3A_985 = arith.index_cast %get3A_984 : i32 to index
        %get3A_986 = arith.index_cast %add3A_983 : i32 to index
        %get3A_987 = arith.constant 0 : index
        %get3A_988 = tpu.vector_load %arg7[%get3A_985, %get3A_986, %get3A_987] {strides = array<i32>} : memref<2x832x64xf32, #tpu.memory_space<vmem>>, vector<16xf32>,
        %add3A_989 = arith.addf %add3A_981, %get3A_988 : vector<16xf32>
        %add3A_990 = arith.constant 96 : i32
        %add3A_991 = arith.addi %add3A_990, %scan3A_969 : i32
        %get3A_992 = arith.constant 0 : i32
        %get3A_993 = arith.index_cast %get3A_992 : i32 to index
        %get3A_994 = arith.index_cast %add3A_991 : i32 to index
        %get3A_995 = arith.constant 0 : index
        %get3A_996 = tpu.vector_load %arg7[%get3A_993, %get3A_994, %get3A_995] {strides = array<i32>} : memref<2x832x64xf32, #tpu.memory_space<vmem>>, vector<16xf32>,
        %add3A_997 = arith.addf %add3A_989, %get3A_996 : vector<16xf32>
        %add3A_998 = arith.constant 128 : i32
        %add3A_999 = arith.addi %add3A_998, %scan3A_969 : i32
        %get3A_1000 = arith.constant 0 : i32
        %get3A_1001 = arith.index_cast %get3A_1000 : i32 to index
        %get3A_1002 = arith.index_cast %add3A_999 : i32 to index
        %get3A_1003 = arith.constant 0 : index
        %get3A_1004 = tpu.vector_load %arg7[%get3A_1001, %get3A_1002, %get3A_1003] {strides = array<i32>} : memref<2x832x64xf32, #tpu.memory_space<vmem>>, vector<16xf32>,
        %add3A_1005 = arith.addf %add3A_997, %get3A_1004 : vector<16xf32>
        %add3A_1006 = arith.constant 160 : i32
        %add3A_1007 = arith.addi %add3A_1006, %scan3A_969 : i32
        %get3A_1008 = arith.constant 0 : i32
        %get3A_1009 = arith.index_cast %get3A_1008 : i32 to index
        %get3A_1010 = arith.index_cast %add3A_1007 : i32 to index
        %get3A_1011 = arith.constant 0 : index
        %get3A_1012 = tpu.vector_load %arg7[%get3A_1009, %get3A_1010, %get3A_1011] {strides = array<i32>} : memref<2x832x64xf32, #tpu.memory_space<vmem>>, vector<16xf32>,
        %add3A_1013 = arith.addf %add3A_1005, %get3A_1012 : vector<16xf32>
        %add3A_1014 = arith.constant 192 : i32
        %add3A_1015 = arith.addi %add3A_1014, %scan3A_969 : i32
        %get3A_1016 = arith.constant 0 : i32
        %get3A_1017 = arith.index_cast %get3A_1016 : i32 to index
        %get3A_1018 = arith.index_cast %add3A_1015 : i32 to index
        %get3A_1019 = arith.constant 0 : index
        %get3A_1020 = tpu.vector_load %arg7[%get3A_1017, %get3A_1018, %get3A_1019] {strides = array<i32>} : memref<2x832x64xf32, #tpu.memory_space<vmem>>, vector<16xf32>,
        %add3A_1021 = arith.addf %add3A_1013, %get3A_1020 : vector<16xf32>
        %add3A_1022 = arith.constant 224 : i32
        %add3A_1023 = arith.addi %add3A_1022, %scan3A_969 : i32
        %get3A_1024 = arith.constant 0 : i32
        %get3A_1025 = arith.index_cast %get3A_1024 : i32 to index
        %get3A_1026 = arith.index_cast %add3A_1023 : i32 to index
        %get3A_1027 = arith.constant 0 : index
        %get3A_1028 = tpu.vector_load %arg7[%get3A_1025, %get3A_1026, %get3A_1027] {strides = array<i32>} : memref<2x832x64xf32, #tpu.memory_space<vmem>>, vector<16xf32>,
        %add3A_1029 = arith.addf %add3A_1021, %get3A_1028 : vector<16xf32>
        %add3A_1030 = arith.constant 256 : i32
        %add3A_1031 = arith.addi %add3A_1030, %scan3A_969 : i32
        %get3A_1032 = arith.constant 0 : i32
        %get3A_1033 = arith.index_cast %get3A_1032 : i32 to index
        %get3A_1034 = arith.index_cast %add3A_1031 : i32 to index
        %get3A_1035 = arith.constant 0 : index
        %get3A_1036 = tpu.vector_load %arg7[%get3A_1033, %get3A_1034, %get3A_1035] {strides = array<i32>} : memref<2x832x64xf32, #tpu.memory_space<vmem>>, vector<16xf32>,
        %add3A_1037 = arith.addf %add3A_1029, %get3A_1036 : vector<16xf32>
        %add3A_1038 = arith.constant 288 : i32
        %add3A_1039 = arith.addi %add3A_1038, %scan3A_969 : i32
        %get3A_1040 = arith.constant 0 : i32
        %get3A_1041 = arith.index_cast %get3A_1040 : i32 to index
        %get3A_1042 = arith.index_cast %add3A_1039 : i32 to index
        %get3A_1043 = arith.constant 0 : index
        %get3A_1044 = tpu.vector_load %arg7[%get3A_1041, %get3A_1042, %get3A_1043] {strides = array<i32>} : memref<2x832x64xf32, #tpu.memory_space<vmem>>, vector<16xf32>,
        %add3A_1045 = arith.addf %add3A_1037, %get3A_1044 : vector<16xf32>
        %add3A_1046 = arith.constant 320 : i32
        %add3A_1047 = arith.addi %add3A_1046, %scan3A_969 : i32
        %get3A_1048 = arith.constant 0 : i32
        %get3A_1049 = arith.index_cast %get3A_1048 : i32 to index
        %get3A_1050 = arith.index_cast %add3A_1047 : i32 to index
        %get3A_1051 = arith.constant 0 : index
        %get3A_1052 = tpu.vector_load %arg7[%get3A_1049, %get3A_1050, %get3A_1051] {strides = array<i32>} : memref<2x832x64xf32, #tpu.memory_space<vmem>>, vector<16xf32>,
        %add3A_1053 = arith.addf %add3A_1045, %get3A_1052 : vector<16xf32>
        %add3A_1054 = arith.constant 352 : i32
        %add3A_1055 = arith.addi %add3A_1054, %scan3A_969 : i32
        %get3A_1056 = arith.constant 0 : i32
        %get3A_1057 = arith.index_cast %get3A_1056 : i32 to index
        %get3A_1058 = arith.index_cast %add3A_1055 : i32 to index
        %get3A_1059 = arith.constant 0 : index
        %get3A_1060 = tpu.vector_load %arg7[%get3A_1057, %get3A_1058, %get3A_1059] {strides = array<i32>} : memref<2x832x64xf32, #tpu.memory_space<vmem>>, vector<16xf32>,
        %add3A_1061 = arith.addf %add3A_1053, %get3A_1060 : vector<16xf32>
        %add3A_1062 = arith.constant 384 : i32
        %add3A_1063 = arith.addi %add3A_1062, %scan3A_969 : i32
        %get3A_1064 = arith.constant 0 : i32
        %get3A_1065 = arith.index_cast %get3A_1064 : i32 to index
        %get3A_1066 = arith.index_cast %add3A_1063 : i32 to index
        %get3A_1067 = arith.constant 0 : index
        %get3A_1068 = tpu.vector_load %arg7[%get3A_1065, %get3A_1066, %get3A_1067] {strides = array<i32>} : memref<2x832x64xf32, #tpu.memory_space<vmem>>, vector<16xf32>,
        %add3A_1069 = arith.addf %add3A_1061, %get3A_1068 : vector<16xf32>
        %add3A_1070 = arith.constant 416 : i32
        %add3A_1071 = arith.addi %add3A_1070, %scan3A_969 : i32
        %get3A_1072 = arith.constant 0 : i32
        %get3A_1073 = arith.index_cast %get3A_1072 : i32 to index
        %get3A_1074 = arith.index_cast %add3A_1071 : i32 to index
        %get3A_1075 = arith.constant 0 : index
        %get3A_1076 = tpu.vector_load %arg7[%get3A_1073, %get3A_1074, %get3A_1075] {strides = array<i32>} : memref<2x832x64xf32, #tpu.memory_space<vmem>>, vector<16xf32>,
        %add3A_1077 = arith.addf %add3A_1069, %get3A_1076 : vector<16xf32>
        %add3A_1078 = arith.constant 448 : i32
        %add3A_1079 = arith.addi %add3A_1078, %scan3A_969 : i32
        %get3A_1080 = arith.constant 0 : i32
        %get3A_1081 = arith.index_cast %get3A_1080 : i32 to index
        %get3A_1082 = arith.index_cast %add3A_1079 : i32 to index
        %get3A_1083 = arith.constant 0 : index
        %get3A_1084 = tpu.vector_load %arg7[%get3A_1081, %get3A_1082, %get3A_1083] {strides = array<i32>} : memref<2x832x64xf32, #tpu.memory_space<vmem>>, vector<16xf32>,
        %add3A_1085 = arith.addf %add3A_1077, %get3A_1084 : vector<16xf32>
        %add3A_1086 = arith.constant 480 : i32
        %add3A_1087 = arith.addi %add3A_1086, %scan3A_969 : i32
        %get3A_1088 = arith.constant 0 : i32
        %get3A_1089 = arith.index_cast %get3A_1088 : i32 to index
        %get3A_1090 = arith.index_cast %add3A_1087 : i32 to index
        %get3A_1091 = arith.constant 0 : index
        %get3A_1092 = tpu.vector_load %arg7[%get3A_1089, %get3A_1090, %get3A_1091] {strides = array<i32>} : memref<2x832x64xf32, #tpu.memory_space<vmem>>, vector<16xf32>,
        %add3A_1093 = arith.addf %add3A_1085, %get3A_1092 : vector<16xf32>
        %add3A_1094 = arith.constant 512 : i32
        %add3A_1095 = arith.addi %add3A_1094, %scan3A_969 : i32
        %get3A_1096 = arith.constant 0 : i32
        %get3A_1097 = arith.index_cast %get3A_1096 : i32 to index
        %get3A_1098 = arith.index_cast %add3A_1095 : i32 to index
        %get3A_1099 = arith.constant 0 : index
        %get3A_1100 = tpu.vector_load %arg7[%get3A_1097, %get3A_1098, %get3A_1099] {strides = array<i32>} : memref<2x832x64xf32, #tpu.memory_space<vmem>>, vector<16xf32>,
        %add3A_1101 = arith.addf %add3A_1093, %get3A_1100 : vector<16xf32>
        %add3A_1102 = arith.constant 544 : i32
        %add3A_1103 = arith.addi %add3A_1102, %scan3A_969 : i32
        %get3A_1104 = arith.constant 0 : i32
        %get3A_1105 = arith.index_cast %get3A_1104 : i32 to index
        %get3A_1106 = arith.index_cast %add3A_1103 : i32 to index
        %get3A_1107 = arith.constant 0 : index
        %get3A_1108 = tpu.vector_load %arg7[%get3A_1105, %get3A_1106, %get3A_1107] {strides = array<i32>} : memref<2x832x64xf32, #tpu.memory_space<vmem>>, vector<16xf32>,
        %add3A_1109 = arith.addf %add3A_1101, %get3A_1108 : vector<16xf32>
        %add3A_1110 = arith.constant 576 : i32
        %add3A_1111 = arith.addi %add3A_1110, %scan3A_969 : i32
        %get3A_1112 = arith.constant 0 : i32
        %get3A_1113 = arith.index_cast %get3A_1112 : i32 to index
        %get3A_1114 = arith.index_cast %add3A_1111 : i32 to index
        %get3A_1115 = arith.constant 0 : index
        %get3A_1116 = tpu.vector_load %arg7[%get3A_1113, %get3A_1114, %get3A_1115] {strides = array<i32>} : memref<2x832x64xf32, #tpu.memory_space<vmem>>, vector<16xf32>,
        %add3A_1117 = arith.addf %add3A_1109, %get3A_1116 : vector<16xf32>
        %add3A_1118 = arith.constant 608 : i32
        %add3A_1119 = arith.addi %add3A_1118, %scan3A_969 : i32
        %get3A_1120 = arith.constant 0 : i32
        %get3A_1121 = arith.index_cast %get3A_1120 : i32 to index
        %get3A_1122 = arith.index_cast %add3A_1119 : i32 to index
        %get3A_1123 = arith.constant 0 : index
        %get3A_1124 = tpu.vector_load %arg7[%get3A_1121, %get3A_1122, %get3A_1123] {strides = array<i32>} : memref<2x832x64xf32, #tpu.memory_space<vmem>>, vector<16xf32>,
        %add3A_1125 = arith.addf %add3A_1117, %get3A_1124 : vector<16xf32>
        %add3A_1126 = arith.constant 640 : i32
        %add3A_1127 = arith.addi %add3A_1126, %scan3A_969 : i32
        %get3A_1128 = arith.constant 0 : i32
        %get3A_1129 = arith.index_cast %get3A_1128 : i32 to index
        %get3A_1130 = arith.index_cast %add3A_1127 : i32 to index
        %get3A_1131 = arith.constant 0 : index
        %get3A_1132 = tpu.vector_load %arg7[%get3A_1129, %get3A_1130, %get3A_1131] {strides = array<i32>} : memref<2x832x64xf32, #tpu.memory_space<vmem>>, vector<16xf32>,
        %add3A_1133 = arith.addf %add3A_1125, %get3A_1132 : vector<16xf32>
        %add3A_1134 = arith.constant 672 : i32
        %add3A_1135 = arith.addi %add3A_1134, %scan3A_969 : i32
        %get3A_1136 = arith.constant 0 : i32
        %get3A_1137 = arith.index_cast %get3A_1136 : i32 to index
        %get3A_1138 = arith.index_cast %add3A_1135 : i32 to index
        %get3A_1139 = arith.constant 0 : index
        %get3A_1140 = tpu.vector_load %arg7[%get3A_1137, %get3A_1138, %get3A_1139] {strides = array<i32>} : memref<2x832x64xf32, #tpu.memory_space<vmem>>, vector<16xf32>,
        %add3A_1141 = arith.addf %add3A_1133, %get3A_1140 : vector<16xf32>
        %add3A_1142 = arith.constant 704 : i32
        %add3A_1143 = arith.addi %add3A_1142, %scan3A_969 : i32
        %get3A_1144 = arith.constant 0 : i32
        %get3A_1145 = arith.index_cast %get3A_1144 : i32 to index
        %get3A_1146 = arith.index_cast %add3A_1143 : i32 to index
        %get3A_1147 = arith.constant 0 : index
        %get3A_1148 = tpu.vector_load %arg7[%get3A_1145, %get3A_1146, %get3A_1147] {strides = array<i32>} : memref<2x832x64xf32, #tpu.memory_space<vmem>>, vector<16xf32>,
        %add3A_1149 = arith.addf %add3A_1141, %get3A_1148 : vector<16xf32>
        %add3A_1150 = arith.constant 736 : i32
        %add3A_1151 = arith.addi %add3A_1150, %scan3A_969 : i32
        %get3A_1152 = arith.constant 0 : i32
        %get3A_1153 = arith.index_cast %get3A_1152 : i32 to index
        %get3A_1154 = arith.index_cast %add3A_1151 : i32 to index
        %get3A_1155 = arith.constant 0 : index
        %get3A_1156 = tpu.vector_load %arg7[%get3A_1153, %get3A_1154, %get3A_1155] {strides = array<i32>} : memref<2x832x64xf32, #tpu.memory_space<vmem>>, vector<16xf32>,
        %add3A_1157 = arith.addf %add3A_1149, %get3A_1156 : vector<16xf32>
        %add3A_1158 = arith.constant 768 : i32
        %add3A_1159 = arith.addi %add3A_1158, %scan3A_969 : i32
        %get3A_1160 = arith.constant 0 : i32
        %get3A_1161 = arith.index_cast %get3A_1160 : i32 to index
        %get3A_1162 = arith.index_cast %add3A_1159 : i32 to index
        %get3A_1163 = arith.constant 0 : index
        %get3A_1164 = tpu.vector_load %arg7[%get3A_1161, %get3A_1162, %get3A_1163] {strides = array<i32>} : memref<2x832x64xf32, #tpu.memory_space<vmem>>, vector<16xf32>,
        %add3A_1165 = arith.addf %add3A_1157, %get3A_1164 : vector<16xf32>
        %add3A_1166 = arith.constant 800 : i32
        %add3A_1167 = arith.addi %add3A_1166, %scan3A_969 : i32
        %get3A_1168 = arith.constant 0 : i32
        %get3A_1169 = arith.index_cast %get3A_1168 : i32 to index
        %get3A_1170 = arith.index_cast %add3A_1167 : i32 to index
        %get3A_1171 = arith.constant 0 : index
        %get3A_1172 = tpu.vector_load %arg7[%get3A_1169, %get3A_1170, %get3A_1171] {strides = array<i32>} : memref<2x832x64xf32, #tpu.memory_space<vmem>>, vector<16xf32>,
        %add3A_1173 = arith.addf %add3A_1165, %get3A_1172 : vector<16xf32>
        %swap3A = arith.constant 0 : i32
        %swap3A_1174 = arith.index_cast %swap3A : i32 to index
        %swap3A_1175 = arith.index_cast %scan3A_969 : i32 to index
        %swap3A_1176 = arith.constant 0 : index
        %swap3A_1177 = tpu.vector_load %arg9[%swap3A_1174, %swap3A_1175, %swap3A_1176] {strides = array<i32>} : memref<2x32x80xf32, #tpu.memory_space<vmem>>, vector<16xf32>,
        tpu.vector_store %arg9[%swap3A_1174, %swap3A_1175, %swap3A_1176], %add3A_1173 {strides = array<i32>} : memref<2x32x80xf32, #tpu.memory_space<vmem>>, vector<16xf32>,
        %get3A_1178 = arith.constant 0 : i32
        %get3A_1179 = arith.index_cast %get3A_1178 : i32 to index
        %get3A_1180 = arith.index_cast %scan3A_969 : i32 to index
        %get3A_1181 = arith.constant 16 : index
        %get3A_1182 = tpu.vector_load %arg7[%get3A_1179, %get3A_1180, %get3A_1181] {strides = array<i32>} : memref<2x832x64xf32, #tpu.memory_space<vmem>>, vector<16xf32>,
        %add3A_1183 = arith.constant 32 : i32
        %add3A_1184 = arith.addi %add3A_1183, %scan3A_969 : i32
        %get3A_1185 = arith.constant 0 : i32
        %get3A_1186 = arith.index_cast %get3A_1185 : i32 to index
        %get3A_1187 = arith.index_cast %add3A_1184 : i32 to index
        %get3A_1188 = arith.constant 16 : index
        %get3A_1189 = tpu.vector_load %arg7[%get3A_1186, %get3A_1187, %get3A_1188] {strides = array<i32>} : memref<2x832x64xf32, #tpu.memory_space<vmem>>, vector<16xf32>,
        %add3A_1190 = arith.addf %get3A_1182, %get3A_1189 : vector<16xf32>
        %add3A_1191 = arith.constant 64 : i32
        %add3A_1192 = arith.addi %add3A_1191, %scan3A_969 : i32
        %get3A_1193 = arith.constant 0 : i32
        %get3A_1194 = arith.index_cast %get3A_1193 : i32 to index
        %get3A_1195 = arith.index_cast %add3A_1192 : i32 to index
        %get3A_1196 = arith.constant 16 : index
        %get3A_1197 = tpu.vector_load %arg7[%get3A_1194, %get3A_1195, %get3A_1196] {strides = array<i32>} : memref<2x832x64xf32, #tpu.memory_space<vmem>>, vector<16xf32>,
        %add3A_1198 = arith.addf %add3A_1190, %get3A_1197 : vector<16xf32>
        %add3A_1199 = arith.constant 96 : i32
        %add3A_1200 = arith.addi %add3A_1199, %scan3A_969 : i32
        %get3A_1201 = arith.constant 0 : i32
        %get3A_1202 = arith.index_cast %get3A_1201 : i32 to index
        %get3A_1203 = arith.index_cast %add3A_1200 : i32 to index
        %get3A_1204 = arith.constant 16 : index
        %get3A_1205 = tpu.vector_load %arg7[%get3A_1202, %get3A_1203, %get3A_1204] {strides = array<i32>} : memref<2x832x64xf32, #tpu.memory_space<vmem>>, vector<16xf32>,
        %add3A_1206 = arith.addf %add3A_1198, %get3A_1205 : vector<16xf32>
        %add3A_1207 = arith.constant 128 : i32
        %add3A_1208 = arith.addi %add3A_1207, %scan3A_969 : i32
        %get3A_1209 = arith.constant 0 : i32
        %get3A_1210 = arith.index_cast %get3A_1209 : i32 to index
        %get3A_1211 = arith.index_cast %add3A_1208 : i32 to index
        %get3A_1212 = arith.constant 16 : index
        %get3A_1213 = tpu.vector_load %arg7[%get3A_1210, %get3A_1211, %get3A_1212] {strides = array<i32>} : memref<2x832x64xf32, #tpu.memory_space<vmem>>, vector<16xf32>,
        %add3A_1214 = arith.addf %add3A_1206, %get3A_1213 : vector<16xf32>
        %add3A_1215 = arith.constant 160 : i32
        %add3A_1216 = arith.addi %add3A_1215, %scan3A_969 : i32
        %get3A_1217 = arith.constant 0 : i32
        %get3A_1218 = arith.index_cast %get3A_1217 : i32 to index
        %get3A_1219 = arith.index_cast %add3A_1216 : i32 to index
        %get3A_1220 = arith.constant 16 : index
        %get3A_1221 = tpu.vector_load %arg7[%get3A_1218, %get3A_1219, %get3A_1220] {strides = array<i32>} : memref<2x832x64xf32, #tpu.memory_space<vmem>>, vector<16xf32>,
        %add3A_1222 = arith.addf %add3A_1214, %get3A_1221 : vector<16xf32>
        %add3A_1223 = arith.constant 192 : i32
        %add3A_1224 = arith.addi %add3A_1223, %scan3A_969 : i32
        %get3A_1225 = arith.constant 0 : i32
        %get3A_1226 = arith.index_cast %get3A_1225 : i32 to index
        %get3A_1227 = arith.index_cast %add3A_1224 : i32 to index
        %get3A_1228 = arith.constant 16 : index
        %get3A_1229 = tpu.vector_load %arg7[%get3A_1226, %get3A_1227, %get3A_1228] {strides = array<i32>} : memref<2x832x64xf32, #tpu.memory_space<vmem>>, vector<16xf32>,
        %add3A_1230 = arith.addf %add3A_1222, %get3A_1229 : vector<16xf32>
        %add3A_1231 = arith.constant 224 : i32
        %add3A_1232 = arith.addi %add3A_1231, %scan3A_969 : i32
        %get3A_1233 = arith.constant 0 : i32
        %get3A_1234 = arith.index_cast %get3A_1233 : i32 to index
        %get3A_1235 = arith.index_cast %add3A_1232 : i32 to index
        %get3A_1236 = arith.constant 16 : index
        %get3A_1237 = tpu.vector_load %arg7[%get3A_1234, %get3A_1235, %get3A_1236] {strides = array<i32>} : memref<2x832x64xf32, #tpu.memory_space<vmem>>, vector<16xf32>,
        %add3A_1238 = arith.addf %add3A_1230, %get3A_1237 : vector<16xf32>
        %add3A_1239 = arith.constant 256 : i32
        %add3A_1240 = arith.addi %add3A_1239, %scan3A_969 : i32
        %get3A_1241 = arith.constant 0 : i32
        %get3A_1242 = arith.index_cast %get3A_1241 : i32 to index
        %get3A_1243 = arith.index_cast %add3A_1240 : i32 to index
        %get3A_1244 = arith.constant 16 : index
        %get3A_1245 = tpu.vector_load %arg7[%get3A_1242, %get3A_1243, %get3A_1244] {strides = array<i32>} : memref<2x832x64xf32, #tpu.memory_space<vmem>>, vector<16xf32>,
        %add3A_1246 = arith.addf %add3A_1238, %get3A_1245 : vector<16xf32>
        %add3A_1247 = arith.constant 288 : i32
        %add3A_1248 = arith.addi %add3A_1247, %scan3A_969 : i32
        %get3A_1249 = arith.constant 0 : i32
        %get3A_1250 = arith.index_cast %get3A_1249 : i32 to index
        %get3A_1251 = arith.index_cast %add3A_1248 : i32 to index
        %get3A_1252 = arith.constant 16 : index
        %get3A_1253 = tpu.vector_load %arg7[%get3A_1250, %get3A_1251, %get3A_1252] {strides = array<i32>} : memref<2x832x64xf32, #tpu.memory_space<vmem>>, vector<16xf32>,
        %add3A_1254 = arith.addf %add3A_1246, %get3A_1253 : vector<16xf32>
        %add3A_1255 = arith.constant 320 : i32
        %add3A_1256 = arith.addi %add3A_1255, %scan3A_969 : i32
        %get3A_1257 = arith.constant 0 : i32
        %get3A_1258 = arith.index_cast %get3A_1257 : i32 to index
        %get3A_1259 = arith.index_cast %add3A_1256 : i32 to index
        %get3A_1260 = arith.constant 16 : index
        %get3A_1261 = tpu.vector_load %arg7[%get3A_1258, %get3A_1259, %get3A_1260] {strides = array<i32>} : memref<2x832x64xf32, #tpu.memory_space<vmem>>, vector<16xf32>,
        %add3A_1262 = arith.addf %add3A_1254, %get3A_1261 : vector<16xf32>
        %add3A_1263 = arith.constant 352 : i32
        %add3A_1264 = arith.addi %add3A_1263, %scan3A_969 : i32
        %get3A_1265 = arith.constant 0 : i32
        %get3A_1266 = arith.index_cast %get3A_1265 : i32 to index
        %get3A_1267 = arith.index_cast %add3A_1264 : i32 to index
        %get3A_1268 = arith.constant 16 : index
        %get3A_1269 = tpu.vector_load %arg7[%get3A_1266, %get3A_1267, %get3A_1268] {strides = array<i32>} : memref<2x832x64xf32, #tpu.memory_space<vmem>>, vector<16xf32>,
        %add3A_1270 = arith.addf %add3A_1262, %get3A_1269 : vector<16xf32>
        %add3A_1271 = arith.constant 384 : i32
        %add3A_1272 = arith.addi %add3A_1271, %scan3A_969 : i32
        %get3A_1273 = arith.constant 0 : i32
        %get3A_1274 = arith.index_cast %get3A_1273 : i32 to index
        %get3A_1275 = arith.index_cast %add3A_1272 : i32 to index
        %get3A_1276 = arith.constant 16 : index
        %get3A_1277 = tpu.vector_load %arg7[%get3A_1274, %get3A_1275, %get3A_1276] {strides = array<i32>} : memref<2x832x64xf32, #tpu.memory_space<vmem>>, vector<16xf32>,
        %add3A_1278 = arith.addf %add3A_1270, %get3A_1277 : vector<16xf32>
        %add3A_1279 = arith.constant 416 : i32
        %add3A_1280 = arith.addi %add3A_1279, %scan3A_969 : i32
        %get3A_1281 = arith.constant 0 : i32
        %get3A_1282 = arith.index_cast %get3A_1281 : i32 to index
        %get3A_1283 = arith.index_cast %add3A_1280 : i32 to index
        %get3A_1284 = arith.constant 16 : index
        %get3A_1285 = tpu.vector_load %arg7[%get3A_1282, %get3A_1283, %get3A_1284] {strides = array<i32>} : memref<2x832x64xf32, #tpu.memory_space<vmem>>, vector<16xf32>,
        %add3A_1286 = arith.addf %add3A_1278, %get3A_1285 : vector<16xf32>
        %add3A_1287 = arith.constant 448 : i32
        %add3A_1288 = arith.addi %add3A_1287, %scan3A_969 : i32
        %get3A_1289 = arith.constant 0 : i32
        %get3A_1290 = arith.index_cast %get3A_1289 : i32 to index
        %get3A_1291 = arith.index_cast %add3A_1288 : i32 to index
        %get3A_1292 = arith.constant 16 : index
        %get3A_1293 = tpu.vector_load %arg7[%get3A_1290, %get3A_1291, %get3A_1292] {strides = array<i32>} : memref<2x832x64xf32, #tpu.memory_space<vmem>>, vector<16xf32>,
        %add3A_1294 = arith.addf %add3A_1286, %get3A_1293 : vector<16xf32>
        %add3A_1295 = arith.constant 480 : i32
        %add3A_1296 = arith.addi %add3A_1295, %scan3A_969 : i32
        %get3A_1297 = arith.constant 0 : i32
        %get3A_1298 = arith.index_cast %get3A_1297 : i32 to index
        %get3A_1299 = arith.index_cast %add3A_1296 : i32 to index
        %get3A_1300 = arith.constant 16 : index
        %get3A_1301 = tpu.vector_load %arg7[%get3A_1298, %get3A_1299, %get3A_1300] {strides = array<i32>} : memref<2x832x64xf32, #tpu.memory_space<vmem>>, vector<16xf32>,
        %add3A_1302 = arith.addf %add3A_1294, %get3A_1301 : vector<16xf32>
        %add3A_1303 = arith.constant 512 : i32
        %add3A_1304 = arith.addi %add3A_1303, %scan3A_969 : i32
        %get3A_1305 = arith.constant 0 : i32
        %get3A_1306 = arith.index_cast %get3A_1305 : i32 to index
        %get3A_1307 = arith.index_cast %add3A_1304 : i32 to index
        %get3A_1308 = arith.constant 16 : index
        %get3A_1309 = tpu.vector_load %arg7[%get3A_1306, %get3A_1307, %get3A_1308] {strides = array<i32>} : memref<2x832x64xf32, #tpu.memory_space<vmem>>, vector<16xf32>,
        %add3A_1310 = arith.addf %add3A_1302, %get3A_1309 : vector<16xf32>
        %add3A_1311 = arith.constant 544 : i32
        %add3A_1312 = arith.addi %add3A_1311, %scan3A_969 : i32
        %get3A_1313 = arith.constant 0 : i32
        %get3A_1314 = arith.index_cast %get3A_1313 : i32 to index
        %get3A_1315 = arith.index_cast %add3A_1312 : i32 to index
        %get3A_1316 = arith.constant 16 : index
        %get3A_1317 = tpu.vector_load %arg7[%get3A_1314, %get3A_1315, %get3A_1316] {strides = array<i32>} : memref<2x832x64xf32, #tpu.memory_space<vmem>>, vector<16xf32>,
        %add3A_1318 = arith.addf %add3A_1310, %get3A_1317 : vector<16xf32>
        %add3A_1319 = arith.constant 576 : i32
        %add3A_1320 = arith.addi %add3A_1319, %scan3A_969 : i32
        %get3A_1321 = arith.constant 0 : i32
        %get3A_1322 = arith.index_cast %get3A_1321 : i32 to index
        %get3A_1323 = arith.index_cast %add3A_1320 : i32 to index
        %get3A_1324 = arith.constant 16 : index
        %get3A_1325 = tpu.vector_load %arg7[%get3A_1322, %get3A_1323, %get3A_1324] {strides = array<i32>} : memref<2x832x64xf32, #tpu.memory_space<vmem>>, vector<16xf32>,
        %add3A_1326 = arith.addf %add3A_1318, %get3A_1325 : vector<16xf32>
        %add3A_1327 = arith.constant 608 : i32
        %add3A_1328 = arith.addi %add3A_1327, %scan3A_969 : i32
        %get3A_1329 = arith.constant 0 : i32
        %get3A_1330 = arith.index_cast %get3A_1329 : i32 to index
        %get3A_1331 = arith.index_cast %add3A_1328 : i32 to index
        %get3A_1332 = arith.constant 16 : index
        %get3A_1333 = tpu.vector_load %arg7[%get3A_1330, %get3A_1331, %get3A_1332] {strides = array<i32>} : memref<2x832x64xf32, #tpu.memory_space<vmem>>, vector<16xf32>,
        %add3A_1334 = arith.addf %add3A_1326, %get3A_1333 : vector<16xf32>
        %add3A_1335 = arith.constant 640 : i32
        %add3A_1336 = arith.addi %add3A_1335, %scan3A_969 : i32
        %get3A_1337 = arith.constant 0 : i32
        %get3A_1338 = arith.index_cast %get3A_1337 : i32 to index
        %get3A_1339 = arith.index_cast %add3A_1336 : i32 to index
        %get3A_1340 = arith.constant 16 : index
        %get3A_1341 = tpu.vector_load %arg7[%get3A_1338, %get3A_1339, %get3A_1340] {strides = array<i32>} : memref<2x832x64xf32, #tpu.memory_space<vmem>>, vector<16xf32>,
        %add3A_1342 = arith.addf %add3A_1334, %get3A_1341 : vector<16xf32>
        %add3A_1343 = arith.constant 672 : i32
        %add3A_1344 = arith.addi %add3A_1343, %scan3A_969 : i32
        %get3A_1345 = arith.constant 0 : i32
        %get3A_1346 = arith.index_cast %get3A_1345 : i32 to index
        %get3A_1347 = arith.index_cast %add3A_1344 : i32 to index
        %get3A_1348 = arith.constant 16 : index
        %get3A_1349 = tpu.vector_load %arg7[%get3A_1346, %get3A_1347, %get3A_1348] {strides = array<i32>} : memref<2x832x64xf32, #tpu.memory_space<vmem>>, vector<16xf32>,
        %add3A_1350 = arith.addf %add3A_1342, %get3A_1349 : vector<16xf32>
        %add3A_1351 = arith.constant 704 : i32
        %add3A_1352 = arith.addi %add3A_1351, %scan3A_969 : i32
        %get3A_1353 = arith.constant 0 : i32
        %get3A_1354 = arith.index_cast %get3A_1353 : i32 to index
        %get3A_1355 = arith.index_cast %add3A_1352 : i32 to index
        %get3A_1356 = arith.constant 16 : index
        %get3A_1357 = tpu.vector_load %arg7[%get3A_1354, %get3A_1355, %get3A_1356] {strides = array<i32>} : memref<2x832x64xf32, #tpu.memory_space<vmem>>, vector<16xf32>,
        %add3A_1358 = arith.addf %add3A_1350, %get3A_1357 : vector<16xf32>
        %add3A_1359 = arith.constant 736 : i32
        %add3A_1360 = arith.addi %add3A_1359, %scan3A_969 : i32
        %get3A_1361 = arith.constant 0 : i32
        %get3A_1362 = arith.index_cast %get3A_1361 : i32 to index
        %get3A_1363 = arith.index_cast %add3A_1360 : i32 to index
        %get3A_1364 = arith.constant 16 : index
        %get3A_1365 = tpu.vector_load %arg7[%get3A_1362, %get3A_1363, %get3A_1364] {strides = array<i32>} : memref<2x832x64xf32, #tpu.memory_space<vmem>>, vector<16xf32>,
        %add3A_1366 = arith.addf %add3A_1358, %get3A_1365 : vector<16xf32>
        %add3A_1367 = arith.constant 768 : i32
        %add3A_1368 = arith.addi %add3A_1367, %scan3A_969 : i32
        %get3A_1369 = arith.constant 0 : i32
        %get3A_1370 = arith.index_cast %get3A_1369 : i32 to index
        %get3A_1371 = arith.index_cast %add3A_1368 : i32 to index
        %get3A_1372 = arith.constant 16 : index
        %get3A_1373 = tpu.vector_load %arg7[%get3A_1370, %get3A_1371, %get3A_1372] {strides = array<i32>} : memref<2x832x64xf32, #tpu.memory_space<vmem>>, vector<16xf32>,
        %add3A_1374 = arith.addf %add3A_1366, %get3A_1373 : vector<16xf32>
        %add3A_1375 = arith.constant 800 : i32
        %add3A_1376 = arith.addi %add3A_1375, %scan3A_969 : i32
        %get3A_1377 = arith.constant 0 : i32
        %get3A_1378 = arith.index_cast %get3A_1377 : i32 to index
        %get3A_1379 = arith.index_cast %add3A_1376 : i32 to index
        %get3A_1380 = arith.constant 16 : index
        %get3A_1381 = tpu.vector_load %arg7[%get3A_1378, %get3A_1379, %get3A_1380] {strides = array<i32>} : memref<2x832x64xf32, #tpu.memory_space<vmem>>, vector<16xf32>,
        %add3A_1382 = arith.addf %add3A_1374, %get3A_1381 : vector<16xf32>
        %swap3A_1383 = arith.constant 0 : i32
        %swap3A_1384 = arith.index_cast %swap3A_1383 : i32 to index
        %swap3A_1385 = arith.index_cast %scan3A_969 : i32 to index
        %swap3A_1386 = arith.constant 16 : index
        %swap3A_1387 = tpu.vector_load %arg9[%swap3A_1384, %swap3A_1385, %swap3A_1386] {strides = array<i32>} : memref<2x32x80xf32, #tpu.memory_space<vmem>>, vector<16xf32>,
        tpu.vector_store %arg9[%swap3A_1384, %swap3A_1385, %swap3A_1386], %add3A_1382 {strides = array<i32>} : memref<2x32x80xf32, #tpu.memory_space<vmem>>, vector<16xf32>,
        %get3A_1388 = arith.constant 0 : i32
        %get3A_1389 = arith.index_cast %get3A_1388 : i32 to index
        %get3A_1390 = arith.index_cast %scan3A_969 : i32 to index
        %get3A_1391 = arith.constant 32 : index
        %get3A_1392 = tpu.vector_load %arg7[%get3A_1389, %get3A_1390, %get3A_1391] {strides = array<i32>} : memref<2x832x64xf32, #tpu.memory_space<vmem>>, vector<16xf32>,
        %add3A_1393 = arith.constant 32 : i32
        %add3A_1394 = arith.addi %add3A_1393, %scan3A_969 : i32
        %get3A_1395 = arith.constant 0 : i32
        %get3A_1396 = arith.index_cast %get3A_1395 : i32 to index
        %get3A_1397 = arith.index_cast %add3A_1394 : i32 to index
        %get3A_1398 = arith.constant 32 : index
        %get3A_1399 = tpu.vector_load %arg7[%get3A_1396, %get3A_1397, %get3A_1398] {strides = array<i32>} : memref<2x832x64xf32, #tpu.memory_space<vmem>>, vector<16xf32>,
        %add3A_1400 = arith.addf %get3A_1392, %get3A_1399 : vector<16xf32>
        %add3A_1401 = arith.constant 64 : i32
        %add3A_1402 = arith.addi %add3A_1401, %scan3A_969 : i32
        %get3A_1403 = arith.constant 0 : i32
        %get3A_1404 = arith.index_cast %get3A_1403 : i32 to index
        %get3A_1405 = arith.index_cast %add3A_1402 : i32 to index
        %get3A_1406 = arith.constant 32 : index
        %get3A_1407 = tpu.vector_load %arg7[%get3A_1404, %get3A_1405, %get3A_1406] {strides = array<i32>} : memref<2x832x64xf32, #tpu.memory_space<vmem>>, vector<16xf32>,
        %add3A_1408 = arith.addf %add3A_1400, %get3A_1407 : vector<16xf32>
        %add3A_1409 = arith.constant 96 : i32
        %add3A_1410 = arith.addi %add3A_1409, %scan3A_969 : i32
        %get3A_1411 = arith.constant 0 : i32
        %get3A_1412 = arith.index_cast %get3A_1411 : i32 to index
        %get3A_1413 = arith.index_cast %add3A_1410 : i32 to index
        %get3A_1414 = arith.constant 32 : index
        %get3A_1415 = tpu.vector_load %arg7[%get3A_1412, %get3A_1413, %get3A_1414] {strides = array<i32>} : memref<2x832x64xf32, #tpu.memory_space<vmem>>, vector<16xf32>,
        %add3A_1416 = arith.addf %add3A_1408, %get3A_1415 : vector<16xf32>
        %add3A_1417 = arith.constant 128 : i32
        %add3A_1418 = arith.addi %add3A_1417, %scan3A_969 : i32
        %get3A_1419 = arith.constant 0 : i32
        %get3A_1420 = arith.index_cast %get3A_1419 : i32 to index
        %get3A_1421 = arith.index_cast %add3A_1418 : i32 to index
        %get3A_1422 = arith.constant 32 : index
        %get3A_1423 = tpu.vector_load %arg7[%get3A_1420, %get3A_1421, %get3A_1422] {strides = array<i32>} : memref<2x832x64xf32, #tpu.memory_space<vmem>>, vector<16xf32>,
        %add3A_1424 = arith.addf %add3A_1416, %get3A_1423 : vector<16xf32>
        %add3A_1425 = arith.constant 160 : i32
        %add3A_1426 = arith.addi %add3A_1425, %scan3A_969 : i32
        %get3A_1427 = arith.constant 0 : i32
        %get3A_1428 = arith.index_cast %get3A_1427 : i32 to index
        %get3A_1429 = arith.index_cast %add3A_1426 : i32 to index
        %get3A_1430 = arith.constant 32 : index
        %get3A_1431 = tpu.vector_load %arg7[%get3A_1428, %get3A_1429, %get3A_1430] {strides = array<i32>} : memref<2x832x64xf32, #tpu.memory_space<vmem>>, vector<16xf32>,
        %add3A_1432 = arith.addf %add3A_1424, %get3A_1431 : vector<16xf32>
        %add3A_1433 = arith.constant 192 : i32
        %add3A_1434 = arith.addi %add3A_1433, %scan3A_969 : i32
        %get3A_1435 = arith.constant 0 : i32
        %get3A_1436 = arith.index_cast %get3A_1435 : i32 to index
        %get3A_1437 = arith.index_cast %add3A_1434 : i32 to index
        %get3A_1438 = arith.constant 32 : index
        %get3A_1439 = tpu.vector_load %arg7[%get3A_1436, %get3A_1437, %get3A_1438] {strides = array<i32>} : memref<2x832x64xf32, #tpu.memory_space<vmem>>, vector<16xf32>,
        %add3A_1440 = arith.addf %add3A_1432, %get3A_1439 : vector<16xf32>
        %add3A_1441 = arith.constant 224 : i32
        %add3A_1442 = arith.addi %add3A_1441, %scan3A_969 : i32
        %get3A_1443 = arith.constant 0 : i32
        %get3A_1444 = arith.index_cast %get3A_1443 : i32 to index
        %get3A_1445 = arith.index_cast %add3A_1442 : i32 to index
        %get3A_1446 = arith.constant 32 : index
        %get3A_1447 = tpu.vector_load %arg7[%get3A_1444, %get3A_1445, %get3A_1446] {strides = array<i32>} : memref<2x832x64xf32, #tpu.memory_space<vmem>>, vector<16xf32>,
        %add3A_1448 = arith.addf %add3A_1440, %get3A_1447 : vector<16xf32>
        %add3A_1449 = arith.constant 256 : i32
        %add3A_1450 = arith.addi %add3A_1449, %scan3A_969 : i32
        %get3A_1451 = arith.constant 0 : i32
        %get3A_1452 = arith.index_cast %get3A_1451 : i32 to index
        %get3A_1453 = arith.index_cast %add3A_1450 : i32 to index
        %get3A_1454 = arith.constant 32 : index
        %get3A_1455 = tpu.vector_load %arg7[%get3A_1452, %get3A_1453, %get3A_1454] {strides = array<i32>} : memref<2x832x64xf32, #tpu.memory_space<vmem>>, vector<16xf32>,
        %add3A_1456 = arith.addf %add3A_1448, %get3A_1455 : vector<16xf32>
        %add3A_1457 = arith.constant 288 : i32
        %add3A_1458 = arith.addi %add3A_1457, %scan3A_969 : i32
        %get3A_1459 = arith.constant 0 : i32
        %get3A_1460 = arith.index_cast %get3A_1459 : i32 to index
        %get3A_1461 = arith.index_cast %add3A_1458 : i32 to index
        %get3A_1462 = arith.constant 32 : index
        %get3A_1463 = tpu.vector_load %arg7[%get3A_1460, %get3A_1461, %get3A_1462] {strides = array<i32>} : memref<2x832x64xf32, #tpu.memory_space<vmem>>, vector<16xf32>,
        %add3A_1464 = arith.addf %add3A_1456, %get3A_1463 : vector<16xf32>
        %add3A_1465 = arith.constant 320 : i32
        %add3A_1466 = arith.addi %add3A_1465, %scan3A_969 : i32
        %get3A_1467 = arith.constant 0 : i32
        %get3A_1468 = arith.index_cast %get3A_1467 : i32 to index
        %get3A_1469 = arith.index_cast %add3A_1466 : i32 to index
        %get3A_1470 = arith.constant 32 : index
        %get3A_1471 = tpu.vector_load %arg7[%get3A_1468, %get3A_1469, %get3A_1470] {strides = array<i32>} : memref<2x832x64xf32, #tpu.memory_space<vmem>>, vector<16xf32>,
        %add3A_1472 = arith.addf %add3A_1464, %get3A_1471 : vector<16xf32>
        %add3A_1473 = arith.constant 352 : i32
        %add3A_1474 = arith.addi %add3A_1473, %scan3A_969 : i32
        %get3A_1475 = arith.constant 0 : i32
        %get3A_1476 = arith.index_cast %get3A_1475 : i32 to index
        %get3A_1477 = arith.index_cast %add3A_1474 : i32 to index
        %get3A_1478 = arith.constant 32 : index
        %get3A_1479 = tpu.vector_load %arg7[%get3A_1476, %get3A_1477, %get3A_1478] {strides = array<i32>} : memref<2x832x64xf32, #tpu.memory_space<vmem>>, vector<16xf32>,
        %add3A_1480 = arith.addf %add3A_1472, %get3A_1479 : vector<16xf32>
        %add3A_1481 = arith.constant 384 : i32
        %add3A_1482 = arith.addi %add3A_1481, %scan3A_969 : i32
        %get3A_1483 = arith.constant 0 : i32
        %get3A_1484 = arith.index_cast %get3A_1483 : i32 to index
        %get3A_1485 = arith.index_cast %add3A_1482 : i32 to index
        %get3A_1486 = arith.constant 32 : index
        %get3A_1487 = tpu.vector_load %arg7[%get3A_1484, %get3A_1485, %get3A_1486] {strides = array<i32>} : memref<2x832x64xf32, #tpu.memory_space<vmem>>, vector<16xf32>,
        %add3A_1488 = arith.addf %add3A_1480, %get3A_1487 : vector<16xf32>
        %add3A_1489 = arith.constant 416 : i32
        %add3A_1490 = arith.addi %add3A_1489, %scan3A_969 : i32
        %get3A_1491 = arith.constant 0 : i32
        %get3A_1492 = arith.index_cast %get3A_1491 : i32 to index
        %get3A_1493 = arith.index_cast %add3A_1490 : i32 to index
        %get3A_1494 = arith.constant 32 : index
        %get3A_1495 = tpu.vector_load %arg7[%get3A_1492, %get3A_1493, %get3A_1494] {strides = array<i32>} : memref<2x832x64xf32, #tpu.memory_space<vmem>>, vector<16xf32>,
        %add3A_1496 = arith.addf %add3A_1488, %get3A_1495 : vector<16xf32>
        %add3A_1497 = arith.constant 448 : i32
        %add3A_1498 = arith.addi %add3A_1497, %scan3A_969 : i32
        %get3A_1499 = arith.constant 0 : i32
        %get3A_1500 = arith.index_cast %get3A_1499 : i32 to index
        %get3A_1501 = arith.index_cast %add3A_1498 : i32 to index
        %get3A_1502 = arith.constant 32 : index
        %get3A_1503 = tpu.vector_load %arg7[%get3A_1500, %get3A_1501, %get3A_1502] {strides = array<i32>} : memref<2x832x64xf32, #tpu.memory_space<vmem>>, vector<16xf32>,
        %add3A_1504 = arith.addf %add3A_1496, %get3A_1503 : vector<16xf32>
        %add3A_1505 = arith.constant 480 : i32
        %add3A_1506 = arith.addi %add3A_1505, %scan3A_969 : i32
        %get3A_1507 = arith.constant 0 : i32
        %get3A_1508 = arith.index_cast %get3A_1507 : i32 to index
        %get3A_1509 = arith.index_cast %add3A_1506 : i32 to index
        %get3A_1510 = arith.constant 32 : index
        %get3A_1511 = tpu.vector_load %arg7[%get3A_1508, %get3A_1509, %get3A_1510] {strides = array<i32>} : memref<2x832x64xf32, #tpu.memory_space<vmem>>, vector<16xf32>,
        %add3A_1512 = arith.addf %add3A_1504, %get3A_1511 : vector<16xf32>
        %add3A_1513 = arith.constant 512 : i32
        %add3A_1514 = arith.addi %add3A_1513, %scan3A_969 : i32
        %get3A_1515 = arith.constant 0 : i32
        %get3A_1516 = arith.index_cast %get3A_1515 : i32 to index
        %get3A_1517 = arith.index_cast %add3A_1514 : i32 to index
        %get3A_1518 = arith.constant 32 : index
        %get3A_1519 = tpu.vector_load %arg7[%get3A_1516, %get3A_1517, %get3A_1518] {strides = array<i32>} : memref<2x832x64xf32, #tpu.memory_space<vmem>>, vector<16xf32>,
        %add3A_1520 = arith.addf %add3A_1512, %get3A_1519 : vector<16xf32>
        %add3A_1521 = arith.constant 544 : i32
        %add3A_1522 = arith.addi %add3A_1521, %scan3A_969 : i32
        %get3A_1523 = arith.constant 0 : i32
        %get3A_1524 = arith.index_cast %get3A_1523 : i32 to index
        %get3A_1525 = arith.index_cast %add3A_1522 : i32 to index
        %get3A_1526 = arith.constant 32 : index
        %get3A_1527 = tpu.vector_load %arg7[%get3A_1524, %get3A_1525, %get3A_1526] {strides = array<i32>} : memref<2x832x64xf32, #tpu.memory_space<vmem>>, vector<16xf32>,
        %add3A_1528 = arith.addf %add3A_1520, %get3A_1527 : vector<16xf32>
        %add3A_1529 = arith.constant 576 : i32
        %add3A_1530 = arith.addi %add3A_1529, %scan3A_969 : i32
        %get3A_1531 = arith.constant 0 : i32
        %get3A_1532 = arith.index_cast %get3A_1531 : i32 to index
        %get3A_1533 = arith.index_cast %add3A_1530 : i32 to index
        %get3A_1534 = arith.constant 32 : index
        %get3A_1535 = tpu.vector_load %arg7[%get3A_1532, %get3A_1533, %get3A_1534] {strides = array<i32>} : memref<2x832x64xf32, #tpu.memory_space<vmem>>, vector<16xf32>,
        %add3A_1536 = arith.addf %add3A_1528, %get3A_1535 : vector<16xf32>
        %add3A_1537 = arith.constant 608 : i32
        %add3A_1538 = arith.addi %add3A_1537, %scan3A_969 : i32
        %get3A_1539 = arith.constant 0 : i32
        %get3A_1540 = arith.index_cast %get3A_1539 : i32 to index
        %get3A_1541 = arith.index_cast %add3A_1538 : i32 to index
        %get3A_1542 = arith.constant 32 : index
        %get3A_1543 = tpu.vector_load %arg7[%get3A_1540, %get3A_1541, %get3A_1542] {strides = array<i32>} : memref<2x832x64xf32, #tpu.memory_space<vmem>>, vector<16xf32>,
        %add3A_1544 = arith.addf %add3A_1536, %get3A_1543 : vector<16xf32>
        %add3A_1545 = arith.constant 640 : i32
        %add3A_1546 = arith.addi %add3A_1545, %scan3A_969 : i32
        %get3A_1547 = arith.constant 0 : i32
        %get3A_1548 = arith.index_cast %get3A_1547 : i32 to index
        %get3A_1549 = arith.index_cast %add3A_1546 : i32 to index
        %get3A_1550 = arith.constant 32 : index
        %get3A_1551 = tpu.vector_load %arg7[%get3A_1548, %get3A_1549, %get3A_1550] {strides = array<i32>} : memref<2x832x64xf32, #tpu.memory_space<vmem>>, vector<16xf32>,
        %add3A_1552 = arith.addf %add3A_1544, %get3A_1551 : vector<16xf32>
        %add3A_1553 = arith.constant 672 : i32
        %add3A_1554 = arith.addi %add3A_1553, %scan3A_969 : i32
        %get3A_1555 = arith.constant 0 : i32
        %get3A_1556 = arith.index_cast %get3A_1555 : i32 to index
        %get3A_1557 = arith.index_cast %add3A_1554 : i32 to index
        %get3A_1558 = arith.constant 32 : index
        %get3A_1559 = tpu.vector_load %arg7[%get3A_1556, %get3A_1557, %get3A_1558] {strides = array<i32>} : memref<2x832x64xf32, #tpu.memory_space<vmem>>, vector<16xf32>,
        %add3A_1560 = arith.addf %add3A_1552, %get3A_1559 : vector<16xf32>
        %add3A_1561 = arith.constant 704 : i32
        %add3A_1562 = arith.addi %add3A_1561, %scan3A_969 : i32
        %get3A_1563 = arith.constant 0 : i32
        %get3A_1564 = arith.index_cast %get3A_1563 : i32 to index
        %get3A_1565 = arith.index_cast %add3A_1562 : i32 to index
        %get3A_1566 = arith.constant 32 : index
        %get3A_1567 = tpu.vector_load %arg7[%get3A_1564, %get3A_1565, %get3A_1566] {strides = array<i32>} : memref<2x832x64xf32, #tpu.memory_space<vmem>>, vector<16xf32>,
        %add3A_1568 = arith.addf %add3A_1560, %get3A_1567 : vector<16xf32>
        %add3A_1569 = arith.constant 736 : i32
        %add3A_1570 = arith.addi %add3A_1569, %scan3A_969 : i32
        %get3A_1571 = arith.constant 0 : i32
        %get3A_1572 = arith.index_cast %get3A_1571 : i32 to index
        %get3A_1573 = arith.index_cast %add3A_1570 : i32 to index
        %get3A_1574 = arith.constant 32 : index
        %get3A_1575 = tpu.vector_load %arg7[%get3A_1572, %get3A_1573, %get3A_1574] {strides = array<i32>} : memref<2x832x64xf32, #tpu.memory_space<vmem>>, vector<16xf32>,
        %add3A_1576 = arith.addf %add3A_1568, %get3A_1575 : vector<16xf32>
        %add3A_1577 = arith.constant 768 : i32
        %add3A_1578 = arith.addi %add3A_1577, %scan3A_969 : i32
        %get3A_1579 = arith.constant 0 : i32
        %get3A_1580 = arith.index_cast %get3A_1579 : i32 to index
        %get3A_1581 = arith.index_cast %add3A_1578 : i32 to index
        %get3A_1582 = arith.constant 32 : index
        %get3A_1583 = tpu.vector_load %arg7[%get3A_1580, %get3A_1581, %get3A_1582] {strides = array<i32>} : memref<2x832x64xf32, #tpu.memory_space<vmem>>, vector<16xf32>,
        %add3A_1584 = arith.addf %add3A_1576, %get3A_1583 : vector<16xf32>
        %add3A_1585 = arith.constant 800 : i32
        %add3A_1586 = arith.addi %add3A_1585, %scan3A_969 : i32
        %get3A_1587 = arith.constant 0 : i32
        %get3A_1588 = arith.index_cast %get3A_1587 : i32 to index
        %get3A_1589 = arith.index_cast %add3A_1586 : i32 to index
        %get3A_1590 = arith.constant 32 : index
        %get3A_1591 = tpu.vector_load %arg7[%get3A_1588, %get3A_1589, %get3A_1590] {strides = array<i32>} : memref<2x832x64xf32, #tpu.memory_space<vmem>>, vector<16xf32>,
        %add3A_1592 = arith.addf %add3A_1584, %get3A_1591 : vector<16xf32>
        %swap3A_1593 = arith.constant 0 : i32
        %swap3A_1594 = arith.index_cast %swap3A_1593 : i32 to index
        %swap3A_1595 = arith.index_cast %scan3A_969 : i32 to index
        %swap3A_1596 = arith.constant 32 : index
        %swap3A_1597 = tpu.vector_load %arg9[%swap3A_1594, %swap3A_1595, %swap3A_1596] {strides = array<i32>} : memref<2x32x80xf32, #tpu.memory_space<vmem>>, vector<16xf32>,
        tpu.vector_store %arg9[%swap3A_1594, %swap3A_1595, %swap3A_1596], %add3A_1592 {strides = array<i32>} : memref<2x32x80xf32, #tpu.memory_space<vmem>>, vector<16xf32>,
        %get3A_1598 = arith.constant 0 : i32
        %get3A_1599 = arith.index_cast %get3A_1598 : i32 to index
        %get3A_1600 = arith.index_cast %scan3A_969 : i32 to index
        %get3A_1601 = arith.constant 48 : index
        %get3A_1602 = tpu.vector_load %arg7[%get3A_1599, %get3A_1600, %get3A_1601] {strides = array<i32>} : memref<2x832x64xf32, #tpu.memory_space<vmem>>, vector<16xf32>,
        %add3A_1603 = arith.constant 32 : i32
        %add3A_1604 = arith.addi %add3A_1603, %scan3A_969 : i32
        %get3A_1605 = arith.constant 0 : i32
        %get3A_1606 = arith.index_cast %get3A_1605 : i32 to index
        %get3A_1607 = arith.index_cast %add3A_1604 : i32 to index
        %get3A_1608 = arith.constant 48 : index
        %get3A_1609 = tpu.vector_load %arg7[%get3A_1606, %get3A_1607, %get3A_1608] {strides = array<i32>} : memref<2x832x64xf32, #tpu.memory_space<vmem>>, vector<16xf32>,
        %add3A_1610 = arith.addf %get3A_1602, %get3A_1609 : vector<16xf32>
        %add3A_1611 = arith.constant 64 : i32
        %add3A_1612 = arith.addi %add3A_1611, %scan3A_969 : i32
        %get3A_1613 = arith.constant 0 : i32
        %get3A_1614 = arith.index_cast %get3A_1613 : i32 to index
        %get3A_1615 = arith.index_cast %add3A_1612 : i32 to index
        %get3A_1616 = arith.constant 48 : index
        %get3A_1617 = tpu.vector_load %arg7[%get3A_1614, %get3A_1615, %get3A_1616] {strides = array<i32>} : memref<2x832x64xf32, #tpu.memory_space<vmem>>, vector<16xf32>,
        %add3A_1618 = arith.addf %add3A_1610, %get3A_1617 : vector<16xf32>
        %add3A_1619 = arith.constant 96 : i32
        %add3A_1620 = arith.addi %add3A_1619, %scan3A_969 : i32
        %get3A_1621 = arith.constant 0 : i32
        %get3A_1622 = arith.index_cast %get3A_1621 : i32 to index
        %get3A_1623 = arith.index_cast %add3A_1620 : i32 to index
        %get3A_1624 = arith.constant 48 : index
        %get3A_1625 = tpu.vector_load %arg7[%get3A_1622, %get3A_1623, %get3A_1624] {strides = array<i32>} : memref<2x832x64xf32, #tpu.memory_space<vmem>>, vector<16xf32>,
        %add3A_1626 = arith.addf %add3A_1618, %get3A_1625 : vector<16xf32>
        %add3A_1627 = arith.constant 128 : i32
        %add3A_1628 = arith.addi %add3A_1627, %scan3A_969 : i32
        %get3A_1629 = arith.constant 0 : i32
        %get3A_1630 = arith.index_cast %get3A_1629 : i32 to index
        %get3A_1631 = arith.index_cast %add3A_1628 : i32 to index
        %get3A_1632 = arith.constant 48 : index
        %get3A_1633 = tpu.vector_load %arg7[%get3A_1630, %get3A_1631, %get3A_1632] {strides = array<i32>} : memref<2x832x64xf32, #tpu.memory_space<vmem>>, vector<16xf32>,
        %add3A_1634 = arith.addf %add3A_1626, %get3A_1633 : vector<16xf32>
        %add3A_1635 = arith.constant 160 : i32
        %add3A_1636 = arith.addi %add3A_1635, %scan3A_969 : i32
        %get3A_1637 = arith.constant 0 : i32
        %get3A_1638 = arith.index_cast %get3A_1637 : i32 to index
        %get3A_1639 = arith.index_cast %add3A_1636 : i32 to index
        %get3A_1640 = arith.constant 48 : index
        %get3A_1641 = tpu.vector_load %arg7[%get3A_1638, %get3A_1639, %get3A_1640] {strides = array<i32>} : memref<2x832x64xf32, #tpu.memory_space<vmem>>, vector<16xf32>,
        %add3A_1642 = arith.addf %add3A_1634, %get3A_1641 : vector<16xf32>
        %add3A_1643 = arith.constant 192 : i32
        %add3A_1644 = arith.addi %add3A_1643, %scan3A_969 : i32
        %get3A_1645 = arith.constant 0 : i32
        %get3A_1646 = arith.index_cast %get3A_1645 : i32 to index
        %get3A_1647 = arith.index_cast %add3A_1644 : i32 to index
        %get3A_1648 = arith.constant 48 : index
        %get3A_1649 = tpu.vector_load %arg7[%get3A_1646, %get3A_1647, %get3A_1648] {strides = array<i32>} : memref<2x832x64xf32, #tpu.memory_space<vmem>>, vector<16xf32>,
        %add3A_1650 = arith.addf %add3A_1642, %get3A_1649 : vector<16xf32>
        %add3A_1651 = arith.constant 224 : i32
        %add3A_1652 = arith.addi %add3A_1651, %scan3A_969 : i32
        %get3A_1653 = arith.constant 0 : i32
        %get3A_1654 = arith.index_cast %get3A_1653 : i32 to index
        %get3A_1655 = arith.index_cast %add3A_1652 : i32 to index
        %get3A_1656 = arith.constant 48 : index
        %get3A_1657 = tpu.vector_load %arg7[%get3A_1654, %get3A_1655, %get3A_1656] {strides = array<i32>} : memref<2x832x64xf32, #tpu.memory_space<vmem>>, vector<16xf32>,
        %add3A_1658 = arith.addf %add3A_1650, %get3A_1657 : vector<16xf32>
        %add3A_1659 = arith.constant 256 : i32
        %add3A_1660 = arith.addi %add3A_1659, %scan3A_969 : i32
        %get3A_1661 = arith.constant 0 : i32
        %get3A_1662 = arith.index_cast %get3A_1661 : i32 to index
        %get3A_1663 = arith.index_cast %add3A_1660 : i32 to index
        %get3A_1664 = arith.constant 48 : index
        %get3A_1665 = tpu.vector_load %arg7[%get3A_1662, %get3A_1663, %get3A_1664] {strides = array<i32>} : memref<2x832x64xf32, #tpu.memory_space<vmem>>, vector<16xf32>,
        %add3A_1666 = arith.addf %add3A_1658, %get3A_1665 : vector<16xf32>
        %add3A_1667 = arith.constant 288 : i32
        %add3A_1668 = arith.addi %add3A_1667, %scan3A_969 : i32
        %get3A_1669 = arith.constant 0 : i32
        %get3A_1670 = arith.index_cast %get3A_1669 : i32 to index
        %get3A_1671 = arith.index_cast %add3A_1668 : i32 to index
        %get3A_1672 = arith.constant 48 : index
        %get3A_1673 = tpu.vector_load %arg7[%get3A_1670, %get3A_1671, %get3A_1672] {strides = array<i32>} : memref<2x832x64xf32, #tpu.memory_space<vmem>>, vector<16xf32>,
        %add3A_1674 = arith.addf %add3A_1666, %get3A_1673 : vector<16xf32>
        %add3A_1675 = arith.constant 320 : i32
        %add3A_1676 = arith.addi %add3A_1675, %scan3A_969 : i32
        %get3A_1677 = arith.constant 0 : i32
        %get3A_1678 = arith.index_cast %get3A_1677 : i32 to index
        %get3A_1679 = arith.index_cast %add3A_1676 : i32 to index
        %get3A_1680 = arith.constant 48 : index
        %get3A_1681 = tpu.vector_load %arg7[%get3A_1678, %get3A_1679, %get3A_1680] {strides = array<i32>} : memref<2x832x64xf32, #tpu.memory_space<vmem>>, vector<16xf32>,
        %add3A_1682 = arith.addf %add3A_1674, %get3A_1681 : vector<16xf32>
        %add3A_1683 = arith.constant 352 : i32
        %add3A_1684 = arith.addi %add3A_1683, %scan3A_969 : i32
        %get3A_1685 = arith.constant 0 : i32
        %get3A_1686 = arith.index_cast %get3A_1685 : i32 to index
        %get3A_1687 = arith.index_cast %add3A_1684 : i32 to index
        %get3A_1688 = arith.constant 48 : index
        %get3A_1689 = tpu.vector_load %arg7[%get3A_1686, %get3A_1687, %get3A_1688] {strides = array<i32>} : memref<2x832x64xf32, #tpu.memory_space<vmem>>, vector<16xf32>,
        %add3A_1690 = arith.addf %add3A_1682, %get3A_1689 : vector<16xf32>
        %add3A_1691 = arith.constant 384 : i32
        %add3A_1692 = arith.addi %add3A_1691, %scan3A_969 : i32
        %get3A_1693 = arith.constant 0 : i32
        %get3A_1694 = arith.index_cast %get3A_1693 : i32 to index
        %get3A_1695 = arith.index_cast %add3A_1692 : i32 to index
        %get3A_1696 = arith.constant 48 : index
        %get3A_1697 = tpu.vector_load %arg7[%get3A_1694, %get3A_1695, %get3A_1696] {strides = array<i32>} : memref<2x832x64xf32, #tpu.memory_space<vmem>>, vector<16xf32>,
        %add3A_1698 = arith.addf %add3A_1690, %get3A_1697 : vector<16xf32>
        %add3A_1699 = arith.constant 416 : i32
        %add3A_1700 = arith.addi %add3A_1699, %scan3A_969 : i32
        %get3A_1701 = arith.constant 0 : i32
        %get3A_1702 = arith.index_cast %get3A_1701 : i32 to index
        %get3A_1703 = arith.index_cast %add3A_1700 : i32 to index
        %get3A_1704 = arith.constant 48 : index
        %get3A_1705 = tpu.vector_load %arg7[%get3A_1702, %get3A_1703, %get3A_1704] {strides = array<i32>} : memref<2x832x64xf32, #tpu.memory_space<vmem>>, vector<16xf32>,
        %add3A_1706 = arith.addf %add3A_1698, %get3A_1705 : vector<16xf32>
        %add3A_1707 = arith.constant 448 : i32
        %add3A_1708 = arith.addi %add3A_1707, %scan3A_969 : i32
        %get3A_1709 = arith.constant 0 : i32
        %get3A_1710 = arith.index_cast %get3A_1709 : i32 to index
        %get3A_1711 = arith.index_cast %add3A_1708 : i32 to index
        %get3A_1712 = arith.constant 48 : index
        %get3A_1713 = tpu.vector_load %arg7[%get3A_1710, %get3A_1711, %get3A_1712] {strides = array<i32>} : memref<2x832x64xf32, #tpu.memory_space<vmem>>, vector<16xf32>,
        %add3A_1714 = arith.addf %add3A_1706, %get3A_1713 : vector<16xf32>
        %add3A_1715 = arith.constant 480 : i32
        %add3A_1716 = arith.addi %add3A_1715, %scan3A_969 : i32
        %get3A_1717 = arith.constant 0 : i32
        %get3A_1718 = arith.index_cast %get3A_1717 : i32 to index
        %get3A_1719 = arith.index_cast %add3A_1716 : i32 to index
        %get3A_1720 = arith.constant 48 : index
        %get3A_1721 = tpu.vector_load %arg7[%get3A_1718, %get3A_1719, %get3A_1720] {strides = array<i32>} : memref<2x832x64xf32, #tpu.memory_space<vmem>>, vector<16xf32>,
        %add3A_1722 = arith.addf %add3A_1714, %get3A_1721 : vector<16xf32>
        %add3A_1723 = arith.constant 512 : i32
        %add3A_1724 = arith.addi %add3A_1723, %scan3A_969 : i32
        %get3A_1725 = arith.constant 0 : i32
        %get3A_1726 = arith.index_cast %get3A_1725 : i32 to index
        %get3A_1727 = arith.index_cast %add3A_1724 : i32 to index
        %get3A_1728 = arith.constant 48 : index
        %get3A_1729 = tpu.vector_load %arg7[%get3A_1726, %get3A_1727, %get3A_1728] {strides = array<i32>} : memref<2x832x64xf32, #tpu.memory_space<vmem>>, vector<16xf32>,
        %add3A_1730 = arith.addf %add3A_1722, %get3A_1729 : vector<16xf32>
        %add3A_1731 = arith.constant 544 : i32
        %add3A_1732 = arith.addi %add3A_1731, %scan3A_969 : i32
        %get3A_1733 = arith.constant 0 : i32
        %get3A_1734 = arith.index_cast %get3A_1733 : i32 to index
        %get3A_1735 = arith.index_cast %add3A_1732 : i32 to index
        %get3A_1736 = arith.constant 48 : index
        %get3A_1737 = tpu.vector_load %arg7[%get3A_1734, %get3A_1735, %get3A_1736] {strides = array<i32>} : memref<2x832x64xf32, #tpu.memory_space<vmem>>, vector<16xf32>,
        %add3A_1738 = arith.addf %add3A_1730, %get3A_1737 : vector<16xf32>
        %add3A_1739 = arith.constant 576 : i32
        %add3A_1740 = arith.addi %add3A_1739, %scan3A_969 : i32
        %get3A_1741 = arith.constant 0 : i32
        %get3A_1742 = arith.index_cast %get3A_1741 : i32 to index
        %get3A_1743 = arith.index_cast %add3A_1740 : i32 to index
        %get3A_1744 = arith.constant 48 : index
        %get3A_1745 = tpu.vector_load %arg7[%get3A_1742, %get3A_1743, %get3A_1744] {strides = array<i32>} : memref<2x832x64xf32, #tpu.memory_space<vmem>>, vector<16xf32>,
        %add3A_1746 = arith.addf %add3A_1738, %get3A_1745 : vector<16xf32>
        %add3A_1747 = arith.constant 608 : i32
        %add3A_1748 = arith.addi %add3A_1747, %scan3A_969 : i32
        %get3A_1749 = arith.constant 0 : i32
        %get3A_1750 = arith.index_cast %get3A_1749 : i32 to index
        %get3A_1751 = arith.index_cast %add3A_1748 : i32 to index
        %get3A_1752 = arith.constant 48 : index
        %get3A_1753 = tpu.vector_load %arg7[%get3A_1750, %get3A_1751, %get3A_1752] {strides = array<i32>} : memref<2x832x64xf32, #tpu.memory_space<vmem>>, vector<16xf32>,
        %add3A_1754 = arith.addf %add3A_1746, %get3A_1753 : vector<16xf32>
        %add3A_1755 = arith.constant 640 : i32
        %add3A_1756 = arith.addi %add3A_1755, %scan3A_969 : i32
        %get3A_1757 = arith.constant 0 : i32
        %get3A_1758 = arith.index_cast %get3A_1757 : i32 to index
        %get3A_1759 = arith.index_cast %add3A_1756 : i32 to index
        %get3A_1760 = arith.constant 48 : index
        %get3A_1761 = tpu.vector_load %arg7[%get3A_1758, %get3A_1759, %get3A_1760] {strides = array<i32>} : memref<2x832x64xf32, #tpu.memory_space<vmem>>, vector<16xf32>,
        %add3A_1762 = arith.addf %add3A_1754, %get3A_1761 : vector<16xf32>
        %add3A_1763 = arith.constant 672 : i32
        %add3A_1764 = arith.addi %add3A_1763, %scan3A_969 : i32
        %get3A_1765 = arith.constant 0 : i32
        %get3A_1766 = arith.index_cast %get3A_1765 : i32 to index
        %get3A_1767 = arith.index_cast %add3A_1764 : i32 to index
        %get3A_1768 = arith.constant 48 : index
        %get3A_1769 = tpu.vector_load %arg7[%get3A_1766, %get3A_1767, %get3A_1768] {strides = array<i32>} : memref<2x832x64xf32, #tpu.memory_space<vmem>>, vector<16xf32>,
        %add3A_1770 = arith.addf %add3A_1762, %get3A_1769 : vector<16xf32>
        %add3A_1771 = arith.constant 704 : i32
        %add3A_1772 = arith.addi %add3A_1771, %scan3A_969 : i32
        %get3A_1773 = arith.constant 0 : i32
        %get3A_1774 = arith.index_cast %get3A_1773 : i32 to index
        %get3A_1775 = arith.index_cast %add3A_1772 : i32 to index
        %get3A_1776 = arith.constant 48 : index
        %get3A_1777 = tpu.vector_load %arg7[%get3A_1774, %get3A_1775, %get3A_1776] {strides = array<i32>} : memref<2x832x64xf32, #tpu.memory_space<vmem>>, vector<16xf32>,
        %add3A_1778 = arith.addf %add3A_1770, %get3A_1777 : vector<16xf32>
        %add3A_1779 = arith.constant 736 : i32
        %add3A_1780 = arith.addi %add3A_1779, %scan3A_969 : i32
        %get3A_1781 = arith.constant 0 : i32
        %get3A_1782 = arith.index_cast %get3A_1781 : i32 to index
        %get3A_1783 = arith.index_cast %add3A_1780 : i32 to index
        %get3A_1784 = arith.constant 48 : index
        %get3A_1785 = tpu.vector_load %arg7[%get3A_1782, %get3A_1783, %get3A_1784] {strides = array<i32>} : memref<2x832x64xf32, #tpu.memory_space<vmem>>, vector<16xf32>,
        %add3A_1786 = arith.addf %add3A_1778, %get3A_1785 : vector<16xf32>
        %add3A_1787 = arith.constant 768 : i32
        %add3A_1788 = arith.addi %add3A_1787, %scan3A_969 : i32
        %get3A_1789 = arith.constant 0 : i32
        %get3A_1790 = arith.index_cast %get3A_1789 : i32 to index
        %get3A_1791 = arith.index_cast %add3A_1788 : i32 to index
        %get3A_1792 = arith.constant 48 : index
        %get3A_1793 = tpu.vector_load %arg7[%get3A_1790, %get3A_1791, %get3A_1792] {strides = array<i32>} : memref<2x832x64xf32, #tpu.memory_space<vmem>>, vector<16xf32>,
        %add3A_1794 = arith.addf %add3A_1786, %get3A_1793 : vector<16xf32>
        %add3A_1795 = arith.constant 800 : i32
        %add3A_1796 = arith.addi %add3A_1795, %scan3A_969 : i32
        %get3A_1797 = arith.constant 0 : i32
        %get3A_1798 = arith.index_cast %get3A_1797 : i32 to index
        %get3A_1799 = arith.index_cast %add3A_1796 : i32 to index
        %get3A_1800 = arith.constant 48 : index
        %get3A_1801 = tpu.vector_load %arg7[%get3A_1798, %get3A_1799, %get3A_1800] {strides = array<i32>} : memref<2x832x64xf32, #tpu.memory_space<vmem>>, vector<16xf32>,
        %add3A_1802 = arith.addf %add3A_1794, %get3A_1801 : vector<16xf32>
        %swap3A_1803 = arith.constant 0 : i32
        %swap3A_1804 = arith.index_cast %swap3A_1803 : i32 to index
        %swap3A_1805 = arith.index_cast %scan3A_969 : i32 to index
        %swap3A_1806 = arith.constant 48 : index
        %swap3A_1807 = tpu.vector_load %arg9[%swap3A_1804, %swap3A_1805, %swap3A_1806] {strides = array<i32>} : memref<2x32x80xf32, #tpu.memory_space<vmem>>, vector<16xf32>,
        tpu.vector_store %arg9[%swap3A_1804, %swap3A_1805, %swap3A_1806], %add3A_1802 {strides = array<i32>} : memref<2x32x80xf32, #tpu.memory_space<vmem>>, vector<16xf32>,
        %broadcast_in_dim3A = vector.broadcast %scan3A_969 : i32 to vector<16xi32>
        %gather3A = arith.constant 0 : i32
        %gather3A_1808 = arith.constant 0 : i32
        %gather3A_1809 = arith.constant 0 : i32
        %gather3A_1810 = arith.constant 0 : i32
        %gather3A_1811 = tpu.memref_slice %arg8[%gather3A, %gather3A_1808, %gather3A_1809, %gather3A_1810] : memref<2x2x8x32xf32, #tpu.memory_space<vmem>> -> memref<1x2x8x32xf32, #tpu.memory_space<vmem>>
        %gather3A_1812 = tpu.memref_squeeze %gather3A_1811 : memref<1x2x8x32xf32, #tpu.memory_space<vmem>> -> memref<2x8x32xf32, #tpu.memory_space<vmem>>
        %gather3A_1813 = tpu.vector_load_idx %gather3A_1812[%shift_right_logical3A_34, %and3A_37, %broadcast_in_dim3A] : memref<2x8x32xf32, #tpu.memory_space<vmem>>[vector<16xi32>, vector<16xi32>, vector<16xi32>], vector<16xf32>,
        %swap3A_1814 = arith.constant 0 : i32
        %swap3A_1815 = arith.index_cast %swap3A_1814 : i32 to index
        %swap3A_1816 = arith.index_cast %scan3A_969 : i32 to index
        %swap3A_1817 = arith.constant 64 : index
        %swap3A_1818 = tpu.vector_load %arg9[%swap3A_1815, %swap3A_1816, %swap3A_1817] {strides = array<i32>} : memref<2x32x80xf32, #tpu.memory_space<vmem>>, vector<16xf32>,
        tpu.vector_store %arg9[%swap3A_1815, %swap3A_1816, %swap3A_1817], %gather3A_1813 {strides = array<i32>} : memref<2x32x80xf32, #tpu.memory_space<vmem>>, vector<16xf32>,
      }
      %scan3A_849 = arith.constant 32 : i32
      %add3A_850 = arith.constant 2 : i32
      %add3A_851 = arith.addi %add3A_787, %add3A_850 : i32
      %lt3A_852 = arith.constant 50 : i32
      %lt3A_853 = arith.cmpi slt, %add3A_851, %lt3A_852 : i32
      %convert_element_type3A_854 = arith.extui %lt3A_853 : i1 to i32
      %cond3A_855 = arith.constant 0 : i32
      %cond3A_856 = arith.cmpi ne, %convert_element_type3A_854, %cond3A_855 : i32
      scf.if %cond3A_856 {
        %add3A_969 = arith.constant 2 : i32
        %add3A_970 = arith.addi %add3A_787, %add3A_969 : i32
        %dma_start3A_971 = arith.constant 0 : i32
        %dma_start3A_972 = arith.constant 0 : i32
        %dma_start3A_973 = arith.constant 0 : i32
        %dma_start3A_974 = arith.constant 0 : i32
        %dma_start3A_975 = arith.constant 0 : i32
        %dma_start3A_976 = tpu.memref_slice %arg8[%dma_start3A_971, %dma_start3A_973, %dma_start3A_974, %dma_start3A_975] : memref<2x2x8x32xf32, #tpu.memory_space<vmem>> -> memref<1x2x8x32xf32, #tpu.memory_space<vmem>>
        %dma_start3A_977 = tpu.memref_squeeze %dma_start3A_976 : memref<1x2x8x32xf32, #tpu.memory_space<vmem>> -> memref<2x8x32xf32, #tpu.memory_space<vmem>>
        %dma_start3A_978 = arith.constant 0 : i32
        %dma_start3A_979 = arith.constant 0 : i32
        %dma_start3A_980 = tpu.memref_slice %arg3[%add3A_970, %dma_start3A_978, %select_n3A, %dma_start3A_979, %select_n3A_32] : memref<50x2x8x8x128xf32, #tpu.memory_space<hbm>> -> memref<1x2x1x8x32xf32, #tpu.memory_space<hbm>>
        %dma_start3A_981 = tpu.memref_squeeze %dma_start3A_980 : memref<1x2x1x8x32xf32, #tpu.memory_space<hbm>> -> memref<2x8x32xf32, #tpu.memory_space<hbm>>
        %dma_start3A_982 = tpu.memref_slice %arg11[%dma_start3A_972] : memref<2x!tpu.dma_semaphore, #tpu.memory_space<semaphore_mem>> -> memref<1x!tpu.dma_semaphore, #tpu.memory_space<semaphore_mem>>
        %dma_start3A_983 = tpu.memref_squeeze %dma_start3A_982 : memref<1x!tpu.dma_semaphore, #tpu.memory_space<semaphore_mem>> -> memref<!tpu.dma_semaphore, #tpu.memory_space<semaphore_mem>>
        %dma_start3A_984 = arith.constant 0 : i32
        %dma_start3A_985 = arith.constant 0 : i32
        %dma_start3A_986 = arith.constant 0 : i32
        %dma_start3A_987 = tpu.memref_slice %arg8[%dma_start3A_971, %dma_start3A_984, %dma_start3A_985, %dma_start3A_986] : memref<2x2x8x32xf32, #tpu.memory_space<vmem>> -> memref<1x2x8x32xf32, #tpu.memory_space<vmem>>
        %dma_start3A_988 = tpu.memref_squeeze %dma_start3A_987 : memref<1x2x8x32xf32, #tpu.memory_space<vmem>> -> memref<2x8x32xf32, #tpu.memory_space<vmem>>
        %dma_start3A_989 = arith.constant 0 : i32
        %dma_start3A_990 = arith.constant 0 : i32
        %dma_start3A_991 = tpu.memref_slice %arg3[%add3A_970, %dma_start3A_989, %select_n3A, %dma_start3A_990, %select_n3A_32] : memref<50x2x8x8x128xf32, #tpu.memory_space<hbm>> -> memref<1x2x1x8x32xf32, #tpu.memory_space<hbm>>
        %dma_start3A_992 = tpu.memref_squeeze %dma_start3A_991 : memref<1x2x1x8x32xf32, #tpu.memory_space<hbm>> -> memref<2x8x32xf32, #tpu.memory_space<hbm>>
        tpu.enqueue_dma source(%dma_start3A_992 : memref<2x8x32xf32, #tpu.memory_space<hbm>>) target(%dma_start3A_988 : memref<2x8x32xf32, #tpu.memory_space<vmem>>) target_semaphore(%dma_start3A_983 : memref<!tpu.dma_semaphore, #tpu.memory_space<semaphore_mem>>)
      } else {
      }
      %dma_start3A_857 = arith.constant 0 : i32
      %dma_start3A_858 = arith.constant 0 : i32
      %dma_start3A_859 = arith.constant 0 : i32
      %dma_start3A_860 = arith.constant 0 : i32
      %dma_start3A_861 = tpu.memref_slice %arg9[%dma_start3A_857, %dma_start3A_859, %dma_start3A_860] : memref<2x32x80xf32, #tpu.memory_space<vmem>> -> memref<1x32x80xf32, #tpu.memory_space<vmem>>
      %dma_start3A_862 = tpu.memref_squeeze %dma_start3A_861 : memref<1x32x80xf32, #tpu.memory_space<vmem>> -> memref<32x80xf32, #tpu.memory_space<vmem>>
      %dma_start3A_863 = arith.constant 0 : i32
      %dma_start3A_864 = tpu.memref_slice %arg5[%mul3A_2, %add3A_787, %dma_start3A_863] : memref<1024x50x80xf32, #tpu.memory_space<hbm>> -> memref<32x1x80xf32, #tpu.memory_space<hbm>>
      %dma_start3A_865 = tpu.memref_squeeze %dma_start3A_864 : memref<32x1x80xf32, #tpu.memory_space<hbm>> -> memref<32x80xf32, #tpu.memory_space<hbm>>
      %dma_start3A_866 = tpu.memref_slice %arg13[%dma_start3A_858] : memref<2x!tpu.dma_semaphore, #tpu.memory_space<semaphore_mem>> -> memref<1x!tpu.dma_semaphore, #tpu.memory_space<semaphore_mem>>
      %dma_start3A_867 = tpu.memref_squeeze %dma_start3A_866 : memref<1x!tpu.dma_semaphore, #tpu.memory_space<semaphore_mem>> -> memref<!tpu.dma_semaphore, #tpu.memory_space<semaphore_mem>>
      %dma_start3A_868 = arith.constant 0 : i32
      %dma_start3A_869 = tpu.memref_slice %arg5[%mul3A_2, %add3A_787, %dma_start3A_868] : memref<1024x50x80xf32, #tpu.memory_space<hbm>> -> memref<32x1x80xf32, #tpu.memory_space<hbm>>
      %dma_start3A_870 = tpu.memref_squeeze %dma_start3A_869 : memref<32x1x80xf32, #tpu.memory_space<hbm>> -> memref<32x80xf32, #tpu.memory_space<hbm>>
      %dma_start3A_871 = arith.constant 0 : i32
      %dma_start3A_872 = arith.constant 0 : i32
      %dma_start3A_873 = tpu.memref_slice %arg9[%dma_start3A_857, %dma_start3A_871, %dma_start3A_872] : memref<2x32x80xf32, #tpu.memory_space<vmem>> -> memref<1x32x80xf32, #tpu.memory_space<vmem>>
      %dma_start3A_874 = tpu.memref_squeeze %dma_start3A_873 : memref<1x32x80xf32, #tpu.memory_space<vmem>> -> memref<32x80xf32, #tpu.memory_space<vmem>>
      tpu.enqueue_dma source(%dma_start3A_874 : memref<32x80xf32, #tpu.memory_space<vmem>>) target(%dma_start3A_870 : memref<32x80xf32, #tpu.memory_space<hbm>>) target_semaphore(%dma_start3A_867 : memref<!tpu.dma_semaphore, #tpu.memory_space<semaphore_mem>>)
      %mul3A_875 = arith.constant 2 : i32
      %mul3A_876 = arith.muli %scan3A_783, %mul3A_875 : i32
      %add3A_877 = arith.constant 1 : i32
      %add3A_878 = arith.addi %mul3A_876, %add3A_877 : i32
      %add3A_879 = arith.constant 1 : i32
      %add3A_880 = arith.addi %add3A_878, %add3A_879 : i32
      %lt3A_881 = arith.constant 50 : i32
      %lt3A_882 = arith.cmpi slt, %add3A_880, %lt3A_881 : i32
      %convert_element_type3A_883 = arith.extui %lt3A_882 : i1 to i32
      %cond3A_884 = arith.constant 0 : i32
      %cond3A_885 = arith.cmpi ne, %convert_element_type3A_883, %cond3A_884 : i32
      scf.if %cond3A_885 {
        %add3A_969 = arith.constant 1 : i32
        %add3A_970 = arith.addi %add3A_878, %add3A_969 : i32
        %jit3A_971 = arith.constant 8 : i32
        %div3A_972 = arith.divsi %add3A_970, %jit3A_971 : i32
        %sign3A_973 = arith.constant 0 : i32
        %sign3A_974 = arith.cmpi sgt, %add3A_970, %sign3A_973 : i32
        %sign3A_975 = arith.extui %sign3A_974 : i1 to i32
        %sign3A_976 = arith.constant 0 : i32
        %sign3A_977 = arith.cmpi slt, %add3A_970, %sign3A_976 : i32
        %sign3A_978 = arith.extui %sign3A_977 : i1 to i32
        %sign3A_979 = arith.subi %sign3A_975, %sign3A_978 : i32
        %sign3A_980 = arith.constant 0 : i32
        %sign3A_981 = arith.cmpi sgt, %jit3A_971, %sign3A_980 : i32
        %sign3A_982 = arith.extui %sign3A_981 : i1 to i32
        %sign3A_983 = arith.constant 0 : i32
        %sign3A_984 = arith.cmpi slt, %jit3A_971, %sign3A_983 : i32
        %sign3A_985 = arith.extui %sign3A_984 : i1 to i32
        %sign3A_986 = arith.subi %sign3A_982, %sign3A_985 : i32
        %ne3A_987 = arith.cmpi ne, %sign3A_979, %sign3A_986 : i32
        %rem3A_988 = arith.remsi %add3A_970, %jit3A_971 : i32
        %ne3A_989 = arith.constant 0 : i32
        %ne3A_990 = arith.cmpi ne, %rem3A_988, %ne3A_989 : i32
        %and3A_991 = arith.andi %ne3A_987, %ne3A_990 : i1
        %sub3A_992 = arith.constant 1 : i32
        %sub3A_993 = arith.subi %div3A_972, %sub3A_992 : i32
        %select_n3A_994 = arith.select %and3A_991, %sub3A_993, %div3A_972 : i32
        %jit3A_995 = arith.constant 8 : i32
        %eq3A_996 = arith.constant 0 : i32
        %eq3A_997 = arith.cmpi eq, %jit3A_995, %eq3A_996 : i32
        %jit3A_998 = arith.constant 1 : i32
        %select_n3A_999 = arith.select %eq3A_997, %jit3A_998, %jit3A_995 : i32
        %rem3A_1000 = arith.remsi %add3A_970, %select_n3A_999 : i32
        %ne3A_1001 = arith.constant 0 : i32
        %ne3A_1002 = arith.cmpi ne, %rem3A_1000, %ne3A_1001 : i32
        %lt3A_1003 = arith.constant 0 : i32
        %lt3A_1004 = arith.cmpi slt, %rem3A_1000, %lt3A_1003 : i32
        %lt3A_1005 = arith.constant 0 : i32
        %lt3A_1006 = arith.cmpi slt, %select_n3A_999, %lt3A_1005 : i32
        %ne3A_1007 = arith.xori %lt3A_1004, %lt3A_1006 : i1
        %and3A_1008 = arith.andi %ne3A_1007, %ne3A_1002 : i1
        %add3A_1009 = arith.addi %rem3A_1000, %select_n3A_999 : i32
        %select_n3A_1010 = arith.select %and3A_1008, %add3A_1009, %rem3A_1000 : i32
        %dma_wait3A_1011 = arith.constant 0 : i32
        %dma_wait3A_1012 = arith.constant 0 : i32
        %dma_wait3A_1013 = arith.constant 0 : i32
        %dma_wait3A_1014 = arith.constant 0 : i32
        %dma_wait3A_1015 = tpu.memref_slice %arg6[%dma_wait3A_1011, %dma_wait3A_1013, %dma_wait3A_1014] : memref<2x26x32xi32, #tpu.memory_space<vmem>> -> memref<1x26x32xi32, #tpu.memory_space<vmem>>
        %dma_wait3A_1016 = tpu.memref_squeeze %dma_wait3A_1015 : memref<1x26x32xi32, #tpu.memory_space<vmem>> -> memref<26x32xi32, #tpu.memory_space<vmem>>
        %dma_wait3A_1017 = arith.constant 0 : i32
        %dma_wait3A_1018 = tpu.memref_slice %arg2[%dma_wait3A_1017, %select_n3A_994, %select_n3A, %select_n3A_1010, %select_n3A_32] : memref<26x7x8x8x128xi32, #tpu.memory_space<hbm>> -> memref<26x1x1x1x32xi32, #tpu.memory_space<hbm>>
        %dma_wait3A_1019 = tpu.memref_squeeze %dma_wait3A_1018 : memref<26x1x1x1x32xi32, #tpu.memory_space<hbm>> -> memref<26x32xi32, #tpu.memory_space<hbm>>
        %dma_wait3A_1020 = tpu.memref_slice %arg10[%dma_wait3A_1012] : memref<2x!tpu.dma_semaphore, #tpu.memory_space<semaphore_mem>> -> memref<1x!tpu.dma_semaphore, #tpu.memory_space<semaphore_mem>>
        %dma_wait3A_1021 = tpu.memref_squeeze %dma_wait3A_1020 : memref<1x!tpu.dma_semaphore, #tpu.memory_space<semaphore_mem>> -> memref<!tpu.dma_semaphore, #tpu.memory_space<semaphore_mem>>
        %dma_wait3A_1022 = arith.constant 0 : i32
        %dma_wait3A_1023 = arith.constant 0 : i32
        %dma_wait3A_1024 = tpu.memref_slice %arg6[%dma_wait3A_1011, %dma_wait3A_1022, %dma_wait3A_1023] : memref<2x26x32xi32, #tpu.memory_space<vmem>> -> memref<1x26x32xi32, #tpu.memory_space<vmem>>
        %dma_wait3A_1025 = tpu.memref_squeeze %dma_wait3A_1024 : memref<1x26x32xi32, #tpu.memory_space<vmem>> -> memref<26x32xi32, #tpu.memory_space<vmem>>
        %dma_wait3A_1026 = arith.constant 0 : i32
        %dma_wait3A_1027 = tpu.memref_slice %arg2[%dma_wait3A_1026, %select_n3A_994, %select_n3A, %select_n3A_1010, %select_n3A_32] : memref<26x7x8x8x128xi32, #tpu.memory_space<hbm>> -> memref<26x1x1x1x32xi32, #tpu.memory_space<hbm>>
        %dma_wait3A_1028 = tpu.memref_squeeze %dma_wait3A_1027 : memref<26x1x1x1x32xi32, #tpu.memory_space<hbm>> -> memref<26x32xi32, #tpu.memory_space<hbm>>
        tpu.wait_dma2 semaphore(%dma_wait3A_1021 : memref<!tpu.dma_semaphore, #tpu.memory_space<semaphore_mem>>) src(%dma_wait3A_1028 : memref<26x32xi32, #tpu.memory_space<hbm>>) dst(%dma_wait3A_1025 : memref<26x32xi32, #tpu.memory_space<vmem>>)
        %dma_start3A_1029 = arith.constant 0 : i32
        %dma_start3A_1030 = arith.constant 0 : i32
        %dma_start3A_1031 = arith.constant 0 : i32
        %dma_start3A_1032 = arith.constant 0 : i32
        %dma_start3A_1033 = arith.constant 0 : i32
        %dma_start3A_1034 = arith.constant 0 : i32
        %dma_start3A_1035 = tpu.memref_slice %arg7[%dma_start3A_1031, %dma_start3A_1033, %dma_start3A_1034] : memref<2x832x64xf32, #tpu.memory_space<vmem>> -> memref<1x832x64xf32, #tpu.memory_space<vmem>>
        %dma_start3A_1036 = tpu.memref_squeeze %dma_start3A_1035 : memref<1x832x64xf32, #tpu.memory_space<vmem>> -> memref<832x64xf32, #tpu.memory_space<vmem>>
        %dma_start3A_1037 = arith.constant 0 : i32
        %dma_start3A_1038 = arith.constant 0 : i32
        %dma_start3A_1039 = tpu.memref_slice %dma_start3A_1036[%dma_start3A_1037, %dma_start3A_1038] : memref<832x64xf32, #tpu.memory_space<vmem>> -> memref<32x64xf32, #tpu.memory_space<vmem>>
        %dma_start3A_1040 = arith.constant 0 : i32
        %dma_start3A_1041 = arith.constant 0 : i32
        %dma_start3A_1042 = tpu.memref_slice %arg6[%dma_start3A_1029, %dma_start3A_1040, %dma_start3A_1041] : memref<2x26x32xi32, #tpu.memory_space<vmem>> -> memref<1x26x32xi32, #tpu.memory_space<vmem>>
        %dma_start3A_1043 = tpu.memref_squeeze %dma_start3A_1042 : memref<1x26x32xi32, #tpu.memory_space<vmem>> -> memref<26x32xi32, #tpu.memory_space<vmem>>
        %dma_start3A_1044 = arith.constant 0 : i32
        %dma_start3A_1045 = tpu.memref_slice %dma_start3A_1043[%dma_start3A_1030, %dma_start3A_1044] : memref<26x32xi32, #tpu.memory_space<vmem>> -> memref<1x32xi32, #tpu.memory_space<vmem>>
        %dma_start3A_1046 = tpu.memref_squeeze %dma_start3A_1045 : memref<1x32xi32, #tpu.memory_space<vmem>> -> memref<32xi32, #tpu.memory_space<vmem>>
        %dma_start3A_1047 = arith.constant 0 : i32
        %dma_start3A_1048 = arith.constant 0 : i32
        %dma_start3A_1049 = tpu.memref_slice %arg4[%dma_start3A_1047, %dma_start3A_1048] : memref<2000000x64xf32, #tpu.memory_space<hbm>> -> memref<2000000x64xf32, #tpu.memory_space<hbm>>
        %dma_start3A_1050 = tpu.memref_slice %arg12[%dma_start3A_1032] : memref<2x!tpu.dma_semaphore, #tpu.memory_space<semaphore_mem>> -> memref<1x!tpu.dma_semaphore, #tpu.memory_space<semaphore_mem>>
        %dma_start3A_1051 = tpu.memref_squeeze %dma_start3A_1050 : memref<1x!tpu.dma_semaphore, #tpu.memory_space<semaphore_mem>> -> memref<!tpu.dma_semaphore, #tpu.memory_space<semaphore_mem>>
        tpu.enqueue_indirect_dma source(%dma_start3A_1049 : memref<2000000x64xf32, #tpu.memory_space<hbm>>) target(%dma_start3A_1039 : memref<32x64xf32, #tpu.memory_space<vmem>>) offsets(%dma_start3A_1046 : memref<32xi32, #tpu.memory_space<vmem>>) semaphore(%dma_start3A_1051 : memref<!tpu.dma_semaphore, #tpu.memory_space<semaphore_mem>>)
        %dma_start3A_1052 = arith.constant 0 : i32
        %dma_start3A_1053 = arith.constant 1 : i32
        %dma_start3A_1054 = arith.constant 0 : i32
        %dma_start3A_1055 = arith.constant 0 : i32
        %dma_start3A_1056 = arith.constant 0 : i32
        %dma_start3A_1057 = arith.constant 0 : i32
        %dma_start3A_1058 = tpu.memref_slice %arg7[%dma_start3A_1054, %dma_start3A_1056, %dma_start3A_1057] : memref<2x832x64xf32, #tpu.memory_space<vmem>> -> memref<1x832x64xf32, #tpu.memory_space<vmem>>
        %dma_start3A_1059 = tpu.memref_squeeze %dma_start3A_1058 : memref<1x832x64xf32, #tpu.memory_space<vmem>> -> memref<832x64xf32, #tpu.memory_space<vmem>>
        %dma_start3A_1060 = arith.constant 32 : i32
        %dma_start3A_1061 = arith.constant 0 : i32
        %dma_start3A_1062 = tpu.memref_slice %dma_start3A_1059[%dma_start3A_1060, %dma_start3A_1061] : memref<832x64xf32, #tpu.memory_space<vmem>> -> memref<32x64xf32, #tpu.memory_space<vmem>>
        %dma_start3A_1063 = arith.constant 0 : i32
        %dma_start3A_1064 = arith.constant 0 : i32
        %dma_start3A_1065 = tpu.memref_slice %arg6[%dma_start3A_1052, %dma_start3A_1063, %dma_start3A_1064] : memref<2x26x32xi32, #tpu.memory_space<vmem>> -> memref<1x26x32xi32, #tpu.memory_space<vmem>>
        %dma_start3A_1066 = tpu.memref_squeeze %dma_start3A_1065 : memref<1x26x32xi32, #tpu.memory_space<vmem>> -> memref<26x32xi32, #tpu.memory_space<vmem>>
        %dma_start3A_1067 = arith.constant 0 : i32
        %dma_start3A_1068 = tpu.memref_slice %dma_start3A_1066[%dma_start3A_1053, %dma_start3A_1067] : memref<26x32xi32, #tpu.memory_space<vmem>> -> memref<1x32xi32, #tpu.memory_space<vmem>>
        %dma_start3A_1069 = tpu.memref_squeeze %dma_start3A_1068 : memref<1x32xi32, #tpu.memory_space<vmem>> -> memref<32xi32, #tpu.memory_space<vmem>>
        %dma_start3A_1070 = arith.constant 0 : i32
        %dma_start3A_1071 = arith.constant 0 : i32
        %dma_start3A_1072 = tpu.memref_slice %arg4[%dma_start3A_1070, %dma_start3A_1071] : memref<2000000x64xf32, #tpu.memory_space<hbm>> -> memref<2000000x64xf32, #tpu.memory_space<hbm>>
        %dma_start3A_1073 = tpu.memref_slice %arg12[%dma_start3A_1055] : memref<2x!tpu.dma_semaphore, #tpu.memory_space<semaphore_mem>> -> memref<1x!tpu.dma_semaphore, #tpu.memory_space<semaphore_mem>>
        %dma_start3A_1074 = tpu.memref_squeeze %dma_start3A_1073 : memref<1x!tpu.dma_semaphore, #tpu.memory_space<semaphore_mem>> -> memref<!tpu.dma_semaphore, #tpu.memory_space<semaphore_mem>>
        tpu.enqueue_indirect_dma source(%dma_start3A_1072 : memref<2000000x64xf32, #tpu.memory_space<hbm>>) target(%dma_start3A_1062 : memref<32x64xf32, #tpu.memory_space<vmem>>) offsets(%dma_start3A_1069 : memref<32xi32, #tpu.memory_space<vmem>>) semaphore(%dma_start3A_1074 : memref<!tpu.dma_semaphore, #tpu.memory_space<semaphore_mem>>)
        %dma_start3A_1075 = arith.constant 0 : i32
        %dma_start3A_1076 = arith.constant 2 : i32
        %dma_start3A_1077 = arith.constant 0 : i32
        %dma_start3A_1078 = arith.constant 0 : i32
        %dma_start3A_1079 = arith.constant 0 : i32
        %dma_start3A_1080 = arith.constant 0 : i32
        %dma_start3A_1081 = tpu.memref_slice %arg7[%dma_start3A_1077, %dma_start3A_1079, %dma_start3A_1080] : memref<2x832x64xf32, #tpu.memory_space<vmem>> -> memref<1x832x64xf32, #tpu.memory_space<vmem>>
        %dma_start3A_1082 = tpu.memref_squeeze %dma_start3A_1081 : memref<1x832x64xf32, #tpu.memory_space<vmem>> -> memref<832x64xf32, #tpu.memory_space<vmem>>
        %dma_start3A_1083 = arith.constant 64 : i32
        %dma_start3A_1084 = arith.constant 0 : i32
        %dma_start3A_1085 = tpu.memref_slice %dma_start3A_1082[%dma_start3A_1083, %dma_start3A_1084] : memref<832x64xf32, #tpu.memory_space<vmem>> -> memref<32x64xf32, #tpu.memory_space<vmem>>
        %dma_start3A_1086 = arith.constant 0 : i32
        %dma_start3A_1087 = arith.constant 0 : i32
        %dma_start3A_1088 = tpu.memref_slice %arg6[%dma_start3A_1075, %dma_start3A_1086, %dma_start3A_1087] : memref<2x26x32xi32, #tpu.memory_space<vmem>> -> memref<1x26x32xi32, #tpu.memory_space<vmem>>
        %dma_start3A_1089 = tpu.memref_squeeze %dma_start3A_1088 : memref<1x26x32xi32, #tpu.memory_space<vmem>> -> memref<26x32xi32, #tpu.memory_space<vmem>>
        %dma_start3A_1090 = arith.constant 0 : i32
        %dma_start3A_1091 = tpu.memref_slice %dma_start3A_1089[%dma_start3A_1076, %dma_start3A_1090] : memref<26x32xi32, #tpu.memory_space<vmem>> -> memref<1x32xi32, #tpu.memory_space<vmem>>
        %dma_start3A_1092 = tpu.memref_squeeze %dma_start3A_1091 : memref<1x32xi32, #tpu.memory_space<vmem>> -> memref<32xi32, #tpu.memory_space<vmem>>
        %dma_start3A_1093 = arith.constant 0 : i32
        %dma_start3A_1094 = arith.constant 0 : i32
        %dma_start3A_1095 = tpu.memref_slice %arg4[%dma_start3A_1093, %dma_start3A_1094] : memref<2000000x64xf32, #tpu.memory_space<hbm>> -> memref<2000000x64xf32, #tpu.memory_space<hbm>>
        %dma_start3A_1096 = tpu.memref_slice %arg12[%dma_start3A_1078] : memref<2x!tpu.dma_semaphore, #tpu.memory_space<semaphore_mem>> -> memref<1x!tpu.dma_semaphore, #tpu.memory_space<semaphore_mem>>
        %dma_start3A_1097 = tpu.memref_squeeze %dma_start3A_1096 : memref<1x!tpu.dma_semaphore, #tpu.memory_space<semaphore_mem>> -> memref<!tpu.dma_semaphore, #tpu.memory_space<semaphore_mem>>
        tpu.enqueue_indirect_dma source(%dma_start3A_1095 : memref<2000000x64xf32, #tpu.memory_space<hbm>>) target(%dma_start3A_1085 : memref<32x64xf32, #tpu.memory_space<vmem>>) offsets(%dma_start3A_1092 : memref<32xi32, #tpu.memory_space<vmem>>) semaphore(%dma_start3A_1097 : memref<!tpu.dma_semaphore, #tpu.memory_space<semaphore_mem>>)
        %dma_start3A_1098 = arith.constant 0 : i32
        %dma_start3A_1099 = arith.constant 3 : i32
        %dma_start3A_1100 = arith.constant 0 : i32
        %dma_start3A_1101 = arith.constant 0 : i32
        %dma_start3A_1102 = arith.constant 0 : i32
        %dma_start3A_1103 = arith.constant 0 : i32
        %dma_start3A_1104 = tpu.memref_slice %arg7[%dma_start3A_1100, %dma_start3A_1102, %dma_start3A_1103] : memref<2x832x64xf32, #tpu.memory_space<vmem>> -> memref<1x832x64xf32, #tpu.memory_space<vmem>>
        %dma_start3A_1105 = tpu.memref_squeeze %dma_start3A_1104 : memref<1x832x64xf32, #tpu.memory_space<vmem>> -> memref<832x64xf32, #tpu.memory_space<vmem>>
        %dma_start3A_1106 = arith.constant 96 : i32
        %dma_start3A_1107 = arith.constant 0 : i32
        %dma_start3A_1108 = tpu.memref_slice %dma_start3A_1105[%dma_start3A_1106, %dma_start3A_1107] : memref<832x64xf32, #tpu.memory_space<vmem>> -> memref<32x64xf32, #tpu.memory_space<vmem>>
        %dma_start3A_1109 = arith.constant 0 : i32
        %dma_start3A_1110 = arith.constant 0 : i32
        %dma_start3A_1111 = tpu.memref_slice %arg6[%dma_start3A_1098, %dma_start3A_1109, %dma_start3A_1110] : memref<2x26x32xi32, #tpu.memory_space<vmem>> -> memref<1x26x32xi32, #tpu.memory_space<vmem>>
        %dma_start3A_1112 = tpu.memref_squeeze %dma_start3A_1111 : memref<1x26x32xi32, #tpu.memory_space<vmem>> -> memref<26x32xi32, #tpu.memory_space<vmem>>
        %dma_start3A_1113 = arith.constant 0 : i32
        %dma_start3A_1114 = tpu.memref_slice %dma_start3A_1112[%dma_start3A_1099, %dma_start3A_1113] : memref<26x32xi32, #tpu.memory_space<vmem>> -> memref<1x32xi32, #tpu.memory_space<vmem>>
        %dma_start3A_1115 = tpu.memref_squeeze %dma_start3A_1114 : memref<1x32xi32, #tpu.memory_space<vmem>> -> memref<32xi32, #tpu.memory_space<vmem>>
        %dma_start3A_1116 = arith.constant 0 : i32
        %dma_start3A_1117 = arith.constant 0 : i32
        %dma_start3A_1118 = tpu.memref_slice %arg4[%dma_start3A_1116, %dma_start3A_1117] : memref<2000000x64xf32, #tpu.memory_space<hbm>> -> memref<2000000x64xf32, #tpu.memory_space<hbm>>
        %dma_start3A_1119 = tpu.memref_slice %arg12[%dma_start3A_1101] : memref<2x!tpu.dma_semaphore, #tpu.memory_space<semaphore_mem>> -> memref<1x!tpu.dma_semaphore, #tpu.memory_space<semaphore_mem>>
        %dma_start3A_1120 = tpu.memref_squeeze %dma_start3A_1119 : memref<1x!tpu.dma_semaphore, #tpu.memory_space<semaphore_mem>> -> memref<!tpu.dma_semaphore, #tpu.memory_space<semaphore_mem>>
        tpu.enqueue_indirect_dma source(%dma_start3A_1118 : memref<2000000x64xf32, #tpu.memory_space<hbm>>) target(%dma_start3A_1108 : memref<32x64xf32, #tpu.memory_space<vmem>>) offsets(%dma_start3A_1115 : memref<32xi32, #tpu.memory_space<vmem>>) semaphore(%dma_start3A_1120 : memref<!tpu.dma_semaphore, #tpu.memory_space<semaphore_mem>>)
        %dma_start3A_1121 = arith.constant 0 : i32
        %dma_start3A_1122 = arith.constant 4 : i32
        %dma_start3A_1123 = arith.constant 0 : i32
        %dma_start3A_1124 = arith.constant 0 : i32
        %dma_start3A_1125 = arith.constant 0 : i32
        %dma_start3A_1126 = arith.constant 0 : i32
        %dma_start3A_1127 = tpu.memref_slice %arg7[%dma_start3A_1123, %dma_start3A_1125, %dma_start3A_1126] : memref<2x832x64xf32, #tpu.memory_space<vmem>> -> memref<1x832x64xf32, #tpu.memory_space<vmem>>
        %dma_start3A_1128 = tpu.memref_squeeze %dma_start3A_1127 : memref<1x832x64xf32, #tpu.memory_space<vmem>> -> memref<832x64xf32, #tpu.memory_space<vmem>>
        %dma_start3A_1129 = arith.constant 128 : i32
        %dma_start3A_1130 = arith.constant 0 : i32
        %dma_start3A_1131 = tpu.memref_slice %dma_start3A_1128[%dma_start3A_1129, %dma_start3A_1130] : memref<832x64xf32, #tpu.memory_space<vmem>> -> memref<32x64xf32, #tpu.memory_space<vmem>>
        %dma_start3A_1132 = arith.constant 0 : i32
        %dma_start3A_1133 = arith.constant 0 : i32
        %dma_start3A_1134 = tpu.memref_slice %arg6[%dma_start3A_1121, %dma_start3A_1132, %dma_start3A_1133] : memref<2x26x32xi32, #tpu.memory_space<vmem>> -> memref<1x26x32xi32, #tpu.memory_space<vmem>>
        %dma_start3A_1135 = tpu.memref_squeeze %dma_start3A_1134 : memref<1x26x32xi32, #tpu.memory_space<vmem>> -> memref<26x32xi32, #tpu.memory_space<vmem>>
        %dma_start3A_1136 = arith.constant 0 : i32
        %dma_start3A_1137 = tpu.memref_slice %dma_start3A_1135[%dma_start3A_1122, %dma_start3A_1136] : memref<26x32xi32, #tpu.memory_space<vmem>> -> memref<1x32xi32, #tpu.memory_space<vmem>>
        %dma_start3A_1138 = tpu.memref_squeeze %dma_start3A_1137 : memref<1x32xi32, #tpu.memory_space<vmem>> -> memref<32xi32, #tpu.memory_space<vmem>>
        %dma_start3A_1139 = arith.constant 0 : i32
        %dma_start3A_1140 = arith.constant 0 : i32
        %dma_start3A_1141 = tpu.memref_slice %arg4[%dma_start3A_1139, %dma_start3A_1140] : memref<2000000x64xf32, #tpu.memory_space<hbm>> -> memref<2000000x64xf32, #tpu.memory_space<hbm>>
        %dma_start3A_1142 = tpu.memref_slice %arg12[%dma_start3A_1124] : memref<2x!tpu.dma_semaphore, #tpu.memory_space<semaphore_mem>> -> memref<1x!tpu.dma_semaphore, #tpu.memory_space<semaphore_mem>>
        %dma_start3A_1143 = tpu.memref_squeeze %dma_start3A_1142 : memref<1x!tpu.dma_semaphore, #tpu.memory_space<semaphore_mem>> -> memref<!tpu.dma_semaphore, #tpu.memory_space<semaphore_mem>>
        tpu.enqueue_indirect_dma source(%dma_start3A_1141 : memref<2000000x64xf32, #tpu.memory_space<hbm>>) target(%dma_start3A_1131 : memref<32x64xf32, #tpu.memory_space<vmem>>) offsets(%dma_start3A_1138 : memref<32xi32, #tpu.memory_space<vmem>>) semaphore(%dma_start3A_1143 : memref<!tpu.dma_semaphore, #tpu.memory_space<semaphore_mem>>)
        %dma_start3A_1144 = arith.constant 0 : i32
        %dma_start3A_1145 = arith.constant 5 : i32
        %dma_start3A_1146 = arith.constant 0 : i32
        %dma_start3A_1147 = arith.constant 0 : i32
        %dma_start3A_1148 = arith.constant 0 : i32
        %dma_start3A_1149 = arith.constant 0 : i32
        %dma_start3A_1150 = tpu.memref_slice %arg7[%dma_start3A_1146, %dma_start3A_1148, %dma_start3A_1149] : memref<2x832x64xf32, #tpu.memory_space<vmem>> -> memref<1x832x64xf32, #tpu.memory_space<vmem>>
        %dma_start3A_1151 = tpu.memref_squeeze %dma_start3A_1150 : memref<1x832x64xf32, #tpu.memory_space<vmem>> -> memref<832x64xf32, #tpu.memory_space<vmem>>
        %dma_start3A_1152 = arith.constant 160 : i32
        %dma_start3A_1153 = arith.constant 0 : i32
        %dma_start3A_1154 = tpu.memref_slice %dma_start3A_1151[%dma_start3A_1152, %dma_start3A_1153] : memref<832x64xf32, #tpu.memory_space<vmem>> -> memref<32x64xf32, #tpu.memory_space<vmem>>
        %dma_start3A_1155 = arith.constant 0 : i32
        %dma_start3A_1156 = arith.constant 0 : i32
        %dma_start3A_1157 = tpu.memref_slice %arg6[%dma_start3A_1144, %dma_start3A_1155, %dma_start3A_1156] : memref<2x26x32xi32, #tpu.memory_space<vmem>> -> memref<1x26x32xi32, #tpu.memory_space<vmem>>
        %dma_start3A_1158 = tpu.memref_squeeze %dma_start3A_1157 : memref<1x26x32xi32, #tpu.memory_space<vmem>> -> memref<26x32xi32, #tpu.memory_space<vmem>>
        %dma_start3A_1159 = arith.constant 0 : i32
        %dma_start3A_1160 = tpu.memref_slice %dma_start3A_1158[%dma_start3A_1145, %dma_start3A_1159] : memref<26x32xi32, #tpu.memory_space<vmem>> -> memref<1x32xi32, #tpu.memory_space<vmem>>
        %dma_start3A_1161 = tpu.memref_squeeze %dma_start3A_1160 : memref<1x32xi32, #tpu.memory_space<vmem>> -> memref<32xi32, #tpu.memory_space<vmem>>
        %dma_start3A_1162 = arith.constant 0 : i32
        %dma_start3A_1163 = arith.constant 0 : i32
        %dma_start3A_1164 = tpu.memref_slice %arg4[%dma_start3A_1162, %dma_start3A_1163] : memref<2000000x64xf32, #tpu.memory_space<hbm>> -> memref<2000000x64xf32, #tpu.memory_space<hbm>>
        %dma_start3A_1165 = tpu.memref_slice %arg12[%dma_start3A_1147] : memref<2x!tpu.dma_semaphore, #tpu.memory_space<semaphore_mem>> -> memref<1x!tpu.dma_semaphore, #tpu.memory_space<semaphore_mem>>
        %dma_start3A_1166 = tpu.memref_squeeze %dma_start3A_1165 : memref<1x!tpu.dma_semaphore, #tpu.memory_space<semaphore_mem>> -> memref<!tpu.dma_semaphore, #tpu.memory_space<semaphore_mem>>
        tpu.enqueue_indirect_dma source(%dma_start3A_1164 : memref<2000000x64xf32, #tpu.memory_space<hbm>>) target(%dma_start3A_1154 : memref<32x64xf32, #tpu.memory_space<vmem>>) offsets(%dma_start3A_1161 : memref<32xi32, #tpu.memory_space<vmem>>) semaphore(%dma_start3A_1166 : memref<!tpu.dma_semaphore, #tpu.memory_space<semaphore_mem>>)
        %dma_start3A_1167 = arith.constant 0 : i32
        %dma_start3A_1168 = arith.constant 6 : i32
        %dma_start3A_1169 = arith.constant 0 : i32
        %dma_start3A_1170 = arith.constant 0 : i32
        %dma_start3A_1171 = arith.constant 0 : i32
        %dma_start3A_1172 = arith.constant 0 : i32
        %dma_start3A_1173 = tpu.memref_slice %arg7[%dma_start3A_1169, %dma_start3A_1171, %dma_start3A_1172] : memref<2x832x64xf32, #tpu.memory_space<vmem>> -> memref<1x832x64xf32, #tpu.memory_space<vmem>>
        %dma_start3A_1174 = tpu.memref_squeeze %dma_start3A_1173 : memref<1x832x64xf32, #tpu.memory_space<vmem>> -> memref<832x64xf32, #tpu.memory_space<vmem>>
        %dma_start3A_1175 = arith.constant 192 : i32
        %dma_start3A_1176 = arith.constant 0 : i32
        %dma_start3A_1177 = tpu.memref_slice %dma_start3A_1174[%dma_start3A_1175, %dma_start3A_1176] : memref<832x64xf32, #tpu.memory_space<vmem>> -> memref<32x64xf32, #tpu.memory_space<vmem>>
        %dma_start3A_1178 = arith.constant 0 : i32
        %dma_start3A_1179 = arith.constant 0 : i32
        %dma_start3A_1180 = tpu.memref_slice %arg6[%dma_start3A_1167, %dma_start3A_1178, %dma_start3A_1179] : memref<2x26x32xi32, #tpu.memory_space<vmem>> -> memref<1x26x32xi32, #tpu.memory_space<vmem>>
        %dma_start3A_1181 = tpu.memref_squeeze %dma_start3A_1180 : memref<1x26x32xi32, #tpu.memory_space<vmem>> -> memref<26x32xi32, #tpu.memory_space<vmem>>
        %dma_start3A_1182 = arith.constant 0 : i32
        %dma_start3A_1183 = tpu.memref_slice %dma_start3A_1181[%dma_start3A_1168, %dma_start3A_1182] : memref<26x32xi32, #tpu.memory_space<vmem>> -> memref<1x32xi32, #tpu.memory_space<vmem>>
        %dma_start3A_1184 = tpu.memref_squeeze %dma_start3A_1183 : memref<1x32xi32, #tpu.memory_space<vmem>> -> memref<32xi32, #tpu.memory_space<vmem>>
        %dma_start3A_1185 = arith.constant 0 : i32
        %dma_start3A_1186 = arith.constant 0 : i32
        %dma_start3A_1187 = tpu.memref_slice %arg4[%dma_start3A_1185, %dma_start3A_1186] : memref<2000000x64xf32, #tpu.memory_space<hbm>> -> memref<2000000x64xf32, #tpu.memory_space<hbm>>
        %dma_start3A_1188 = tpu.memref_slice %arg12[%dma_start3A_1170] : memref<2x!tpu.dma_semaphore, #tpu.memory_space<semaphore_mem>> -> memref<1x!tpu.dma_semaphore, #tpu.memory_space<semaphore_mem>>
        %dma_start3A_1189 = tpu.memref_squeeze %dma_start3A_1188 : memref<1x!tpu.dma_semaphore, #tpu.memory_space<semaphore_mem>> -> memref<!tpu.dma_semaphore, #tpu.memory_space<semaphore_mem>>
        tpu.enqueue_indirect_dma source(%dma_start3A_1187 : memref<2000000x64xf32, #tpu.memory_space<hbm>>) target(%dma_start3A_1177 : memref<32x64xf32, #tpu.memory_space<vmem>>) offsets(%dma_start3A_1184 : memref<32xi32, #tpu.memory_space<vmem>>) semaphore(%dma_start3A_1189 : memref<!tpu.dma_semaphore, #tpu.memory_space<semaphore_mem>>)
        %dma_start3A_1190 = arith.constant 0 : i32
        %dma_start3A_1191 = arith.constant 7 : i32
        %dma_start3A_1192 = arith.constant 0 : i32
        %dma_start3A_1193 = arith.constant 0 : i32
        %dma_start3A_1194 = arith.constant 0 : i32
        %dma_start3A_1195 = arith.constant 0 : i32
        %dma_start3A_1196 = tpu.memref_slice %arg7[%dma_start3A_1192, %dma_start3A_1194, %dma_start3A_1195] : memref<2x832x64xf32, #tpu.memory_space<vmem>> -> memref<1x832x64xf32, #tpu.memory_space<vmem>>
        %dma_start3A_1197 = tpu.memref_squeeze %dma_start3A_1196 : memref<1x832x64xf32, #tpu.memory_space<vmem>> -> memref<832x64xf32, #tpu.memory_space<vmem>>
        %dma_start3A_1198 = arith.constant 224 : i32
        %dma_start3A_1199 = arith.constant 0 : i32
        %dma_start3A_1200 = tpu.memref_slice %dma_start3A_1197[%dma_start3A_1198, %dma_start3A_1199] : memref<832x64xf32, #tpu.memory_space<vmem>> -> memref<32x64xf32, #tpu.memory_space<vmem>>
        %dma_start3A_1201 = arith.constant 0 : i32
        %dma_start3A_1202 = arith.constant 0 : i32
        %dma_start3A_1203 = tpu.memref_slice %arg6[%dma_start3A_1190, %dma_start3A_1201, %dma_start3A_1202] : memref<2x26x32xi32, #tpu.memory_space<vmem>> -> memref<1x26x32xi32, #tpu.memory_space<vmem>>
        %dma_start3A_1204 = tpu.memref_squeeze %dma_start3A_1203 : memref<1x26x32xi32, #tpu.memory_space<vmem>> -> memref<26x32xi32, #tpu.memory_space<vmem>>
        %dma_start3A_1205 = arith.constant 0 : i32
        %dma_start3A_1206 = tpu.memref_slice %dma_start3A_1204[%dma_start3A_1191, %dma_start3A_1205] : memref<26x32xi32, #tpu.memory_space<vmem>> -> memref<1x32xi32, #tpu.memory_space<vmem>>
        %dma_start3A_1207 = tpu.memref_squeeze %dma_start3A_1206 : memref<1x32xi32, #tpu.memory_space<vmem>> -> memref<32xi32, #tpu.memory_space<vmem>>
        %dma_start3A_1208 = arith.constant 0 : i32
        %dma_start3A_1209 = arith.constant 0 : i32
        %dma_start3A_1210 = tpu.memref_slice %arg4[%dma_start3A_1208, %dma_start3A_1209] : memref<2000000x64xf32, #tpu.memory_space<hbm>> -> memref<2000000x64xf32, #tpu.memory_space<hbm>>
        %dma_start3A_1211 = tpu.memref_slice %arg12[%dma_start3A_1193] : memref<2x!tpu.dma_semaphore, #tpu.memory_space<semaphore_mem>> -> memref<1x!tpu.dma_semaphore, #tpu.memory_space<semaphore_mem>>
        %dma_start3A_1212 = tpu.memref_squeeze %dma_start3A_1211 : memref<1x!tpu.dma_semaphore, #tpu.memory_space<semaphore_mem>> -> memref<!tpu.dma_semaphore, #tpu.memory_space<semaphore_mem>>
        tpu.enqueue_indirect_dma source(%dma_start3A_1210 : memref<2000000x64xf32, #tpu.memory_space<hbm>>) target(%dma_start3A_1200 : memref<32x64xf32, #tpu.memory_space<vmem>>) offsets(%dma_start3A_1207 : memref<32xi32, #tpu.memory_space<vmem>>) semaphore(%dma_start3A_1212 : memref<!tpu.dma_semaphore, #tpu.memory_space<semaphore_mem>>)
        %dma_start3A_1213 = arith.constant 0 : i32
        %dma_start3A_1214 = arith.constant 8 : i32
        %dma_start3A_1215 = arith.constant 0 : i32
        %dma_start3A_1216 = arith.constant 0 : i32
        %dma_start3A_1217 = arith.constant 0 : i32
        %dma_start3A_1218 = arith.constant 0 : i32
        %dma_start3A_1219 = tpu.memref_slice %arg7[%dma_start3A_1215, %dma_start3A_1217, %dma_start3A_1218] : memref<2x832x64xf32, #tpu.memory_space<vmem>> -> memref<1x832x64xf32, #tpu.memory_space<vmem>>
        %dma_start3A_1220 = tpu.memref_squeeze %dma_start3A_1219 : memref<1x832x64xf32, #tpu.memory_space<vmem>> -> memref<832x64xf32, #tpu.memory_space<vmem>>
        %dma_start3A_1221 = arith.constant 256 : i32
        %dma_start3A_1222 = arith.constant 0 : i32
        %dma_start3A_1223 = tpu.memref_slice %dma_start3A_1220[%dma_start3A_1221, %dma_start3A_1222] : memref<832x64xf32, #tpu.memory_space<vmem>> -> memref<32x64xf32, #tpu.memory_space<vmem>>
        %dma_start3A_1224 = arith.constant 0 : i32
        %dma_start3A_1225 = arith.constant 0 : i32
        %dma_start3A_1226 = tpu.memref_slice %arg6[%dma_start3A_1213, %dma_start3A_1224, %dma_start3A_1225] : memref<2x26x32xi32, #tpu.memory_space<vmem>> -> memref<1x26x32xi32, #tpu.memory_space<vmem>>
        %dma_start3A_1227 = tpu.memref_squeeze %dma_start3A_1226 : memref<1x26x32xi32, #tpu.memory_space<vmem>> -> memref<26x32xi32, #tpu.memory_space<vmem>>
        %dma_start3A_1228 = arith.constant 0 : i32
        %dma_start3A_1229 = tpu.memref_slice %dma_start3A_1227[%dma_start3A_1214, %dma_start3A_1228] : memref<26x32xi32, #tpu.memory_space<vmem>> -> memref<1x32xi32, #tpu.memory_space<vmem>>
        %dma_start3A_1230 = tpu.memref_squeeze %dma_start3A_1229 : memref<1x32xi32, #tpu.memory_space<vmem>> -> memref<32xi32, #tpu.memory_space<vmem>>
        %dma_start3A_1231 = arith.constant 0 : i32
        %dma_start3A_1232 = arith.constant 0 : i32
        %dma_start3A_1233 = tpu.memref_slice %arg4[%dma_start3A_1231, %dma_start3A_1232] : memref<2000000x64xf32, #tpu.memory_space<hbm>> -> memref<2000000x64xf32, #tpu.memory_space<hbm>>
        %dma_start3A_1234 = tpu.memref_slice %arg12[%dma_start3A_1216] : memref<2x!tpu.dma_semaphore, #tpu.memory_space<semaphore_mem>> -> memref<1x!tpu.dma_semaphore, #tpu.memory_space<semaphore_mem>>
        %dma_start3A_1235 = tpu.memref_squeeze %dma_start3A_1234 : memref<1x!tpu.dma_semaphore, #tpu.memory_space<semaphore_mem>> -> memref<!tpu.dma_semaphore, #tpu.memory_space<semaphore_mem>>
        tpu.enqueue_indirect_dma source(%dma_start3A_1233 : memref<2000000x64xf32, #tpu.memory_space<hbm>>) target(%dma_start3A_1223 : memref<32x64xf32, #tpu.memory_space<vmem>>) offsets(%dma_start3A_1230 : memref<32xi32, #tpu.memory_space<vmem>>) semaphore(%dma_start3A_1235 : memref<!tpu.dma_semaphore, #tpu.memory_space<semaphore_mem>>)
        %dma_start3A_1236 = arith.constant 0 : i32
        %dma_start3A_1237 = arith.constant 9 : i32
        %dma_start3A_1238 = arith.constant 0 : i32
        %dma_start3A_1239 = arith.constant 0 : i32
        %dma_start3A_1240 = arith.constant 0 : i32
        %dma_start3A_1241 = arith.constant 0 : i32
        %dma_start3A_1242 = tpu.memref_slice %arg7[%dma_start3A_1238, %dma_start3A_1240, %dma_start3A_1241] : memref<2x832x64xf32, #tpu.memory_space<vmem>> -> memref<1x832x64xf32, #tpu.memory_space<vmem>>
        %dma_start3A_1243 = tpu.memref_squeeze %dma_start3A_1242 : memref<1x832x64xf32, #tpu.memory_space<vmem>> -> memref<832x64xf32, #tpu.memory_space<vmem>>
        %dma_start3A_1244 = arith.constant 288 : i32
        %dma_start3A_1245 = arith.constant 0 : i32
        %dma_start3A_1246 = tpu.memref_slice %dma_start3A_1243[%dma_start3A_1244, %dma_start3A_1245] : memref<832x64xf32, #tpu.memory_space<vmem>> -> memref<32x64xf32, #tpu.memory_space<vmem>>
        %dma_start3A_1247 = arith.constant 0 : i32
        %dma_start3A_1248 = arith.constant 0 : i32
        %dma_start3A_1249 = tpu.memref_slice %arg6[%dma_start3A_1236, %dma_start3A_1247, %dma_start3A_1248] : memref<2x26x32xi32, #tpu.memory_space<vmem>> -> memref<1x26x32xi32, #tpu.memory_space<vmem>>
        %dma_start3A_1250 = tpu.memref_squeeze %dma_start3A_1249 : memref<1x26x32xi32, #tpu.memory_space<vmem>> -> memref<26x32xi32, #tpu.memory_space<vmem>>
        %dma_start3A_1251 = arith.constant 0 : i32
        %dma_start3A_1252 = tpu.memref_slice %dma_start3A_1250[%dma_start3A_1237, %dma_start3A_1251] : memref<26x32xi32, #tpu.memory_space<vmem>> -> memref<1x32xi32, #tpu.memory_space<vmem>>
        %dma_start3A_1253 = tpu.memref_squeeze %dma_start3A_1252 : memref<1x32xi32, #tpu.memory_space<vmem>> -> memref<32xi32, #tpu.memory_space<vmem>>
        %dma_start3A_1254 = arith.constant 0 : i32
        %dma_start3A_1255 = arith.constant 0 : i32
        %dma_start3A_1256 = tpu.memref_slice %arg4[%dma_start3A_1254, %dma_start3A_1255] : memref<2000000x64xf32, #tpu.memory_space<hbm>> -> memref<2000000x64xf32, #tpu.memory_space<hbm>>
        %dma_start3A_1257 = tpu.memref_slice %arg12[%dma_start3A_1239] : memref<2x!tpu.dma_semaphore, #tpu.memory_space<semaphore_mem>> -> memref<1x!tpu.dma_semaphore, #tpu.memory_space<semaphore_mem>>
        %dma_start3A_1258 = tpu.memref_squeeze %dma_start3A_1257 : memref<1x!tpu.dma_semaphore, #tpu.memory_space<semaphore_mem>> -> memref<!tpu.dma_semaphore, #tpu.memory_space<semaphore_mem>>
        tpu.enqueue_indirect_dma source(%dma_start3A_1256 : memref<2000000x64xf32, #tpu.memory_space<hbm>>) target(%dma_start3A_1246 : memref<32x64xf32, #tpu.memory_space<vmem>>) offsets(%dma_start3A_1253 : memref<32xi32, #tpu.memory_space<vmem>>) semaphore(%dma_start3A_1258 : memref<!tpu.dma_semaphore, #tpu.memory_space<semaphore_mem>>)
        %dma_start3A_1259 = arith.constant 0 : i32
        %dma_start3A_1260 = arith.constant 10 : i32
        %dma_start3A_1261 = arith.constant 0 : i32
        %dma_start3A_1262 = arith.constant 0 : i32
        %dma_start3A_1263 = arith.constant 0 : i32
        %dma_start3A_1264 = arith.constant 0 : i32
        %dma_start3A_1265 = tpu.memref_slice %arg7[%dma_start3A_1261, %dma_start3A_1263, %dma_start3A_1264] : memref<2x832x64xf32, #tpu.memory_space<vmem>> -> memref<1x832x64xf32, #tpu.memory_space<vmem>>
        %dma_start3A_1266 = tpu.memref_squeeze %dma_start3A_1265 : memref<1x832x64xf32, #tpu.memory_space<vmem>> -> memref<832x64xf32, #tpu.memory_space<vmem>>
        %dma_start3A_1267 = arith.constant 320 : i32
        %dma_start3A_1268 = arith.constant 0 : i32
        %dma_start3A_1269 = tpu.memref_slice %dma_start3A_1266[%dma_start3A_1267, %dma_start3A_1268] : memref<832x64xf32, #tpu.memory_space<vmem>> -> memref<32x64xf32, #tpu.memory_space<vmem>>
        %dma_start3A_1270 = arith.constant 0 : i32
        %dma_start3A_1271 = arith.constant 0 : i32
        %dma_start3A_1272 = tpu.memref_slice %arg6[%dma_start3A_1259, %dma_start3A_1270, %dma_start3A_1271] : memref<2x26x32xi32, #tpu.memory_space<vmem>> -> memref<1x26x32xi32, #tpu.memory_space<vmem>>
        %dma_start3A_1273 = tpu.memref_squeeze %dma_start3A_1272 : memref<1x26x32xi32, #tpu.memory_space<vmem>> -> memref<26x32xi32, #tpu.memory_space<vmem>>
        %dma_start3A_1274 = arith.constant 0 : i32
        %dma_start3A_1275 = tpu.memref_slice %dma_start3A_1273[%dma_start3A_1260, %dma_start3A_1274] : memref<26x32xi32, #tpu.memory_space<vmem>> -> memref<1x32xi32, #tpu.memory_space<vmem>>
        %dma_start3A_1276 = tpu.memref_squeeze %dma_start3A_1275 : memref<1x32xi32, #tpu.memory_space<vmem>> -> memref<32xi32, #tpu.memory_space<vmem>>
        %dma_start3A_1277 = arith.constant 0 : i32
        %dma_start3A_1278 = arith.constant 0 : i32
        %dma_start3A_1279 = tpu.memref_slice %arg4[%dma_start3A_1277, %dma_start3A_1278] : memref<2000000x64xf32, #tpu.memory_space<hbm>> -> memref<2000000x64xf32, #tpu.memory_space<hbm>>
        %dma_start3A_1280 = tpu.memref_slice %arg12[%dma_start3A_1262] : memref<2x!tpu.dma_semaphore, #tpu.memory_space<semaphore_mem>> -> memref<1x!tpu.dma_semaphore, #tpu.memory_space<semaphore_mem>>
        %dma_start3A_1281 = tpu.memref_squeeze %dma_start3A_1280 : memref<1x!tpu.dma_semaphore, #tpu.memory_space<semaphore_mem>> -> memref<!tpu.dma_semaphore, #tpu.memory_space<semaphore_mem>>
        tpu.enqueue_indirect_dma source(%dma_start3A_1279 : memref<2000000x64xf32, #tpu.memory_space<hbm>>) target(%dma_start3A_1269 : memref<32x64xf32, #tpu.memory_space<vmem>>) offsets(%dma_start3A_1276 : memref<32xi32, #tpu.memory_space<vmem>>) semaphore(%dma_start3A_1281 : memref<!tpu.dma_semaphore, #tpu.memory_space<semaphore_mem>>)
        %dma_start3A_1282 = arith.constant 0 : i32
        %dma_start3A_1283 = arith.constant 11 : i32
        %dma_start3A_1284 = arith.constant 0 : i32
        %dma_start3A_1285 = arith.constant 0 : i32
        %dma_start3A_1286 = arith.constant 0 : i32
        %dma_start3A_1287 = arith.constant 0 : i32
        %dma_start3A_1288 = tpu.memref_slice %arg7[%dma_start3A_1284, %dma_start3A_1286, %dma_start3A_1287] : memref<2x832x64xf32, #tpu.memory_space<vmem>> -> memref<1x832x64xf32, #tpu.memory_space<vmem>>
        %dma_start3A_1289 = tpu.memref_squeeze %dma_start3A_1288 : memref<1x832x64xf32, #tpu.memory_space<vmem>> -> memref<832x64xf32, #tpu.memory_space<vmem>>
        %dma_start3A_1290 = arith.constant 352 : i32
        %dma_start3A_1291 = arith.constant 0 : i32
        %dma_start3A_1292 = tpu.memref_slice %dma_start3A_1289[%dma_start3A_1290, %dma_start3A_1291] : memref<832x64xf32, #tpu.memory_space<vmem>> -> memref<32x64xf32, #tpu.memory_space<vmem>>
        %dma_start3A_1293 = arith.constant 0 : i32
        %dma_start3A_1294 = arith.constant 0 : i32
        %dma_start3A_1295 = tpu.memref_slice %arg6[%dma_start3A_1282, %dma_start3A_1293, %dma_start3A_1294] : memref<2x26x32xi32, #tpu.memory_space<vmem>> -> memref<1x26x32xi32, #tpu.memory_space<vmem>>
        %dma_start3A_1296 = tpu.memref_squeeze %dma_start3A_1295 : memref<1x26x32xi32, #tpu.memory_space<vmem>> -> memref<26x32xi32, #tpu.memory_space<vmem>>
        %dma_start3A_1297 = arith.constant 0 : i32
        %dma_start3A_1298 = tpu.memref_slice %dma_start3A_1296[%dma_start3A_1283, %dma_start3A_1297] : memref<26x32xi32, #tpu.memory_space<vmem>> -> memref<1x32xi32, #tpu.memory_space<vmem>>
        %dma_start3A_1299 = tpu.memref_squeeze %dma_start3A_1298 : memref<1x32xi32, #tpu.memory_space<vmem>> -> memref<32xi32, #tpu.memory_space<vmem>>
        %dma_start3A_1300 = arith.constant 0 : i32
        %dma_start3A_1301 = arith.constant 0 : i32
        %dma_start3A_1302 = tpu.memref_slice %arg4[%dma_start3A_1300, %dma_start3A_1301] : memref<2000000x64xf32, #tpu.memory_space<hbm>> -> memref<2000000x64xf32, #tpu.memory_space<hbm>>
        %dma_start3A_1303 = tpu.memref_slice %arg12[%dma_start3A_1285] : memref<2x!tpu.dma_semaphore, #tpu.memory_space<semaphore_mem>> -> memref<1x!tpu.dma_semaphore, #tpu.memory_space<semaphore_mem>>
        %dma_start3A_1304 = tpu.memref_squeeze %dma_start3A_1303 : memref<1x!tpu.dma_semaphore, #tpu.memory_space<semaphore_mem>> -> memref<!tpu.dma_semaphore, #tpu.memory_space<semaphore_mem>>
        tpu.enqueue_indirect_dma source(%dma_start3A_1302 : memref<2000000x64xf32, #tpu.memory_space<hbm>>) target(%dma_start3A_1292 : memref<32x64xf32, #tpu.memory_space<vmem>>) offsets(%dma_start3A_1299 : memref<32xi32, #tpu.memory_space<vmem>>) semaphore(%dma_start3A_1304 : memref<!tpu.dma_semaphore, #tpu.memory_space<semaphore_mem>>)
        %dma_start3A_1305 = arith.constant 0 : i32
        %dma_start3A_1306 = arith.constant 12 : i32
        %dma_start3A_1307 = arith.constant 0 : i32
        %dma_start3A_1308 = arith.constant 0 : i32
        %dma_start3A_1309 = arith.constant 0 : i32
        %dma_start3A_1310 = arith.constant 0 : i32
        %dma_start3A_1311 = tpu.memref_slice %arg7[%dma_start3A_1307, %dma_start3A_1309, %dma_start3A_1310] : memref<2x832x64xf32, #tpu.memory_space<vmem>> -> memref<1x832x64xf32, #tpu.memory_space<vmem>>
        %dma_start3A_1312 = tpu.memref_squeeze %dma_start3A_1311 : memref<1x832x64xf32, #tpu.memory_space<vmem>> -> memref<832x64xf32, #tpu.memory_space<vmem>>
        %dma_start3A_1313 = arith.constant 384 : i32
        %dma_start3A_1314 = arith.constant 0 : i32
        %dma_start3A_1315 = tpu.memref_slice %dma_start3A_1312[%dma_start3A_1313, %dma_start3A_1314] : memref<832x64xf32, #tpu.memory_space<vmem>> -> memref<32x64xf32, #tpu.memory_space<vmem>>
        %dma_start3A_1316 = arith.constant 0 : i32
        %dma_start3A_1317 = arith.constant 0 : i32
        %dma_start3A_1318 = tpu.memref_slice %arg6[%dma_start3A_1305, %dma_start3A_1316, %dma_start3A_1317] : memref<2x26x32xi32, #tpu.memory_space<vmem>> -> memref<1x26x32xi32, #tpu.memory_space<vmem>>
        %dma_start3A_1319 = tpu.memref_squeeze %dma_start3A_1318 : memref<1x26x32xi32, #tpu.memory_space<vmem>> -> memref<26x32xi32, #tpu.memory_space<vmem>>
        %dma_start3A_1320 = arith.constant 0 : i32
        %dma_start3A_1321 = tpu.memref_slice %dma_start3A_1319[%dma_start3A_1306, %dma_start3A_1320] : memref<26x32xi32, #tpu.memory_space<vmem>> -> memref<1x32xi32, #tpu.memory_space<vmem>>
        %dma_start3A_1322 = tpu.memref_squeeze %dma_start3A_1321 : memref<1x32xi32, #tpu.memory_space<vmem>> -> memref<32xi32, #tpu.memory_space<vmem>>
        %dma_start3A_1323 = arith.constant 0 : i32
        %dma_start3A_1324 = arith.constant 0 : i32
        %dma_start3A_1325 = tpu.memref_slice %arg4[%dma_start3A_1323, %dma_start3A_1324] : memref<2000000x64xf32, #tpu.memory_space<hbm>> -> memref<2000000x64xf32, #tpu.memory_space<hbm>>
        %dma_start3A_1326 = tpu.memref_slice %arg12[%dma_start3A_1308] : memref<2x!tpu.dma_semaphore, #tpu.memory_space<semaphore_mem>> -> memref<1x!tpu.dma_semaphore, #tpu.memory_space<semaphore_mem>>
        %dma_start3A_1327 = tpu.memref_squeeze %dma_start3A_1326 : memref<1x!tpu.dma_semaphore, #tpu.memory_space<semaphore_mem>> -> memref<!tpu.dma_semaphore, #tpu.memory_space<semaphore_mem>>
        tpu.enqueue_indirect_dma source(%dma_start3A_1325 : memref<2000000x64xf32, #tpu.memory_space<hbm>>) target(%dma_start3A_1315 : memref<32x64xf32, #tpu.memory_space<vmem>>) offsets(%dma_start3A_1322 : memref<32xi32, #tpu.memory_space<vmem>>) semaphore(%dma_start3A_1327 : memref<!tpu.dma_semaphore, #tpu.memory_space<semaphore_mem>>)
        %dma_start3A_1328 = arith.constant 0 : i32
        %dma_start3A_1329 = arith.constant 13 : i32
        %dma_start3A_1330 = arith.constant 0 : i32
        %dma_start3A_1331 = arith.constant 0 : i32
        %dma_start3A_1332 = arith.constant 0 : i32
        %dma_start3A_1333 = arith.constant 0 : i32
        %dma_start3A_1334 = tpu.memref_slice %arg7[%dma_start3A_1330, %dma_start3A_1332, %dma_start3A_1333] : memref<2x832x64xf32, #tpu.memory_space<vmem>> -> memref<1x832x64xf32, #tpu.memory_space<vmem>>
        %dma_start3A_1335 = tpu.memref_squeeze %dma_start3A_1334 : memref<1x832x64xf32, #tpu.memory_space<vmem>> -> memref<832x64xf32, #tpu.memory_space<vmem>>
        %dma_start3A_1336 = arith.constant 416 : i32
        %dma_start3A_1337 = arith.constant 0 : i32
        %dma_start3A_1338 = tpu.memref_slice %dma_start3A_1335[%dma_start3A_1336, %dma_start3A_1337] : memref<832x64xf32, #tpu.memory_space<vmem>> -> memref<32x64xf32, #tpu.memory_space<vmem>>
        %dma_start3A_1339 = arith.constant 0 : i32
        %dma_start3A_1340 = arith.constant 0 : i32
        %dma_start3A_1341 = tpu.memref_slice %arg6[%dma_start3A_1328, %dma_start3A_1339, %dma_start3A_1340] : memref<2x26x32xi32, #tpu.memory_space<vmem>> -> memref<1x26x32xi32, #tpu.memory_space<vmem>>
        %dma_start3A_1342 = tpu.memref_squeeze %dma_start3A_1341 : memref<1x26x32xi32, #tpu.memory_space<vmem>> -> memref<26x32xi32, #tpu.memory_space<vmem>>
        %dma_start3A_1343 = arith.constant 0 : i32
        %dma_start3A_1344 = tpu.memref_slice %dma_start3A_1342[%dma_start3A_1329, %dma_start3A_1343] : memref<26x32xi32, #tpu.memory_space<vmem>> -> memref<1x32xi32, #tpu.memory_space<vmem>>
        %dma_start3A_1345 = tpu.memref_squeeze %dma_start3A_1344 : memref<1x32xi32, #tpu.memory_space<vmem>> -> memref<32xi32, #tpu.memory_space<vmem>>
        %dma_start3A_1346 = arith.constant 0 : i32
        %dma_start3A_1347 = arith.constant 0 : i32
        %dma_start3A_1348 = tpu.memref_slice %arg4[%dma_start3A_1346, %dma_start3A_1347] : memref<2000000x64xf32, #tpu.memory_space<hbm>> -> memref<2000000x64xf32, #tpu.memory_space<hbm>>
        %dma_start3A_1349 = tpu.memref_slice %arg12[%dma_start3A_1331] : memref<2x!tpu.dma_semaphore, #tpu.memory_space<semaphore_mem>> -> memref<1x!tpu.dma_semaphore, #tpu.memory_space<semaphore_mem>>
        %dma_start3A_1350 = tpu.memref_squeeze %dma_start3A_1349 : memref<1x!tpu.dma_semaphore, #tpu.memory_space<semaphore_mem>> -> memref<!tpu.dma_semaphore, #tpu.memory_space<semaphore_mem>>
        tpu.enqueue_indirect_dma source(%dma_start3A_1348 : memref<2000000x64xf32, #tpu.memory_space<hbm>>) target(%dma_start3A_1338 : memref<32x64xf32, #tpu.memory_space<vmem>>) offsets(%dma_start3A_1345 : memref<32xi32, #tpu.memory_space<vmem>>) semaphore(%dma_start3A_1350 : memref<!tpu.dma_semaphore, #tpu.memory_space<semaphore_mem>>)
        %dma_start3A_1351 = arith.constant 0 : i32
        %dma_start3A_1352 = arith.constant 14 : i32
        %dma_start3A_1353 = arith.constant 0 : i32
        %dma_start3A_1354 = arith.constant 0 : i32
        %dma_start3A_1355 = arith.constant 0 : i32
        %dma_start3A_1356 = arith.constant 0 : i32
        %dma_start3A_1357 = tpu.memref_slice %arg7[%dma_start3A_1353, %dma_start3A_1355, %dma_start3A_1356] : memref<2x832x64xf32, #tpu.memory_space<vmem>> -> memref<1x832x64xf32, #tpu.memory_space<vmem>>
        %dma_start3A_1358 = tpu.memref_squeeze %dma_start3A_1357 : memref<1x832x64xf32, #tpu.memory_space<vmem>> -> memref<832x64xf32, #tpu.memory_space<vmem>>
        %dma_start3A_1359 = arith.constant 448 : i32
        %dma_start3A_1360 = arith.constant 0 : i32
        %dma_start3A_1361 = tpu.memref_slice %dma_start3A_1358[%dma_start3A_1359, %dma_start3A_1360] : memref<832x64xf32, #tpu.memory_space<vmem>> -> memref<32x64xf32, #tpu.memory_space<vmem>>
        %dma_start3A_1362 = arith.constant 0 : i32
        %dma_start3A_1363 = arith.constant 0 : i32
        %dma_start3A_1364 = tpu.memref_slice %arg6[%dma_start3A_1351, %dma_start3A_1362, %dma_start3A_1363] : memref<2x26x32xi32, #tpu.memory_space<vmem>> -> memref<1x26x32xi32, #tpu.memory_space<vmem>>
        %dma_start3A_1365 = tpu.memref_squeeze %dma_start3A_1364 : memref<1x26x32xi32, #tpu.memory_space<vmem>> -> memref<26x32xi32, #tpu.memory_space<vmem>>
        %dma_start3A_1366 = arith.constant 0 : i32
        %dma_start3A_1367 = tpu.memref_slice %dma_start3A_1365[%dma_start3A_1352, %dma_start3A_1366] : memref<26x32xi32, #tpu.memory_space<vmem>> -> memref<1x32xi32, #tpu.memory_space<vmem>>
        %dma_start3A_1368 = tpu.memref_squeeze %dma_start3A_1367 : memref<1x32xi32, #tpu.memory_space<vmem>> -> memref<32xi32, #tpu.memory_space<vmem>>
        %dma_start3A_1369 = arith.constant 0 : i32
        %dma_start3A_1370 = arith.constant 0 : i32
        %dma_start3A_1371 = tpu.memref_slice %arg4[%dma_start3A_1369, %dma_start3A_1370] : memref<2000000x64xf32, #tpu.memory_space<hbm>> -> memref<2000000x64xf32, #tpu.memory_space<hbm>>
        %dma_start3A_1372 = tpu.memref_slice %arg12[%dma_start3A_1354] : memref<2x!tpu.dma_semaphore, #tpu.memory_space<semaphore_mem>> -> memref<1x!tpu.dma_semaphore, #tpu.memory_space<semaphore_mem>>
        %dma_start3A_1373 = tpu.memref_squeeze %dma_start3A_1372 : memref<1x!tpu.dma_semaphore, #tpu.memory_space<semaphore_mem>> -> memref<!tpu.dma_semaphore, #tpu.memory_space<semaphore_mem>>
        tpu.enqueue_indirect_dma source(%dma_start3A_1371 : memref<2000000x64xf32, #tpu.memory_space<hbm>>) target(%dma_start3A_1361 : memref<32x64xf32, #tpu.memory_space<vmem>>) offsets(%dma_start3A_1368 : memref<32xi32, #tpu.memory_space<vmem>>) semaphore(%dma_start3A_1373 : memref<!tpu.dma_semaphore, #tpu.memory_space<semaphore_mem>>)
        %dma_start3A_1374 = arith.constant 0 : i32
        %dma_start3A_1375 = arith.constant 15 : i32
        %dma_start3A_1376 = arith.constant 0 : i32
        %dma_start3A_1377 = arith.constant 0 : i32
        %dma_start3A_1378 = arith.constant 0 : i32
        %dma_start3A_1379 = arith.constant 0 : i32
        %dma_start3A_1380 = tpu.memref_slice %arg7[%dma_start3A_1376, %dma_start3A_1378, %dma_start3A_1379] : memref<2x832x64xf32, #tpu.memory_space<vmem>> -> memref<1x832x64xf32, #tpu.memory_space<vmem>>
        %dma_start3A_1381 = tpu.memref_squeeze %dma_start3A_1380 : memref<1x832x64xf32, #tpu.memory_space<vmem>> -> memref<832x64xf32, #tpu.memory_space<vmem>>
        %dma_start3A_1382 = arith.constant 480 : i32
        %dma_start3A_1383 = arith.constant 0 : i32
        %dma_start3A_1384 = tpu.memref_slice %dma_start3A_1381[%dma_start3A_1382, %dma_start3A_1383] : memref<832x64xf32, #tpu.memory_space<vmem>> -> memref<32x64xf32, #tpu.memory_space<vmem>>
        %dma_start3A_1385 = arith.constant 0 : i32
        %dma_start3A_1386 = arith.constant 0 : i32
        %dma_start3A_1387 = tpu.memref_slice %arg6[%dma_start3A_1374, %dma_start3A_1385, %dma_start3A_1386] : memref<2x26x32xi32, #tpu.memory_space<vmem>> -> memref<1x26x32xi32, #tpu.memory_space<vmem>>
        %dma_start3A_1388 = tpu.memref_squeeze %dma_start3A_1387 : memref<1x26x32xi32, #tpu.memory_space<vmem>> -> memref<26x32xi32, #tpu.memory_space<vmem>>
        %dma_start3A_1389 = arith.constant 0 : i32
        %dma_start3A_1390 = tpu.memref_slice %dma_start3A_1388[%dma_start3A_1375, %dma_start3A_1389] : memref<26x32xi32, #tpu.memory_space<vmem>> -> memref<1x32xi32, #tpu.memory_space<vmem>>
        %dma_start3A_1391 = tpu.memref_squeeze %dma_start3A_1390 : memref<1x32xi32, #tpu.memory_space<vmem>> -> memref<32xi32, #tpu.memory_space<vmem>>
        %dma_start3A_1392 = arith.constant 0 : i32
        %dma_start3A_1393 = arith.constant 0 : i32
        %dma_start3A_1394 = tpu.memref_slice %arg4[%dma_start3A_1392, %dma_start3A_1393] : memref<2000000x64xf32, #tpu.memory_space<hbm>> -> memref<2000000x64xf32, #tpu.memory_space<hbm>>
        %dma_start3A_1395 = tpu.memref_slice %arg12[%dma_start3A_1377] : memref<2x!tpu.dma_semaphore, #tpu.memory_space<semaphore_mem>> -> memref<1x!tpu.dma_semaphore, #tpu.memory_space<semaphore_mem>>
        %dma_start3A_1396 = tpu.memref_squeeze %dma_start3A_1395 : memref<1x!tpu.dma_semaphore, #tpu.memory_space<semaphore_mem>> -> memref<!tpu.dma_semaphore, #tpu.memory_space<semaphore_mem>>
        tpu.enqueue_indirect_dma source(%dma_start3A_1394 : memref<2000000x64xf32, #tpu.memory_space<hbm>>) target(%dma_start3A_1384 : memref<32x64xf32, #tpu.memory_space<vmem>>) offsets(%dma_start3A_1391 : memref<32xi32, #tpu.memory_space<vmem>>) semaphore(%dma_start3A_1396 : memref<!tpu.dma_semaphore, #tpu.memory_space<semaphore_mem>>)
        %dma_start3A_1397 = arith.constant 0 : i32
        %dma_start3A_1398 = arith.constant 16 : i32
        %dma_start3A_1399 = arith.constant 0 : i32
        %dma_start3A_1400 = arith.constant 0 : i32
        %dma_start3A_1401 = arith.constant 0 : i32
        %dma_start3A_1402 = arith.constant 0 : i32
        %dma_start3A_1403 = tpu.memref_slice %arg7[%dma_start3A_1399, %dma_start3A_1401, %dma_start3A_1402] : memref<2x832x64xf32, #tpu.memory_space<vmem>> -> memref<1x832x64xf32, #tpu.memory_space<vmem>>
        %dma_start3A_1404 = tpu.memref_squeeze %dma_start3A_1403 : memref<1x832x64xf32, #tpu.memory_space<vmem>> -> memref<832x64xf32, #tpu.memory_space<vmem>>
        %dma_start3A_1405 = arith.constant 512 : i32
        %dma_start3A_1406 = arith.constant 0 : i32
        %dma_start3A_1407 = tpu.memref_slice %dma_start3A_1404[%dma_start3A_1405, %dma_start3A_1406] : memref<832x64xf32, #tpu.memory_space<vmem>> -> memref<32x64xf32, #tpu.memory_space<vmem>>
        %dma_start3A_1408 = arith.constant 0 : i32
        %dma_start3A_1409 = arith.constant 0 : i32
        %dma_start3A_1410 = tpu.memref_slice %arg6[%dma_start3A_1397, %dma_start3A_1408, %dma_start3A_1409] : memref<2x26x32xi32, #tpu.memory_space<vmem>> -> memref<1x26x32xi32, #tpu.memory_space<vmem>>
        %dma_start3A_1411 = tpu.memref_squeeze %dma_start3A_1410 : memref<1x26x32xi32, #tpu.memory_space<vmem>> -> memref<26x32xi32, #tpu.memory_space<vmem>>
        %dma_start3A_1412 = arith.constant 0 : i32
        %dma_start3A_1413 = tpu.memref_slice %dma_start3A_1411[%dma_start3A_1398, %dma_start3A_1412] : memref<26x32xi32, #tpu.memory_space<vmem>> -> memref<1x32xi32, #tpu.memory_space<vmem>>
        %dma_start3A_1414 = tpu.memref_squeeze %dma_start3A_1413 : memref<1x32xi32, #tpu.memory_space<vmem>> -> memref<32xi32, #tpu.memory_space<vmem>>
        %dma_start3A_1415 = arith.constant 0 : i32
        %dma_start3A_1416 = arith.constant 0 : i32
        %dma_start3A_1417 = tpu.memref_slice %arg4[%dma_start3A_1415, %dma_start3A_1416] : memref<2000000x64xf32, #tpu.memory_space<hbm>> -> memref<2000000x64xf32, #tpu.memory_space<hbm>>
        %dma_start3A_1418 = tpu.memref_slice %arg12[%dma_start3A_1400] : memref<2x!tpu.dma_semaphore, #tpu.memory_space<semaphore_mem>> -> memref<1x!tpu.dma_semaphore, #tpu.memory_space<semaphore_mem>>
        %dma_start3A_1419 = tpu.memref_squeeze %dma_start3A_1418 : memref<1x!tpu.dma_semaphore, #tpu.memory_space<semaphore_mem>> -> memref<!tpu.dma_semaphore, #tpu.memory_space<semaphore_mem>>
        tpu.enqueue_indirect_dma source(%dma_start3A_1417 : memref<2000000x64xf32, #tpu.memory_space<hbm>>) target(%dma_start3A_1407 : memref<32x64xf32, #tpu.memory_space<vmem>>) offsets(%dma_start3A_1414 : memref<32xi32, #tpu.memory_space<vmem>>) semaphore(%dma_start3A_1419 : memref<!tpu.dma_semaphore, #tpu.memory_space<semaphore_mem>>)
        %dma_start3A_1420 = arith.constant 0 : i32
        %dma_start3A_1421 = arith.constant 17 : i32
        %dma_start3A_1422 = arith.constant 0 : i32
        %dma_start3A_1423 = arith.constant 0 : i32
        %dma_start3A_1424 = arith.constant 0 : i32
        %dma_start3A_1425 = arith.constant 0 : i32
        %dma_start3A_1426 = tpu.memref_slice %arg7[%dma_start3A_1422, %dma_start3A_1424, %dma_start3A_1425] : memref<2x832x64xf32, #tpu.memory_space<vmem>> -> memref<1x832x64xf32, #tpu.memory_space<vmem>>
        %dma_start3A_1427 = tpu.memref_squeeze %dma_start3A_1426 : memref<1x832x64xf32, #tpu.memory_space<vmem>> -> memref<832x64xf32, #tpu.memory_space<vmem>>
        %dma_start3A_1428 = arith.constant 544 : i32
        %dma_start3A_1429 = arith.constant 0 : i32
        %dma_start3A_1430 = tpu.memref_slice %dma_start3A_1427[%dma_start3A_1428, %dma_start3A_1429] : memref<832x64xf32, #tpu.memory_space<vmem>> -> memref<32x64xf32, #tpu.memory_space<vmem>>
        %dma_start3A_1431 = arith.constant 0 : i32
        %dma_start3A_1432 = arith.constant 0 : i32
        %dma_start3A_1433 = tpu.memref_slice %arg6[%dma_start3A_1420, %dma_start3A_1431, %dma_start3A_1432] : memref<2x26x32xi32, #tpu.memory_space<vmem>> -> memref<1x26x32xi32, #tpu.memory_space<vmem>>
        %dma_start3A_1434 = tpu.memref_squeeze %dma_start3A_1433 : memref<1x26x32xi32, #tpu.memory_space<vmem>> -> memref<26x32xi32, #tpu.memory_space<vmem>>
        %dma_start3A_1435 = arith.constant 0 : i32
        %dma_start3A_1436 = tpu.memref_slice %dma_start3A_1434[%dma_start3A_1421, %dma_start3A_1435] : memref<26x32xi32, #tpu.memory_space<vmem>> -> memref<1x32xi32, #tpu.memory_space<vmem>>
        %dma_start3A_1437 = tpu.memref_squeeze %dma_start3A_1436 : memref<1x32xi32, #tpu.memory_space<vmem>> -> memref<32xi32, #tpu.memory_space<vmem>>
        %dma_start3A_1438 = arith.constant 0 : i32
        %dma_start3A_1439 = arith.constant 0 : i32
        %dma_start3A_1440 = tpu.memref_slice %arg4[%dma_start3A_1438, %dma_start3A_1439] : memref<2000000x64xf32, #tpu.memory_space<hbm>> -> memref<2000000x64xf32, #tpu.memory_space<hbm>>
        %dma_start3A_1441 = tpu.memref_slice %arg12[%dma_start3A_1423] : memref<2x!tpu.dma_semaphore, #tpu.memory_space<semaphore_mem>> -> memref<1x!tpu.dma_semaphore, #tpu.memory_space<semaphore_mem>>
        %dma_start3A_1442 = tpu.memref_squeeze %dma_start3A_1441 : memref<1x!tpu.dma_semaphore, #tpu.memory_space<semaphore_mem>> -> memref<!tpu.dma_semaphore, #tpu.memory_space<semaphore_mem>>
        tpu.enqueue_indirect_dma source(%dma_start3A_1440 : memref<2000000x64xf32, #tpu.memory_space<hbm>>) target(%dma_start3A_1430 : memref<32x64xf32, #tpu.memory_space<vmem>>) offsets(%dma_start3A_1437 : memref<32xi32, #tpu.memory_space<vmem>>) semaphore(%dma_start3A_1442 : memref<!tpu.dma_semaphore, #tpu.memory_space<semaphore_mem>>)
        %dma_start3A_1443 = arith.constant 0 : i32
        %dma_start3A_1444 = arith.constant 18 : i32
        %dma_start3A_1445 = arith.constant 0 : i32
        %dma_start3A_1446 = arith.constant 0 : i32
        %dma_start3A_1447 = arith.constant 0 : i32
        %dma_start3A_1448 = arith.constant 0 : i32
        %dma_start3A_1449 = tpu.memref_slice %arg7[%dma_start3A_1445, %dma_start3A_1447, %dma_start3A_1448] : memref<2x832x64xf32, #tpu.memory_space<vmem>> -> memref<1x832x64xf32, #tpu.memory_space<vmem>>
        %dma_start3A_1450 = tpu.memref_squeeze %dma_start3A_1449 : memref<1x832x64xf32, #tpu.memory_space<vmem>> -> memref<832x64xf32, #tpu.memory_space<vmem>>
        %dma_start3A_1451 = arith.constant 576 : i32
        %dma_start3A_1452 = arith.constant 0 : i32
        %dma_start3A_1453 = tpu.memref_slice %dma_start3A_1450[%dma_start3A_1451, %dma_start3A_1452] : memref<832x64xf32, #tpu.memory_space<vmem>> -> memref<32x64xf32, #tpu.memory_space<vmem>>
        %dma_start3A_1454 = arith.constant 0 : i32
        %dma_start3A_1455 = arith.constant 0 : i32
        %dma_start3A_1456 = tpu.memref_slice %arg6[%dma_start3A_1443, %dma_start3A_1454, %dma_start3A_1455] : memref<2x26x32xi32, #tpu.memory_space<vmem>> -> memref<1x26x32xi32, #tpu.memory_space<vmem>>
        %dma_start3A_1457 = tpu.memref_squeeze %dma_start3A_1456 : memref<1x26x32xi32, #tpu.memory_space<vmem>> -> memref<26x32xi32, #tpu.memory_space<vmem>>
        %dma_start3A_1458 = arith.constant 0 : i32
        %dma_start3A_1459 = tpu.memref_slice %dma_start3A_1457[%dma_start3A_1444, %dma_start3A_1458] : memref<26x32xi32, #tpu.memory_space<vmem>> -> memref<1x32xi32, #tpu.memory_space<vmem>>
        %dma_start3A_1460 = tpu.memref_squeeze %dma_start3A_1459 : memref<1x32xi32, #tpu.memory_space<vmem>> -> memref<32xi32, #tpu.memory_space<vmem>>
        %dma_start3A_1461 = arith.constant 0 : i32
        %dma_start3A_1462 = arith.constant 0 : i32
        %dma_start3A_1463 = tpu.memref_slice %arg4[%dma_start3A_1461, %dma_start3A_1462] : memref<2000000x64xf32, #tpu.memory_space<hbm>> -> memref<2000000x64xf32, #tpu.memory_space<hbm>>
        %dma_start3A_1464 = tpu.memref_slice %arg12[%dma_start3A_1446] : memref<2x!tpu.dma_semaphore, #tpu.memory_space<semaphore_mem>> -> memref<1x!tpu.dma_semaphore, #tpu.memory_space<semaphore_mem>>
        %dma_start3A_1465 = tpu.memref_squeeze %dma_start3A_1464 : memref<1x!tpu.dma_semaphore, #tpu.memory_space<semaphore_mem>> -> memref<!tpu.dma_semaphore, #tpu.memory_space<semaphore_mem>>
        tpu.enqueue_indirect_dma source(%dma_start3A_1463 : memref<2000000x64xf32, #tpu.memory_space<hbm>>) target(%dma_start3A_1453 : memref<32x64xf32, #tpu.memory_space<vmem>>) offsets(%dma_start3A_1460 : memref<32xi32, #tpu.memory_space<vmem>>) semaphore(%dma_start3A_1465 : memref<!tpu.dma_semaphore, #tpu.memory_space<semaphore_mem>>)
        %dma_start3A_1466 = arith.constant 0 : i32
        %dma_start3A_1467 = arith.constant 19 : i32
        %dma_start3A_1468 = arith.constant 0 : i32
        %dma_start3A_1469 = arith.constant 0 : i32
        %dma_start3A_1470 = arith.constant 0 : i32
        %dma_start3A_1471 = arith.constant 0 : i32
        %dma_start3A_1472 = tpu.memref_slice %arg7[%dma_start3A_1468, %dma_start3A_1470, %dma_start3A_1471] : memref<2x832x64xf32, #tpu.memory_space<vmem>> -> memref<1x832x64xf32, #tpu.memory_space<vmem>>
        %dma_start3A_1473 = tpu.memref_squeeze %dma_start3A_1472 : memref<1x832x64xf32, #tpu.memory_space<vmem>> -> memref<832x64xf32, #tpu.memory_space<vmem>>
        %dma_start3A_1474 = arith.constant 608 : i32
        %dma_start3A_1475 = arith.constant 0 : i32
        %dma_start3A_1476 = tpu.memref_slice %dma_start3A_1473[%dma_start3A_1474, %dma_start3A_1475] : memref<832x64xf32, #tpu.memory_space<vmem>> -> memref<32x64xf32, #tpu.memory_space<vmem>>
        %dma_start3A_1477 = arith.constant 0 : i32
        %dma_start3A_1478 = arith.constant 0 : i32
        %dma_start3A_1479 = tpu.memref_slice %arg6[%dma_start3A_1466, %dma_start3A_1477, %dma_start3A_1478] : memref<2x26x32xi32, #tpu.memory_space<vmem>> -> memref<1x26x32xi32, #tpu.memory_space<vmem>>
        %dma_start3A_1480 = tpu.memref_squeeze %dma_start3A_1479 : memref<1x26x32xi32, #tpu.memory_space<vmem>> -> memref<26x32xi32, #tpu.memory_space<vmem>>
        %dma_start3A_1481 = arith.constant 0 : i32
        %dma_start3A_1482 = tpu.memref_slice %dma_start3A_1480[%dma_start3A_1467, %dma_start3A_1481] : memref<26x32xi32, #tpu.memory_space<vmem>> -> memref<1x32xi32, #tpu.memory_space<vmem>>
        %dma_start3A_1483 = tpu.memref_squeeze %dma_start3A_1482 : memref<1x32xi32, #tpu.memory_space<vmem>> -> memref<32xi32, #tpu.memory_space<vmem>>
        %dma_start3A_1484 = arith.constant 0 : i32
        %dma_start3A_1485 = arith.constant 0 : i32
        %dma_start3A_1486 = tpu.memref_slice %arg4[%dma_start3A_1484, %dma_start3A_1485] : memref<2000000x64xf32, #tpu.memory_space<hbm>> -> memref<2000000x64xf32, #tpu.memory_space<hbm>>
        %dma_start3A_1487 = tpu.memref_slice %arg12[%dma_start3A_1469] : memref<2x!tpu.dma_semaphore, #tpu.memory_space<semaphore_mem>> -> memref<1x!tpu.dma_semaphore, #tpu.memory_space<semaphore_mem>>
        %dma_start3A_1488 = tpu.memref_squeeze %dma_start3A_1487 : memref<1x!tpu.dma_semaphore, #tpu.memory_space<semaphore_mem>> -> memref<!tpu.dma_semaphore, #tpu.memory_space<semaphore_mem>>
        tpu.enqueue_indirect_dma source(%dma_start3A_1486 : memref<2000000x64xf32, #tpu.memory_space<hbm>>) target(%dma_start3A_1476 : memref<32x64xf32, #tpu.memory_space<vmem>>) offsets(%dma_start3A_1483 : memref<32xi32, #tpu.memory_space<vmem>>) semaphore(%dma_start3A_1488 : memref<!tpu.dma_semaphore, #tpu.memory_space<semaphore_mem>>)
        %dma_start3A_1489 = arith.constant 0 : i32
        %dma_start3A_1490 = arith.constant 20 : i32
        %dma_start3A_1491 = arith.constant 0 : i32
        %dma_start3A_1492 = arith.constant 0 : i32
        %dma_start3A_1493 = arith.constant 0 : i32
        %dma_start3A_1494 = arith.constant 0 : i32
        %dma_start3A_1495 = tpu.memref_slice %arg7[%dma_start3A_1491, %dma_start3A_1493, %dma_start3A_1494] : memref<2x832x64xf32, #tpu.memory_space<vmem>> -> memref<1x832x64xf32, #tpu.memory_space<vmem>>
        %dma_start3A_1496 = tpu.memref_squeeze %dma_start3A_1495 : memref<1x832x64xf32, #tpu.memory_space<vmem>> -> memref<832x64xf32, #tpu.memory_space<vmem>>
        %dma_start3A_1497 = arith.constant 640 : i32
        %dma_start3A_1498 = arith.constant 0 : i32
        %dma_start3A_1499 = tpu.memref_slice %dma_start3A_1496[%dma_start3A_1497, %dma_start3A_1498] : memref<832x64xf32, #tpu.memory_space<vmem>> -> memref<32x64xf32, #tpu.memory_space<vmem>>
        %dma_start3A_1500 = arith.constant 0 : i32
        %dma_start3A_1501 = arith.constant 0 : i32
        %dma_start3A_1502 = tpu.memref_slice %arg6[%dma_start3A_1489, %dma_start3A_1500, %dma_start3A_1501] : memref<2x26x32xi32, #tpu.memory_space<vmem>> -> memref<1x26x32xi32, #tpu.memory_space<vmem>>
        %dma_start3A_1503 = tpu.memref_squeeze %dma_start3A_1502 : memref<1x26x32xi32, #tpu.memory_space<vmem>> -> memref<26x32xi32, #tpu.memory_space<vmem>>
        %dma_start3A_1504 = arith.constant 0 : i32
        %dma_start3A_1505 = tpu.memref_slice %dma_start3A_1503[%dma_start3A_1490, %dma_start3A_1504] : memref<26x32xi32, #tpu.memory_space<vmem>> -> memref<1x32xi32, #tpu.memory_space<vmem>>
        %dma_start3A_1506 = tpu.memref_squeeze %dma_start3A_1505 : memref<1x32xi32, #tpu.memory_space<vmem>> -> memref<32xi32, #tpu.memory_space<vmem>>
        %dma_start3A_1507 = arith.constant 0 : i32
        %dma_start3A_1508 = arith.constant 0 : i32
        %dma_start3A_1509 = tpu.memref_slice %arg4[%dma_start3A_1507, %dma_start3A_1508] : memref<2000000x64xf32, #tpu.memory_space<hbm>> -> memref<2000000x64xf32, #tpu.memory_space<hbm>>
        %dma_start3A_1510 = tpu.memref_slice %arg12[%dma_start3A_1492] : memref<2x!tpu.dma_semaphore, #tpu.memory_space<semaphore_mem>> -> memref<1x!tpu.dma_semaphore, #tpu.memory_space<semaphore_mem>>
        %dma_start3A_1511 = tpu.memref_squeeze %dma_start3A_1510 : memref<1x!tpu.dma_semaphore, #tpu.memory_space<semaphore_mem>> -> memref<!tpu.dma_semaphore, #tpu.memory_space<semaphore_mem>>
        tpu.enqueue_indirect_dma source(%dma_start3A_1509 : memref<2000000x64xf32, #tpu.memory_space<hbm>>) target(%dma_start3A_1499 : memref<32x64xf32, #tpu.memory_space<vmem>>) offsets(%dma_start3A_1506 : memref<32xi32, #tpu.memory_space<vmem>>) semaphore(%dma_start3A_1511 : memref<!tpu.dma_semaphore, #tpu.memory_space<semaphore_mem>>)
        %dma_start3A_1512 = arith.constant 0 : i32
        %dma_start3A_1513 = arith.constant 21 : i32
        %dma_start3A_1514 = arith.constant 0 : i32
        %dma_start3A_1515 = arith.constant 0 : i32
        %dma_start3A_1516 = arith.constant 0 : i32
        %dma_start3A_1517 = arith.constant 0 : i32
        %dma_start3A_1518 = tpu.memref_slice %arg7[%dma_start3A_1514, %dma_start3A_1516, %dma_start3A_1517] : memref<2x832x64xf32, #tpu.memory_space<vmem>> -> memref<1x832x64xf32, #tpu.memory_space<vmem>>
        %dma_start3A_1519 = tpu.memref_squeeze %dma_start3A_1518 : memref<1x832x64xf32, #tpu.memory_space<vmem>> -> memref<832x64xf32, #tpu.memory_space<vmem>>
        %dma_start3A_1520 = arith.constant 672 : i32
        %dma_start3A_1521 = arith.constant 0 : i32
        %dma_start3A_1522 = tpu.memref_slice %dma_start3A_1519[%dma_start3A_1520, %dma_start3A_1521] : memref<832x64xf32, #tpu.memory_space<vmem>> -> memref<32x64xf32, #tpu.memory_space<vmem>>
        %dma_start3A_1523 = arith.constant 0 : i32
        %dma_start3A_1524 = arith.constant 0 : i32
        %dma_start3A_1525 = tpu.memref_slice %arg6[%dma_start3A_1512, %dma_start3A_1523, %dma_start3A_1524] : memref<2x26x32xi32, #tpu.memory_space<vmem>> -> memref<1x26x32xi32, #tpu.memory_space<vmem>>
        %dma_start3A_1526 = tpu.memref_squeeze %dma_start3A_1525 : memref<1x26x32xi32, #tpu.memory_space<vmem>> -> memref<26x32xi32, #tpu.memory_space<vmem>>
        %dma_start3A_1527 = arith.constant 0 : i32
        %dma_start3A_1528 = tpu.memref_slice %dma_start3A_1526[%dma_start3A_1513, %dma_start3A_1527] : memref<26x32xi32, #tpu.memory_space<vmem>> -> memref<1x32xi32, #tpu.memory_space<vmem>>
        %dma_start3A_1529 = tpu.memref_squeeze %dma_start3A_1528 : memref<1x32xi32, #tpu.memory_space<vmem>> -> memref<32xi32, #tpu.memory_space<vmem>>
        %dma_start3A_1530 = arith.constant 0 : i32
        %dma_start3A_1531 = arith.constant 0 : i32
        %dma_start3A_1532 = tpu.memref_slice %arg4[%dma_start3A_1530, %dma_start3A_1531] : memref<2000000x64xf32, #tpu.memory_space<hbm>> -> memref<2000000x64xf32, #tpu.memory_space<hbm>>
        %dma_start3A_1533 = tpu.memref_slice %arg12[%dma_start3A_1515] : memref<2x!tpu.dma_semaphore, #tpu.memory_space<semaphore_mem>> -> memref<1x!tpu.dma_semaphore, #tpu.memory_space<semaphore_mem>>
        %dma_start3A_1534 = tpu.memref_squeeze %dma_start3A_1533 : memref<1x!tpu.dma_semaphore, #tpu.memory_space<semaphore_mem>> -> memref<!tpu.dma_semaphore, #tpu.memory_space<semaphore_mem>>
        tpu.enqueue_indirect_dma source(%dma_start3A_1532 : memref<2000000x64xf32, #tpu.memory_space<hbm>>) target(%dma_start3A_1522 : memref<32x64xf32, #tpu.memory_space<vmem>>) offsets(%dma_start3A_1529 : memref<32xi32, #tpu.memory_space<vmem>>) semaphore(%dma_start3A_1534 : memref<!tpu.dma_semaphore, #tpu.memory_space<semaphore_mem>>)
        %dma_start3A_1535 = arith.constant 0 : i32
        %dma_start3A_1536 = arith.constant 22 : i32
        %dma_start3A_1537 = arith.constant 0 : i32
        %dma_start3A_1538 = arith.constant 0 : i32
        %dma_start3A_1539 = arith.constant 0 : i32
        %dma_start3A_1540 = arith.constant 0 : i32
        %dma_start3A_1541 = tpu.memref_slice %arg7[%dma_start3A_1537, %dma_start3A_1539, %dma_start3A_1540] : memref<2x832x64xf32, #tpu.memory_space<vmem>> -> memref<1x832x64xf32, #tpu.memory_space<vmem>>
        %dma_start3A_1542 = tpu.memref_squeeze %dma_start3A_1541 : memref<1x832x64xf32, #tpu.memory_space<vmem>> -> memref<832x64xf32, #tpu.memory_space<vmem>>
        %dma_start3A_1543 = arith.constant 704 : i32
        %dma_start3A_1544 = arith.constant 0 : i32
        %dma_start3A_1545 = tpu.memref_slice %dma_start3A_1542[%dma_start3A_1543, %dma_start3A_1544] : memref<832x64xf32, #tpu.memory_space<vmem>> -> memref<32x64xf32, #tpu.memory_space<vmem>>
        %dma_start3A_1546 = arith.constant 0 : i32
        %dma_start3A_1547 = arith.constant 0 : i32
        %dma_start3A_1548 = tpu.memref_slice %arg6[%dma_start3A_1535, %dma_start3A_1546, %dma_start3A_1547] : memref<2x26x32xi32, #tpu.memory_space<vmem>> -> memref<1x26x32xi32, #tpu.memory_space<vmem>>
        %dma_start3A_1549 = tpu.memref_squeeze %dma_start3A_1548 : memref<1x26x32xi32, #tpu.memory_space<vmem>> -> memref<26x32xi32, #tpu.memory_space<vmem>>
        %dma_start3A_1550 = arith.constant 0 : i32
        %dma_start3A_1551 = tpu.memref_slice %dma_start3A_1549[%dma_start3A_1536, %dma_start3A_1550] : memref<26x32xi32, #tpu.memory_space<vmem>> -> memref<1x32xi32, #tpu.memory_space<vmem>>
        %dma_start3A_1552 = tpu.memref_squeeze %dma_start3A_1551 : memref<1x32xi32, #tpu.memory_space<vmem>> -> memref<32xi32, #tpu.memory_space<vmem>>
        %dma_start3A_1553 = arith.constant 0 : i32
        %dma_start3A_1554 = arith.constant 0 : i32
        %dma_start3A_1555 = tpu.memref_slice %arg4[%dma_start3A_1553, %dma_start3A_1554] : memref<2000000x64xf32, #tpu.memory_space<hbm>> -> memref<2000000x64xf32, #tpu.memory_space<hbm>>
        %dma_start3A_1556 = tpu.memref_slice %arg12[%dma_start3A_1538] : memref<2x!tpu.dma_semaphore, #tpu.memory_space<semaphore_mem>> -> memref<1x!tpu.dma_semaphore, #tpu.memory_space<semaphore_mem>>
        %dma_start3A_1557 = tpu.memref_squeeze %dma_start3A_1556 : memref<1x!tpu.dma_semaphore, #tpu.memory_space<semaphore_mem>> -> memref<!tpu.dma_semaphore, #tpu.memory_space<semaphore_mem>>
        tpu.enqueue_indirect_dma source(%dma_start3A_1555 : memref<2000000x64xf32, #tpu.memory_space<hbm>>) target(%dma_start3A_1545 : memref<32x64xf32, #tpu.memory_space<vmem>>) offsets(%dma_start3A_1552 : memref<32xi32, #tpu.memory_space<vmem>>) semaphore(%dma_start3A_1557 : memref<!tpu.dma_semaphore, #tpu.memory_space<semaphore_mem>>)
        %dma_start3A_1558 = arith.constant 0 : i32
        %dma_start3A_1559 = arith.constant 23 : i32
        %dma_start3A_1560 = arith.constant 0 : i32
        %dma_start3A_1561 = arith.constant 0 : i32
        %dma_start3A_1562 = arith.constant 0 : i32
        %dma_start3A_1563 = arith.constant 0 : i32
        %dma_start3A_1564 = tpu.memref_slice %arg7[%dma_start3A_1560, %dma_start3A_1562, %dma_start3A_1563] : memref<2x832x64xf32, #tpu.memory_space<vmem>> -> memref<1x832x64xf32, #tpu.memory_space<vmem>>
        %dma_start3A_1565 = tpu.memref_squeeze %dma_start3A_1564 : memref<1x832x64xf32, #tpu.memory_space<vmem>> -> memref<832x64xf32, #tpu.memory_space<vmem>>
        %dma_start3A_1566 = arith.constant 736 : i32
        %dma_start3A_1567 = arith.constant 0 : i32
        %dma_start3A_1568 = tpu.memref_slice %dma_start3A_1565[%dma_start3A_1566, %dma_start3A_1567] : memref<832x64xf32, #tpu.memory_space<vmem>> -> memref<32x64xf32, #tpu.memory_space<vmem>>
        %dma_start3A_1569 = arith.constant 0 : i32
        %dma_start3A_1570 = arith.constant 0 : i32
        %dma_start3A_1571 = tpu.memref_slice %arg6[%dma_start3A_1558, %dma_start3A_1569, %dma_start3A_1570] : memref<2x26x32xi32, #tpu.memory_space<vmem>> -> memref<1x26x32xi32, #tpu.memory_space<vmem>>
        %dma_start3A_1572 = tpu.memref_squeeze %dma_start3A_1571 : memref<1x26x32xi32, #tpu.memory_space<vmem>> -> memref<26x32xi32, #tpu.memory_space<vmem>>
        %dma_start3A_1573 = arith.constant 0 : i32
        %dma_start3A_1574 = tpu.memref_slice %dma_start3A_1572[%dma_start3A_1559, %dma_start3A_1573] : memref<26x32xi32, #tpu.memory_space<vmem>> -> memref<1x32xi32, #tpu.memory_space<vmem>>
        %dma_start3A_1575 = tpu.memref_squeeze %dma_start3A_1574 : memref<1x32xi32, #tpu.memory_space<vmem>> -> memref<32xi32, #tpu.memory_space<vmem>>
        %dma_start3A_1576 = arith.constant 0 : i32
        %dma_start3A_1577 = arith.constant 0 : i32
        %dma_start3A_1578 = tpu.memref_slice %arg4[%dma_start3A_1576, %dma_start3A_1577] : memref<2000000x64xf32, #tpu.memory_space<hbm>> -> memref<2000000x64xf32, #tpu.memory_space<hbm>>
        %dma_start3A_1579 = tpu.memref_slice %arg12[%dma_start3A_1561] : memref<2x!tpu.dma_semaphore, #tpu.memory_space<semaphore_mem>> -> memref<1x!tpu.dma_semaphore, #tpu.memory_space<semaphore_mem>>
        %dma_start3A_1580 = tpu.memref_squeeze %dma_start3A_1579 : memref<1x!tpu.dma_semaphore, #tpu.memory_space<semaphore_mem>> -> memref<!tpu.dma_semaphore, #tpu.memory_space<semaphore_mem>>
        tpu.enqueue_indirect_dma source(%dma_start3A_1578 : memref<2000000x64xf32, #tpu.memory_space<hbm>>) target(%dma_start3A_1568 : memref<32x64xf32, #tpu.memory_space<vmem>>) offsets(%dma_start3A_1575 : memref<32xi32, #tpu.memory_space<vmem>>) semaphore(%dma_start3A_1580 : memref<!tpu.dma_semaphore, #tpu.memory_space<semaphore_mem>>)
        %dma_start3A_1581 = arith.constant 0 : i32
        %dma_start3A_1582 = arith.constant 24 : i32
        %dma_start3A_1583 = arith.constant 0 : i32
        %dma_start3A_1584 = arith.constant 0 : i32
        %dma_start3A_1585 = arith.constant 0 : i32
        %dma_start3A_1586 = arith.constant 0 : i32
        %dma_start3A_1587 = tpu.memref_slice %arg7[%dma_start3A_1583, %dma_start3A_1585, %dma_start3A_1586] : memref<2x832x64xf32, #tpu.memory_space<vmem>> -> memref<1x832x64xf32, #tpu.memory_space<vmem>>
        %dma_start3A_1588 = tpu.memref_squeeze %dma_start3A_1587 : memref<1x832x64xf32, #tpu.memory_space<vmem>> -> memref<832x64xf32, #tpu.memory_space<vmem>>
        %dma_start3A_1589 = arith.constant 768 : i32
        %dma_start3A_1590 = arith.constant 0 : i32
        %dma_start3A_1591 = tpu.memref_slice %dma_start3A_1588[%dma_start3A_1589, %dma_start3A_1590] : memref<832x64xf32, #tpu.memory_space<vmem>> -> memref<32x64xf32, #tpu.memory_space<vmem>>
        %dma_start3A_1592 = arith.constant 0 : i32
        %dma_start3A_1593 = arith.constant 0 : i32
        %dma_start3A_1594 = tpu.memref_slice %arg6[%dma_start3A_1581, %dma_start3A_1592, %dma_start3A_1593] : memref<2x26x32xi32, #tpu.memory_space<vmem>> -> memref<1x26x32xi32, #tpu.memory_space<vmem>>
        %dma_start3A_1595 = tpu.memref_squeeze %dma_start3A_1594 : memref<1x26x32xi32, #tpu.memory_space<vmem>> -> memref<26x32xi32, #tpu.memory_space<vmem>>
        %dma_start3A_1596 = arith.constant 0 : i32
        %dma_start3A_1597 = tpu.memref_slice %dma_start3A_1595[%dma_start3A_1582, %dma_start3A_1596] : memref<26x32xi32, #tpu.memory_space<vmem>> -> memref<1x32xi32, #tpu.memory_space<vmem>>
        %dma_start3A_1598 = tpu.memref_squeeze %dma_start3A_1597 : memref<1x32xi32, #tpu.memory_space<vmem>> -> memref<32xi32, #tpu.memory_space<vmem>>
        %dma_start3A_1599 = arith.constant 0 : i32
        %dma_start3A_1600 = arith.constant 0 : i32
        %dma_start3A_1601 = tpu.memref_slice %arg4[%dma_start3A_1599, %dma_start3A_1600] : memref<2000000x64xf32, #tpu.memory_space<hbm>> -> memref<2000000x64xf32, #tpu.memory_space<hbm>>
        %dma_start3A_1602 = tpu.memref_slice %arg12[%dma_start3A_1584] : memref<2x!tpu.dma_semaphore, #tpu.memory_space<semaphore_mem>> -> memref<1x!tpu.dma_semaphore, #tpu.memory_space<semaphore_mem>>
        %dma_start3A_1603 = tpu.memref_squeeze %dma_start3A_1602 : memref<1x!tpu.dma_semaphore, #tpu.memory_space<semaphore_mem>> -> memref<!tpu.dma_semaphore, #tpu.memory_space<semaphore_mem>>
        tpu.enqueue_indirect_dma source(%dma_start3A_1601 : memref<2000000x64xf32, #tpu.memory_space<hbm>>) target(%dma_start3A_1591 : memref<32x64xf32, #tpu.memory_space<vmem>>) offsets(%dma_start3A_1598 : memref<32xi32, #tpu.memory_space<vmem>>) semaphore(%dma_start3A_1603 : memref<!tpu.dma_semaphore, #tpu.memory_space<semaphore_mem>>)
        %dma_start3A_1604 = arith.constant 0 : i32
        %dma_start3A_1605 = arith.constant 25 : i32
        %dma_start3A_1606 = arith.constant 0 : i32
        %dma_start3A_1607 = arith.constant 0 : i32
        %dma_start3A_1608 = arith.constant 0 : i32
        %dma_start3A_1609 = arith.constant 0 : i32
        %dma_start3A_1610 = tpu.memref_slice %arg7[%dma_start3A_1606, %dma_start3A_1608, %dma_start3A_1609] : memref<2x832x64xf32, #tpu.memory_space<vmem>> -> memref<1x832x64xf32, #tpu.memory_space<vmem>>
        %dma_start3A_1611 = tpu.memref_squeeze %dma_start3A_1610 : memref<1x832x64xf32, #tpu.memory_space<vmem>> -> memref<832x64xf32, #tpu.memory_space<vmem>>
        %dma_start3A_1612 = arith.constant 800 : i32
        %dma_start3A_1613 = arith.constant 0 : i32
        %dma_start3A_1614 = tpu.memref_slice %dma_start3A_1611[%dma_start3A_1612, %dma_start3A_1613] : memref<832x64xf32, #tpu.memory_space<vmem>> -> memref<32x64xf32, #tpu.memory_space<vmem>>
        %dma_start3A_1615 = arith.constant 0 : i32
        %dma_start3A_1616 = arith.constant 0 : i32
        %dma_start3A_1617 = tpu.memref_slice %arg6[%dma_start3A_1604, %dma_start3A_1615, %dma_start3A_1616] : memref<2x26x32xi32, #tpu.memory_space<vmem>> -> memref<1x26x32xi32, #tpu.memory_space<vmem>>
        %dma_start3A_1618 = tpu.memref_squeeze %dma_start3A_1617 : memref<1x26x32xi32, #tpu.memory_space<vmem>> -> memref<26x32xi32, #tpu.memory_space<vmem>>
        %dma_start3A_1619 = arith.constant 0 : i32
        %dma_start3A_1620 = tpu.memref_slice %dma_start3A_1618[%dma_start3A_1605, %dma_start3A_1619] : memref<26x32xi32, #tpu.memory_space<vmem>> -> memref<1x32xi32, #tpu.memory_space<vmem>>
        %dma_start3A_1621 = tpu.memref_squeeze %dma_start3A_1620 : memref<1x32xi32, #tpu.memory_space<vmem>> -> memref<32xi32, #tpu.memory_space<vmem>>
        %dma_start3A_1622 = arith.constant 0 : i32
        %dma_start3A_1623 = arith.constant 0 : i32
        %dma_start3A_1624 = tpu.memref_slice %arg4[%dma_start3A_1622, %dma_start3A_1623] : memref<2000000x64xf32, #tpu.memory_space<hbm>> -> memref<2000000x64xf32, #tpu.memory_space<hbm>>
        %dma_start3A_1625 = tpu.memref_slice %arg12[%dma_start3A_1607] : memref<2x!tpu.dma_semaphore, #tpu.memory_space<semaphore_mem>> -> memref<1x!tpu.dma_semaphore, #tpu.memory_space<semaphore_mem>>
        %dma_start3A_1626 = tpu.memref_squeeze %dma_start3A_1625 : memref<1x!tpu.dma_semaphore, #tpu.memory_space<semaphore_mem>> -> memref<!tpu.dma_semaphore, #tpu.memory_space<semaphore_mem>>
        tpu.enqueue_indirect_dma source(%dma_start3A_1624 : memref<2000000x64xf32, #tpu.memory_space<hbm>>) target(%dma_start3A_1614 : memref<32x64xf32, #tpu.memory_space<vmem>>) offsets(%dma_start3A_1621 : memref<32xi32, #tpu.memory_space<vmem>>) semaphore(%dma_start3A_1626 : memref<!tpu.dma_semaphore, #tpu.memory_space<semaphore_mem>>)
      } else {
      }
      %dma_wait3A_886 = arith.constant 1 : i32
      %dma_wait3A_887 = arith.constant 1 : i32
      %dma_wait3A_888 = arith.constant 0 : i32
      %dma_wait3A_889 = arith.constant 0 : i32
      %dma_wait3A_890 = tpu.memref_slice %arg7[%dma_wait3A_886, %dma_wait3A_888, %dma_wait3A_889] : memref<2x832x64xf32, #tpu.memory_space<vmem>> -> memref<1x832x64xf32, #tpu.memory_space<vmem>>
      %dma_wait3A_891 = tpu.memref_squeeze %dma_wait3A_890 : memref<1x832x64xf32, #tpu.memory_space<vmem>> -> memref<832x64xf32, #tpu.memory_space<vmem>>
      %dma_wait3A_892 = arith.constant 0 : i32
      %dma_wait3A_893 = arith.constant 0 : i32
      %dma_wait3A_894 = tpu.memref_slice %arg4[%dma_wait3A_892, %dma_wait3A_893] : memref<2000000x64xf32, #tpu.memory_space<hbm>> -> memref<832x64xf32, #tpu.memory_space<hbm>>
      %dma_wait3A_895 = tpu.memref_slice %arg12[%dma_wait3A_887] : memref<2x!tpu.dma_semaphore, #tpu.memory_space<semaphore_mem>> -> memref<1x!tpu.dma_semaphore, #tpu.memory_space<semaphore_mem>>
      %dma_wait3A_896 = tpu.memref_squeeze %dma_wait3A_895 : memref<1x!tpu.dma_semaphore, #tpu.memory_space<semaphore_mem>> -> memref<!tpu.dma_semaphore, #tpu.memory_space<semaphore_mem>>
      %dma_wait3A_897 = arith.constant 0 : i32
      %dma_wait3A_898 = arith.constant 0 : i32
      %dma_wait3A_899 = tpu.memref_slice %arg7[%dma_wait3A_886, %dma_wait3A_897, %dma_wait3A_898] : memref<2x832x64xf32, #tpu.memory_space<vmem>> -> memref<1x832x64xf32, #tpu.memory_space<vmem>>
      %dma_wait3A_900 = tpu.memref_squeeze %dma_wait3A_899 : memref<1x832x64xf32, #tpu.memory_space<vmem>> -> memref<832x64xf32, #tpu.memory_space<vmem>>
      %dma_wait3A_901 = arith.constant 0 : i32
      %dma_wait3A_902 = arith.constant 0 : i32
      %dma_wait3A_903 = tpu.memref_slice %arg4[%dma_wait3A_901, %dma_wait3A_902] : memref<2000000x64xf32, #tpu.memory_space<hbm>> -> memref<832x64xf32, #tpu.memory_space<hbm>>
      tpu.wait_dma2 semaphore(%dma_wait3A_896 : memref<!tpu.dma_semaphore, #tpu.memory_space<semaphore_mem>>) src(%dma_wait3A_903 : memref<832x64xf32, #tpu.memory_space<hbm>>) dst(%dma_wait3A_900 : memref<832x64xf32, #tpu.memory_space<vmem>>)
      %add3A_904 = arith.constant 2 : i32
      %add3A_905 = arith.addi %add3A_878, %add3A_904 : i32
      %lt3A_906 = arith.constant 50 : i32
      %lt3A_907 = arith.cmpi slt, %add3A_905, %lt3A_906 : i32
      %convert_element_type3A_908 = arith.extui %lt3A_907 : i1 to i32
      %cond3A_909 = arith.constant 0 : i32
      %cond3A_910 = arith.cmpi ne, %convert_element_type3A_908, %cond3A_909 : i32
      scf.if %cond3A_910 {
        %add3A_969 = arith.constant 2 : i32
        %add3A_970 = arith.addi %add3A_878, %add3A_969 : i32
        %jit3A_971 = arith.constant 8 : i32
        %div3A_972 = arith.divsi %add3A_970, %jit3A_971 : i32
        %sign3A_973 = arith.constant 0 : i32
        %sign3A_974 = arith.cmpi sgt, %add3A_970, %sign3A_973 : i32
        %sign3A_975 = arith.extui %sign3A_974 : i1 to i32
        %sign3A_976 = arith.constant 0 : i32
        %sign3A_977 = arith.cmpi slt, %add3A_970, %sign3A_976 : i32
        %sign3A_978 = arith.extui %sign3A_977 : i1 to i32
        %sign3A_979 = arith.subi %sign3A_975, %sign3A_978 : i32
        %sign3A_980 = arith.constant 0 : i32
        %sign3A_981 = arith.cmpi sgt, %jit3A_971, %sign3A_980 : i32
        %sign3A_982 = arith.extui %sign3A_981 : i1 to i32
        %sign3A_983 = arith.constant 0 : i32
        %sign3A_984 = arith.cmpi slt, %jit3A_971, %sign3A_983 : i32
        %sign3A_985 = arith.extui %sign3A_984 : i1 to i32
        %sign3A_986 = arith.subi %sign3A_982, %sign3A_985 : i32
        %ne3A_987 = arith.cmpi ne, %sign3A_979, %sign3A_986 : i32
        %rem3A_988 = arith.remsi %add3A_970, %jit3A_971 : i32
        %ne3A_989 = arith.constant 0 : i32
        %ne3A_990 = arith.cmpi ne, %rem3A_988, %ne3A_989 : i32
        %and3A_991 = arith.andi %ne3A_987, %ne3A_990 : i1
        %sub3A_992 = arith.constant 1 : i32
        %sub3A_993 = arith.subi %div3A_972, %sub3A_992 : i32
        %select_n3A_994 = arith.select %and3A_991, %sub3A_993, %div3A_972 : i32
        %jit3A_995 = arith.constant 8 : i32
        %eq3A_996 = arith.constant 0 : i32
        %eq3A_997 = arith.cmpi eq, %jit3A_995, %eq3A_996 : i32
        %jit3A_998 = arith.constant 1 : i32
        %select_n3A_999 = arith.select %eq3A_997, %jit3A_998, %jit3A_995 : i32
        %rem3A_1000 = arith.remsi %add3A_970, %select_n3A_999 : i32
        %ne3A_1001 = arith.constant 0 : i32
        %ne3A_1002 = arith.cmpi ne, %rem3A_1000, %ne3A_1001 : i32
        %lt3A_1003 = arith.constant 0 : i32
        %lt3A_1004 = arith.cmpi slt, %rem3A_1000, %lt3A_1003 : i32
        %lt3A_1005 = arith.constant 0 : i32
        %lt3A_1006 = arith.cmpi slt, %select_n3A_999, %lt3A_1005 : i32
        %ne3A_1007 = arith.xori %lt3A_1004, %lt3A_1006 : i1
        %and3A_1008 = arith.andi %ne3A_1007, %ne3A_1002 : i1
        %add3A_1009 = arith.addi %rem3A_1000, %select_n3A_999 : i32
        %select_n3A_1010 = arith.select %and3A_1008, %add3A_1009, %rem3A_1000 : i32
        %dma_start3A_1011 = arith.constant 1 : i32
        %dma_start3A_1012 = arith.constant 1 : i32
        %dma_start3A_1013 = arith.constant 0 : i32
        %dma_start3A_1014 = arith.constant 0 : i32
        %dma_start3A_1015 = tpu.memref_slice %arg6[%dma_start3A_1011, %dma_start3A_1013, %dma_start3A_1014] : memref<2x26x32xi32, #tpu.memory_space<vmem>> -> memref<1x26x32xi32, #tpu.memory_space<vmem>>
        %dma_start3A_1016 = tpu.memref_squeeze %dma_start3A_1015 : memref<1x26x32xi32, #tpu.memory_space<vmem>> -> memref<26x32xi32, #tpu.memory_space<vmem>>
        %dma_start3A_1017 = arith.constant 0 : i32
        %dma_start3A_1018 = tpu.memref_slice %arg2[%dma_start3A_1017, %select_n3A_994, %select_n3A, %select_n3A_1010, %select_n3A_32] : memref<26x7x8x8x128xi32, #tpu.memory_space<hbm>> -> memref<26x1x1x1x32xi32, #tpu.memory_space<hbm>>
        %dma_start3A_1019 = tpu.memref_squeeze %dma_start3A_1018 : memref<26x1x1x1x32xi32, #tpu.memory_space<hbm>> -> memref<26x32xi32, #tpu.memory_space<hbm>>
        %dma_start3A_1020 = tpu.memref_slice %arg10[%dma_start3A_1012] : memref<2x!tpu.dma_semaphore, #tpu.memory_space<semaphore_mem>> -> memref<1x!tpu.dma_semaphore, #tpu.memory_space<semaphore_mem>>
        %dma_start3A_1021 = tpu.memref_squeeze %dma_start3A_1020 : memref<1x!tpu.dma_semaphore, #tpu.memory_space<semaphore_mem>> -> memref<!tpu.dma_semaphore, #tpu.memory_space<semaphore_mem>>
        %dma_start3A_1022 = arith.constant 0 : i32
        %dma_start3A_1023 = arith.constant 0 : i32
        %dma_start3A_1024 = tpu.memref_slice %arg6[%dma_start3A_1011, %dma_start3A_1022, %dma_start3A_1023] : memref<2x26x32xi32, #tpu.memory_space<vmem>> -> memref<1x26x32xi32, #tpu.memory_space<vmem>>
        %dma_start3A_1025 = tpu.memref_squeeze %dma_start3A_1024 : memref<1x26x32xi32, #tpu.memory_space<vmem>> -> memref<26x32xi32, #tpu.memory_space<vmem>>
        %dma_start3A_1026 = arith.constant 0 : i32
        %dma_start3A_1027 = tpu.memref_slice %arg2[%dma_start3A_1026, %select_n3A_994, %select_n3A, %select_n3A_1010, %select_n3A_32] : memref<26x7x8x8x128xi32, #tpu.memory_space<hbm>> -> memref<26x1x1x1x32xi32, #tpu.memory_space<hbm>>
        %dma_start3A_1028 = tpu.memref_squeeze %dma_start3A_1027 : memref<26x1x1x1x32xi32, #tpu.memory_space<hbm>> -> memref<26x32xi32, #tpu.memory_space<hbm>>
        tpu.enqueue_dma source(%dma_start3A_1028 : memref<26x32xi32, #tpu.memory_space<hbm>>) target(%dma_start3A_1025 : memref<26x32xi32, #tpu.memory_space<vmem>>) target_semaphore(%dma_start3A_1021 : memref<!tpu.dma_semaphore, #tpu.memory_space<semaphore_mem>>)
      } else {
      }
      %dma_wait3A_911 = arith.constant 1 : i32
      %dma_wait3A_912 = arith.constant 1 : i32
      %dma_wait3A_913 = arith.constant 0 : i32
      %dma_wait3A_914 = arith.constant 0 : i32
      %dma_wait3A_915 = arith.constant 0 : i32
      %dma_wait3A_916 = tpu.memref_slice %arg8[%dma_wait3A_911, %dma_wait3A_913, %dma_wait3A_914, %dma_wait3A_915] : memref<2x2x8x32xf32, #tpu.memory_space<vmem>> -> memref<1x2x8x32xf32, #tpu.memory_space<vmem>>
      %dma_wait3A_917 = tpu.memref_squeeze %dma_wait3A_916 : memref<1x2x8x32xf32, #tpu.memory_space<vmem>> -> memref<2x8x32xf32, #tpu.memory_space<vmem>>
      %dma_wait3A_918 = arith.constant 0 : i32
      %dma_wait3A_919 = arith.constant 0 : i32
      %dma_wait3A_920 = tpu.memref_slice %arg3[%add3A_878, %dma_wait3A_918, %select_n3A, %dma_wait3A_919, %select_n3A_32] : memref<50x2x8x8x128xf32, #tpu.memory_space<hbm>> -> memref<1x2x1x8x32xf32, #tpu.memory_space<hbm>>
      %dma_wait3A_921 = tpu.memref_squeeze %dma_wait3A_920 : memref<1x2x1x8x32xf32, #tpu.memory_space<hbm>> -> memref<2x8x32xf32, #tpu.memory_space<hbm>>
      %dma_wait3A_922 = tpu.memref_slice %arg11[%dma_wait3A_912] : memref<2x!tpu.dma_semaphore, #tpu.memory_space<semaphore_mem>> -> memref<1x!tpu.dma_semaphore, #tpu.memory_space<semaphore_mem>>
      %dma_wait3A_923 = tpu.memref_squeeze %dma_wait3A_922 : memref<1x!tpu.dma_semaphore, #tpu.memory_space<semaphore_mem>> -> memref<!tpu.dma_semaphore, #tpu.memory_space<semaphore_mem>>
      %dma_wait3A_924 = arith.constant 0 : i32
      %dma_wait3A_925 = arith.constant 0 : i32
      %dma_wait3A_926 = arith.constant 0 : i32
      %dma_wait3A_927 = tpu.memref_slice %arg8[%dma_wait3A_911, %dma_wait3A_924, %dma_wait3A_925, %dma_wait3A_926] : memref<2x2x8x32xf32, #tpu.memory_space<vmem>> -> memref<1x2x8x32xf32, #tpu.memory_space<vmem>>
      %dma_wait3A_928 = tpu.memref_squeeze %dma_wait3A_927 : memref<1x2x8x32xf32, #tpu.memory_space<vmem>> -> memref<2x8x32xf32, #tpu.memory_space<vmem>>
      %dma_wait3A_929 = arith.constant 0 : i32
      %dma_wait3A_930 = arith.constant 0 : i32
      %dma_wait3A_931 = tpu.memref_slice %arg3[%add3A_878, %dma_wait3A_929, %select_n3A, %dma_wait3A_930, %select_n3A_32] : memref<50x2x8x8x128xf32, #tpu.memory_space<hbm>> -> memref<1x2x1x8x32xf32, #tpu.memory_space<hbm>>
      %dma_wait3A_932 = tpu.memref_squeeze %dma_wait3A_931 : memref<1x2x1x8x32xf32, #tpu.memory_space<hbm>> -> memref<2x8x32xf32, #tpu.memory_space<hbm>>
      tpu.wait_dma2 semaphore(%dma_wait3A_923 : memref<!tpu.dma_semaphore, #tpu.memory_space<semaphore_mem>>) src(%dma_wait3A_932 : memref<2x8x32xf32, #tpu.memory_space<hbm>>) dst(%dma_wait3A_928 : memref<2x8x32xf32, #tpu.memory_space<vmem>>)
      %ge3A_933 = arith.constant 2 : i32
      %ge3A_934 = arith.cmpi sge, %add3A_878, %ge3A_933 : i32
      %convert_element_type3A_935 = arith.extui %ge3A_934 : i1 to i32
      %cond3A_936 = arith.constant 0 : i32
      %cond3A_937 = arith.cmpi ne, %convert_element_type3A_935, %cond3A_936 : i32
      scf.if %cond3A_937 {
        %sub3A_969 = arith.constant 2 : i32
        %sub3A_970 = arith.subi %add3A_878, %sub3A_969 : i32
        %dma_wait3A_971 = arith.constant 1 : i32
        %dma_wait3A_972 = arith.constant 1 : i32
        %dma_wait3A_973 = arith.constant 0 : i32
        %dma_wait3A_974 = arith.constant 0 : i32
        %dma_wait3A_975 = tpu.memref_slice %arg9[%dma_wait3A_971, %dma_wait3A_973, %dma_wait3A_974] : memref<2x32x80xf32, #tpu.memory_space<vmem>> -> memref<1x32x80xf32, #tpu.memory_space<vmem>>
        %dma_wait3A_976 = tpu.memref_squeeze %dma_wait3A_975 : memref<1x32x80xf32, #tpu.memory_space<vmem>> -> memref<32x80xf32, #tpu.memory_space<vmem>>
        %dma_wait3A_977 = arith.constant 0 : i32
        %dma_wait3A_978 = tpu.memref_slice %arg5[%mul3A_2, %sub3A_970, %dma_wait3A_977] : memref<1024x50x80xf32, #tpu.memory_space<hbm>> -> memref<32x1x80xf32, #tpu.memory_space<hbm>>
        %dma_wait3A_979 = tpu.memref_squeeze %dma_wait3A_978 : memref<32x1x80xf32, #tpu.memory_space<hbm>> -> memref<32x80xf32, #tpu.memory_space<hbm>>
        %dma_wait3A_980 = tpu.memref_slice %arg13[%dma_wait3A_972] : memref<2x!tpu.dma_semaphore, #tpu.memory_space<semaphore_mem>> -> memref<1x!tpu.dma_semaphore, #tpu.memory_space<semaphore_mem>>
        %dma_wait3A_981 = tpu.memref_squeeze %dma_wait3A_980 : memref<1x!tpu.dma_semaphore, #tpu.memory_space<semaphore_mem>> -> memref<!tpu.dma_semaphore, #tpu.memory_space<semaphore_mem>>
        %dma_wait3A_982 = arith.constant 0 : i32
        %dma_wait3A_983 = tpu.memref_slice %arg5[%mul3A_2, %sub3A_970, %dma_wait3A_982] : memref<1024x50x80xf32, #tpu.memory_space<hbm>> -> memref<32x1x80xf32, #tpu.memory_space<hbm>>
        %dma_wait3A_984 = tpu.memref_squeeze %dma_wait3A_983 : memref<32x1x80xf32, #tpu.memory_space<hbm>> -> memref<32x80xf32, #tpu.memory_space<hbm>>
        %dma_wait3A_985 = arith.constant 0 : i32
        %dma_wait3A_986 = arith.constant 0 : i32
        %dma_wait3A_987 = tpu.memref_slice %arg9[%dma_wait3A_971, %dma_wait3A_985, %dma_wait3A_986] : memref<2x32x80xf32, #tpu.memory_space<vmem>> -> memref<1x32x80xf32, #tpu.memory_space<vmem>>
        %dma_wait3A_988 = tpu.memref_squeeze %dma_wait3A_987 : memref<1x32x80xf32, #tpu.memory_space<vmem>> -> memref<32x80xf32, #tpu.memory_space<vmem>>
        tpu.wait_dma2 semaphore(%dma_wait3A_981 : memref<!tpu.dma_semaphore, #tpu.memory_space<semaphore_mem>>) src(%dma_wait3A_988 : memref<32x80xf32, #tpu.memory_space<vmem>>) dst(%dma_wait3A_984 : memref<32x80xf32, #tpu.memory_space<hbm>>)
      } else {
      }
      %scan3A_938 = arith.constant 0 : i32
      %scan3A_939 = arith.constant 0 : i32
      %scan3A_940 = arith.constant 32 : i32
      %scan3A_941 = arith.addi %scan3A_939, %scan3A_940 : i32
      %scan3A_942 = arith.constant 1 : i32
      scf.for %scan3A_969 = %scan3A_939 to %scan3A_941 step %scan3A_942  : i32 {
        %get3A = arith.constant 1 : i32
        %get3A_970 = arith.index_cast %get3A : i32 to index
        %get3A_971 = arith.index_cast %scan3A_969 : i32 to index
        %get3A_972 = arith.constant 0 : index
        %get3A_973 = tpu.vector_load %arg7[%get3A_970, %get3A_971, %get3A_972] {strides = array<i32>} : memref<2x832x64xf32, #tpu.memory_space<vmem>>, vector<16xf32>,
        %add3A_974 = arith.constant 32 : i32
        %add3A_975 = arith.addi %add3A_974, %scan3A_969 : i32
        %get3A_976 = arith.constant 1 : i32
        %get3A_977 = arith.index_cast %get3A_976 : i32 to index
        %get3A_978 = arith.index_cast %add3A_975 : i32 to index
        %get3A_979 = arith.constant 0 : index
        %get3A_980 = tpu.vector_load %arg7[%get3A_977, %get3A_978, %get3A_979] {strides = array<i32>} : memref<2x832x64xf32, #tpu.memory_space<vmem>>, vector<16xf32>,
        %add3A_981 = arith.addf %get3A_973, %get3A_980 : vector<16xf32>
        %add3A_982 = arith.constant 64 : i32
        %add3A_983 = arith.addi %add3A_982, %scan3A_969 : i32
        %get3A_984 = arith.constant 1 : i32
        %get3A_985 = arith.index_cast %get3A_984 : i32 to index
        %get3A_986 = arith.index_cast %add3A_983 : i32 to index
        %get3A_987 = arith.constant 0 : index
        %get3A_988 = tpu.vector_load %arg7[%get3A_985, %get3A_986, %get3A_987] {strides = array<i32>} : memref<2x832x64xf32, #tpu.memory_space<vmem>>, vector<16xf32>,
        %add3A_989 = arith.addf %add3A_981, %get3A_988 : vector<16xf32>
        %add3A_990 = arith.constant 96 : i32
        %add3A_991 = arith.addi %add3A_990, %scan3A_969 : i32
        %get3A_992 = arith.constant 1 : i32
        %get3A_993 = arith.index_cast %get3A_992 : i32 to index
        %get3A_994 = arith.index_cast %add3A_991 : i32 to index
        %get3A_995 = arith.constant 0 : index
        %get3A_996 = tpu.vector_load %arg7[%get3A_993, %get3A_994, %get3A_995] {strides = array<i32>} : memref<2x832x64xf32, #tpu.memory_space<vmem>>, vector<16xf32>,
        %add3A_997 = arith.addf %add3A_989, %get3A_996 : vector<16xf32>
        %add3A_998 = arith.constant 128 : i32
        %add3A_999 = arith.addi %add3A_998, %scan3A_969 : i32
        %get3A_1000 = arith.constant 1 : i32
        %get3A_1001 = arith.index_cast %get3A_1000 : i32 to index
        %get3A_1002 = arith.index_cast %add3A_999 : i32 to index
        %get3A_1003 = arith.constant 0 : index
        %get3A_1004 = tpu.vector_load %arg7[%get3A_1001, %get3A_1002, %get3A_1003] {strides = array<i32>} : memref<2x832x64xf32, #tpu.memory_space<vmem>>, vector<16xf32>,
        %add3A_1005 = arith.addf %add3A_997, %get3A_1004 : vector<16xf32>
        %add3A_1006 = arith.constant 160 : i32
        %add3A_1007 = arith.addi %add3A_1006, %scan3A_969 : i32
        %get3A_1008 = arith.constant 1 : i32
        %get3A_1009 = arith.index_cast %get3A_1008 : i32 to index
        %get3A_1010 = arith.index_cast %add3A_1007 : i32 to index
        %get3A_1011 = arith.constant 0 : index
        %get3A_1012 = tpu.vector_load %arg7[%get3A_1009, %get3A_1010, %get3A_1011] {strides = array<i32>} : memref<2x832x64xf32, #tpu.memory_space<vmem>>, vector<16xf32>,
        %add3A_1013 = arith.addf %add3A_1005, %get3A_1012 : vector<16xf32>
        %add3A_1014 = arith.constant 192 : i32
        %add3A_1015 = arith.addi %add3A_1014, %scan3A_969 : i32
        %get3A_1016 = arith.constant 1 : i32
        %get3A_1017 = arith.index_cast %get3A_1016 : i32 to index
        %get3A_1018 = arith.index_cast %add3A_1015 : i32 to index
        %get3A_1019 = arith.constant 0 : index
        %get3A_1020 = tpu.vector_load %arg7[%get3A_1017, %get3A_1018, %get3A_1019] {strides = array<i32>} : memref<2x832x64xf32, #tpu.memory_space<vmem>>, vector<16xf32>,
        %add3A_1021 = arith.addf %add3A_1013, %get3A_1020 : vector<16xf32>
        %add3A_1022 = arith.constant 224 : i32
        %add3A_1023 = arith.addi %add3A_1022, %scan3A_969 : i32
        %get3A_1024 = arith.constant 1 : i32
        %get3A_1025 = arith.index_cast %get3A_1024 : i32 to index
        %get3A_1026 = arith.index_cast %add3A_1023 : i32 to index
        %get3A_1027 = arith.constant 0 : index
        %get3A_1028 = tpu.vector_load %arg7[%get3A_1025, %get3A_1026, %get3A_1027] {strides = array<i32>} : memref<2x832x64xf32, #tpu.memory_space<vmem>>, vector<16xf32>,
        %add3A_1029 = arith.addf %add3A_1021, %get3A_1028 : vector<16xf32>
        %add3A_1030 = arith.constant 256 : i32
        %add3A_1031 = arith.addi %add3A_1030, %scan3A_969 : i32
        %get3A_1032 = arith.constant 1 : i32
        %get3A_1033 = arith.index_cast %get3A_1032 : i32 to index
        %get3A_1034 = arith.index_cast %add3A_1031 : i32 to index
        %get3A_1035 = arith.constant 0 : index
        %get3A_1036 = tpu.vector_load %arg7[%get3A_1033, %get3A_1034, %get3A_1035] {strides = array<i32>} : memref<2x832x64xf32, #tpu.memory_space<vmem>>, vector<16xf32>,
        %add3A_1037 = arith.addf %add3A_1029, %get3A_1036 : vector<16xf32>
        %add3A_1038 = arith.constant 288 : i32
        %add3A_1039 = arith.addi %add3A_1038, %scan3A_969 : i32
        %get3A_1040 = arith.constant 1 : i32
        %get3A_1041 = arith.index_cast %get3A_1040 : i32 to index
        %get3A_1042 = arith.index_cast %add3A_1039 : i32 to index
        %get3A_1043 = arith.constant 0 : index
        %get3A_1044 = tpu.vector_load %arg7[%get3A_1041, %get3A_1042, %get3A_1043] {strides = array<i32>} : memref<2x832x64xf32, #tpu.memory_space<vmem>>, vector<16xf32>,
        %add3A_1045 = arith.addf %add3A_1037, %get3A_1044 : vector<16xf32>
        %add3A_1046 = arith.constant 320 : i32
        %add3A_1047 = arith.addi %add3A_1046, %scan3A_969 : i32
        %get3A_1048 = arith.constant 1 : i32
        %get3A_1049 = arith.index_cast %get3A_1048 : i32 to index
        %get3A_1050 = arith.index_cast %add3A_1047 : i32 to index
        %get3A_1051 = arith.constant 0 : index
        %get3A_1052 = tpu.vector_load %arg7[%get3A_1049, %get3A_1050, %get3A_1051] {strides = array<i32>} : memref<2x832x64xf32, #tpu.memory_space<vmem>>, vector<16xf32>,
        %add3A_1053 = arith.addf %add3A_1045, %get3A_1052 : vector<16xf32>
        %add3A_1054 = arith.constant 352 : i32
        %add3A_1055 = arith.addi %add3A_1054, %scan3A_969 : i32
        %get3A_1056 = arith.constant 1 : i32
        %get3A_1057 = arith.index_cast %get3A_1056 : i32 to index
        %get3A_1058 = arith.index_cast %add3A_1055 : i32 to index
        %get3A_1059 = arith.constant 0 : index
        %get3A_1060 = tpu.vector_load %arg7[%get3A_1057, %get3A_1058, %get3A_1059] {strides = array<i32>} : memref<2x832x64xf32, #tpu.memory_space<vmem>>, vector<16xf32>,
        %add3A_1061 = arith.addf %add3A_1053, %get3A_1060 : vector<16xf32>
        %add3A_1062 = arith.constant 384 : i32
        %add3A_1063 = arith.addi %add3A_1062, %scan3A_969 : i32
        %get3A_1064 = arith.constant 1 : i32
        %get3A_1065 = arith.index_cast %get3A_1064 : i32 to index
        %get3A_1066 = arith.index_cast %add3A_1063 : i32 to index
        %get3A_1067 = arith.constant 0 : index
        %get3A_1068 = tpu.vector_load %arg7[%get3A_1065, %get3A_1066, %get3A_1067] {strides = array<i32>} : memref<2x832x64xf32, #tpu.memory_space<vmem>>, vector<16xf32>,
        %add3A_1069 = arith.addf %add3A_1061, %get3A_1068 : vector<16xf32>
        %add3A_1070 = arith.constant 416 : i32
        %add3A_1071 = arith.addi %add3A_1070, %scan3A_969 : i32
        %get3A_1072 = arith.constant 1 : i32
        %get3A_1073 = arith.index_cast %get3A_1072 : i32 to index
        %get3A_1074 = arith.index_cast %add3A_1071 : i32 to index
        %get3A_1075 = arith.constant 0 : index
        %get3A_1076 = tpu.vector_load %arg7[%get3A_1073, %get3A_1074, %get3A_1075] {strides = array<i32>} : memref<2x832x64xf32, #tpu.memory_space<vmem>>, vector<16xf32>,
        %add3A_1077 = arith.addf %add3A_1069, %get3A_1076 : vector<16xf32>
        %add3A_1078 = arith.constant 448 : i32
        %add3A_1079 = arith.addi %add3A_1078, %scan3A_969 : i32
        %get3A_1080 = arith.constant 1 : i32
        %get3A_1081 = arith.index_cast %get3A_1080 : i32 to index
        %get3A_1082 = arith.index_cast %add3A_1079 : i32 to index
        %get3A_1083 = arith.constant 0 : index
        %get3A_1084 = tpu.vector_load %arg7[%get3A_1081, %get3A_1082, %get3A_1083] {strides = array<i32>} : memref<2x832x64xf32, #tpu.memory_space<vmem>>, vector<16xf32>,
        %add3A_1085 = arith.addf %add3A_1077, %get3A_1084 : vector<16xf32>
        %add3A_1086 = arith.constant 480 : i32
        %add3A_1087 = arith.addi %add3A_1086, %scan3A_969 : i32
        %get3A_1088 = arith.constant 1 : i32
        %get3A_1089 = arith.index_cast %get3A_1088 : i32 to index
        %get3A_1090 = arith.index_cast %add3A_1087 : i32 to index
        %get3A_1091 = arith.constant 0 : index
        %get3A_1092 = tpu.vector_load %arg7[%get3A_1089, %get3A_1090, %get3A_1091] {strides = array<i32>} : memref<2x832x64xf32, #tpu.memory_space<vmem>>, vector<16xf32>,
        %add3A_1093 = arith.addf %add3A_1085, %get3A_1092 : vector<16xf32>
        %add3A_1094 = arith.constant 512 : i32
        %add3A_1095 = arith.addi %add3A_1094, %scan3A_969 : i32
        %get3A_1096 = arith.constant 1 : i32
        %get3A_1097 = arith.index_cast %get3A_1096 : i32 to index
        %get3A_1098 = arith.index_cast %add3A_1095 : i32 to index
        %get3A_1099 = arith.constant 0 : index
        %get3A_1100 = tpu.vector_load %arg7[%get3A_1097, %get3A_1098, %get3A_1099] {strides = array<i32>} : memref<2x832x64xf32, #tpu.memory_space<vmem>>, vector<16xf32>,
        %add3A_1101 = arith.addf %add3A_1093, %get3A_1100 : vector<16xf32>
        %add3A_1102 = arith.constant 544 : i32
        %add3A_1103 = arith.addi %add3A_1102, %scan3A_969 : i32
        %get3A_1104 = arith.constant 1 : i32
        %get3A_1105 = arith.index_cast %get3A_1104 : i32 to index
        %get3A_1106 = arith.index_cast %add3A_1103 : i32 to index
        %get3A_1107 = arith.constant 0 : index
        %get3A_1108 = tpu.vector_load %arg7[%get3A_1105, %get3A_1106, %get3A_1107] {strides = array<i32>} : memref<2x832x64xf32, #tpu.memory_space<vmem>>, vector<16xf32>,
        %add3A_1109 = arith.addf %add3A_1101, %get3A_1108 : vector<16xf32>
        %add3A_1110 = arith.constant 576 : i32
        %add3A_1111 = arith.addi %add3A_1110, %scan3A_969 : i32
        %get3A_1112 = arith.constant 1 : i32
        %get3A_1113 = arith.index_cast %get3A_1112 : i32 to index
        %get3A_1114 = arith.index_cast %add3A_1111 : i32 to index
        %get3A_1115 = arith.constant 0 : index
        %get3A_1116 = tpu.vector_load %arg7[%get3A_1113, %get3A_1114, %get3A_1115] {strides = array<i32>} : memref<2x832x64xf32, #tpu.memory_space<vmem>>, vector<16xf32>,
        %add3A_1117 = arith.addf %add3A_1109, %get3A_1116 : vector<16xf32>
        %add3A_1118 = arith.constant 608 : i32
        %add3A_1119 = arith.addi %add3A_1118, %scan3A_969 : i32
        %get3A_1120 = arith.constant 1 : i32
        %get3A_1121 = arith.index_cast %get3A_1120 : i32 to index
        %get3A_1122 = arith.index_cast %add3A_1119 : i32 to index
        %get3A_1123 = arith.constant 0 : index
        %get3A_1124 = tpu.vector_load %arg7[%get3A_1121, %get3A_1122, %get3A_1123] {strides = array<i32>} : memref<2x832x64xf32, #tpu.memory_space<vmem>>, vector<16xf32>,
        %add3A_1125 = arith.addf %add3A_1117, %get3A_1124 : vector<16xf32>
        %add3A_1126 = arith.constant 640 : i32
        %add3A_1127 = arith.addi %add3A_1126, %scan3A_969 : i32
        %get3A_1128 = arith.constant 1 : i32
        %get3A_1129 = arith.index_cast %get3A_1128 : i32 to index
        %get3A_1130 = arith.index_cast %add3A_1127 : i32 to index
        %get3A_1131 = arith.constant 0 : index
        %get3A_1132 = tpu.vector_load %arg7[%get3A_1129, %get3A_1130, %get3A_1131] {strides = array<i32>} : memref<2x832x64xf32, #tpu.memory_space<vmem>>, vector<16xf32>,
        %add3A_1133 = arith.addf %add3A_1125, %get3A_1132 : vector<16xf32>
        %add3A_1134 = arith.constant 672 : i32
        %add3A_1135 = arith.addi %add3A_1134, %scan3A_969 : i32
        %get3A_1136 = arith.constant 1 : i32
        %get3A_1137 = arith.index_cast %get3A_1136 : i32 to index
        %get3A_1138 = arith.index_cast %add3A_1135 : i32 to index
        %get3A_1139 = arith.constant 0 : index
        %get3A_1140 = tpu.vector_load %arg7[%get3A_1137, %get3A_1138, %get3A_1139] {strides = array<i32>} : memref<2x832x64xf32, #tpu.memory_space<vmem>>, vector<16xf32>,
        %add3A_1141 = arith.addf %add3A_1133, %get3A_1140 : vector<16xf32>
        %add3A_1142 = arith.constant 704 : i32
        %add3A_1143 = arith.addi %add3A_1142, %scan3A_969 : i32
        %get3A_1144 = arith.constant 1 : i32
        %get3A_1145 = arith.index_cast %get3A_1144 : i32 to index
        %get3A_1146 = arith.index_cast %add3A_1143 : i32 to index
        %get3A_1147 = arith.constant 0 : index
        %get3A_1148 = tpu.vector_load %arg7[%get3A_1145, %get3A_1146, %get3A_1147] {strides = array<i32>} : memref<2x832x64xf32, #tpu.memory_space<vmem>>, vector<16xf32>,
        %add3A_1149 = arith.addf %add3A_1141, %get3A_1148 : vector<16xf32>
        %add3A_1150 = arith.constant 736 : i32
        %add3A_1151 = arith.addi %add3A_1150, %scan3A_969 : i32
        %get3A_1152 = arith.constant 1 : i32
        %get3A_1153 = arith.index_cast %get3A_1152 : i32 to index
        %get3A_1154 = arith.index_cast %add3A_1151 : i32 to index
        %get3A_1155 = arith.constant 0 : index
        %get3A_1156 = tpu.vector_load %arg7[%get3A_1153, %get3A_1154, %get3A_1155] {strides = array<i32>} : memref<2x832x64xf32, #tpu.memory_space<vmem>>, vector<16xf32>,
        %add3A_1157 = arith.addf %add3A_1149, %get3A_1156 : vector<16xf32>
        %add3A_1158 = arith.constant 768 : i32
        %add3A_1159 = arith.addi %add3A_1158, %scan3A_969 : i32
        %get3A_1160 = arith.constant 1 : i32
        %get3A_1161 = arith.index_cast %get3A_1160 : i32 to index
        %get3A_1162 = arith.index_cast %add3A_1159 : i32 to index
        %get3A_1163 = arith.constant 0 : index
        %get3A_1164 = tpu.vector_load %arg7[%get3A_1161, %get3A_1162, %get3A_1163] {strides = array<i32>} : memref<2x832x64xf32, #tpu.memory_space<vmem>>, vector<16xf32>,
        %add3A_1165 = arith.addf %add3A_1157, %get3A_1164 : vector<16xf32>
        %add3A_1166 = arith.constant 800 : i32
        %add3A_1167 = arith.addi %add3A_1166, %scan3A_969 : i32
        %get3A_1168 = arith.constant 1 : i32
        %get3A_1169 = arith.index_cast %get3A_1168 : i32 to index
        %get3A_1170 = arith.index_cast %add3A_1167 : i32 to index
        %get3A_1171 = arith.constant 0 : index
        %get3A_1172 = tpu.vector_load %arg7[%get3A_1169, %get3A_1170, %get3A_1171] {strides = array<i32>} : memref<2x832x64xf32, #tpu.memory_space<vmem>>, vector<16xf32>,
        %add3A_1173 = arith.addf %add3A_1165, %get3A_1172 : vector<16xf32>
        %swap3A = arith.constant 1 : i32
        %swap3A_1174 = arith.index_cast %swap3A : i32 to index
        %swap3A_1175 = arith.index_cast %scan3A_969 : i32 to index
        %swap3A_1176 = arith.constant 0 : index
        %swap3A_1177 = tpu.vector_load %arg9[%swap3A_1174, %swap3A_1175, %swap3A_1176] {strides = array<i32>} : memref<2x32x80xf32, #tpu.memory_space<vmem>>, vector<16xf32>,
        tpu.vector_store %arg9[%swap3A_1174, %swap3A_1175, %swap3A_1176], %add3A_1173 {strides = array<i32>} : memref<2x32x80xf32, #tpu.memory_space<vmem>>, vector<16xf32>,
        %get3A_1178 = arith.constant 1 : i32
        %get3A_1179 = arith.index_cast %get3A_1178 : i32 to index
        %get3A_1180 = arith.index_cast %scan3A_969 : i32 to index
        %get3A_1181 = arith.constant 16 : index
        %get3A_1182 = tpu.vector_load %arg7[%get3A_1179, %get3A_1180, %get3A_1181] {strides = array<i32>} : memref<2x832x64xf32, #tpu.memory_space<vmem>>, vector<16xf32>,
        %add3A_1183 = arith.constant 32 : i32
        %add3A_1184 = arith.addi %add3A_1183, %scan3A_969 : i32
        %get3A_1185 = arith.constant 1 : i32
        %get3A_1186 = arith.index_cast %get3A_1185 : i32 to index
        %get3A_1187 = arith.index_cast %add3A_1184 : i32 to index
        %get3A_1188 = arith.constant 16 : index
        %get3A_1189 = tpu.vector_load %arg7[%get3A_1186, %get3A_1187, %get3A_1188] {strides = array<i32>} : memref<2x832x64xf32, #tpu.memory_space<vmem>>, vector<16xf32>,
        %add3A_1190 = arith.addf %get3A_1182, %get3A_1189 : vector<16xf32>
        %add3A_1191 = arith.constant 64 : i32
        %add3A_1192 = arith.addi %add3A_1191, %scan3A_969 : i32
        %get3A_1193 = arith.constant 1 : i32
        %get3A_1194 = arith.index_cast %get3A_1193 : i32 to index
        %get3A_1195 = arith.index_cast %add3A_1192 : i32 to index
        %get3A_1196 = arith.constant 16 : index
        %get3A_1197 = tpu.vector_load %arg7[%get3A_1194, %get3A_1195, %get3A_1196] {strides = array<i32>} : memref<2x832x64xf32, #tpu.memory_space<vmem>>, vector<16xf32>,
        %add3A_1198 = arith.addf %add3A_1190, %get3A_1197 : vector<16xf32>
        %add3A_1199 = arith.constant 96 : i32
        %add3A_1200 = arith.addi %add3A_1199, %scan3A_969 : i32
        %get3A_1201 = arith.constant 1 : i32
        %get3A_1202 = arith.index_cast %get3A_1201 : i32 to index
        %get3A_1203 = arith.index_cast %add3A_1200 : i32 to index
        %get3A_1204 = arith.constant 16 : index
        %get3A_1205 = tpu.vector_load %arg7[%get3A_1202, %get3A_1203, %get3A_1204] {strides = array<i32>} : memref<2x832x64xf32, #tpu.memory_space<vmem>>, vector<16xf32>,
        %add3A_1206 = arith.addf %add3A_1198, %get3A_1205 : vector<16xf32>
        %add3A_1207 = arith.constant 128 : i32
        %add3A_1208 = arith.addi %add3A_1207, %scan3A_969 : i32
        %get3A_1209 = arith.constant 1 : i32
        %get3A_1210 = arith.index_cast %get3A_1209 : i32 to index
        %get3A_1211 = arith.index_cast %add3A_1208 : i32 to index
        %get3A_1212 = arith.constant 16 : index
        %get3A_1213 = tpu.vector_load %arg7[%get3A_1210, %get3A_1211, %get3A_1212] {strides = array<i32>} : memref<2x832x64xf32, #tpu.memory_space<vmem>>, vector<16xf32>,
        %add3A_1214 = arith.addf %add3A_1206, %get3A_1213 : vector<16xf32>
        %add3A_1215 = arith.constant 160 : i32
        %add3A_1216 = arith.addi %add3A_1215, %scan3A_969 : i32
        %get3A_1217 = arith.constant 1 : i32
        %get3A_1218 = arith.index_cast %get3A_1217 : i32 to index
        %get3A_1219 = arith.index_cast %add3A_1216 : i32 to index
        %get3A_1220 = arith.constant 16 : index
        %get3A_1221 = tpu.vector_load %arg7[%get3A_1218, %get3A_1219, %get3A_1220] {strides = array<i32>} : memref<2x832x64xf32, #tpu.memory_space<vmem>>, vector<16xf32>,
        %add3A_1222 = arith.addf %add3A_1214, %get3A_1221 : vector<16xf32>
        %add3A_1223 = arith.constant 192 : i32
        %add3A_1224 = arith.addi %add3A_1223, %scan3A_969 : i32
        %get3A_1225 = arith.constant 1 : i32
        %get3A_1226 = arith.index_cast %get3A_1225 : i32 to index
        %get3A_1227 = arith.index_cast %add3A_1224 : i32 to index
        %get3A_1228 = arith.constant 16 : index
        %get3A_1229 = tpu.vector_load %arg7[%get3A_1226, %get3A_1227, %get3A_1228] {strides = array<i32>} : memref<2x832x64xf32, #tpu.memory_space<vmem>>, vector<16xf32>,
        %add3A_1230 = arith.addf %add3A_1222, %get3A_1229 : vector<16xf32>
        %add3A_1231 = arith.constant 224 : i32
        %add3A_1232 = arith.addi %add3A_1231, %scan3A_969 : i32
        %get3A_1233 = arith.constant 1 : i32
        %get3A_1234 = arith.index_cast %get3A_1233 : i32 to index
        %get3A_1235 = arith.index_cast %add3A_1232 : i32 to index
        %get3A_1236 = arith.constant 16 : index
        %get3A_1237 = tpu.vector_load %arg7[%get3A_1234, %get3A_1235, %get3A_1236] {strides = array<i32>} : memref<2x832x64xf32, #tpu.memory_space<vmem>>, vector<16xf32>,
        %add3A_1238 = arith.addf %add3A_1230, %get3A_1237 : vector<16xf32>
        %add3A_1239 = arith.constant 256 : i32
        %add3A_1240 = arith.addi %add3A_1239, %scan3A_969 : i32
        %get3A_1241 = arith.constant 1 : i32
        %get3A_1242 = arith.index_cast %get3A_1241 : i32 to index
        %get3A_1243 = arith.index_cast %add3A_1240 : i32 to index
        %get3A_1244 = arith.constant 16 : index
        %get3A_1245 = tpu.vector_load %arg7[%get3A_1242, %get3A_1243, %get3A_1244] {strides = array<i32>} : memref<2x832x64xf32, #tpu.memory_space<vmem>>, vector<16xf32>,
        %add3A_1246 = arith.addf %add3A_1238, %get3A_1245 : vector<16xf32>
        %add3A_1247 = arith.constant 288 : i32
        %add3A_1248 = arith.addi %add3A_1247, %scan3A_969 : i32
        %get3A_1249 = arith.constant 1 : i32
        %get3A_1250 = arith.index_cast %get3A_1249 : i32 to index
        %get3A_1251 = arith.index_cast %add3A_1248 : i32 to index
        %get3A_1252 = arith.constant 16 : index
        %get3A_1253 = tpu.vector_load %arg7[%get3A_1250, %get3A_1251, %get3A_1252] {strides = array<i32>} : memref<2x832x64xf32, #tpu.memory_space<vmem>>, vector<16xf32>,
        %add3A_1254 = arith.addf %add3A_1246, %get3A_1253 : vector<16xf32>
        %add3A_1255 = arith.constant 320 : i32
        %add3A_1256 = arith.addi %add3A_1255, %scan3A_969 : i32
        %get3A_1257 = arith.constant 1 : i32
        %get3A_1258 = arith.index_cast %get3A_1257 : i32 to index
        %get3A_1259 = arith.index_cast %add3A_1256 : i32 to index
        %get3A_1260 = arith.constant 16 : index
        %get3A_1261 = tpu.vector_load %arg7[%get3A_1258, %get3A_1259, %get3A_1260] {strides = array<i32>} : memref<2x832x64xf32, #tpu.memory_space<vmem>>, vector<16xf32>,
        %add3A_1262 = arith.addf %add3A_1254, %get3A_1261 : vector<16xf32>
        %add3A_1263 = arith.constant 352 : i32
        %add3A_1264 = arith.addi %add3A_1263, %scan3A_969 : i32
        %get3A_1265 = arith.constant 1 : i32
        %get3A_1266 = arith.index_cast %get3A_1265 : i32 to index
        %get3A_1267 = arith.index_cast %add3A_1264 : i32 to index
        %get3A_1268 = arith.constant 16 : index
        %get3A_1269 = tpu.vector_load %arg7[%get3A_1266, %get3A_1267, %get3A_1268] {strides = array<i32>} : memref<2x832x64xf32, #tpu.memory_space<vmem>>, vector<16xf32>,
        %add3A_1270 = arith.addf %add3A_1262, %get3A_1269 : vector<16xf32>
        %add3A_1271 = arith.constant 384 : i32
        %add3A_1272 = arith.addi %add3A_1271, %scan3A_969 : i32
        %get3A_1273 = arith.constant 1 : i32
        %get3A_1274 = arith.index_cast %get3A_1273 : i32 to index
        %get3A_1275 = arith.index_cast %add3A_1272 : i32 to index
        %get3A_1276 = arith.constant 16 : index
        %get3A_1277 = tpu.vector_load %arg7[%get3A_1274, %get3A_1275, %get3A_1276] {strides = array<i32>} : memref<2x832x64xf32, #tpu.memory_space<vmem>>, vector<16xf32>,
        %add3A_1278 = arith.addf %add3A_1270, %get3A_1277 : vector<16xf32>
        %add3A_1279 = arith.constant 416 : i32
        %add3A_1280 = arith.addi %add3A_1279, %scan3A_969 : i32
        %get3A_1281 = arith.constant 1 : i32
        %get3A_1282 = arith.index_cast %get3A_1281 : i32 to index
        %get3A_1283 = arith.index_cast %add3A_1280 : i32 to index
        %get3A_1284 = arith.constant 16 : index
        %get3A_1285 = tpu.vector_load %arg7[%get3A_1282, %get3A_1283, %get3A_1284] {strides = array<i32>} : memref<2x832x64xf32, #tpu.memory_space<vmem>>, vector<16xf32>,
        %add3A_1286 = arith.addf %add3A_1278, %get3A_1285 : vector<16xf32>
        %add3A_1287 = arith.constant 448 : i32
        %add3A_1288 = arith.addi %add3A_1287, %scan3A_969 : i32
        %get3A_1289 = arith.constant 1 : i32
        %get3A_1290 = arith.index_cast %get3A_1289 : i32 to index
        %get3A_1291 = arith.index_cast %add3A_1288 : i32 to index
        %get3A_1292 = arith.constant 16 : index
        %get3A_1293 = tpu.vector_load %arg7[%get3A_1290, %get3A_1291, %get3A_1292] {strides = array<i32>} : memref<2x832x64xf32, #tpu.memory_space<vmem>>, vector<16xf32>,
        %add3A_1294 = arith.addf %add3A_1286, %get3A_1293 : vector<16xf32>
        %add3A_1295 = arith.constant 480 : i32
        %add3A_1296 = arith.addi %add3A_1295, %scan3A_969 : i32
        %get3A_1297 = arith.constant 1 : i32
        %get3A_1298 = arith.index_cast %get3A_1297 : i32 to index
        %get3A_1299 = arith.index_cast %add3A_1296 : i32 to index
        %get3A_1300 = arith.constant 16 : index
        %get3A_1301 = tpu.vector_load %arg7[%get3A_1298, %get3A_1299, %get3A_1300] {strides = array<i32>} : memref<2x832x64xf32, #tpu.memory_space<vmem>>, vector<16xf32>,
        %add3A_1302 = arith.addf %add3A_1294, %get3A_1301 : vector<16xf32>
        %add3A_1303 = arith.constant 512 : i32
        %add3A_1304 = arith.addi %add3A_1303, %scan3A_969 : i32
        %get3A_1305 = arith.constant 1 : i32
        %get3A_1306 = arith.index_cast %get3A_1305 : i32 to index
        %get3A_1307 = arith.index_cast %add3A_1304 : i32 to index
        %get3A_1308 = arith.constant 16 : index
        %get3A_1309 = tpu.vector_load %arg7[%get3A_1306, %get3A_1307, %get3A_1308] {strides = array<i32>} : memref<2x832x64xf32, #tpu.memory_space<vmem>>, vector<16xf32>,
        %add3A_1310 = arith.addf %add3A_1302, %get3A_1309 : vector<16xf32>
        %add3A_1311 = arith.constant 544 : i32
        %add3A_1312 = arith.addi %add3A_1311, %scan3A_969 : i32
        %get3A_1313 = arith.constant 1 : i32
        %get3A_1314 = arith.index_cast %get3A_1313 : i32 to index
        %get3A_1315 = arith.index_cast %add3A_1312 : i32 to index
        %get3A_1316 = arith.constant 16 : index
        %get3A_1317 = tpu.vector_load %arg7[%get3A_1314, %get3A_1315, %get3A_1316] {strides = array<i32>} : memref<2x832x64xf32, #tpu.memory_space<vmem>>, vector<16xf32>,
        %add3A_1318 = arith.addf %add3A_1310, %get3A_1317 : vector<16xf32>
        %add3A_1319 = arith.constant 576 : i32
        %add3A_1320 = arith.addi %add3A_1319, %scan3A_969 : i32
        %get3A_1321 = arith.constant 1 : i32
        %get3A_1322 = arith.index_cast %get3A_1321 : i32 to index
        %get3A_1323 = arith.index_cast %add3A_1320 : i32 to index
        %get3A_1324 = arith.constant 16 : index
        %get3A_1325 = tpu.vector_load %arg7[%get3A_1322, %get3A_1323, %get3A_1324] {strides = array<i32>} : memref<2x832x64xf32, #tpu.memory_space<vmem>>, vector<16xf32>,
        %add3A_1326 = arith.addf %add3A_1318, %get3A_1325 : vector<16xf32>
        %add3A_1327 = arith.constant 608 : i32
        %add3A_1328 = arith.addi %add3A_1327, %scan3A_969 : i32
        %get3A_1329 = arith.constant 1 : i32
        %get3A_1330 = arith.index_cast %get3A_1329 : i32 to index
        %get3A_1331 = arith.index_cast %add3A_1328 : i32 to index
        %get3A_1332 = arith.constant 16 : index
        %get3A_1333 = tpu.vector_load %arg7[%get3A_1330, %get3A_1331, %get3A_1332] {strides = array<i32>} : memref<2x832x64xf32, #tpu.memory_space<vmem>>, vector<16xf32>,
        %add3A_1334 = arith.addf %add3A_1326, %get3A_1333 : vector<16xf32>
        %add3A_1335 = arith.constant 640 : i32
        %add3A_1336 = arith.addi %add3A_1335, %scan3A_969 : i32
        %get3A_1337 = arith.constant 1 : i32
        %get3A_1338 = arith.index_cast %get3A_1337 : i32 to index
        %get3A_1339 = arith.index_cast %add3A_1336 : i32 to index
        %get3A_1340 = arith.constant 16 : index
        %get3A_1341 = tpu.vector_load %arg7[%get3A_1338, %get3A_1339, %get3A_1340] {strides = array<i32>} : memref<2x832x64xf32, #tpu.memory_space<vmem>>, vector<16xf32>,
        %add3A_1342 = arith.addf %add3A_1334, %get3A_1341 : vector<16xf32>
        %add3A_1343 = arith.constant 672 : i32
        %add3A_1344 = arith.addi %add3A_1343, %scan3A_969 : i32
        %get3A_1345 = arith.constant 1 : i32
        %get3A_1346 = arith.index_cast %get3A_1345 : i32 to index
        %get3A_1347 = arith.index_cast %add3A_1344 : i32 to index
        %get3A_1348 = arith.constant 16 : index
        %get3A_1349 = tpu.vector_load %arg7[%get3A_1346, %get3A_1347, %get3A_1348] {strides = array<i32>} : memref<2x832x64xf32, #tpu.memory_space<vmem>>, vector<16xf32>,
        %add3A_1350 = arith.addf %add3A_1342, %get3A_1349 : vector<16xf32>
        %add3A_1351 = arith.constant 704 : i32
        %add3A_1352 = arith.addi %add3A_1351, %scan3A_969 : i32
        %get3A_1353 = arith.constant 1 : i32
        %get3A_1354 = arith.index_cast %get3A_1353 : i32 to index
        %get3A_1355 = arith.index_cast %add3A_1352 : i32 to index
        %get3A_1356 = arith.constant 16 : index
        %get3A_1357 = tpu.vector_load %arg7[%get3A_1354, %get3A_1355, %get3A_1356] {strides = array<i32>} : memref<2x832x64xf32, #tpu.memory_space<vmem>>, vector<16xf32>,
        %add3A_1358 = arith.addf %add3A_1350, %get3A_1357 : vector<16xf32>
        %add3A_1359 = arith.constant 736 : i32
        %add3A_1360 = arith.addi %add3A_1359, %scan3A_969 : i32
        %get3A_1361 = arith.constant 1 : i32
        %get3A_1362 = arith.index_cast %get3A_1361 : i32 to index
        %get3A_1363 = arith.index_cast %add3A_1360 : i32 to index
        %get3A_1364 = arith.constant 16 : index
        %get3A_1365 = tpu.vector_load %arg7[%get3A_1362, %get3A_1363, %get3A_1364] {strides = array<i32>} : memref<2x832x64xf32, #tpu.memory_space<vmem>>, vector<16xf32>,
        %add3A_1366 = arith.addf %add3A_1358, %get3A_1365 : vector<16xf32>
        %add3A_1367 = arith.constant 768 : i32
        %add3A_1368 = arith.addi %add3A_1367, %scan3A_969 : i32
        %get3A_1369 = arith.constant 1 : i32
        %get3A_1370 = arith.index_cast %get3A_1369 : i32 to index
        %get3A_1371 = arith.index_cast %add3A_1368 : i32 to index
        %get3A_1372 = arith.constant 16 : index
        %get3A_1373 = tpu.vector_load %arg7[%get3A_1370, %get3A_1371, %get3A_1372] {strides = array<i32>} : memref<2x832x64xf32, #tpu.memory_space<vmem>>, vector<16xf32>,
        %add3A_1374 = arith.addf %add3A_1366, %get3A_1373 : vector<16xf32>
        %add3A_1375 = arith.constant 800 : i32
        %add3A_1376 = arith.addi %add3A_1375, %scan3A_969 : i32
        %get3A_1377 = arith.constant 1 : i32
        %get3A_1378 = arith.index_cast %get3A_1377 : i32 to index
        %get3A_1379 = arith.index_cast %add3A_1376 : i32 to index
        %get3A_1380 = arith.constant 16 : index
        %get3A_1381 = tpu.vector_load %arg7[%get3A_1378, %get3A_1379, %get3A_1380] {strides = array<i32>} : memref<2x832x64xf32, #tpu.memory_space<vmem>>, vector<16xf32>,
        %add3A_1382 = arith.addf %add3A_1374, %get3A_1381 : vector<16xf32>
        %swap3A_1383 = arith.constant 1 : i32
        %swap3A_1384 = arith.index_cast %swap3A_1383 : i32 to index
        %swap3A_1385 = arith.index_cast %scan3A_969 : i32 to index
        %swap3A_1386 = arith.constant 16 : index
        %swap3A_1387 = tpu.vector_load %arg9[%swap3A_1384, %swap3A_1385, %swap3A_1386] {strides = array<i32>} : memref<2x32x80xf32, #tpu.memory_space<vmem>>, vector<16xf32>,
        tpu.vector_store %arg9[%swap3A_1384, %swap3A_1385, %swap3A_1386], %add3A_1382 {strides = array<i32>} : memref<2x32x80xf32, #tpu.memory_space<vmem>>, vector<16xf32>,
        %get3A_1388 = arith.constant 1 : i32
        %get3A_1389 = arith.index_cast %get3A_1388 : i32 to index
        %get3A_1390 = arith.index_cast %scan3A_969 : i32 to index
        %get3A_1391 = arith.constant 32 : index
        %get3A_1392 = tpu.vector_load %arg7[%get3A_1389, %get3A_1390, %get3A_1391] {strides = array<i32>} : memref<2x832x64xf32, #tpu.memory_space<vmem>>, vector<16xf32>,
        %add3A_1393 = arith.constant 32 : i32
        %add3A_1394 = arith.addi %add3A_1393, %scan3A_969 : i32
        %get3A_1395 = arith.constant 1 : i32
        %get3A_1396 = arith.index_cast %get3A_1395 : i32 to index
        %get3A_1397 = arith.index_cast %add3A_1394 : i32 to index
        %get3A_1398 = arith.constant 32 : index
        %get3A_1399 = tpu.vector_load %arg7[%get3A_1396, %get3A_1397, %get3A_1398] {strides = array<i32>} : memref<2x832x64xf32, #tpu.memory_space<vmem>>, vector<16xf32>,
        %add3A_1400 = arith.addf %get3A_1392, %get3A_1399 : vector<16xf32>
        %add3A_1401 = arith.constant 64 : i32
        %add3A_1402 = arith.addi %add3A_1401, %scan3A_969 : i32
        %get3A_1403 = arith.constant 1 : i32
        %get3A_1404 = arith.index_cast %get3A_1403 : i32 to index
        %get3A_1405 = arith.index_cast %add3A_1402 : i32 to index
        %get3A_1406 = arith.constant 32 : index
        %get3A_1407 = tpu.vector_load %arg7[%get3A_1404, %get3A_1405, %get3A_1406] {strides = array<i32>} : memref<2x832x64xf32, #tpu.memory_space<vmem>>, vector<16xf32>,
        %add3A_1408 = arith.addf %add3A_1400, %get3A_1407 : vector<16xf32>
        %add3A_1409 = arith.constant 96 : i32
        %add3A_1410 = arith.addi %add3A_1409, %scan3A_969 : i32
        %get3A_1411 = arith.constant 1 : i32
        %get3A_1412 = arith.index_cast %get3A_1411 : i32 to index
        %get3A_1413 = arith.index_cast %add3A_1410 : i32 to index
        %get3A_1414 = arith.constant 32 : index
        %get3A_1415 = tpu.vector_load %arg7[%get3A_1412, %get3A_1413, %get3A_1414] {strides = array<i32>} : memref<2x832x64xf32, #tpu.memory_space<vmem>>, vector<16xf32>,
        %add3A_1416 = arith.addf %add3A_1408, %get3A_1415 : vector<16xf32>
        %add3A_1417 = arith.constant 128 : i32
        %add3A_1418 = arith.addi %add3A_1417, %scan3A_969 : i32
        %get3A_1419 = arith.constant 1 : i32
        %get3A_1420 = arith.index_cast %get3A_1419 : i32 to index
        %get3A_1421 = arith.index_cast %add3A_1418 : i32 to index
        %get3A_1422 = arith.constant 32 : index
        %get3A_1423 = tpu.vector_load %arg7[%get3A_1420, %get3A_1421, %get3A_1422] {strides = array<i32>} : memref<2x832x64xf32, #tpu.memory_space<vmem>>, vector<16xf32>,
        %add3A_1424 = arith.addf %add3A_1416, %get3A_1423 : vector<16xf32>
        %add3A_1425 = arith.constant 160 : i32
        %add3A_1426 = arith.addi %add3A_1425, %scan3A_969 : i32
        %get3A_1427 = arith.constant 1 : i32
        %get3A_1428 = arith.index_cast %get3A_1427 : i32 to index
        %get3A_1429 = arith.index_cast %add3A_1426 : i32 to index
        %get3A_1430 = arith.constant 32 : index
        %get3A_1431 = tpu.vector_load %arg7[%get3A_1428, %get3A_1429, %get3A_1430] {strides = array<i32>} : memref<2x832x64xf32, #tpu.memory_space<vmem>>, vector<16xf32>,
        %add3A_1432 = arith.addf %add3A_1424, %get3A_1431 : vector<16xf32>
        %add3A_1433 = arith.constant 192 : i32
        %add3A_1434 = arith.addi %add3A_1433, %scan3A_969 : i32
        %get3A_1435 = arith.constant 1 : i32
        %get3A_1436 = arith.index_cast %get3A_1435 : i32 to index
        %get3A_1437 = arith.index_cast %add3A_1434 : i32 to index
        %get3A_1438 = arith.constant 32 : index
        %get3A_1439 = tpu.vector_load %arg7[%get3A_1436, %get3A_1437, %get3A_1438] {strides = array<i32>} : memref<2x832x64xf32, #tpu.memory_space<vmem>>, vector<16xf32>,
        %add3A_1440 = arith.addf %add3A_1432, %get3A_1439 : vector<16xf32>
        %add3A_1441 = arith.constant 224 : i32
        %add3A_1442 = arith.addi %add3A_1441, %scan3A_969 : i32
        %get3A_1443 = arith.constant 1 : i32
        %get3A_1444 = arith.index_cast %get3A_1443 : i32 to index
        %get3A_1445 = arith.index_cast %add3A_1442 : i32 to index
        %get3A_1446 = arith.constant 32 : index
        %get3A_1447 = tpu.vector_load %arg7[%get3A_1444, %get3A_1445, %get3A_1446] {strides = array<i32>} : memref<2x832x64xf32, #tpu.memory_space<vmem>>, vector<16xf32>,
        %add3A_1448 = arith.addf %add3A_1440, %get3A_1447 : vector<16xf32>
        %add3A_1449 = arith.constant 256 : i32
        %add3A_1450 = arith.addi %add3A_1449, %scan3A_969 : i32
        %get3A_1451 = arith.constant 1 : i32
        %get3A_1452 = arith.index_cast %get3A_1451 : i32 to index
        %get3A_1453 = arith.index_cast %add3A_1450 : i32 to index
        %get3A_1454 = arith.constant 32 : index
        %get3A_1455 = tpu.vector_load %arg7[%get3A_1452, %get3A_1453, %get3A_1454] {strides = array<i32>} : memref<2x832x64xf32, #tpu.memory_space<vmem>>, vector<16xf32>,
        %add3A_1456 = arith.addf %add3A_1448, %get3A_1455 : vector<16xf32>
        %add3A_1457 = arith.constant 288 : i32
        %add3A_1458 = arith.addi %add3A_1457, %scan3A_969 : i32
        %get3A_1459 = arith.constant 1 : i32
        %get3A_1460 = arith.index_cast %get3A_1459 : i32 to index
        %get3A_1461 = arith.index_cast %add3A_1458 : i32 to index
        %get3A_1462 = arith.constant 32 : index
        %get3A_1463 = tpu.vector_load %arg7[%get3A_1460, %get3A_1461, %get3A_1462] {strides = array<i32>} : memref<2x832x64xf32, #tpu.memory_space<vmem>>, vector<16xf32>,
        %add3A_1464 = arith.addf %add3A_1456, %get3A_1463 : vector<16xf32>
        %add3A_1465 = arith.constant 320 : i32
        %add3A_1466 = arith.addi %add3A_1465, %scan3A_969 : i32
        %get3A_1467 = arith.constant 1 : i32
        %get3A_1468 = arith.index_cast %get3A_1467 : i32 to index
        %get3A_1469 = arith.index_cast %add3A_1466 : i32 to index
        %get3A_1470 = arith.constant 32 : index
        %get3A_1471 = tpu.vector_load %arg7[%get3A_1468, %get3A_1469, %get3A_1470] {strides = array<i32>} : memref<2x832x64xf32, #tpu.memory_space<vmem>>, vector<16xf32>,
        %add3A_1472 = arith.addf %add3A_1464, %get3A_1471 : vector<16xf32>
        %add3A_1473 = arith.constant 352 : i32
        %add3A_1474 = arith.addi %add3A_1473, %scan3A_969 : i32
        %get3A_1475 = arith.constant 1 : i32
        %get3A_1476 = arith.index_cast %get3A_1475 : i32 to index
        %get3A_1477 = arith.index_cast %add3A_1474 : i32 to index
        %get3A_1478 = arith.constant 32 : index
        %get3A_1479 = tpu.vector_load %arg7[%get3A_1476, %get3A_1477, %get3A_1478] {strides = array<i32>} : memref<2x832x64xf32, #tpu.memory_space<vmem>>, vector<16xf32>,
        %add3A_1480 = arith.addf %add3A_1472, %get3A_1479 : vector<16xf32>
        %add3A_1481 = arith.constant 384 : i32
        %add3A_1482 = arith.addi %add3A_1481, %scan3A_969 : i32
        %get3A_1483 = arith.constant 1 : i32
        %get3A_1484 = arith.index_cast %get3A_1483 : i32 to index
        %get3A_1485 = arith.index_cast %add3A_1482 : i32 to index
        %get3A_1486 = arith.constant 32 : index
        %get3A_1487 = tpu.vector_load %arg7[%get3A_1484, %get3A_1485, %get3A_1486] {strides = array<i32>} : memref<2x832x64xf32, #tpu.memory_space<vmem>>, vector<16xf32>,
        %add3A_1488 = arith.addf %add3A_1480, %get3A_1487 : vector<16xf32>
        %add3A_1489 = arith.constant 416 : i32
        %add3A_1490 = arith.addi %add3A_1489, %scan3A_969 : i32
        %get3A_1491 = arith.constant 1 : i32
        %get3A_1492 = arith.index_cast %get3A_1491 : i32 to index
        %get3A_1493 = arith.index_cast %add3A_1490 : i32 to index
        %get3A_1494 = arith.constant 32 : index
        %get3A_1495 = tpu.vector_load %arg7[%get3A_1492, %get3A_1493, %get3A_1494] {strides = array<i32>} : memref<2x832x64xf32, #tpu.memory_space<vmem>>, vector<16xf32>,
        %add3A_1496 = arith.addf %add3A_1488, %get3A_1495 : vector<16xf32>
        %add3A_1497 = arith.constant 448 : i32
        %add3A_1498 = arith.addi %add3A_1497, %scan3A_969 : i32
        %get3A_1499 = arith.constant 1 : i32
        %get3A_1500 = arith.index_cast %get3A_1499 : i32 to index
        %get3A_1501 = arith.index_cast %add3A_1498 : i32 to index
        %get3A_1502 = arith.constant 32 : index
        %get3A_1503 = tpu.vector_load %arg7[%get3A_1500, %get3A_1501, %get3A_1502] {strides = array<i32>} : memref<2x832x64xf32, #tpu.memory_space<vmem>>, vector<16xf32>,
        %add3A_1504 = arith.addf %add3A_1496, %get3A_1503 : vector<16xf32>
        %add3A_1505 = arith.constant 480 : i32
        %add3A_1506 = arith.addi %add3A_1505, %scan3A_969 : i32
        %get3A_1507 = arith.constant 1 : i32
        %get3A_1508 = arith.index_cast %get3A_1507 : i32 to index
        %get3A_1509 = arith.index_cast %add3A_1506 : i32 to index
        %get3A_1510 = arith.constant 32 : index
        %get3A_1511 = tpu.vector_load %arg7[%get3A_1508, %get3A_1509, %get3A_1510] {strides = array<i32>} : memref<2x832x64xf32, #tpu.memory_space<vmem>>, vector<16xf32>,
        %add3A_1512 = arith.addf %add3A_1504, %get3A_1511 : vector<16xf32>
        %add3A_1513 = arith.constant 512 : i32
        %add3A_1514 = arith.addi %add3A_1513, %scan3A_969 : i32
        %get3A_1515 = arith.constant 1 : i32
        %get3A_1516 = arith.index_cast %get3A_1515 : i32 to index
        %get3A_1517 = arith.index_cast %add3A_1514 : i32 to index
        %get3A_1518 = arith.constant 32 : index
        %get3A_1519 = tpu.vector_load %arg7[%get3A_1516, %get3A_1517, %get3A_1518] {strides = array<i32>} : memref<2x832x64xf32, #tpu.memory_space<vmem>>, vector<16xf32>,
        %add3A_1520 = arith.addf %add3A_1512, %get3A_1519 : vector<16xf32>
        %add3A_1521 = arith.constant 544 : i32
        %add3A_1522 = arith.addi %add3A_1521, %scan3A_969 : i32
        %get3A_1523 = arith.constant 1 : i32
        %get3A_1524 = arith.index_cast %get3A_1523 : i32 to index
        %get3A_1525 = arith.index_cast %add3A_1522 : i32 to index
        %get3A_1526 = arith.constant 32 : index
        %get3A_1527 = tpu.vector_load %arg7[%get3A_1524, %get3A_1525, %get3A_1526] {strides = array<i32>} : memref<2x832x64xf32, #tpu.memory_space<vmem>>, vector<16xf32>,
        %add3A_1528 = arith.addf %add3A_1520, %get3A_1527 : vector<16xf32>
        %add3A_1529 = arith.constant 576 : i32
        %add3A_1530 = arith.addi %add3A_1529, %scan3A_969 : i32
        %get3A_1531 = arith.constant 1 : i32
        %get3A_1532 = arith.index_cast %get3A_1531 : i32 to index
        %get3A_1533 = arith.index_cast %add3A_1530 : i32 to index
        %get3A_1534 = arith.constant 32 : index
        %get3A_1535 = tpu.vector_load %arg7[%get3A_1532, %get3A_1533, %get3A_1534] {strides = array<i32>} : memref<2x832x64xf32, #tpu.memory_space<vmem>>, vector<16xf32>,
        %add3A_1536 = arith.addf %add3A_1528, %get3A_1535 : vector<16xf32>
        %add3A_1537 = arith.constant 608 : i32
        %add3A_1538 = arith.addi %add3A_1537, %scan3A_969 : i32
        %get3A_1539 = arith.constant 1 : i32
        %get3A_1540 = arith.index_cast %get3A_1539 : i32 to index
        %get3A_1541 = arith.index_cast %add3A_1538 : i32 to index
        %get3A_1542 = arith.constant 32 : index
        %get3A_1543 = tpu.vector_load %arg7[%get3A_1540, %get3A_1541, %get3A_1542] {strides = array<i32>} : memref<2x832x64xf32, #tpu.memory_space<vmem>>, vector<16xf32>,
        %add3A_1544 = arith.addf %add3A_1536, %get3A_1543 : vector<16xf32>
        %add3A_1545 = arith.constant 640 : i32
        %add3A_1546 = arith.addi %add3A_1545, %scan3A_969 : i32
        %get3A_1547 = arith.constant 1 : i32
        %get3A_1548 = arith.index_cast %get3A_1547 : i32 to index
        %get3A_1549 = arith.index_cast %add3A_1546 : i32 to index
        %get3A_1550 = arith.constant 32 : index
        %get3A_1551 = tpu.vector_load %arg7[%get3A_1548, %get3A_1549, %get3A_1550] {strides = array<i32>} : memref<2x832x64xf32, #tpu.memory_space<vmem>>, vector<16xf32>,
        %add3A_1552 = arith.addf %add3A_1544, %get3A_1551 : vector<16xf32>
        %add3A_1553 = arith.constant 672 : i32
        %add3A_1554 = arith.addi %add3A_1553, %scan3A_969 : i32
        %get3A_1555 = arith.constant 1 : i32
        %get3A_1556 = arith.index_cast %get3A_1555 : i32 to index
        %get3A_1557 = arith.index_cast %add3A_1554 : i32 to index
        %get3A_1558 = arith.constant 32 : index
        %get3A_1559 = tpu.vector_load %arg7[%get3A_1556, %get3A_1557, %get3A_1558] {strides = array<i32>} : memref<2x832x64xf32, #tpu.memory_space<vmem>>, vector<16xf32>,
        %add3A_1560 = arith.addf %add3A_1552, %get3A_1559 : vector<16xf32>
        %add3A_1561 = arith.constant 704 : i32
        %add3A_1562 = arith.addi %add3A_1561, %scan3A_969 : i32
        %get3A_1563 = arith.constant 1 : i32
        %get3A_1564 = arith.index_cast %get3A_1563 : i32 to index
        %get3A_1565 = arith.index_cast %add3A_1562 : i32 to index
        %get3A_1566 = arith.constant 32 : index
        %get3A_1567 = tpu.vector_load %arg7[%get3A_1564, %get3A_1565, %get3A_1566] {strides = array<i32>} : memref<2x832x64xf32, #tpu.memory_space<vmem>>, vector<16xf32>,
        %add3A_1568 = arith.addf %add3A_1560, %get3A_1567 : vector<16xf32>
        %add3A_1569 = arith.constant 736 : i32
        %add3A_1570 = arith.addi %add3A_1569, %scan3A_969 : i32
        %get3A_1571 = arith.constant 1 : i32
        %get3A_1572 = arith.index_cast %get3A_1571 : i32 to index
        %get3A_1573 = arith.index_cast %add3A_1570 : i32 to index
        %get3A_1574 = arith.constant 32 : index
        %get3A_1575 = tpu.vector_load %arg7[%get3A_1572, %get3A_1573, %get3A_1574] {strides = array<i32>} : memref<2x832x64xf32, #tpu.memory_space<vmem>>, vector<16xf32>,
        %add3A_1576 = arith.addf %add3A_1568, %get3A_1575 : vector<16xf32>
        %add3A_1577 = arith.constant 768 : i32
        %add3A_1578 = arith.addi %add3A_1577, %scan3A_969 : i32
        %get3A_1579 = arith.constant 1 : i32
        %get3A_1580 = arith.index_cast %get3A_1579 : i32 to index
        %get3A_1581 = arith.index_cast %add3A_1578 : i32 to index
        %get3A_1582 = arith.constant 32 : index
        %get3A_1583 = tpu.vector_load %arg7[%get3A_1580, %get3A_1581, %get3A_1582] {strides = array<i32>} : memref<2x832x64xf32, #tpu.memory_space<vmem>>, vector<16xf32>,
        %add3A_1584 = arith.addf %add3A_1576, %get3A_1583 : vector<16xf32>
        %add3A_1585 = arith.constant 800 : i32
        %add3A_1586 = arith.addi %add3A_1585, %scan3A_969 : i32
        %get3A_1587 = arith.constant 1 : i32
        %get3A_1588 = arith.index_cast %get3A_1587 : i32 to index
        %get3A_1589 = arith.index_cast %add3A_1586 : i32 to index
        %get3A_1590 = arith.constant 32 : index
        %get3A_1591 = tpu.vector_load %arg7[%get3A_1588, %get3A_1589, %get3A_1590] {strides = array<i32>} : memref<2x832x64xf32, #tpu.memory_space<vmem>>, vector<16xf32>,
        %add3A_1592 = arith.addf %add3A_1584, %get3A_1591 : vector<16xf32>
        %swap3A_1593 = arith.constant 1 : i32
        %swap3A_1594 = arith.index_cast %swap3A_1593 : i32 to index
        %swap3A_1595 = arith.index_cast %scan3A_969 : i32 to index
        %swap3A_1596 = arith.constant 32 : index
        %swap3A_1597 = tpu.vector_load %arg9[%swap3A_1594, %swap3A_1595, %swap3A_1596] {strides = array<i32>} : memref<2x32x80xf32, #tpu.memory_space<vmem>>, vector<16xf32>,
        tpu.vector_store %arg9[%swap3A_1594, %swap3A_1595, %swap3A_1596], %add3A_1592 {strides = array<i32>} : memref<2x32x80xf32, #tpu.memory_space<vmem>>, vector<16xf32>,
        %get3A_1598 = arith.constant 1 : i32
        %get3A_1599 = arith.index_cast %get3A_1598 : i32 to index
        %get3A_1600 = arith.index_cast %scan3A_969 : i32 to index
        %get3A_1601 = arith.constant 48 : index
        %get3A_1602 = tpu.vector_load %arg7[%get3A_1599, %get3A_1600, %get3A_1601] {strides = array<i32>} : memref<2x832x64xf32, #tpu.memory_space<vmem>>, vector<16xf32>,
        %add3A_1603 = arith.constant 32 : i32
        %add3A_1604 = arith.addi %add3A_1603, %scan3A_969 : i32
        %get3A_1605 = arith.constant 1 : i32
        %get3A_1606 = arith.index_cast %get3A_1605 : i32 to index
        %get3A_1607 = arith.index_cast %add3A_1604 : i32 to index
        %get3A_1608 = arith.constant 48 : index
        %get3A_1609 = tpu.vector_load %arg7[%get3A_1606, %get3A_1607, %get3A_1608] {strides = array<i32>} : memref<2x832x64xf32, #tpu.memory_space<vmem>>, vector<16xf32>,
        %add3A_1610 = arith.addf %get3A_1602, %get3A_1609 : vector<16xf32>
        %add3A_1611 = arith.constant 64 : i32
        %add3A_1612 = arith.addi %add3A_1611, %scan3A_969 : i32
        %get3A_1613 = arith.constant 1 : i32
        %get3A_1614 = arith.index_cast %get3A_1613 : i32 to index
        %get3A_1615 = arith.index_cast %add3A_1612 : i32 to index
        %get3A_1616 = arith.constant 48 : index
        %get3A_1617 = tpu.vector_load %arg7[%get3A_1614, %get3A_1615, %get3A_1616] {strides = array<i32>} : memref<2x832x64xf32, #tpu.memory_space<vmem>>, vector<16xf32>,
        %add3A_1618 = arith.addf %add3A_1610, %get3A_1617 : vector<16xf32>
        %add3A_1619 = arith.constant 96 : i32
        %add3A_1620 = arith.addi %add3A_1619, %scan3A_969 : i32
        %get3A_1621 = arith.constant 1 : i32
        %get3A_1622 = arith.index_cast %get3A_1621 : i32 to index
        %get3A_1623 = arith.index_cast %add3A_1620 : i32 to index
        %get3A_1624 = arith.constant 48 : index
        %get3A_1625 = tpu.vector_load %arg7[%get3A_1622, %get3A_1623, %get3A_1624] {strides = array<i32>} : memref<2x832x64xf32, #tpu.memory_space<vmem>>, vector<16xf32>,
        %add3A_1626 = arith.addf %add3A_1618, %get3A_1625 : vector<16xf32>
        %add3A_1627 = arith.constant 128 : i32
        %add3A_1628 = arith.addi %add3A_1627, %scan3A_969 : i32
        %get3A_1629 = arith.constant 1 : i32
        %get3A_1630 = arith.index_cast %get3A_1629 : i32 to index
        %get3A_1631 = arith.index_cast %add3A_1628 : i32 to index
        %get3A_1632 = arith.constant 48 : index
        %get3A_1633 = tpu.vector_load %arg7[%get3A_1630, %get3A_1631, %get3A_1632] {strides = array<i32>} : memref<2x832x64xf32, #tpu.memory_space<vmem>>, vector<16xf32>,
        %add3A_1634 = arith.addf %add3A_1626, %get3A_1633 : vector<16xf32>
        %add3A_1635 = arith.constant 160 : i32
        %add3A_1636 = arith.addi %add3A_1635, %scan3A_969 : i32
        %get3A_1637 = arith.constant 1 : i32
        %get3A_1638 = arith.index_cast %get3A_1637 : i32 to index
        %get3A_1639 = arith.index_cast %add3A_1636 : i32 to index
        %get3A_1640 = arith.constant 48 : index
        %get3A_1641 = tpu.vector_load %arg7[%get3A_1638, %get3A_1639, %get3A_1640] {strides = array<i32>} : memref<2x832x64xf32, #tpu.memory_space<vmem>>, vector<16xf32>,
        %add3A_1642 = arith.addf %add3A_1634, %get3A_1641 : vector<16xf32>
        %add3A_1643 = arith.constant 192 : i32
        %add3A_1644 = arith.addi %add3A_1643, %scan3A_969 : i32
        %get3A_1645 = arith.constant 1 : i32
        %get3A_1646 = arith.index_cast %get3A_1645 : i32 to index
        %get3A_1647 = arith.index_cast %add3A_1644 : i32 to index
        %get3A_1648 = arith.constant 48 : index
        %get3A_1649 = tpu.vector_load %arg7[%get3A_1646, %get3A_1647, %get3A_1648] {strides = array<i32>} : memref<2x832x64xf32, #tpu.memory_space<vmem>>, vector<16xf32>,
        %add3A_1650 = arith.addf %add3A_1642, %get3A_1649 : vector<16xf32>
        %add3A_1651 = arith.constant 224 : i32
        %add3A_1652 = arith.addi %add3A_1651, %scan3A_969 : i32
        %get3A_1653 = arith.constant 1 : i32
        %get3A_1654 = arith.index_cast %get3A_1653 : i32 to index
        %get3A_1655 = arith.index_cast %add3A_1652 : i32 to index
        %get3A_1656 = arith.constant 48 : index
        %get3A_1657 = tpu.vector_load %arg7[%get3A_1654, %get3A_1655, %get3A_1656] {strides = array<i32>} : memref<2x832x64xf32, #tpu.memory_space<vmem>>, vector<16xf32>,
        %add3A_1658 = arith.addf %add3A_1650, %get3A_1657 : vector<16xf32>
        %add3A_1659 = arith.constant 256 : i32
        %add3A_1660 = arith.addi %add3A_1659, %scan3A_969 : i32
        %get3A_1661 = arith.constant 1 : i32
        %get3A_1662 = arith.index_cast %get3A_1661 : i32 to index
        %get3A_1663 = arith.index_cast %add3A_1660 : i32 to index
        %get3A_1664 = arith.constant 48 : index
        %get3A_1665 = tpu.vector_load %arg7[%get3A_1662, %get3A_1663, %get3A_1664] {strides = array<i32>} : memref<2x832x64xf32, #tpu.memory_space<vmem>>, vector<16xf32>,
        %add3A_1666 = arith.addf %add3A_1658, %get3A_1665 : vector<16xf32>
        %add3A_1667 = arith.constant 288 : i32
        %add3A_1668 = arith.addi %add3A_1667, %scan3A_969 : i32
        %get3A_1669 = arith.constant 1 : i32
        %get3A_1670 = arith.index_cast %get3A_1669 : i32 to index
        %get3A_1671 = arith.index_cast %add3A_1668 : i32 to index
        %get3A_1672 = arith.constant 48 : index
        %get3A_1673 = tpu.vector_load %arg7[%get3A_1670, %get3A_1671, %get3A_1672] {strides = array<i32>} : memref<2x832x64xf32, #tpu.memory_space<vmem>>, vector<16xf32>,
        %add3A_1674 = arith.addf %add3A_1666, %get3A_1673 : vector<16xf32>
        %add3A_1675 = arith.constant 320 : i32
        %add3A_1676 = arith.addi %add3A_1675, %scan3A_969 : i32
        %get3A_1677 = arith.constant 1 : i32
        %get3A_1678 = arith.index_cast %get3A_1677 : i32 to index
        %get3A_1679 = arith.index_cast %add3A_1676 : i32 to index
        %get3A_1680 = arith.constant 48 : index
        %get3A_1681 = tpu.vector_load %arg7[%get3A_1678, %get3A_1679, %get3A_1680] {strides = array<i32>} : memref<2x832x64xf32, #tpu.memory_space<vmem>>, vector<16xf32>,
        %add3A_1682 = arith.addf %add3A_1674, %get3A_1681 : vector<16xf32>
        %add3A_1683 = arith.constant 352 : i32
        %add3A_1684 = arith.addi %add3A_1683, %scan3A_969 : i32
        %get3A_1685 = arith.constant 1 : i32
        %get3A_1686 = arith.index_cast %get3A_1685 : i32 to index
        %get3A_1687 = arith.index_cast %add3A_1684 : i32 to index
        %get3A_1688 = arith.constant 48 : index
        %get3A_1689 = tpu.vector_load %arg7[%get3A_1686, %get3A_1687, %get3A_1688] {strides = array<i32>} : memref<2x832x64xf32, #tpu.memory_space<vmem>>, vector<16xf32>,
        %add3A_1690 = arith.addf %add3A_1682, %get3A_1689 : vector<16xf32>
        %add3A_1691 = arith.constant 384 : i32
        %add3A_1692 = arith.addi %add3A_1691, %scan3A_969 : i32
        %get3A_1693 = arith.constant 1 : i32
        %get3A_1694 = arith.index_cast %get3A_1693 : i32 to index
        %get3A_1695 = arith.index_cast %add3A_1692 : i32 to index
        %get3A_1696 = arith.constant 48 : index
        %get3A_1697 = tpu.vector_load %arg7[%get3A_1694, %get3A_1695, %get3A_1696] {strides = array<i32>} : memref<2x832x64xf32, #tpu.memory_space<vmem>>, vector<16xf32>,
        %add3A_1698 = arith.addf %add3A_1690, %get3A_1697 : vector<16xf32>
        %add3A_1699 = arith.constant 416 : i32
        %add3A_1700 = arith.addi %add3A_1699, %scan3A_969 : i32
        %get3A_1701 = arith.constant 1 : i32
        %get3A_1702 = arith.index_cast %get3A_1701 : i32 to index
        %get3A_1703 = arith.index_cast %add3A_1700 : i32 to index
        %get3A_1704 = arith.constant 48 : index
        %get3A_1705 = tpu.vector_load %arg7[%get3A_1702, %get3A_1703, %get3A_1704] {strides = array<i32>} : memref<2x832x64xf32, #tpu.memory_space<vmem>>, vector<16xf32>,
        %add3A_1706 = arith.addf %add3A_1698, %get3A_1705 : vector<16xf32>
        %add3A_1707 = arith.constant 448 : i32
        %add3A_1708 = arith.addi %add3A_1707, %scan3A_969 : i32
        %get3A_1709 = arith.constant 1 : i32
        %get3A_1710 = arith.index_cast %get3A_1709 : i32 to index
        %get3A_1711 = arith.index_cast %add3A_1708 : i32 to index
        %get3A_1712 = arith.constant 48 : index
        %get3A_1713 = tpu.vector_load %arg7[%get3A_1710, %get3A_1711, %get3A_1712] {strides = array<i32>} : memref<2x832x64xf32, #tpu.memory_space<vmem>>, vector<16xf32>,
        %add3A_1714 = arith.addf %add3A_1706, %get3A_1713 : vector<16xf32>
        %add3A_1715 = arith.constant 480 : i32
        %add3A_1716 = arith.addi %add3A_1715, %scan3A_969 : i32
        %get3A_1717 = arith.constant 1 : i32
        %get3A_1718 = arith.index_cast %get3A_1717 : i32 to index
        %get3A_1719 = arith.index_cast %add3A_1716 : i32 to index
        %get3A_1720 = arith.constant 48 : index
        %get3A_1721 = tpu.vector_load %arg7[%get3A_1718, %get3A_1719, %get3A_1720] {strides = array<i32>} : memref<2x832x64xf32, #tpu.memory_space<vmem>>, vector<16xf32>,
        %add3A_1722 = arith.addf %add3A_1714, %get3A_1721 : vector<16xf32>
        %add3A_1723 = arith.constant 512 : i32
        %add3A_1724 = arith.addi %add3A_1723, %scan3A_969 : i32
        %get3A_1725 = arith.constant 1 : i32
        %get3A_1726 = arith.index_cast %get3A_1725 : i32 to index
        %get3A_1727 = arith.index_cast %add3A_1724 : i32 to index
        %get3A_1728 = arith.constant 48 : index
        %get3A_1729 = tpu.vector_load %arg7[%get3A_1726, %get3A_1727, %get3A_1728] {strides = array<i32>} : memref<2x832x64xf32, #tpu.memory_space<vmem>>, vector<16xf32>,
        %add3A_1730 = arith.addf %add3A_1722, %get3A_1729 : vector<16xf32>
        %add3A_1731 = arith.constant 544 : i32
        %add3A_1732 = arith.addi %add3A_1731, %scan3A_969 : i32
        %get3A_1733 = arith.constant 1 : i32
        %get3A_1734 = arith.index_cast %get3A_1733 : i32 to index
        %get3A_1735 = arith.index_cast %add3A_1732 : i32 to index
        %get3A_1736 = arith.constant 48 : index
        %get3A_1737 = tpu.vector_load %arg7[%get3A_1734, %get3A_1735, %get3A_1736] {strides = array<i32>} : memref<2x832x64xf32, #tpu.memory_space<vmem>>, vector<16xf32>,
        %add3A_1738 = arith.addf %add3A_1730, %get3A_1737 : vector<16xf32>
        %add3A_1739 = arith.constant 576 : i32
        %add3A_1740 = arith.addi %add3A_1739, %scan3A_969 : i32
        %get3A_1741 = arith.constant 1 : i32
        %get3A_1742 = arith.index_cast %get3A_1741 : i32 to index
        %get3A_1743 = arith.index_cast %add3A_1740 : i32 to index
        %get3A_1744 = arith.constant 48 : index
        %get3A_1745 = tpu.vector_load %arg7[%get3A_1742, %get3A_1743, %get3A_1744] {strides = array<i32>} : memref<2x832x64xf32, #tpu.memory_space<vmem>>, vector<16xf32>,
        %add3A_1746 = arith.addf %add3A_1738, %get3A_1745 : vector<16xf32>
        %add3A_1747 = arith.constant 608 : i32
        %add3A_1748 = arith.addi %add3A_1747, %scan3A_969 : i32
        %get3A_1749 = arith.constant 1 : i32
        %get3A_1750 = arith.index_cast %get3A_1749 : i32 to index
        %get3A_1751 = arith.index_cast %add3A_1748 : i32 to index
        %get3A_1752 = arith.constant 48 : index
        %get3A_1753 = tpu.vector_load %arg7[%get3A_1750, %get3A_1751, %get3A_1752] {strides = array<i32>} : memref<2x832x64xf32, #tpu.memory_space<vmem>>, vector<16xf32>,
        %add3A_1754 = arith.addf %add3A_1746, %get3A_1753 : vector<16xf32>
        %add3A_1755 = arith.constant 640 : i32
        %add3A_1756 = arith.addi %add3A_1755, %scan3A_969 : i32
        %get3A_1757 = arith.constant 1 : i32
        %get3A_1758 = arith.index_cast %get3A_1757 : i32 to index
        %get3A_1759 = arith.index_cast %add3A_1756 : i32 to index
        %get3A_1760 = arith.constant 48 : index
        %get3A_1761 = tpu.vector_load %arg7[%get3A_1758, %get3A_1759, %get3A_1760] {strides = array<i32>} : memref<2x832x64xf32, #tpu.memory_space<vmem>>, vector<16xf32>,
        %add3A_1762 = arith.addf %add3A_1754, %get3A_1761 : vector<16xf32>
        %add3A_1763 = arith.constant 672 : i32
        %add3A_1764 = arith.addi %add3A_1763, %scan3A_969 : i32
        %get3A_1765 = arith.constant 1 : i32
        %get3A_1766 = arith.index_cast %get3A_1765 : i32 to index
        %get3A_1767 = arith.index_cast %add3A_1764 : i32 to index
        %get3A_1768 = arith.constant 48 : index
        %get3A_1769 = tpu.vector_load %arg7[%get3A_1766, %get3A_1767, %get3A_1768] {strides = array<i32>} : memref<2x832x64xf32, #tpu.memory_space<vmem>>, vector<16xf32>,
        %add3A_1770 = arith.addf %add3A_1762, %get3A_1769 : vector<16xf32>
        %add3A_1771 = arith.constant 704 : i32
        %add3A_1772 = arith.addi %add3A_1771, %scan3A_969 : i32
        %get3A_1773 = arith.constant 1 : i32
        %get3A_1774 = arith.index_cast %get3A_1773 : i32 to index
        %get3A_1775 = arith.index_cast %add3A_1772 : i32 to index
        %get3A_1776 = arith.constant 48 : index
        %get3A_1777 = tpu.vector_load %arg7[%get3A_1774, %get3A_1775, %get3A_1776] {strides = array<i32>} : memref<2x832x64xf32, #tpu.memory_space<vmem>>, vector<16xf32>,
        %add3A_1778 = arith.addf %add3A_1770, %get3A_1777 : vector<16xf32>
        %add3A_1779 = arith.constant 736 : i32
        %add3A_1780 = arith.addi %add3A_1779, %scan3A_969 : i32
        %get3A_1781 = arith.constant 1 : i32
        %get3A_1782 = arith.index_cast %get3A_1781 : i32 to index
        %get3A_1783 = arith.index_cast %add3A_1780 : i32 to index
        %get3A_1784 = arith.constant 48 : index
        %get3A_1785 = tpu.vector_load %arg7[%get3A_1782, %get3A_1783, %get3A_1784] {strides = array<i32>} : memref<2x832x64xf32, #tpu.memory_space<vmem>>, vector<16xf32>,
        %add3A_1786 = arith.addf %add3A_1778, %get3A_1785 : vector<16xf32>
        %add3A_1787 = arith.constant 768 : i32
        %add3A_1788 = arith.addi %add3A_1787, %scan3A_969 : i32
        %get3A_1789 = arith.constant 1 : i32
        %get3A_1790 = arith.index_cast %get3A_1789 : i32 to index
        %get3A_1791 = arith.index_cast %add3A_1788 : i32 to index
        %get3A_1792 = arith.constant 48 : index
        %get3A_1793 = tpu.vector_load %arg7[%get3A_1790, %get3A_1791, %get3A_1792] {strides = array<i32>} : memref<2x832x64xf32, #tpu.memory_space<vmem>>, vector<16xf32>,
        %add3A_1794 = arith.addf %add3A_1786, %get3A_1793 : vector<16xf32>
        %add3A_1795 = arith.constant 800 : i32
        %add3A_1796 = arith.addi %add3A_1795, %scan3A_969 : i32
        %get3A_1797 = arith.constant 1 : i32
        %get3A_1798 = arith.index_cast %get3A_1797 : i32 to index
        %get3A_1799 = arith.index_cast %add3A_1796 : i32 to index
        %get3A_1800 = arith.constant 48 : index
        %get3A_1801 = tpu.vector_load %arg7[%get3A_1798, %get3A_1799, %get3A_1800] {strides = array<i32>} : memref<2x832x64xf32, #tpu.memory_space<vmem>>, vector<16xf32>,
        %add3A_1802 = arith.addf %add3A_1794, %get3A_1801 : vector<16xf32>
        %swap3A_1803 = arith.constant 1 : i32
        %swap3A_1804 = arith.index_cast %swap3A_1803 : i32 to index
        %swap3A_1805 = arith.index_cast %scan3A_969 : i32 to index
        %swap3A_1806 = arith.constant 48 : index
        %swap3A_1807 = tpu.vector_load %arg9[%swap3A_1804, %swap3A_1805, %swap3A_1806] {strides = array<i32>} : memref<2x32x80xf32, #tpu.memory_space<vmem>>, vector<16xf32>,
        tpu.vector_store %arg9[%swap3A_1804, %swap3A_1805, %swap3A_1806], %add3A_1802 {strides = array<i32>} : memref<2x32x80xf32, #tpu.memory_space<vmem>>, vector<16xf32>,
        %broadcast_in_dim3A = vector.broadcast %scan3A_969 : i32 to vector<16xi32>
        %gather3A = arith.constant 1 : i32
        %gather3A_1808 = arith.constant 0 : i32
        %gather3A_1809 = arith.constant 0 : i32
        %gather3A_1810 = arith.constant 0 : i32
        %gather3A_1811 = tpu.memref_slice %arg8[%gather3A, %gather3A_1808, %gather3A_1809, %gather3A_1810] : memref<2x2x8x32xf32, #tpu.memory_space<vmem>> -> memref<1x2x8x32xf32, #tpu.memory_space<vmem>>
        %gather3A_1812 = tpu.memref_squeeze %gather3A_1811 : memref<1x2x8x32xf32, #tpu.memory_space<vmem>> -> memref<2x8x32xf32, #tpu.memory_space<vmem>>
        %gather3A_1813 = tpu.vector_load_idx %gather3A_1812[%shift_right_logical3A_34, %and3A_37, %broadcast_in_dim3A] : memref<2x8x32xf32, #tpu.memory_space<vmem>>[vector<16xi32>, vector<16xi32>, vector<16xi32>], vector<16xf32>,
        %swap3A_1814 = arith.constant 1 : i32
        %swap3A_1815 = arith.index_cast %swap3A_1814 : i32 to index
        %swap3A_1816 = arith.index_cast %scan3A_969 : i32 to index
        %swap3A_1817 = arith.constant 64 : index
        %swap3A_1818 = tpu.vector_load %arg9[%swap3A_1815, %swap3A_1816, %swap3A_1817] {strides = array<i32>} : memref<2x32x80xf32, #tpu.memory_space<vmem>>, vector<16xf32>,
        tpu.vector_store %arg9[%swap3A_1815, %swap3A_1816, %swap3A_1817], %gather3A_1813 {strides = array<i32>} : memref<2x32x80xf32, #tpu.memory_space<vmem>>, vector<16xf32>,
      }
      %scan3A_943 = arith.constant 32 : i32
      %add3A_944 = arith.constant 2 : i32
      %add3A_945 = arith.addi %add3A_878, %add3A_944 : i32
      %lt3A_946 = arith.constant 50 : i32
      %lt3A_947 = arith.cmpi slt, %add3A_945, %lt3A_946 : i32
      %convert_element_type3A_948 = arith.extui %lt3A_947 : i1 to i32
      %cond3A_949 = arith.constant 0 : i32
      %cond3A_950 = arith.cmpi ne, %convert_element_type3A_948, %cond3A_949 : i32
      scf.if %cond3A_950 {
        %add3A_969 = arith.constant 2 : i32
        %add3A_970 = arith.addi %add3A_878, %add3A_969 : i32
        %dma_start3A_971 = arith.constant 1 : i32
        %dma_start3A_972 = arith.constant 1 : i32
        %dma_start3A_973 = arith.constant 0 : i32
        %dma_start3A_974 = arith.constant 0 : i32
        %dma_start3A_975 = arith.constant 0 : i32
        %dma_start3A_976 = tpu.memref_slice %arg8[%dma_start3A_971, %dma_start3A_973, %dma_start3A_974, %dma_start3A_975] : memref<2x2x8x32xf32, #tpu.memory_space<vmem>> -> memref<1x2x8x32xf32, #tpu.memory_space<vmem>>
        %dma_start3A_977 = tpu.memref_squeeze %dma_start3A_976 : memref<1x2x8x32xf32, #tpu.memory_space<vmem>> -> memref<2x8x32xf32, #tpu.memory_space<vmem>>
        %dma_start3A_978 = arith.constant 0 : i32
        %dma_start3A_979 = arith.constant 0 : i32
        %dma_start3A_980 = tpu.memref_slice %arg3[%add3A_970, %dma_start3A_978, %select_n3A, %dma_start3A_979, %select_n3A_32] : memref<50x2x8x8x128xf32, #tpu.memory_space<hbm>> -> memref<1x2x1x8x32xf32, #tpu.memory_space<hbm>>
        %dma_start3A_981 = tpu.memref_squeeze %dma_start3A_980 : memref<1x2x1x8x32xf32, #tpu.memory_space<hbm>> -> memref<2x8x32xf32, #tpu.memory_space<hbm>>
        %dma_start3A_982 = tpu.memref_slice %arg11[%dma_start3A_972] : memref<2x!tpu.dma_semaphore, #tpu.memory_space<semaphore_mem>> -> memref<1x!tpu.dma_semaphore, #tpu.memory_space<semaphore_mem>>
        %dma_start3A_983 = tpu.memref_squeeze %dma_start3A_982 : memref<1x!tpu.dma_semaphore, #tpu.memory_space<semaphore_mem>> -> memref<!tpu.dma_semaphore, #tpu.memory_space<semaphore_mem>>
        %dma_start3A_984 = arith.constant 0 : i32
        %dma_start3A_985 = arith.constant 0 : i32
        %dma_start3A_986 = arith.constant 0 : i32
        %dma_start3A_987 = tpu.memref_slice %arg8[%dma_start3A_971, %dma_start3A_984, %dma_start3A_985, %dma_start3A_986] : memref<2x2x8x32xf32, #tpu.memory_space<vmem>> -> memref<1x2x8x32xf32, #tpu.memory_space<vmem>>
        %dma_start3A_988 = tpu.memref_squeeze %dma_start3A_987 : memref<1x2x8x32xf32, #tpu.memory_space<vmem>> -> memref<2x8x32xf32, #tpu.memory_space<vmem>>
        %dma_start3A_989 = arith.constant 0 : i32
        %dma_start3A_990 = arith.constant 0 : i32
        %dma_start3A_991 = tpu.memref_slice %arg3[%add3A_970, %dma_start3A_989, %select_n3A, %dma_start3A_990, %select_n3A_32] : memref<50x2x8x8x128xf32, #tpu.memory_space<hbm>> -> memref<1x2x1x8x32xf32, #tpu.memory_space<hbm>>
        %dma_start3A_992 = tpu.memref_squeeze %dma_start3A_991 : memref<1x2x1x8x32xf32, #tpu.memory_space<hbm>> -> memref<2x8x32xf32, #tpu.memory_space<hbm>>
        tpu.enqueue_dma source(%dma_start3A_992 : memref<2x8x32xf32, #tpu.memory_space<hbm>>) target(%dma_start3A_988 : memref<2x8x32xf32, #tpu.memory_space<vmem>>) target_semaphore(%dma_start3A_983 : memref<!tpu.dma_semaphore, #tpu.memory_space<semaphore_mem>>)
      } else {
      }
      %dma_start3A_951 = arith.constant 1 : i32
      %dma_start3A_952 = arith.constant 1 : i32
      %dma_start3A_953 = arith.constant 0 : i32
      %dma_start3A_954 = arith.constant 0 : i32
      %dma_start3A_955 = tpu.memref_slice %arg9[%dma_start3A_951, %dma_start3A_953, %dma_start3A_954] : memref<2x32x80xf32, #tpu.memory_space<vmem>> -> memref<1x32x80xf32, #tpu.memory_space<vmem>>
      %dma_start3A_956 = tpu.memref_squeeze %dma_start3A_955 : memref<1x32x80xf32, #tpu.memory_space<vmem>> -> memref<32x80xf32, #tpu.memory_space<vmem>>
      %dma_start3A_957 = arith.constant 0 : i32
      %dma_start3A_958 = tpu.memref_slice %arg5[%mul3A_2, %add3A_878, %dma_start3A_957] : memref<1024x50x80xf32, #tpu.memory_space<hbm>> -> memref<32x1x80xf32, #tpu.memory_space<hbm>>
      %dma_start3A_959 = tpu.memref_squeeze %dma_start3A_958 : memref<32x1x80xf32, #tpu.memory_space<hbm>> -> memref<32x80xf32, #tpu.memory_space<hbm>>
      %dma_start3A_960 = tpu.memref_slice %arg13[%dma_start3A_952] : memref<2x!tpu.dma_semaphore, #tpu.memory_space<semaphore_mem>> -> memref<1x!tpu.dma_semaphore, #tpu.memory_space<semaphore_mem>>
      %dma_start3A_961 = tpu.memref_squeeze %dma_start3A_960 : memref<1x!tpu.dma_semaphore, #tpu.memory_space<semaphore_mem>> -> memref<!tpu.dma_semaphore, #tpu.memory_space<semaphore_mem>>
      %dma_start3A_962 = arith.constant 0 : i32
      %dma_start3A_963 = tpu.memref_slice %arg5[%mul3A_2, %add3A_878, %dma_start3A_962] : memref<1024x50x80xf32, #tpu.memory_space<hbm>> -> memref<32x1x80xf32, #tpu.memory_space<hbm>>
      %dma_start3A_964 = tpu.memref_squeeze %dma_start3A_963 : memref<32x1x80xf32, #tpu.memory_space<hbm>> -> memref<32x80xf32, #tpu.memory_space<hbm>>
      %dma_start3A_965 = arith.constant 0 : i32
      %dma_start3A_966 = arith.constant 0 : i32
      %dma_start3A_967 = tpu.memref_slice %arg9[%dma_start3A_951, %dma_start3A_965, %dma_start3A_966] : memref<2x32x80xf32, #tpu.memory_space<vmem>> -> memref<1x32x80xf32, #tpu.memory_space<vmem>>
      %dma_start3A_968 = tpu.memref_squeeze %dma_start3A_967 : memref<1x32x80xf32, #tpu.memory_space<vmem>> -> memref<32x80xf32, #tpu.memory_space<vmem>>
      tpu.enqueue_dma source(%dma_start3A_968 : memref<32x80xf32, #tpu.memory_space<vmem>>) target(%dma_start3A_964 : memref<32x80xf32, #tpu.memory_space<hbm>>) target_semaphore(%dma_start3A_961 : memref<!tpu.dma_semaphore, #tpu.memory_space<semaphore_mem>>)
    }
    %scan3A_744 = arith.constant 25 : i32
    %dma_wait3A_745 = arith.constant 0 : i32
    %dma_wait3A_746 = arith.constant 48 : i32
    %dma_wait3A_747 = arith.constant 0 : i32
    %dma_wait3A_748 = arith.constant 0 : i32
    %dma_wait3A_749 = arith.constant 0 : i32
    %dma_wait3A_750 = tpu.memref_slice %arg9[%dma_wait3A_745, %dma_wait3A_748, %dma_wait3A_749] : memref<2x32x80xf32, #tpu.memory_space<vmem>> -> memref<1x32x80xf32, #tpu.memory_space<vmem>>
    %dma_wait3A_751 = tpu.memref_squeeze %dma_wait3A_750 : memref<1x32x80xf32, #tpu.memory_space<vmem>> -> memref<32x80xf32, #tpu.memory_space<vmem>>
    %dma_wait3A_752 = arith.constant 0 : i32
    %dma_wait3A_753 = tpu.memref_slice %arg5[%mul3A_2, %dma_wait3A_746, %dma_wait3A_752] : memref<1024x50x80xf32, #tpu.memory_space<hbm>> -> memref<32x1x80xf32, #tpu.memory_space<hbm>>
    %dma_wait3A_754 = tpu.memref_squeeze %dma_wait3A_753 : memref<32x1x80xf32, #tpu.memory_space<hbm>> -> memref<32x80xf32, #tpu.memory_space<hbm>>
    %dma_wait3A_755 = tpu.memref_slice %arg13[%dma_wait3A_747] : memref<2x!tpu.dma_semaphore, #tpu.memory_space<semaphore_mem>> -> memref<1x!tpu.dma_semaphore, #tpu.memory_space<semaphore_mem>>
    %dma_wait3A_756 = tpu.memref_squeeze %dma_wait3A_755 : memref<1x!tpu.dma_semaphore, #tpu.memory_space<semaphore_mem>> -> memref<!tpu.dma_semaphore, #tpu.memory_space<semaphore_mem>>
    %dma_wait3A_757 = arith.constant 0 : i32
    %dma_wait3A_758 = tpu.memref_slice %arg5[%mul3A_2, %dma_wait3A_746, %dma_wait3A_757] : memref<1024x50x80xf32, #tpu.memory_space<hbm>> -> memref<32x1x80xf32, #tpu.memory_space<hbm>>
    %dma_wait3A_759 = tpu.memref_squeeze %dma_wait3A_758 : memref<32x1x80xf32, #tpu.memory_space<hbm>> -> memref<32x80xf32, #tpu.memory_space<hbm>>
    %dma_wait3A_760 = arith.constant 0 : i32
    %dma_wait3A_761 = arith.constant 0 : i32
    %dma_wait3A_762 = tpu.memref_slice %arg9[%dma_wait3A_745, %dma_wait3A_760, %dma_wait3A_761] : memref<2x32x80xf32, #tpu.memory_space<vmem>> -> memref<1x32x80xf32, #tpu.memory_space<vmem>>
    %dma_wait3A_763 = tpu.memref_squeeze %dma_wait3A_762 : memref<1x32x80xf32, #tpu.memory_space<vmem>> -> memref<32x80xf32, #tpu.memory_space<vmem>>
    tpu.wait_dma2 semaphore(%dma_wait3A_756 : memref<!tpu.dma_semaphore, #tpu.memory_space<semaphore_mem>>) src(%dma_wait3A_763 : memref<32x80xf32, #tpu.memory_space<vmem>>) dst(%dma_wait3A_759 : memref<32x80xf32, #tpu.memory_space<hbm>>)
    %dma_wait3A_764 = arith.constant 1 : i32
    %dma_wait3A_765 = arith.constant 49 : i32
    %dma_wait3A_766 = arith.constant 1 : i32
    %dma_wait3A_767 = arith.constant 0 : i32
    %dma_wait3A_768 = arith.constant 0 : i32
    %dma_wait3A_769 = tpu.memref_slice %arg9[%dma_wait3A_764, %dma_wait3A_767, %dma_wait3A_768] : memref<2x32x80xf32, #tpu.memory_space<vmem>> -> memref<1x32x80xf32, #tpu.memory_space<vmem>>
    %dma_wait3A_770 = tpu.memref_squeeze %dma_wait3A_769 : memref<1x32x80xf32, #tpu.memory_space<vmem>> -> memref<32x80xf32, #tpu.memory_space<vmem>>
    %dma_wait3A_771 = arith.constant 0 : i32
    %dma_wait3A_772 = tpu.memref_slice %arg5[%mul3A_2, %dma_wait3A_765, %dma_wait3A_771] : memref<1024x50x80xf32, #tpu.memory_space<hbm>> -> memref<32x1x80xf32, #tpu.memory_space<hbm>>
    %dma_wait3A_773 = tpu.memref_squeeze %dma_wait3A_772 : memref<32x1x80xf32, #tpu.memory_space<hbm>> -> memref<32x80xf32, #tpu.memory_space<hbm>>
    %dma_wait3A_774 = tpu.memref_slice %arg13[%dma_wait3A_766] : memref<2x!tpu.dma_semaphore, #tpu.memory_space<semaphore_mem>> -> memref<1x!tpu.dma_semaphore, #tpu.memory_space<semaphore_mem>>
    %dma_wait3A_775 = tpu.memref_squeeze %dma_wait3A_774 : memref<1x!tpu.dma_semaphore, #tpu.memory_space<semaphore_mem>> -> memref<!tpu.dma_semaphore, #tpu.memory_space<semaphore_mem>>
    %dma_wait3A_776 = arith.constant 0 : i32
    %dma_wait3A_777 = tpu.memref_slice %arg5[%mul3A_2, %dma_wait3A_765, %dma_wait3A_776] : memref<1024x50x80xf32, #tpu.memory_space<hbm>> -> memref<32x1x80xf32, #tpu.memory_space<hbm>>
    %dma_wait3A_778 = tpu.memref_squeeze %dma_wait3A_777 : memref<32x1x80xf32, #tpu.memory_space<hbm>> -> memref<32x80xf32, #tpu.memory_space<hbm>>
    %dma_wait3A_779 = arith.constant 0 : i32
    %dma_wait3A_780 = arith.constant 0 : i32
    %dma_wait3A_781 = tpu.memref_slice %arg9[%dma_wait3A_764, %dma_wait3A_779, %dma_wait3A_780] : memref<2x32x80xf32, #tpu.memory_space<vmem>> -> memref<1x32x80xf32, #tpu.memory_space<vmem>>
    %dma_wait3A_782 = tpu.memref_squeeze %dma_wait3A_781 : memref<1x32x80xf32, #tpu.memory_space<vmem>> -> memref<32x80xf32, #tpu.memory_space<vmem>>
    tpu.wait_dma2 semaphore(%dma_wait3A_775 : memref<!tpu.dma_semaphore, #tpu.memory_space<semaphore_mem>>) src(%dma_wait3A_782 : memref<32x80xf32, #tpu.memory_space<vmem>>) dst(%dma_wait3A_778 : memref<32x80xf32, #tpu.memory_space<hbm>>)
    return
  }
}

</mosaic_0001>

<sc_bundles>
// kernel: kernel.3.cloned.1.call-start
scs
__scs_entry_jumppad:
0x0: {  	(pc) =	sbr.rel $0x88, $3  }
0x1: {  	(tag) =	ssettag $0x0;
	lr =	simm.s32 $0x1  }
0x2: {  	[smem:$0x3F97] =	sst lr;
	_ =	strace $0xD0000000  }
0x3: {  	_ = 	snop  }
0x4: {  	_ = 	snop  }
0x5: {  	_ = 	snop  }
0x6: {  	_ = 	snop  }
0x7: {  	_ = 	snop  }
__scs_overlays_trampoline_lowered:
0x8: {  	[smem:$0x3FA6] =	sst s0  }
0x9: {  	[smem:$0x3FA7] =	sst s1  }
0xa: {  	[smem:$0x3FA8] =	sst s2  }
0xb: {  	[smem:$0x3FA9] =	sst s3  }
0xc: {  	[smem:$0x3FAA] =	sst s4  }
0xd: {  	[smem:$0x3FAB] =	sst s5  }
0xe: {  	[smem:$0x3FAC] =	sst s6  }
0xf: {  	[smem:$0x3FAD] =	sst s7  }
0x10: {  	[smem:$0x3FAE] =	sst s8  }
0x11: {  	[smem:$0x3FAF] =	sst s9;
	s0 =	simm.s32 @!p0 $0x0  }
0x12: {  	s1 =	sld [smem:$0x3F95];
	s0 =	simm.s32 @p0 $0x1  }
0x13: {  	[smem:$0x3FB0] =	sst s0;
	s0 =	simm.s32 @!p1 $0x0  }
0x14: {  	s2 =	sld [smem:$0x3F94];
	s0 =	simm.s32 @p1 $0x1  }
0x15: {  	[smem:$0x3FB1] =	sst s0;
	s0 =	simm.s32 @!p2 $0x0  }
0x16: {  	s3 =	sld [smem:$0x3FDB];
	s0 =	simm.s32 @p2 $0x1  }
0x17: {  	s4 =	simm.s32 $0x1BF5;
	[smem:$0x3FB3] =	sst s0  }
0x18: {  	s0 =	sld [smem:$0x3F96];
	_ =	swait.ge [sflag:s4], $0x0  }
0x19: {  	s7 =	sld [smem:$0x3F97]  }
0x1a: {  	s8 =	sadd.s32 $0xFFFFE003, lr  }
0x1b: {  	s9 =	sadd.s32 $0xFFFFFEF7, lr;
	s5 =	simm.s32 $0xFFFFFFFF;
	p2 =	slt.u32 s8, $0xFFFFF086  }
0x1c: {  	p1 =	slt.u32 s9, $0xF7A;
	s5 =	simm.s32 @!p2 $0x0  }
0x1d: {  	s5 =	simm.s32 @p1 $0x1;
	p0 =	seq.s32 s7, s2  }
0x1e: {  	s7 =	smul.u32 @!p0 $0xF7A, s2;
	p2 =	seq.s32 @!p0 s5, $0x0  }
0x1f: {  	s9 =	smul.u32 $0xF7A, s1;
	s8 =	simm.s32 @!p0 $0x1BF5;
	p2 =	por !p2, p0  }
0x20: {  	[sflag:s8] =	ssyncset.s32 @!p0 $0xFFFFF086;
	s6 =	sadd.s32 @!p0 s3, s7;
	s7 =	simm.s32 @!p0 $0x108  }
0x21: {  	s3 =	sadd.s32 s3, s9;
	s6 =	sadd.s32 @!p0 $0x88, s6;
	s7 =	simm.s32 @p2 $0x1082  }
0x22: {  	[simem:s7], [sflag:s8] =	dma.local @!p0 [hbm:s6], $0xF7A  }
0x23: {  	s9 =	sor.u32 $0xD0000000, s2;
	s6 =	simm.s32 $0x108;
	_ =	swait.ge @!p0 [sflag:s8], $0x0  }
0x24: {  	s3 =	sadd.s32 $0x88, s3;
	s6 =	simm.s32 @!p1 $0x1082;
	[sflag:s4] =	ssyncset.s32 $0xFFFFF086  }
0x25: {  	[simem:s6], [sflag:s4] =	dma.local [hbm:s3], $0xF7A  }
0x26: {  	[smem:$0x3F97] =	sst s1;
	(tag) =	ssettag s2;
	_ =	strace s9  }
0x27: {  	s1 =	sld [smem:$0x3FA7]  }
0x28: {  	s2 =	sld [smem:$0x3FA8]  }
0x29: {  	s4 =	sld [smem:$0x3FAA]  }
0x2a: {  	p0 =	seq.s32 s5, $0x0;
	s5 =	sld [smem:$0x3FAB]  }
0x2b: {  	s6 =	sld [smem:$0x3FAC]  }
0x2c: {  	s7 =	sld [smem:$0x3FAD]  }
0x2d: {  	s3 =	simm.s32 $0x108;
	s8 =	sld [smem:$0x3FAE]  }
0x2e: {  	s3 =	simm.s32 @!p0 $0x1082;
	s9 =	sld [smem:$0x3FAF]  }
0x2f: {  	lr =	sadd.s32 s0, s3;
	s0 =	sld [smem:$0x3FA6]  }
0x30: {  	s3 =	sld [smem:$0x3FA9]  }
0x31: {  	[smem:$0x3FB2] =	sst s10  }
0x32: {  	s10 =	sld [smem:$0x3FB0];
	_ =	sdelay $0x3  }
0x33: {  	p0 =	seq.s32 s10, $0x1;
	s10 =	sld [smem:$0x3FB2];
	_ =	sdelay $0x3  }
0x34: {  	[smem:$0x3FB2] =	sst s10  }
0x35: {  	s10 =	sld [smem:$0x3FB1];
	_ =	sdelay $0x3  }
0x36: {  	p1 =	seq.s32 s10, $0x1;
	s10 =	sld [smem:$0x3FB2];
	_ =	sdelay $0x3  }
0x37: {  	[smem:$0x3FB2] =	sst s10  }
0x38: {  	s10 =	sld [smem:$0x3FB3]  }
0x39: {  	_ = 	snop;
	(pc) =	sbr.ind lr, $3  }
0x3a: {  	_ = 	snop  }
0x3b: {  	_ = 	snop  }
0x3c: {  	p2 =	seq.s32 s10, $0x1;
	s10 =	sld [smem:$0x3FB2]  }
0x3d: {  	_ =	shalt  }
0x3e: {  	_ =	shalt  }
0x3f: {  	_ =	shalt  }
0x40: {  	_ =	shalt  }
0x41: {  	_ =	shalt  }
0x42: {  	_ =	shalt  }
0x43: {  	_ =	shalt  }
0x44: {  	_ =	shalt  }
0x45: {  	_ =	shalt  }
0x46: {  	_ =	shalt  }
0x47: {  	_ =	shalt  }
0x48: {  	_ =	shalt  }
0x49: {  	_ =	shalt  }
0x4a: {  	_ =	shalt  }
0x4b: {  	_ =	shalt  }
0x4c: {  	_ =	shalt  }
0x4d: {  	_ =	shalt  }
0x4e: {  	_ =	shalt  }
0x4f: {  	_ =	shalt  }
0x50: {  	_ =	shalt  }
0x51: {  	_ =	shalt  }
0x52: {  	_ =	shalt  }
0x53: {  	_ =	shalt  }
0x54: {  	_ =	shalt  }
0x55: {  	_ =	shalt  }
0x56: {  	_ =	shalt  }
0x57: {  	_ =	shalt  }
0x58: {  	_ =	shalt  }
0x59: {  	_ =	shalt  }
0x5a: {  	_ =	shalt  }
0x5b: {  	_ =	shalt  }
0x5c: {  	_ =	shalt  }
0x5d: {  	_ =	shalt  }
0x5e: {  	_ =	shalt  }
0x5f: {  	_ =	shalt  }
0x60: {  	_ =	shalt  }
0x61: {  	_ =	shalt  }
0x62: {  	_ =	shalt  }
0x63: {  	_ =	shalt  }
0x64: {  	_ =	shalt  }
0x65: {  	_ =	shalt  }
0x66: {  	_ =	shalt  }
0x67: {  	_ =	shalt  }
0x68: {  	_ =	shalt  }
0x69: {  	_ =	shalt  }
0x6a: {  	_ =	shalt  }
0x6b: {  	_ =	shalt  }
0x6c: {  	_ =	shalt  }
0x6d: {  	_ =	shalt  }
0x6e: {  	_ =	shalt  }
0x6f: {  	_ =	shalt  }
0x70: {  	_ =	shalt  }
0x71: {  	_ =	shalt  }
0x72: {  	_ =	shalt  }
0x73: {  	_ =	shalt  }
0x74: {  	_ =	shalt  }
0x75: {  	_ =	shalt  }
0x76: {  	_ =	shalt  }
0x77: {  	_ =	shalt  }
0x78: {  	_ =	shalt  }
0x79: {  	_ =	shalt  }
0x7a: {  	_ =	shalt  }
0x7b: {  	_ =	shalt  }
0x7c: {  	_ =	shalt  }
0x7d: {  	_ =	shalt  }
0x7e: {  	_ =	shalt  }
0x7f: {  	_ =	shalt  }
0x80: {  	_ =	shalt  }
0x81: {  	_ =	shalt  }
0x82: {  	_ =	shalt  }
0x83: {  	_ =	shalt  }
0x84: {  	_ =	shalt  }
0x85: {  	_ =	shalt  }
0x86: {  	_ =	shalt  }
0x87: {  	_ =	shalt  }
.Lfunc_end0:
.L_simem_size_0:
called_computation.1_lowered:
.L_overlay_start_0:
0x88: {  	s2 =	sld [smem:$0x3FD9]  }
0x89: {  	s3 =	sld [smem:$0x3FFE];
	_ =	sdelay $0x1  }
0x8a: {  	s1 =	srdreg.scid  }
0x8b: {  	s0 =	sand.u32 $0x1, s1  }
0x8c: {  	s14 =	sshll.u32 s0, $0xA;
	s2 =	sadd.s32 s3, s2  }
0x8d: {  	s2 =	sadd.s32 s2, s14  }
0x8e: {  	[smem:$0x3FBE] =	sst s2  }
0x8f: {  	_ = 	snop  }
0x90: {  	s2 =	sld [smem:$0x3FD0];
	_ =	sdelay $0x2  }
0x91: {  	s4 =	simm.s32 $0xA;
	s5 =	simm.s32 $0x10;
	s15 =	sld [smem:$0x3FC9]  }
0x92: {  	[smem:s5], [sflag:s4] =	dma.local [hbm:s2], $0x1  }
0x93: {  	_ =	swait.eq [sflag:s4], $0x1  }
0x94: {  	[sflag:s4] =	ssyncset.done $0x0  }
0x95: {  	[sflag:s4] =	ssyncadd.s32 $0xFFFFFFFF  }
0x96: {  	s16 =	sld [smem:$0x10];
	(tm) =	ssettm $0x1  }
0x97: {  	s17 =	sld [smem:$0x3FFB];
	_ =	sdelay $0x3  }
0x98: {  	_ =	strace s17  }
0x99: {  	s4 =	sld [smem:$0x3FFC];
	_ =	sdelay $0x3  }
0x9a: {  	_ =	strace s4  }
0x9b: {  	s4 =	sld [smem:$0x3FFD];
	_ =	sdelay $0x3  }
0x9c: {  	_ =	strace s4  }
0x9d: {  	_ =	strace $0x8FFFFFFF  }
0x9e: {  	s18 =	sld [smem:$0x3FDB];
	_ =	sdelay $0x1  }
0x9f: {  	s19 =	simm.s32 $_scs_section_size  }
0xa0: {  	s6 =	simm.s32 $_size__tile_overlayer_lowered;
	s7 =	simm.s32 $_tile_overlayer_lowered  }
0xa1: {  	s22 =	simm.s32 $0x1BFF;
	s21 =	sshll.u32 s7, $0x1;
	s4 =	sadd.s32 s19, s18  }
0xa2: {  	s8 =	simm.s32 $0x0;
	s20 =	sshll.u32 s6, $0x1;
	s6 =	sadd.s32 s21, s4  }
0xa3: {  	[timem:s8], [sflag:s22] =	dma.local [hbm:s6], s20  }
0xa4: {  	_ =	swait.ge [sflag:s22], s20  }
0xa5: {  	s5 =	ssub.s32 $0x0, s20;
	[sflag:s22] =	ssyncset.done $0x0  }
0xa6: {  	[sflag:s22] =	ssyncadd.s32 s5;
	_ =	sdelay $0x1  }
0xa7: {  	s23 =	simm.s32 $0x1B8B  }
0xa8: {  	_ =	swait.ge [sflag:s23], $0x1  }
0xa9: {  	[sflag:s23] =	ssyncset.done $0x0  }
0xaa: {  	s25 =	simm.s32 $0x1B8E;
	s24 =	sld [smem:$0x3FFE];
	[sflag:s23] =	ssyncadd.s32 $0xFFFFFFFF  }
0xab: {  	s26 =	simm.s32 $execute0_lowered;
	[smem:$0x3FD2] =	sst s25  }
0xac: {  	s6 =	sshll.u32 s26, $0x1;
	_ =	strace $0x80000049;
	[dreg:$0x1] =	wrdreg $0xFFFFFFFF  }
0xad: {  	s28 =	simm.s32 $_size_execute0_lowered;
	s4 =	sadd.s32 s4, s6;
	[dreg:$0x0] =	wrdreg $0x0  }
0xae: {  	s6 =	sshll.u32 s28, $0x1;
	[dreg:$0x2] =	wrdreg s4  }
0xaf: {  	[dreg:$0x3] =	wrdreg s6  }
0xb0: {  	[dreg:$0x4] =	wrdreg $0xC0  }
0xb1: {  	_ =	task [dreg:s8], $0x5FFFF  }
0xb2: {  	[dreg:$0x1] =	wrdreg $0xFFFFFFFF  }
0xb3: {  	[dreg:$0x0] =	wrdreg $0x60  }
0xb4: {  	[dreg:$0x2] =	wrdreg s24  }
0xb5: {  	[dreg:$0x3] =	wrdreg s15  }
0xb6: {  	[dreg:$0x4] =	wrdreg s16  }
0xb7: {  	[dreg:$0x5] =	wrdreg $0x9  }
0xb8: {  	_ =	task.clear_ibuf [dreg:s8], $0x6FFFF;
	_ =	strace $0x90000049  }
0xb9: {  	s29 =	simm.s32 $0x9;
	_ =	strace $0x8000004B  }
0xba: {  	_ =	swait.ge [sflag:s29], $0x1  }
0xbb: {  	[sflag:s29] =	ssyncadd.s32 $0xFFFFFFFF  }
0xbc: {  	_ =	strace $0x9000004B  }
0xbd: {  	_ =	sfence  }
0xbe: {  	s30 =	sld [smem:$0x0];
	_ =	sdelay $0x2  }
0xbf: {  	s31 =	sshll.u32 s1, $0xD;
	s1 =	sshrl.u32 s1, $0x2  }
0xc0: {  	s3 =	sand.u32 $0x4000, s31;
	s1 =	sadd.s32 s1, s30  }
0xc1: {  	s0 =	sor.u32 s3, s0;
	s1 =	sshll.u32 s1, $0x11  }
0xc2: {  	s0 =	sor.u32 s1, s0  }
0xc3: {  	s0 =	sadd.s32 $0x8F2B, s0  }
0xc4: {  	[sflag:s0] =	ssyncadd.remote.s32 $0x1  }
0xc5: {  	_ =	sfence.sel $0xFFFF  }
0xc6: {  	[dreg:$0x0] =	wrdreg $0xFFFFFFFF;
	(pc) =	sbr.abs _section_cstart, $3  }
0xc7: {  	[dreg:$0x1] =	wrdreg $0xFFFFFFFF  }
0xc8: {  	_ =	task.clear_ibuf [dreg:s8], $0x2FFFF;
	_ =	strace $0x9FFFFFFF  }
0xc9: {  	(tm) =	ssettm $0x7FFFFFFF  }
tec
execute0_lowered:
.L_overlay_start_1:
0x0: {  	(tag) =	ssettag $0x1  }
0x1: {  	s0 =	rddreg [dreg:$0x0]  }
0x2: {  	s2 =	rddreg [dreg:$0x1]  }
0x3: {  	s3 =	rddreg [dreg:$0x2];
	s1 =	srdreg.scid  }
0x4: {  	s6 =	stileid.u32;
	s7 =	simm.s32 $0x0;
	s16 =	simm.s32 $0x20  }
0x5: {  	s19 =	simm.s32 $0x1A680;
	s21 =	simm.s32 $0x1;
	s14 =	simm.s32 $0x340  }
0x6: {  	s15 =	simm.s32 $0x1A880;
	s11 =	simm.s32 $0x19E80;
	s17 =	simm.s32 $0x3  }
0x7: {  	s18 =	simm.s32 $0x50;
	s10 =	simm.s32 $0xFA0;
	s12 =	simm.s32 $0x1AA80  }
0x8: {  	s22 =	simm.s32 $0x6;
	s23 =	simm.s32 $0x4;
	s1 =	sand.u32 $0x1, s1  }
0x9: {  	s4 =	sshll.u32 s6, $0x6;
	[smem:$0x7FF] =	sst s7;
	s5 =	sshll.u32 s1, $0x5  }
0xa: {  	s6 =	sshll.u32 s6, $0x9;
	s26 =	ssub.s32 $0x2, s1;
	s4 =	sor.u32 s5, s4  }
0xb: {  	s5 =	sadd.s32 $0xF43C00, s0;
	s1 =	sshrl.u32 s26, $0x1;
	s25 =	sor.u32 s6, s4  }
0xc: {  	s6 =	sadd.s32 $0xF71400, s0;
	s0 =	ssub.s32 s26, s1;
	s7 =	sand.u32 $0x1C60, s25  }
0xd: {  	s24 =	simm.s32 $0x8;
	s0 =	smax.u32 s0, $0x1;
	s9 =	sshrl.u32 s7, $0x3  }
0xe: {  	_ =	strace $0x8000004A;
	[dreg:$0x8] =	wrdreg s0;
	s28 =	sadd.s32 s5, s9  }
0xf: {  	s8 =	smul.u32 $0xFA0, s4;
	s29 =	sadd.s32 s2, s9;
	[dreg:$0x4] =	wrdreg s28  }
0x10: {  	s4 =	simm.s32 $0x5;
	s1 =	sadd.s32 $0x10, s28;
	[dreg:$0x5] =	wrdreg s29  }
0x11: {  	s25 =	simm.s32 $0x1B480;
	s30 =	sadd.s32 $0x800, s29;
	[dreg:$0x6] =	wrdreg s1  }
0x12: {  	v0 =	vlaneseq.u32;
	s13 =	sor.u32 $0x50, s8;
	s31 =	sadd.s32 $0x400, s29;
	[dreg:$0x7] =	wrdreg s30  }
0x13: {  	v0 =	vmul.u32 $0x20, v0;
	s9 =	simm.s32 $0x2;
	[dreg:$0x9] =	wrdreg s31;
	s1 =	simm.s32 $0x0  }
.LBB2_1:
0x14: {  	[dreg:$0xa] =	wrdreg s1  }
0x15: {  	s0 =	simm.s32 $0x0;
	s28 =	rddreg [dreg:$0x4];
	s20 =	simm.s32 $0xE000  }
0x16: {  	[tilespmem:s0], [sflag:$0x1] =	stream.strided.gather [hbm4b:s28+s16], $0x340, s20, s16, $0x38;
	[tilespmem:$0x1BE80] =	vst v63  }
0x17: {  	s29 =	rddreg [dreg:$0x5];
	s26 =	simm.s32 $0x80  }
0x18: {  	[tilespmem:s19], [sflag:$0x3] =	stream.strided.gather [hbm4b:s29+s16], $0x100, s26, s16, $0x38;
	[tilespmem:$0x1BE80] =	vst v63  }
0x19: {  	s30 =	rddreg [dreg:$0x9];
	s28 =	simm.s32 $0x1A780  }
0x1a: {  	[tilespmem:s28], [sflag:$0x3] =	stream.strided.gather [hbm4b:s30+s16], $0x100, s26, s16, $0x38;
	[tilespmem:$0x1BE80] =	vst v63  }
0x1b: {  	_ =	swait.ge [sflag:s21], $0x340  }
0x1c: {  	[sflag:s21] =	ssyncset.done $0x0  }
0x1d: {  	s31 =	simm.s32 $0x680;
	[sflag:s21] =	ssyncadd.s32 $0xFFFFFCC0  }
0x1e: {  	[tilespmem:s31], [sflag:$0x5] =	stream.indirect.gather [hbm4b:s6+s16], $0x40, s0, s16, $0xb8;
	[tilespmem:$0x1BE80] =	vst v63  }
0x1f: {  	s1 =	simm.s32 $0xE80  }
0x20: {  	[tilespmem:s1], [sflag:$0x5] =	stream.indirect.gather [hbm4b:s6+s16], $0x40, s16, s16, $0xb8;
	[tilespmem:$0x1BE80] =	vst v63  }
0x21: {  	s29 =	simm.s32 $0x1680;
	s28 =	simm.s32 $0x40  }
0x22: {  	[tilespmem:s29], [sflag:$0x5] =	stream.indirect.gather [hbm4b:s6+s16], $0x40, s28, s16, $0xb8;
	[tilespmem:$0x1BE80] =	vst v63  }
0x23: {  	s30 =	simm.s32 $0x60;
	s31 =	simm.s32 $0x1E80  }
0x24: {  	[tilespmem:s31], [sflag:$0x5] =	stream.indirect.gather [hbm4b:s6+s16], $0x40, s30, s16, $0xb8;
	[tilespmem:$0x1BE80] =	vst v63  }
0x25: {  	s1 =	simm.s32 $0x2680  }
0x26: {  	[tilespmem:s1], [sflag:$0x5] =	stream.indirect.gather [hbm4b:s6+s16], $0x40, s26, s16, $0xb8;
	[tilespmem:$0x1BE80] =	vst v63  }
0x27: {  	s28 =	simm.s32 $0xA0;
	s29 =	simm.s32 $0x2E80  }
0x28: {  	[tilespmem:s29], [sflag:$0x5] =	stream.indirect.gather [hbm4b:s6+s16], $0x40, s28, s16, $0xb8;
	[tilespmem:$0x1BE80] =	vst v63  }
0x29: {  	s30 =	simm.s32 $0xC0;
	s31 =	simm.s32 $0x3680  }
0x2a: {  	[tilespmem:s31], [sflag:$0x5] =	stream.indirect.gather [hbm4b:s6+s16], $0x40, s30, s16, $0xb8;
	[tilespmem:$0x1BE80] =	vst v63  }
0x2b: {  	s28 =	simm.s32 $0xE0;
	s29 =	simm.s32 $0x3E80  }
0x2c: {  	[tilespmem:s29], [sflag:$0x5] =	stream.indirect.gather [hbm4b:s6+s16], $0x40, s28, s16, $0xb8;
	[tilespmem:$0x1BE80] =	vst v63  }
0x2d: {  	s30 =	simm.s32 $0x100;
	s31 =	simm.s32 $0x4680  }
0x2e: {  	[tilespmem:s31], [sflag:$0x5] =	stream.indirect.gather [hbm4b:s6+s16], $0x40, s30, s16, $0xb8;
	[tilespmem:$0x1BE80] =	vst v63  }
0x2f: {  	s28 =	simm.s32 $0x120;
	s29 =	simm.s32 $0x4E80  }
0x30: {  	[tilespmem:s29], [sflag:$0x5] =	stream.indirect.gather [hbm4b:s6+s16], $0x40, s28, s16, $0xb8;
	[tilespmem:$0x1BE80] =	vst v63  }
0x31: {  	s30 =	simm.s32 $0x140;
	s31 =	simm.s32 $0x5680  }
0x32: {  	[tilespmem:s31], [sflag:$0x5] =	stream.indirect.gather [hbm4b:s6+s16], $0x40, s30, s16, $0xb8;
	[tilespmem:$0x1BE80] =	vst v63  }
0x33: {  	s28 =	simm.s32 $0x160;
	s29 =	simm.s32 $0x5E80  }
0x34: {  	[tilespmem:s29], [sflag:$0x5] =	stream.indirect.gather [hbm4b:s6+s16], $0x40, s28, s16, $0xb8;
	[tilespmem:$0x1BE80] =	vst v63  }
0x35: {  	s30 =	simm.s32 $0x180;
	s31 =	simm.s32 $0x6680  }
0x36: {  	[tilespmem:s31], [sflag:$0x5] =	stream.indirect.gather [hbm4b:s6+s16], $0x40, s30, s16, $0xb8;
	[tilespmem:$0x1BE80] =	vst v63  }
0x37: {  	s28 =	simm.s32 $0x1A0;
	s29 =	simm.s32 $0x6E80  }
0x38: {  	[tilespmem:s29], [sflag:$0x5] =	stream.indirect.gather [hbm4b:s6+s16], $0x40, s28, s16, $0xb8;
	[tilespmem:$0x1BE80] =	vst v63  }
0x39: {  	s30 =	simm.s32 $0x1C0;
	s31 =	simm.s32 $0x7680  }
0x3a: {  	[tilespmem:s31], [sflag:$0x5] =	stream.indirect.gather [hbm4b:s6+s16], $0x40, s30, s16, $0xb8;
	[tilespmem:$0x1BE80] =	vst v63  }
0x3b: {  	s28 =	simm.s32 $0x1E0;
	s29 =	simm.s32 $0x7E80  }
0x3c: {  	[tilespmem:s29], [sflag:$0x5] =	stream.indirect.gather [hbm4b:s6+s16], $0x40, s28, s16, $0xb8;
	[tilespmem:$0x1BE80] =	vst v63  }
0x3d: {  	s30 =	simm.s32 $0x200;
	s31 =	simm.s32 $0x8680  }
0x3e: {  	[tilespmem:s31], [sflag:$0x5] =	stream.indirect.gather [hbm4b:s6+s16], $0x40, s30, s16, $0xb8;
	[tilespmem:$0x1BE80] =	vst v63  }
0x3f: {  	s28 =	simm.s32 $0x220;
	s29 =	simm.s32 $0x8E80  }
0x40: {  	[tilespmem:s29], [sflag:$0x5] =	stream.indirect.gather [hbm4b:s6+s16], $0x40, s28, s16, $0xb8;
	[tilespmem:$0x1BE80] =	vst v63  }
0x41: {  	s30 =	simm.s32 $0x240;
	s31 =	simm.s32 $0x9680  }
0x42: {  	[tilespmem:s31], [sflag:$0x5] =	stream.indirect.gather [hbm4b:s6+s16], $0x40, s30, s16, $0xb8;
	[tilespmem:$0x1BE80] =	vst v63  }
0x43: {  	s28 =	simm.s32 $0x260;
	s29 =	simm.s32 $0x9E80  }
0x44: {  	[tilespmem:s29], [sflag:$0x5] =	stream.indirect.gather [hbm4b:s6+s16], $0x40, s28, s16, $0xb8;
	[tilespmem:$0x1BE80] =	vst v63  }
0x45: {  	s30 =	simm.s32 $0x280;
	s31 =	simm.s32 $0xA680  }
0x46: {  	[tilespmem:s31], [sflag:$0x5] =	stream.indirect.gather [hbm4b:s6+s16], $0x40, s30, s16, $0xb8;
	[tilespmem:$0x1BE80] =	vst v63  }
0x47: {  	s28 =	simm.s32 $0x2A0;
	s29 =	simm.s32 $0xAE80  }
0x48: {  	[tilespmem:s29], [sflag:$0x5] =	stream.indirect.gather [hbm4b:s6+s16], $0x40, s28, s16, $0xb8;
	[tilespmem:$0x1BE80] =	vst v63  }
0x49: {  	s30 =	simm.s32 $0x2C0;
	s31 =	simm.s32 $0xB680  }
0x4a: {  	[tilespmem:s31], [sflag:$0x5] =	stream.indirect.gather [hbm4b:s6+s16], $0x40, s30, s16, $0xb8;
	[tilespmem:$0x1BE80] =	vst v63  }
0x4b: {  	s28 =	simm.s32 $0x2E0;
	s29 =	simm.s32 $0xBE80  }
0x4c: {  	[tilespmem:s29], [sflag:$0x5] =	stream.indirect.gather [hbm4b:s6+s16], $0x40, s28, s16, $0xb8;
	[tilespmem:$0x1BE80] =	vst v63  }
0x4d: {  	s30 =	simm.s32 $0x300;
	s31 =	simm.s32 $0xC680  }
0x4e: {  	[tilespmem:s31], [sflag:$0x5] =	stream.indirect.gather [hbm4b:s6+s16], $0x40, s30, s16, $0xb8;
	[tilespmem:$0x1BE80] =	vst v63  }
0x4f: {  	s1 =	simm.s32 $0x320;
	s28 =	simm.s32 $0xCE80  }
0x50: {  	[tilespmem:s28], [sflag:$0x5] =	stream.indirect.gather [hbm4b:s6+s16], $0x40, s1, s16, $0xb8;
	[tilespmem:$0x1BE80] =	vst v63  }
0x51: {  	s29 =	rddreg [dreg:$0x6]  }
0x52: {  	[tilespmem:s14], [sflag:$0x2] =	stream.strided.gather [hbm4b:s29+s16], $0x340, s20, s16, $0x38;
	[tilespmem:$0x1BE80] =	vst v63  }
0x53: {  	s30 =	rddreg [dreg:$0x7]  }
0x54: {  	[tilespmem:s15], [sflag:$0x4] =	stream.strided.gather [hbm4b:s30+s16], $0x100, s26, s16, $0x38;
	[tilespmem:$0x1BE80] =	vst v63  }
0x55: {  	s31 =	simm.s32 $0x1A980;
	s0 =	sadd.s32 $0x400, s30  }
0x56: {  	[tilespmem:s31], [sflag:$0x4] =	stream.strided.gather [hbm4b:s0+s16], $0x100, s26, s16, $0x38;
	[tilespmem:$0x1BE80] =	vst v63  }
0x57: {  	s26 =	simm.s32 $0x0  }
.LBB2_2:
0x58: {  	_ =	swait.ge [sflag:s9], $0x340  }
0x59: {  	[sflag:s9] =	ssyncset.done $0x0  }
0x5a: {  	s0 =	simm.s32 $0xD680;
	[sflag:s9] =	ssyncadd.s32 $0xFFFFFCC0  }
0x5b: {  	[tilespmem:s0], [sflag:$0x6] =	stream.indirect.gather [hbm4b:s6+s16], $0x40, s14, s16, $0xb8;
	[tilespmem:$0x1BE80] =	vst v63  }
0x5c: {  	s20 =	simm.s32 $0x360;
	s1 =	simm.s32 $0xDE80  }
0x5d: {  	[tilespmem:s1], [sflag:$0x6] =	stream.indirect.gather [hbm4b:s6+s16], $0x40, s20, s16, $0xb8;
	[tilespmem:$0x1BE80] =	vst v63  }
0x5e: {  	s1 =	simm.s32 $0x380;
	s20 =	simm.s32 $0xE680  }
0x5f: {  	[tilespmem:s20], [sflag:$0x6] =	stream.indirect.gather [hbm4b:s6+s16], $0x40, s1, s16, $0xb8;
	[tilespmem:$0x1BE80] =	vst v63  }
0x60: {  	s1 =	simm.s32 $0x3A0;
	s20 =	simm.s32 $0xEE80  }
0x61: {  	[tilespmem:s20], [sflag:$0x6] =	stream.indirect.gather [hbm4b:s6+s16], $0x40, s1, s16, $0xb8;
	[tilespmem:$0x1BE80] =	vst v63  }
0x62: {  	s1 =	simm.s32 $0x3C0;
	s20 =	simm.s32 $0xF680  }
0x63: {  	[tilespmem:s20], [sflag:$0x6] =	stream.indirect.gather [hbm4b:s6+s16], $0x40, s1, s16, $0xb8;
	[tilespmem:$0x1BE80] =	vst v63  }
0x64: {  	s1 =	simm.s32 $0x3E0;
	s20 =	simm.s32 $0xFE80  }
0x65: {  	[tilespmem:s20], [sflag:$0x6] =	stream.indirect.gather [hbm4b:s6+s16], $0x40, s1, s16, $0xb8;
	[tilespmem:$0x1BE80] =	vst v63  }
0x66: {  	s1 =	simm.s32 $0x400;
	s20 =	simm.s32 $0x10680  }
0x67: {  	[tilespmem:s20], [sflag:$0x6] =	stream.indirect.gather [hbm4b:s6+s16], $0x40, s1, s16, $0xb8;
	[tilespmem:$0x1BE80] =	vst v63  }
0x68: {  	s1 =	simm.s32 $0x420;
	s20 =	simm.s32 $0x10E80  }
0x69: {  	[tilespmem:s20], [sflag:$0x6] =	stream.indirect.gather [hbm4b:s6+s16], $0x40, s1, s16, $0xb8;
	[tilespmem:$0x1BE80] =	vst v63  }
0x6a: {  	s1 =	simm.s32 $0x440;
	s20 =	simm.s32 $0x11680  }
0x6b: {  	[tilespmem:s20], [sflag:$0x6] =	stream.indirect.gather [hbm4b:s6+s16], $0x40, s1, s16, $0xb8;
	[tilespmem:$0x1BE80] =	vst v63  }
0x6c: {  	s1 =	simm.s32 $0x460;
	s20 =	simm.s32 $0x11E80  }
0x6d: {  	[tilespmem:s20], [sflag:$0x6] =	stream.indirect.gather [hbm4b:s6+s16], $0x40, s1, s16, $0xb8;
	[tilespmem:$0x1BE80] =	vst v63  }
0x6e: {  	s1 =	simm.s32 $0x480;
	s20 =	simm.s32 $0x12680  }
0x6f: {  	[tilespmem:s20], [sflag:$0x6] =	stream.indirect.gather [hbm4b:s6+s16], $0x40, s1, s16, $0xb8;
	[tilespmem:$0x1BE80] =	vst v63  }
0x70: {  	s1 =	simm.s32 $0x4A0;
	s20 =	simm.s32 $0x12E80  }
0x71: {  	[tilespmem:s20], [sflag:$0x6] =	stream.indirect.gather [hbm4b:s6+s16], $0x40, s1, s16, $0xb8;
	[tilespmem:$0x1BE80] =	vst v63  }
0x72: {  	s1 =	simm.s32 $0x4C0;
	s20 =	simm.s32 $0x13680  }
0x73: {  	[tilespmem:s20], [sflag:$0x6] =	stream.indirect.gather [hbm4b:s6+s16], $0x40, s1, s16, $0xb8;
	[tilespmem:$0x1BE80] =	vst v63  }
0x74: {  	s1 =	simm.s32 $0x4E0;
	s20 =	simm.s32 $0x13E80  }
0x75: {  	[tilespmem:s20], [sflag:$0x6] =	stream.indirect.gather [hbm4b:s6+s16], $0x40, s1, s16, $0xb8;
	[tilespmem:$0x1BE80] =	vst v63  }
0x76: {  	s1 =	simm.s32 $0x500;
	s20 =	simm.s32 $0x14680  }
0x77: {  	[tilespmem:s20], [sflag:$0x6] =	stream.indirect.gather [hbm4b:s6+s16], $0x40, s1, s16, $0xb8;
	[tilespmem:$0x1BE80] =	vst v63  }
0x78: {  	s1 =	simm.s32 $0x520;
	s20 =	simm.s32 $0x14E80  }
0x79: {  	[tilespmem:s20], [sflag:$0x6] =	stream.indirect.gather [hbm4b:s6+s16], $0x40, s1, s16, $0xb8;
	[tilespmem:$0x1BE80] =	vst v63  }
0x7a: {  	s1 =	simm.s32 $0x540;
	s20 =	simm.s32 $0x15680  }
0x7b: {  	[tilespmem:s20], [sflag:$0x6] =	stream.indirect.gather [hbm4b:s6+s16], $0x40, s1, s16, $0xb8;
	[tilespmem:$0x1BE80] =	vst v63  }
0x7c: {  	s1 =	simm.s32 $0x560;
	s20 =	simm.s32 $0x15E80  }
0x7d: {  	[tilespmem:s20], [sflag:$0x6] =	stream.indirect.gather [hbm4b:s6+s16], $0x40, s1, s16, $0xb8;
	[tilespmem:$0x1BE80] =	vst v63  }
0x7e: {  	s1 =	simm.s32 $0x580;
	s20 =	simm.s32 $0x16680  }
0x7f: {  	[tilespmem:s20], [sflag:$0x6] =	stream.indirect.gather [hbm4b:s6+s16], $0x40, s1, s16, $0xb8;
	[tilespmem:$0x1BE80] =	vst v63  }
0x80: {  	s1 =	simm.s32 $0x5A0;
	s20 =	simm.s32 $0x16E80  }
0x81: {  	[tilespmem:s20], [sflag:$0x6] =	stream.indirect.gather [hbm4b:s6+s16], $0x40, s1, s16, $0xb8;
	[tilespmem:$0x1BE80] =	vst v63  }
0x82: {  	s1 =	simm.s32 $0x5C0;
	s20 =	simm.s32 $0x17680  }
0x83: {  	[tilespmem:s20], [sflag:$0x6] =	stream.indirect.gather [hbm4b:s6+s16], $0x40, s1, s16, $0xb8;
	[tilespmem:$0x1BE80] =	vst v63  }
0x84: {  	s1 =	simm.s32 $0x5E0;
	s20 =	simm.s32 $0x17E80  }
0x85: {  	[tilespmem:s20], [sflag:$0x6] =	stream.indirect.gather [hbm4b:s6+s16], $0x40, s1, s16, $0xb8;
	[tilespmem:$0x1BE80] =	vst v63  }
0x86: {  	s1 =	simm.s32 $0x600;
	s20 =	simm.s32 $0x18680  }
0x87: {  	[tilespmem:s20], [sflag:$0x6] =	stream.indirect.gather [hbm4b:s6+s16], $0x40, s1, s16, $0xb8;
	[tilespmem:$0x1BE80] =	vst v63  }
0x88: {  	s1 =	simm.s32 $0x620;
	s20 =	simm.s32 $0x18E80  }
0x89: {  	[tilespmem:s20], [sflag:$0x6] =	stream.indirect.gather [hbm4b:s6+s16], $0x40, s1, s16, $0xb8;
	[tilespmem:$0x1BE80] =	vst v63  }
0x8a: {  	s29 =	sshll.u32 s26, $0x1;
	s1 =	simm.s32 $0x640;
	s20 =	simm.s32 $0x19680  }
0x8b: {  	[tilespmem:s20], [sflag:$0x6] =	stream.indirect.gather [hbm4b:s6+s16], $0x40, s1, s16, $0xb8;
	[tilespmem:$0x1BE80] =	vst v63  }
0x8c: {  	p0 =	seq.s32 s26, $0x18;
	s28 =	sadd.s32 $0x2, s29;
	s1 =	simm.s32 $0x660  }
0x8d: {  	[tilespmem:s11], [sflag:$0x6] =	stream.indirect.gather [hbm4b:s6+s16], $0x40, s1, s16, $0xb8;
	[tilespmem:$0x1BE80] =	vst v63  }
0x8e: {  	s0 =	sshll.u32 @!p0 s28, $0xA;
	s1 =	sshll.u32 @!p0 s28, $0x7  }
0x8f: {  	s0 =	sand.u32 @!p0 $0x1E000, s0;
	s1 =	sand.u32 @!p0 $0x300, s1  }
0x90: {  	s0 =	sor.u32 @!p0 s0, s1  }
0x91: {  	s30 =	simm.s32 @!p0 $0x0;
	_ =	swait.ge [sflag:s4], $0xD000;
	s0 =	sor.u32 @!p0 s7, s0  }
0x92: {  	s20 =	simm.s32 @!p0 $0xE000;
	[sflag:s4] =	ssyncset.done $0x0;
	s0 =	sshrl.u32 @!p0 s0, $0x3  }
0x93: {  	s1 =	simm.s32 @!p0 $0x20;
	[sflag:s4] =	ssyncadd.s32 $0xFFFF3000;
	s0 =	sadd.s32 @!p0 s5, s0  }
0x94: {  	[tilespmem:s30], [sflag:$0x1] =	stream.strided.gather @!p0 [hbm4b:s0+s1], $0x340, s20, s1, $0x38;
	[tilespmem:$0x1BE80] =	vst v63  }
0x95: {  	_ =	swait.ge [sflag:s17], $0x200  }
0x96: {  	p1 =	seq.s32 s26, $0x0;
	[sflag:s17] =	ssyncset.done $0x0  }
0x97: {  	s0 =	simm.s32 @!p1 $0x7;
	[sflag:s17] =	ssyncadd.s32 $0xFFFFFE00  }
0x98: {  	_ =	swait.ge @!p1 [sflag:s0], $0xA00  }
0x99: {  	[sflag:s0] =	ssyncset.done @!p1 $0x0  }
0x9a: {  	s20 =	simm.s32 $0x0;
	[sflag:s0] =	ssyncadd.s32 @!p1 $0xFFFFF600  }
0x9b: {  	v1 =	vld [tilespmem:s20+$0x680]  }
0x9c: {  	v2 =	vld [tilespmem:s20+$0xE80];
	_ =	sdelay $0x1  }
0x9d: {  	v3 =	vld [tilespmem:s20+$0x1680];
	_ =	sdelay $0x1  }
0x9e: {  	v4 =	vld [tilespmem:s20+$0x1E80]  }
0x9f: {  	v1 =	vadd.f32 v2, v1  }
0xa0: {  	v2 =	vld [tilespmem:s20+$0x2680]  }
0xa1: {  	v1 =	vadd.f32 v3, v1  }
0xa2: {  	v3 =	vld [tilespmem:s20+$0x2E80]  }
0xa3: {  	v1 =	vadd.f32 v4, v1  }
0xa4: {  	v33 =	vld [tilespmem:s20+$0x3680]  }
0xa5: {  	v1 =	vadd.f32 v2, v1  }
0xa6: {  	v2 =	vld [tilespmem:s20+$0x3E80]  }
0xa7: {  	v1 =	vadd.f32 v3, v1  }
0xa8: {  	v3 =	vld [tilespmem:s20+$0x4680]  }
0xa9: {  	v1 =	vadd.f32 v33, v1  }
0xaa: {  	v34 =	vld [tilespmem:s20+$0x4E80]  }
0xab: {  	v1 =	vadd.f32 v2, v1  }
0xac: {  	v2 =	vld [tilespmem:s20+$0x5680]  }
0xad: {  	v1 =	vadd.f32 v3, v1  }
0xae: {  	v3 =	vld [tilespmem:s20+$0x5E80]  }
0xaf: {  	v1 =	vadd.f32 v34, v1  }
0xb0: {  	v35 =	vld [tilespmem:s20+$0x6680]  }
0xb1: {  	v1 =	vadd.f32 v2, v1  }
0xb2: {  	v2 =	vld [tilespmem:s20+$0x6E80]  }
0xb3: {  	v1 =	vadd.f32 v3, v1  }
0xb4: {  	v3 =	vld [tilespmem:s20+$0x7680]  }
0xb5: {  	v1 =	vadd.f32 v35, v1  }
0xb6: {  	v36 =	vld [tilespmem:s20+$0x7E80]  }
0xb7: {  	v1 =	vadd.f32 v2, v1  }
0xb8: {  	v2 =	vld [tilespmem:s20+$0x8680]  }
0xb9: {  	v1 =	vadd.f32 v3, v1  }
0xba: {  	v3 =	vld [tilespmem:s20+$0x8E80]  }
0xbb: {  	v1 =	vadd.f32 v36, v1  }
0xbc: {  	v37 =	vld [tilespmem:s20+$0x9680]  }
0xbd: {  	v1 =	vadd.f32 v2, v1  }
0xbe: {  	v2 =	vld [tilespmem:s20+$0x9E80]  }
0xbf: {  	v1 =	vadd.f32 v3, v1  }
0xc0: {  	v3 =	vld [tilespmem:s20+$0xA680]  }
0xc1: {  	v1 =	vadd.f32 v37, v1  }
0xc2: {  	v38 =	vld [tilespmem:s20+$0xAE80]  }
0xc3: {  	v1 =	vadd.f32 v2, v1  }
0xc4: {  	v2 =	vld [tilespmem:s20+$0xB680]  }
0xc5: {  	v1 =	vadd.f32 v3, v1  }
0xc6: {  	v3 =	vld [tilespmem:s20+$0xBE80]  }
0xc7: {  	v1 =	vadd.f32 v38, v1  }
0xc8: {  	v39 =	vld [tilespmem:s20+$0xC680]  }
0xc9: {  	v1 =	vadd.f32 v2, v1  }
0xca: {  	v2 =	vld [tilespmem:s20+$0xCE80]  }
0xcb: {  	v1 =	vadd.f32 v3, v1;
	_ =	sdelay $0x1  }
0xcc: {  	v1 =	vadd.f32 v39, v1;
	_ =	sdelay $0x1  }
0xcd: {  	v1 =	vadd.f32 v2, v1  }
0xce: {  	s30 =	simm.s32 $0x1AAA0  }
0xcf: {  	[tilespmem:s30+$0xFFFFFFE0] =	vst v1  }
0xd0: {  	v1 =	vld [tilespmem:s20+$0x690]  }
0xd1: {  	v2 =	vld [tilespmem:s20+$0xE90];
	_ =	sdelay $0x1  }
0xd2: {  	v3 =	vld [tilespmem:s20+$0x1690];
	_ =	sdelay $0x1  }
0xd3: {  	v40 =	vld [tilespmem:s20+$0x1E90]  }
0xd4: {  	v1 =	vadd.f32 v2, v1  }
0xd5: {  	v2 =	vld [tilespmem:s20+$0x2690]  }
0xd6: {  	v1 =	vadd.f32 v3, v1  }
0xd7: {  	v3 =	vld [tilespmem:s20+$0x2E90]  }
0xd8: {  	v1 =	vadd.f32 v40, v1  }
0xd9: {  	v41 =	vld [tilespmem:s20+$0x3690]  }
0xda: {  	v1 =	vadd.f32 v2, v1  }
0xdb: {  	v2 =	vld [tilespmem:s20+$0x3E90]  }
0xdc: {  	v1 =	vadd.f32 v3, v1  }
0xdd: {  	v3 =	vld [tilespmem:s20+$0x4690]  }
0xde: {  	v1 =	vadd.f32 v41, v1  }
0xdf: {  	v42 =	vld [tilespmem:s20+$0x4E90]  }
0xe0: {  	v1 =	vadd.f32 v2, v1  }
0xe1: {  	v2 =	vld [tilespmem:s20+$0x5690]  }
0xe2: {  	v1 =	vadd.f32 v3, v1  }
0xe3: {  	v3 =	vld [tilespmem:s20+$0x5E90]  }
0xe4: {  	v1 =	vadd.f32 v42, v1  }
0xe5: {  	v43 =	vld [tilespmem:s20+$0x6690]  }
0xe6: {  	v1 =	vadd.f32 v2, v1  }
0xe7: {  	v2 =	vld [tilespmem:s20+$0x6E90]  }
0xe8: {  	v1 =	vadd.f32 v3, v1  }
0xe9: {  	v3 =	vld [tilespmem:s20+$0x7690]  }
0xea: {  	v1 =	vadd.f32 v43, v1  }
0xeb: {  	v44 =	vld [tilespmem:s20+$0x7E90]  }
0xec: {  	v1 =	vadd.f32 v2, v1  }
0xed: {  	v2 =	vld [tilespmem:s20+$0x8690]  }
0xee: {  	v1 =	vadd.f32 v3, v1  }
0xef: {  	v3 =	vld [tilespmem:s20+$0x8E90]  }
0xf0: {  	v1 =	vadd.f32 v44, v1  }
0xf1: {  	v45 =	vld [tilespmem:s20+$0x9690]  }
0xf2: {  	v1 =	vadd.f32 v2, v1  }
0xf3: {  	v2 =	vld [tilespmem:s20+$0x9E90]  }
0xf4: {  	v1 =	vadd.f32 v3, v1  }
0xf5: {  	v3 =	vld [tilespmem:s20+$0xA690]  }
0xf6: {  	v1 =	vadd.f32 v45, v1  }
0xf7: {  	v46 =	vld [tilespmem:s20+$0xAE90]  }
0xf8: {  	v1 =	vadd.f32 v2, v1  }
0xf9: {  	v2 =	vld [tilespmem:s20+$0xB690]  }
0xfa: {  	v1 =	vadd.f32 v3, v1  }
0xfb: {  	v3 =	vld [tilespmem:s20+$0xBE90]  }
0xfc: {  	v1 =	vadd.f32 v46, v1  }
0xfd: {  	v47 =	vld [tilespmem:s20+$0xC690]  }
0xfe: {  	v1 =	vadd.f32 v2, v1  }
0xff: {  	v2 =	vld [tilespmem:s20+$0xCE90]  }
0x100: {  	v1 =	vadd.f32 v3, v1;
	_ =	sdelay $0x1  }
0x101: {  	v1 =	vadd.f32 v47, v1;
	_ =	sdelay $0x1  }
0x102: {  	v1 =	vadd.f32 v2, v1;
	_ =	sdelay $0x1  }
0x103: {  	[tilespmem:s30+$0xFFFFFFF0] =	vst v1  }
0x104: {  	v1 =	vld [tilespmem:s20+$0x6A0]  }
0x105: {  	v2 =	vld [tilespmem:s20+$0xEA0];
	_ =	sdelay $0x1  }
0x106: {  	v3 =	vld [tilespmem:s20+$0x16A0];
	_ =	sdelay $0x1  }
0x107: {  	v48 =	vld [tilespmem:s20+$0x1EA0]  }
0x108: {  	v1 =	vadd.f32 v2, v1  }
0x109: {  	v2 =	vld [tilespmem:s20+$0x26A0]  }
0x10a: {  	v1 =	vadd.f32 v3, v1  }
0x10b: {  	v3 =	vld [tilespmem:s20+$0x2EA0]  }
0x10c: {  	v1 =	vadd.f32 v48, v1  }
0x10d: {  	v49 =	vld [tilespmem:s20+$0x36A0]  }
0x10e: {  	v1 =	vadd.f32 v2, v1  }
0x10f: {  	v2 =	vld [tilespmem:s20+$0x3EA0]  }
0x110: {  	v1 =	vadd.f32 v3, v1  }
0x111: {  	v3 =	vld [tilespmem:s20+$0x46A0]  }
0x112: {  	v1 =	vadd.f32 v49, v1  }
0x113: {  	v50 =	vld [tilespmem:s20+$0x4EA0]  }
0x114: {  	v1 =	vadd.f32 v2, v1  }
0x115: {  	v2 =	vld [tilespmem:s20+$0x56A0]  }
0x116: {  	v1 =	vadd.f32 v3, v1  }
0x117: {  	v3 =	vld [tilespmem:s20+$0x5EA0]  }
0x118: {  	v1 =	vadd.f32 v50, v1  }
0x119: {  	v51 =	vld [tilespmem:s20+$0x66A0]  }
0x11a: {  	v1 =	vadd.f32 v2, v1  }
0x11b: {  	v2 =	vld [tilespmem:s20+$0x6EA0]  }
0x11c: {  	v1 =	vadd.f32 v3, v1  }
0x11d: {  	v3 =	vld [tilespmem:s20+$0x76A0]  }
0x11e: {  	v1 =	vadd.f32 v51, v1  }
0x11f: {  	v52 =	vld [tilespmem:s20+$0x7EA0]  }
0x120: {  	v1 =	vadd.f32 v2, v1  }
0x121: {  	v2 =	vld [tilespmem:s20+$0x86A0]  }
0x122: {  	v1 =	vadd.f32 v3, v1  }
0x123: {  	v3 =	vld [tilespmem:s20+$0x8EA0]  }
0x124: {  	v1 =	vadd.f32 v52, v1  }
0x125: {  	v53 =	vld [tilespmem:s20+$0x96A0]  }
0x126: {  	v1 =	vadd.f32 v2, v1  }
0x127: {  	v2 =	vld [tilespmem:s20+$0x9EA0]  }
0x128: {  	v1 =	vadd.f32 v3, v1  }
0x129: {  	v3 =	vld [tilespmem:s20+$0xA6A0]  }
0x12a: {  	v1 =	vadd.f32 v53, v1  }
0x12b: {  	v54 =	vld [tilespmem:s20+$0xAEA0]  }
0x12c: {  	v1 =	vadd.f32 v2, v1  }
0x12d: {  	v2 =	vld [tilespmem:s20+$0xB6A0]  }
0x12e: {  	v1 =	vadd.f32 v3, v1  }
0x12f: {  	v3 =	vld [tilespmem:s20+$0xBEA0]  }
0x130: {  	v1 =	vadd.f32 v54, v1  }
0x131: {  	v55 =	vld [tilespmem:s20+$0xC6A0]  }
0x132: {  	v1 =	vadd.f32 v2, v1  }
0x133: {  	v2 =	vld [tilespmem:s20+$0xCEA0]  }
0x134: {  	v1 =	vadd.f32 v3, v1;
	_ =	sdelay $0x1  }
0x135: {  	v1 =	vadd.f32 v55, v1;
	_ =	sdelay $0x1  }
0x136: {  	v1 =	vadd.f32 v2, v1;
	_ =	sdelay $0x1  }
0x137: {  	[tilespmem:s30+$0x0] =	vst v1  }
0x138: {  	v1 =	vld [tilespmem:s20+$0x6B0]  }
0x139: {  	v2 =	vld [tilespmem:s20+$0xEB0];
	_ =	sdelay $0x1  }
0x13a: {  	v3 =	vld [tilespmem:s20+$0x16B0];
	_ =	sdelay $0x1  }
0x13b: {  	v56 =	vld [tilespmem:s20+$0x1EB0]  }
0x13c: {  	v1 =	vadd.f32 v2, v1  }
0x13d: {  	v2 =	vld [tilespmem:s20+$0x26B0]  }
0x13e: {  	v1 =	vadd.f32 v3, v1  }
0x13f: {  	v3 =	vld [tilespmem:s20+$0x2EB0]  }
0x140: {  	v1 =	vadd.f32 v56, v1  }
0x141: {  	v57 =	vld [tilespmem:s20+$0x36B0]  }
0x142: {  	v1 =	vadd.f32 v2, v1  }
0x143: {  	v2 =	vld [tilespmem:s20+$0x3EB0]  }
0x144: {  	v1 =	vadd.f32 v3, v1  }
0x145: {  	v3 =	vld [tilespmem:s20+$0x46B0]  }
0x146: {  	v1 =	vadd.f32 v57, v1  }
0x147: {  	v58 =	vld [tilespmem:s20+$0x4EB0]  }
0x148: {  	v1 =	vadd.f32 v2, v1  }
0x149: {  	v2 =	vld [tilespmem:s20+$0x56B0]  }
0x14a: {  	v1 =	vadd.f32 v3, v1  }
0x14b: {  	v3 =	vld [tilespmem:s20+$0x5EB0]  }
0x14c: {  	v1 =	vadd.f32 v58, v1  }
0x14d: {  	v59 =	vld [tilespmem:s20+$0x66B0]  }
0x14e: {  	v1 =	vadd.f32 v2, v1  }
0x14f: {  	v2 =	vld [tilespmem:s20+$0x6EB0]  }
0x150: {  	v1 =	vadd.f32 v3, v1  }
0x151: {  	v3 =	vld [tilespmem:s20+$0x76B0]  }
0x152: {  	v1 =	vadd.f32 v59, v1  }
0x153: {  	v60 =	vld [tilespmem:s20+$0x7EB0]  }
0x154: {  	v1 =	vadd.f32 v2, v1  }
0x155: {  	v2 =	vld [tilespmem:s20+$0x86B0]  }
0x156: {  	v1 =	vadd.f32 v3, v1  }
0x157: {  	v3 =	vld [tilespmem:s20+$0x8EB0]  }
0x158: {  	v1 =	vadd.f32 v60, v1  }
0x159: {  	v61 =	vld [tilespmem:s20+$0x96B0]  }
0x15a: {  	v1 =	vadd.f32 v2, v1  }
0x15b: {  	v2 =	vld [tilespmem:s20+$0x9EB0]  }
0x15c: {  	v1 =	vadd.f32 v3, v1  }
0x15d: {  	v3 =	vld [tilespmem:s20+$0xA6B0]  }
0x15e: {  	v1 =	vadd.f32 v61, v1  }
0x15f: {  	v62 =	vld [tilespmem:s20+$0xAEB0]  }
0x160: {  	v1 =	vadd.f32 v2, v1  }
0x161: {  	v2 =	vld [tilespmem:s20+$0xB6B0]  }
0x162: {  	v1 =	vadd.f32 v3, v1  }
0x163: {  	v3 =	vld [tilespmem:s20+$0xBEB0]  }
0x164: {  	v1 =	vadd.f32 v62, v1  }
0x165: {  	s31 =	simm.s32 $0x0;
	v63 =	vld [tilespmem:s20+$0xC6B0]  }
0x166: {  	v5 =	vmov s31;
	v1 =	vadd.f32 v2, v1  }
0x167: {  	v5 =	vand.u32 $0x1F, v5;
	v2 =	vld [tilespmem:s20+$0xCEB0]  }
0x168: {  	v5 =	vbroadcast v5, $0x0;
	v1 =	vadd.f32 v3, v1;
	_ =	sdelay $0x1  }
0x169: {  	v3 =	vor.u32 v0, v5;
	v1 =	vadd.f32 v63, v1;
	_ =	sdelay $0x1  }
0x16a: {  	v1 =	vadd.f32 v2, v1;
	_ =	sdelay $0x1  }
0x16b: {  	[tilespmem:s30+$0x10] =	vst v1  }
0x16c: {  	s1 =	simm.s32 $0x100;
	s0 =	simm.s32 $0x1AAA0;
	v1 =	vld.idx.msk [tilespmem:v3+s19+$0x0], $0xffff  }
.LBB2_3:
0x16d: {  	p2 =	sne.s32 s1, $0x1F00;
	s31 =	sadd.s32 $0x1, s31;
	s30 =	sadd.s32 $0x50, s30  }
0x16e: {  	s20 =	smov.u32 s1;
	s1 =	sadd.s32 $0x100, s1;
	_ =	sdelay $0x2  }
0x16f: {  	s20 =	sshra.s32 s20, $0x2  }
0x170: {  	[tilespmem:s0+$0x20] =	vst v1;
	s0 =	smov.u32 s30  }
0x171: {  	v1 =	vld [tilespmem:s20+$0x680]  }
0x172: {  	v2 =	vld [tilespmem:s20+$0xE80];
	_ =	sdelay $0x1  }
0x173: {  	v3 =	vld [tilespmem:s20+$0x1680];
	_ =	sdelay $0x1  }
0x174: {  	v4 =	vld [tilespmem:s20+$0x1E80]  }
0x175: {  	v1 =	vadd.f32 v2, v1  }
0x176: {  	v2 =	vld [tilespmem:s20+$0x2680]  }
0x177: {  	v1 =	vadd.f32 v3, v1  }
0x178: {  	v3 =	vld [tilespmem:s20+$0x2E80]  }
0x179: {  	v1 =	vadd.f32 v4, v1  }
0x17a: {  	v4 =	vld [tilespmem:s20+$0x3680]  }
0x17b: {  	v1 =	vadd.f32 v2, v1  }
0x17c: {  	v2 =	vld [tilespmem:s20+$0x3E80]  }
0x17d: {  	v1 =	vadd.f32 v3, v1  }
0x17e: {  	v3 =	vld [tilespmem:s20+$0x4680]  }
0x17f: {  	v1 =	vadd.f32 v4, v1  }
0x180: {  	v4 =	vld [tilespmem:s20+$0x4E80]  }
0x181: {  	v1 =	vadd.f32 v2, v1  }
0x182: {  	v2 =	vld [tilespmem:s20+$0x5680]  }
0x183: {  	v1 =	vadd.f32 v3, v1  }
0x184: {  	v3 =	vld [tilespmem:s20+$0x5E80]  }
0x185: {  	v1 =	vadd.f32 v4, v1  }
0x186: {  	v4 =	vld [tilespmem:s20+$0x6680]  }
0x187: {  	v1 =	vadd.f32 v2, v1  }
0x188: {  	v2 =	vld [tilespmem:s20+$0x6E80]  }
0x189: {  	v1 =	vadd.f32 v3, v1  }
0x18a: {  	v3 =	vld [tilespmem:s20+$0x7680]  }
0x18b: {  	v1 =	vadd.f32 v4, v1  }
0x18c: {  	v4 =	vld [tilespmem:s20+$0x7E80]  }
0x18d: {  	v1 =	vadd.f32 v2, v1  }
0x18e: {  	v2 =	vld [tilespmem:s20+$0x8680]  }
0x18f: {  	v1 =	vadd.f32 v3, v1  }
0x190: {  	v3 =	vld [tilespmem:s20+$0x8E80]  }
0x191: {  	v1 =	vadd.f32 v4, v1  }
0x192: {  	v4 =	vld [tilespmem:s20+$0x9680]  }
0x193: {  	v1 =	vadd.f32 v2, v1  }
0x194: {  	v2 =	vld [tilespmem:s20+$0x9E80]  }
0x195: {  	v1 =	vadd.f32 v3, v1  }
0x196: {  	v3 =	vld [tilespmem:s20+$0xA680]  }
0x197: {  	v1 =	vadd.f32 v4, v1  }
0x198: {  	v4 =	vld [tilespmem:s20+$0xAE80]  }
0x199: {  	v1 =	vadd.f32 v2, v1  }
0x19a: {  	v2 =	vld [tilespmem:s20+$0xB680]  }
0x19b: {  	v1 =	vadd.f32 v3, v1  }
0x19c: {  	v3 =	vld [tilespmem:s20+$0xBE80]  }
0x19d: {  	v1 =	vadd.f32 v4, v1  }
0x19e: {  	v4 =	vld [tilespmem:s20+$0xC680]  }
0x19f: {  	v1 =	vadd.f32 v2, v1  }
0x1a0: {  	v2 =	vld [tilespmem:s20+$0xCE80]  }
0x1a1: {  	v1 =	vadd.f32 v3, v1;
	_ =	sdelay $0x1  }
0x1a2: {  	v1 =	vadd.f32 v4, v1;
	_ =	sdelay $0x1  }
0x1a3: {  	v1 =	vadd.f32 v2, v1;
	_ =	sdelay $0x1  }
0x1a4: {  	[tilespmem:s30+$0xFFFFFFE0] =	vst v1  }
0x1a5: {  	v1 =	vld [tilespmem:s20+$0x690]  }
0x1a6: {  	v2 =	vld [tilespmem:s20+$0xE90];
	_ =	sdelay $0x1  }
0x1a7: {  	v3 =	vld [tilespmem:s20+$0x1690];
	_ =	sdelay $0x1  }
0x1a8: {  	v4 =	vld [tilespmem:s20+$0x1E90]  }
0x1a9: {  	v1 =	vadd.f32 v2, v1  }
0x1aa: {  	v2 =	vld [tilespmem:s20+$0x2690]  }
0x1ab: {  	v1 =	vadd.f32 v3, v1  }
0x1ac: {  	v3 =	vld [tilespmem:s20+$0x2E90]  }
0x1ad: {  	v1 =	vadd.f32 v4, v1  }
0x1ae: {  	v4 =	vld [tilespmem:s20+$0x3690]  }
0x1af: {  	v1 =	vadd.f32 v2, v1  }
0x1b0: {  	v2 =	vld [tilespmem:s20+$0x3E90]  }
0x1b1: {  	v1 =	vadd.f32 v3, v1  }
0x1b2: {  	v3 =	vld [tilespmem:s20+$0x4690]  }
0x1b3: {  	v1 =	vadd.f32 v4, v1  }
0x1b4: {  	v4 =	vld [tilespmem:s20+$0x4E90]  }
0x1b5: {  	v1 =	vadd.f32 v2, v1  }
0x1b6: {  	v2 =	vld [tilespmem:s20+$0x5690]  }
0x1b7: {  	v1 =	vadd.f32 v3, v1  }
0x1b8: {  	v3 =	vld [tilespmem:s20+$0x5E90]  }
0x1b9: {  	v1 =	vadd.f32 v4, v1  }
0x1ba: {  	v4 =	vld [tilespmem:s20+$0x6690]  }
0x1bb: {  	v1 =	vadd.f32 v2, v1  }
0x1bc: {  	v2 =	vld [tilespmem:s20+$0x6E90]  }
0x1bd: {  	v1 =	vadd.f32 v3, v1  }
0x1be: {  	v3 =	vld [tilespmem:s20+$0x7690]  }
0x1bf: {  	v1 =	vadd.f32 v4, v1  }
0x1c0: {  	v4 =	vld [tilespmem:s20+$0x7E90]  }
0x1c1: {  	v1 =	vadd.f32 v2, v1  }
0x1c2: {  	v2 =	vld [tilespmem:s20+$0x8690]  }
0x1c3: {  	v1 =	vadd.f32 v3, v1  }
0x1c4: {  	v3 =	vld [tilespmem:s20+$0x8E90]  }
0x1c5: {  	v1 =	vadd.f32 v4, v1  }
0x1c6: {  	v4 =	vld [tilespmem:s20+$0x9690]  }
0x1c7: {  	v1 =	vadd.f32 v2, v1  }
0x1c8: {  	v2 =	vld [tilespmem:s20+$0x9E90]  }
0x1c9: {  	v1 =	vadd.f32 v3, v1  }
0x1ca: {  	v3 =	vld [tilespmem:s20+$0xA690]  }
0x1cb: {  	v1 =	vadd.f32 v4, v1  }
0x1cc: {  	v4 =	vld [tilespmem:s20+$0xAE90]  }
0x1cd: {  	v1 =	vadd.f32 v2, v1  }
0x1ce: {  	v2 =	vld [tilespmem:s20+$0xB690]  }
0x1cf: {  	v1 =	vadd.f32 v3, v1  }
0x1d0: {  	v3 =	vld [tilespmem:s20+$0xBE90]  }
0x1d1: {  	v1 =	vadd.f32 v4, v1  }
0x1d2: {  	v4 =	vld [tilespmem:s20+$0xC690]  }
0x1d3: {  	v1 =	vadd.f32 v2, v1  }
0x1d4: {  	v2 =	vld [tilespmem:s20+$0xCE90]  }
0x1d5: {  	v1 =	vadd.f32 v3, v1;
	_ =	sdelay $0x1  }
0x1d6: {  	v1 =	vadd.f32 v4, v1;
	_ =	sdelay $0x1  }
0x1d7: {  	v1 =	vadd.f32 v2, v1;
	_ =	sdelay $0x1  }
0x1d8: {  	[tilespmem:s30+$0xFFFFFFF0] =	vst v1  }
0x1d9: {  	v1 =	vld [tilespmem:s20+$0x6A0]  }
0x1da: {  	v2 =	vld [tilespmem:s20+$0xEA0];
	_ =	sdelay $0x1  }
0x1db: {  	v3 =	vld [tilespmem:s20+$0x16A0];
	_ =	sdelay $0x1  }
0x1dc: {  	v4 =	vld [tilespmem:s20+$0x1EA0]  }
0x1dd: {  	v1 =	vadd.f32 v2, v1  }
0x1de: {  	v2 =	vld [tilespmem:s20+$0x26A0]  }
0x1df: {  	v1 =	vadd.f32 v3, v1  }
0x1e0: {  	v3 =	vld [tilespmem:s20+$0x2EA0]  }
0x1e1: {  	v1 =	vadd.f32 v4, v1  }
0x1e2: {  	v4 =	vld [tilespmem:s20+$0x36A0]  }
0x1e3: {  	v1 =	vadd.f32 v2, v1  }
0x1e4: {  	v2 =	vld [tilespmem:s20+$0x3EA0]  }
0x1e5: {  	v1 =	vadd.f32 v3, v1  }
0x1e6: {  	v3 =	vld [tilespmem:s20+$0x46A0]  }
0x1e7: {  	v1 =	vadd.f32 v4, v1  }
0x1e8: {  	v4 =	vld [tilespmem:s20+$0x4EA0]  }
0x1e9: {  	v1 =	vadd.f32 v2, v1  }
0x1ea: {  	v2 =	vld [tilespmem:s20+$0x56A0]  }
0x1eb: {  	v1 =	vadd.f32 v3, v1  }
0x1ec: {  	v3 =	vld [tilespmem:s20+$0x5EA0]  }
0x1ed: {  	v1 =	vadd.f32 v4, v1  }
0x1ee: {  	v4 =	vld [tilespmem:s20+$0x66A0]  }
0x1ef: {  	v1 =	vadd.f32 v2, v1  }
0x1f0: {  	v2 =	vld [tilespmem:s20+$0x6EA0]  }
0x1f1: {  	v1 =	vadd.f32 v3, v1  }
0x1f2: {  	v3 =	vld [tilespmem:s20+$0x76A0]  }
0x1f3: {  	v1 =	vadd.f32 v4, v1  }
0x1f4: {  	v4 =	vld [tilespmem:s20+$0x7EA0]  }
0x1f5: {  	v1 =	vadd.f32 v2, v1  }
0x1f6: {  	v2 =	vld [tilespmem:s20+$0x86A0]  }
0x1f7: {  	v1 =	vadd.f32 v3, v1  }
0x1f8: {  	v3 =	vld [tilespmem:s20+$0x8EA0]  }
0x1f9: {  	v1 =	vadd.f32 v4, v1  }
0x1fa: {  	v4 =	vld [tilespmem:s20+$0x96A0]  }
0x1fb: {  	v1 =	vadd.f32 v2, v1  }
0x1fc: {  	v2 =	vld [tilespmem:s20+$0x9EA0]  }
0x1fd: {  	v1 =	vadd.f32 v3, v1  }
0x1fe: {  	v3 =	vld [tilespmem:s20+$0xA6A0]  }
0x1ff: {  	v1 =	vadd.f32 v4, v1  }
0x200: {  	v4 =	vld [tilespmem:s20+$0xAEA0]  }
0x201: {  	v1 =	vadd.f32 v2, v1  }
0x202: {  	v2 =	vld [tilespmem:s20+$0xB6A0]  }
0x203: {  	v1 =	vadd.f32 v3, v1  }
0x204: {  	v3 =	vld [tilespmem:s20+$0xBEA0]  }
0x205: {  	v1 =	vadd.f32 v4, v1  }
0x206: {  	v4 =	vld [tilespmem:s20+$0xC6A0]  }
0x207: {  	v1 =	vadd.f32 v2, v1  }
0x208: {  	v2 =	vld [tilespmem:s20+$0xCEA0]  }
0x209: {  	v1 =	vadd.f32 v3, v1;
	_ =	sdelay $0x1  }
0x20a: {  	v1 =	vadd.f32 v4, v1;
	_ =	sdelay $0x1  }
0x20b: {  	v1 =	vadd.f32 v2, v1;
	_ =	sdelay $0x1  }
0x20c: {  	[tilespmem:s30+$0x0] =	vst v1  }
0x20d: {  	v1 =	vld [tilespmem:s20+$0x6B0]  }
0x20e: {  	v2 =	vld [tilespmem:s20+$0xEB0]  }
0x20f: {  	v3 =	vld [tilespmem:s20+$0x16B0]  }
0x210: {  	v4 =	vld [tilespmem:s20+$0x1EB0]  }
0x211: {  	v5 =	vld [tilespmem:s20+$0x26B0]  }
0x212: {  	v6 =	vld [tilespmem:s20+$0x2EB0]  }
0x213: {  	v1 =	vadd.f32 v2, v1;
	v2 =	vld [tilespmem:s20+$0x36B0]  }
0x214: {  	v7 =	vld [tilespmem:s20+$0x3EB0]  }
0x215: {  	v1 =	vadd.f32 v3, v1;
	v3 =	vld [tilespmem:s20+$0x46B0]  }
0x216: {  	v8 =	vld [tilespmem:s20+$0x4EB0]  }
0x217: {  	v1 =	vadd.f32 v4, v1;
	v4 =	vld [tilespmem:s20+$0x56B0]  }
0x218: {  	v9 =	vld [tilespmem:s20+$0x5EB0]  }
0x219: {  	v1 =	vadd.f32 v5, v1;
	v5 =	vld [tilespmem:s20+$0x66B0]  }
0x21a: {  	v10 =	vld [tilespmem:s20+$0x6EB0]  }
0x21b: {  	v1 =	vadd.f32 v6, v1;
	v6 =	vld [tilespmem:s20+$0x76B0]  }
0x21c: {  	v11 =	vld [tilespmem:s20+$0x7EB0]  }
0x21d: {  	v1 =	vadd.f32 v2, v1;
	v2 =	vld [tilespmem:s20+$0x86B0]  }
0x21e: {  	v12 =	vld [tilespmem:s20+$0x8EB0]  }
0x21f: {  	v1 =	vadd.f32 v7, v1;
	v7 =	vld [tilespmem:s20+$0x96B0]  }
0x220: {  	v13 =	vld [tilespmem:s20+$0x9EB0]  }
0x221: {  	v1 =	vadd.f32 v3, v1;
	v3 =	vld [tilespmem:s20+$0xA6B0]  }
0x222: {  	v14 =	vld [tilespmem:s20+$0xAEB0]  }
0x223: {  	v1 =	vadd.f32 v8, v1;
	v8 =	vld [tilespmem:s20+$0xB6B0]  }
0x224: {  	v15 =	vld [tilespmem:s20+$0xBEB0]  }
0x225: {  	v1 =	vadd.f32 v4, v1;
	v4 =	vld [tilespmem:s20+$0xC6B0]  }
0x226: {  	v16 =	vld [tilespmem:s20+$0xCEB0]  }
0x227: {  	v1 =	vadd.f32 v9, v1;
	_ =	sdelay $0x1  }
0x228: {  	v1 =	vadd.f32 v5, v1;
	_ =	sdelay $0x1  }
0x229: {  	v1 =	vadd.f32 v10, v1;
	_ =	sdelay $0x1  }
0x22a: {  	v1 =	vadd.f32 v6, v1;
	_ =	sdelay $0x1  }
0x22b: {  	v1 =	vadd.f32 v11, v1;
	_ =	sdelay $0x1  }
0x22c: {  	v1 =	vadd.f32 v2, v1;
	_ =	sdelay $0x1  }
0x22d: {  	v1 =	vadd.f32 v12, v1;
	_ =	sdelay $0x1  }
0x22e: {  	v1 =	vadd.f32 v7, v1;
	_ =	sdelay $0x1  }
0x22f: {  	v1 =	vadd.f32 v13, v1;
	_ =	sdelay $0x1  }
0x230: {  	v1 =	vadd.f32 v3, v1;
	_ =	sdelay $0x1  }
0x231: {  	v1 =	vadd.f32 v14, v1  }
0x232: {  	v2 =	vmov s31  }
0x233: {  	v2 =	vand.u32 $0x1F, v2;
	v1 =	vadd.f32 v8, v1  }
0x234: {  	v2 =	vbroadcast v2, $0x0  }
0x235: {  	v1 =	vadd.f32 v15, v1  }
0x236: {  	v2 =	vor.u32 v0, v2  }
0x237: {  	v1 =	vadd.f32 v4, v1  }
.Ltmp0:
0x238: {  	(pc) =	sbr.rel @p2 .LBB2_3-.Ltmp0, $3  }
0x239: {  	v1 =	vadd.f32 v16, v1;
	_ =	sdelay $0x1  }
0x23a: {  	[tilespmem:s30+$0x10] =	vst v1  }
0x23b: {  	v1 =	vld.idx.msk [tilespmem:v2+s19+$0x0], $0xffff  }
0x23c: {  	_ = 	snop  }
0x23d: {  	s1 =	sshll.u32 @!p0 s28, $0xE  }
0x23e: {  	s1 =	sor.u32 @!p0 s7, s1  }
0x23f: {  	s20 =	simm.s32 @!p0 $0x80;
	s1 =	sshrl.u32 @!p0 s1, $0x3  }
0x240: {  	s28 =	simm.s32 @!p0 $0x1A680;
	s1 =	sadd.s32 @!p0 s2, s1;
	[tilespmem:s0+$0x20] =	vst v1;
	s0 =	simm.s32 @!p0 $0x20  }
0x241: {  	[tilespmem:s28], [sflag:$0x3] =	stream.strided.gather @!p0 [hbm4b:s1+s0], $0x100, s20, s0, $0x38;
	[tilespmem:$0x1BE80] =	vst v63  }
0x242: {  	s30 =	simm.s32 @!p0 $0x1A780;
	s1 =	sadd.s32 @!p0 $0x400, s1;
	s28 =	smul.u32 $0xA0, s26  }
0x243: {  	[tilespmem:s30], [sflag:$0x3] =	stream.strided.gather @!p0 [hbm4b:s1+s0], $0x100, s20, s0, $0x38;
	[tilespmem:$0x1BE80] =	vst v63  }
.Ltmp1:
0x244: {  	_ = 	snop;
	(pc) =	sbr.rel @p0 .LBB2_6-.Ltmp1, $4  }
0x245: {  	s31 =	sadd.s32 s8, s28  }
0x246: {  	s0 =	sshrl.u32 s31, $0x3  }
0x247: {  	s0 =	sadd.s32 s3, s0  }
0x248: {  	[hbm4b:s0+s18] =	stream.strided.scatter [tilespmem:s12], [sflag:$0x7], $0xA00, s10, s18, $0x38;
	[tilespmem:$0x1BE80] =	vst v63  }
0x249: {  	_ =	swait.ge [sflag:s21], $0x340  }
0x24a: {  	[sflag:s21] =	ssyncset.done $0x0  }
0x24b: {  	s0 =	simm.s32 $0x0;
	s1 =	simm.s32 $0x680;
	[sflag:s21] =	ssyncadd.s32 $0xFFFFFCC0  }
0x24c: {  	[tilespmem:s1], [sflag:$0x5] =	stream.indirect.gather [hbm4b:s6+s16], $0x40, s0, s16, $0xb8;
	[tilespmem:$0x1BE80] =	vst v63  }
0x24d: {  	s31 =	simm.s32 $0xE80  }
0x24e: {  	[tilespmem:s31], [sflag:$0x5] =	stream.indirect.gather [hbm4b:s6+s16], $0x40, s16, s16, $0xb8;
	[tilespmem:$0x1BE80] =	vst v63  }
0x24f: {  	s20 =	simm.s32 $0x1680;
	s1 =	simm.s32 $0x40  }
0x250: {  	[tilespmem:s20], [sflag:$0x5] =	stream.indirect.gather [hbm4b:s6+s16], $0x40, s1, s16, $0xb8;
	[tilespmem:$0x1BE80] =	vst v63  }
0x251: {  	s30 =	simm.s32 $0x60;
	s31 =	simm.s32 $0x1E80  }
0x252: {  	[tilespmem:s31], [sflag:$0x5] =	stream.indirect.gather [hbm4b:s6+s16], $0x40, s30, s16, $0xb8;
	[tilespmem:$0x1BE80] =	vst v63  }
0x253: {  	s1 =	simm.s32 $0x80;
	s20 =	simm.s32 $0x2680  }
0x254: {  	[tilespmem:s20], [sflag:$0x5] =	stream.indirect.gather [hbm4b:s6+s16], $0x40, s1, s16, $0xb8;
	[tilespmem:$0x1BE80] =	vst v63  }
0x255: {  	s30 =	simm.s32 $0xA0;
	s31 =	simm.s32 $0x2E80  }
0x256: {  	[tilespmem:s31], [sflag:$0x5] =	stream.indirect.gather [hbm4b:s6+s16], $0x40, s30, s16, $0xb8;
	[tilespmem:$0x1BE80] =	vst v63  }
0x257: {  	s1 =	simm.s32 $0xC0;
	s20 =	simm.s32 $0x3680  }
0x258: {  	[tilespmem:s20], [sflag:$0x5] =	stream.indirect.gather [hbm4b:s6+s16], $0x40, s1, s16, $0xb8;
	[tilespmem:$0x1BE80] =	vst v63  }
0x259: {  	s30 =	simm.s32 $0xE0;
	s31 =	simm.s32 $0x3E80  }
0x25a: {  	[tilespmem:s31], [sflag:$0x5] =	stream.indirect.gather [hbm4b:s6+s16], $0x40, s30, s16, $0xb8;
	[tilespmem:$0x1BE80] =	vst v63  }
0x25b: {  	s1 =	simm.s32 $0x100;
	s20 =	simm.s32 $0x4680  }
0x25c: {  	[tilespmem:s20], [sflag:$0x5] =	stream.indirect.gather [hbm4b:s6+s16], $0x40, s1, s16, $0xb8;
	[tilespmem:$0x1BE80] =	vst v63  }
0x25d: {  	s30 =	simm.s32 $0x120;
	s31 =	simm.s32 $0x4E80  }
0x25e: {  	[tilespmem:s31], [sflag:$0x5] =	stream.indirect.gather [hbm4b:s6+s16], $0x40, s30, s16, $0xb8;
	[tilespmem:$0x1BE80] =	vst v63  }
0x25f: {  	s1 =	simm.s32 $0x140;
	s20 =	simm.s32 $0x5680  }
0x260: {  	[tilespmem:s20], [sflag:$0x5] =	stream.indirect.gather [hbm4b:s6+s16], $0x40, s1, s16, $0xb8;
	[tilespmem:$0x1BE80] =	vst v63  }
0x261: {  	s30 =	simm.s32 $0x160;
	s31 =	simm.s32 $0x5E80  }
0x262: {  	[tilespmem:s31], [sflag:$0x5] =	stream.indirect.gather [hbm4b:s6+s16], $0x40, s30, s16, $0xb8;
	[tilespmem:$0x1BE80] =	vst v63  }
0x263: {  	s1 =	simm.s32 $0x180;
	s20 =	simm.s32 $0x6680  }
0x264: {  	[tilespmem:s20], [sflag:$0x5] =	stream.indirect.gather [hbm4b:s6+s16], $0x40, s1, s16, $0xb8;
	[tilespmem:$0x1BE80] =	vst v63  }
0x265: {  	s30 =	simm.s32 $0x1A0;
	s31 =	simm.s32 $0x6E80  }
0x266: {  	[tilespmem:s31], [sflag:$0x5] =	stream.indirect.gather [hbm4b:s6+s16], $0x40, s30, s16, $0xb8;
	[tilespmem:$0x1BE80] =	vst v63  }
0x267: {  	s1 =	simm.s32 $0x1C0;
	s20 =	simm.s32 $0x7680  }
0x268: {  	[tilespmem:s20], [sflag:$0x5] =	stream.indirect.gather [hbm4b:s6+s16], $0x40, s1, s16, $0xb8;
	[tilespmem:$0x1BE80] =	vst v63  }
0x269: {  	s30 =	simm.s32 $0x1E0;
	s31 =	simm.s32 $0x7E80  }
0x26a: {  	[tilespmem:s31], [sflag:$0x5] =	stream.indirect.gather [hbm4b:s6+s16], $0x40, s30, s16, $0xb8;
	[tilespmem:$0x1BE80] =	vst v63  }
0x26b: {  	s1 =	simm.s32 $0x200;
	s20 =	simm.s32 $0x8680  }
0x26c: {  	[tilespmem:s20], [sflag:$0x5] =	stream.indirect.gather [hbm4b:s6+s16], $0x40, s1, s16, $0xb8;
	[tilespmem:$0x1BE80] =	vst v63  }
0x26d: {  	s30 =	simm.s32 $0x220;
	s31 =	simm.s32 $0x8E80  }
0x26e: {  	[tilespmem:s31], [sflag:$0x5] =	stream.indirect.gather [hbm4b:s6+s16], $0x40, s30, s16, $0xb8;
	[tilespmem:$0x1BE80] =	vst v63  }
0x26f: {  	s1 =	simm.s32 $0x240;
	s20 =	simm.s32 $0x9680  }
0x270: {  	[tilespmem:s20], [sflag:$0x5] =	stream.indirect.gather [hbm4b:s6+s16], $0x40, s1, s16, $0xb8;
	[tilespmem:$0x1BE80] =	vst v63  }
0x271: {  	s30 =	simm.s32 $0x260;
	s31 =	simm.s32 $0x9E80  }
0x272: {  	[tilespmem:s31], [sflag:$0x5] =	stream.indirect.gather [hbm4b:s6+s16], $0x40, s30, s16, $0xb8;
	[tilespmem:$0x1BE80] =	vst v63  }
0x273: {  	s1 =	simm.s32 $0x280;
	s20 =	simm.s32 $0xA680  }
0x274: {  	[tilespmem:s20], [sflag:$0x5] =	stream.indirect.gather [hbm4b:s6+s16], $0x40, s1, s16, $0xb8;
	[tilespmem:$0x1BE80] =	vst v63  }
0x275: {  	s30 =	simm.s32 $0x2A0;
	s31 =	simm.s32 $0xAE80  }
0x276: {  	[tilespmem:s31], [sflag:$0x5] =	stream.indirect.gather [hbm4b:s6+s16], $0x40, s30, s16, $0xb8;
	[tilespmem:$0x1BE80] =	vst v63  }
0x277: {  	s1 =	simm.s32 $0x2C0;
	s20 =	simm.s32 $0xB680  }
0x278: {  	[tilespmem:s20], [sflag:$0x5] =	stream.indirect.gather [hbm4b:s6+s16], $0x40, s1, s16, $0xb8;
	[tilespmem:$0x1BE80] =	vst v63  }
0x279: {  	s30 =	simm.s32 $0x2E0;
	s31 =	simm.s32 $0xBE80  }
0x27a: {  	[tilespmem:s31], [sflag:$0x5] =	stream.indirect.gather [hbm4b:s6+s16], $0x40, s30, s16, $0xb8;
	[tilespmem:$0x1BE80] =	vst v63  }
0x27b: {  	s1 =	simm.s32 $0x300;
	s20 =	simm.s32 $0xC680  }
0x27c: {  	[tilespmem:s20], [sflag:$0x5] =	stream.indirect.gather [hbm4b:s6+s16], $0x40, s1, s16, $0xb8;
	[tilespmem:$0x1BE80] =	vst v63  }
0x27d: {  	s30 =	simm.s32 $0x320;
	s31 =	simm.s32 $0xCE80  }
0x27e: {  	[tilespmem:s31], [sflag:$0x5] =	stream.indirect.gather [hbm4b:s6+s16], $0x40, s30, s16, $0xb8;
	[tilespmem:$0x1BE80] =	vst v63  }
.LBB2_6:
0x27f: {  	p2 =	sne.s32 s26, $0x18  }
.Ltmp2:
0x280: {  	_ = 	snop;
	(pc) =	sbr.rel @p2 .LBB2_8-.Ltmp2, $4  }
0x281: {  	_ = 	snop  }
0x282: {  	_ =	swait.ge [sflag:s22], $0xD000  }
0x283: {  	[sflag:s22] =	ssyncset.done $0x0  }
0x284: {  	s29 =	sadd.s32 $0x3, s29;
	[sflag:s22] =	ssyncadd.s32 $0xFFFF3000  }
.Ltmp3:
0x285: {  	(pc) =	sbr.rel .LBB2_9-.Ltmp3, $4  }
0x286: {  	_ = 	snop  }
0x287: {  	_ =	swait.ge [sflag:s23], $0x200  }
0x288: {  	[sflag:s23] =	ssyncset.done $0x0  }
0x289: {  	[sflag:s23] =	ssyncadd.s32 $0xFFFFFE00  }
.LBB2_8:
0x28a: {  	s0 =	sshll.u32 s29, $0xA;
	s1 =	sshll.u32 s29, $0x7  }
0x28b: {  	s0 =	sand.u32 $0x1E000, s0;
	s1 =	sand.u32 $0x380, s1  }
0x28c: {  	s0 =	sor.u32 s0, s1  }
0x28d: {  	s0 =	sor.u32 s7, s0  }
0x28e: {  	s0 =	sshrl.u32 s0, $0x3  }
.Ltmp4:
0x28f: {  	s31 =	simm.s32 $0xE000;
	s0 =	sadd.s32 s5, s0;
	(pc) =	sbr.rel @p1 .LBB2_10-.Ltmp4, $4  }
0x290: {  	[tilespmem:s14], [sflag:$0x2] =	stream.strided.gather [hbm4b:s0+s16], $0x340, s31, s16, $0x38;
	[tilespmem:$0x1BE80] =	vst v63  }
0x291: {  	_ =	swait.ge [sflag:s23], $0x200  }
0x292: {  	[sflag:s23] =	ssyncset.done $0x0  }
0x293: {  	[sflag:s23] =	ssyncadd.s32 $0xFFFFFE00  }
.LBB2_9:
0x294: {  	_ =	swait.ge [sflag:s24], $0xA00  }
0x295: {  	[sflag:s24] =	ssyncset.done $0x0  }
0x296: {  	[sflag:s24] =	ssyncadd.s32 $0xFFFFF600  }
.LBB2_10:
0x297: {  	s0 =	simm.s32 $0x0  }
0x298: {  	v1 =	vld [tilespmem:s0+$0xD680]  }
0x299: {  	v2 =	vld [tilespmem:s0+$0xDE80];
	_ =	sdelay $0x1  }
0x29a: {  	v3 =	vld [tilespmem:s0+$0xE680];
	_ =	sdelay $0x1  }
0x29b: {  	v4 =	vld [tilespmem:s0+$0xEE80]  }
0x29c: {  	v1 =	vadd.f32 v2, v1  }
0x29d: {  	v2 =	vld [tilespmem:s0+$0xF680]  }
0x29e: {  	v1 =	vadd.f32 v3, v1  }
0x29f: {  	v3 =	vld [tilespmem:s0+$0xFE80]  }
0x2a0: {  	v1 =	vadd.f32 v4, v1  }
0x2a1: {  	v33 =	vld [tilespmem:s0+$0x10680]  }
0x2a2: {  	v1 =	vadd.f32 v2, v1  }
0x2a3: {  	v2 =	vld [tilespmem:s0+$0x10E80]  }
0x2a4: {  	v1 =	vadd.f32 v3, v1  }
0x2a5: {  	v3 =	vld [tilespmem:s0+$0x11680]  }
0x2a6: {  	v1 =	vadd.f32 v33, v1  }
0x2a7: {  	v34 =	vld [tilespmem:s0+$0x11E80]  }
0x2a8: {  	v1 =	vadd.f32 v2, v1  }
0x2a9: {  	v2 =	vld [tilespmem:s0+$0x12680]  }
0x2aa: {  	v1 =	vadd.f32 v3, v1  }
0x2ab: {  	v3 =	vld [tilespmem:s0+$0x12E80]  }
0x2ac: {  	v1 =	vadd.f32 v34, v1  }
0x2ad: {  	v35 =	vld [tilespmem:s0+$0x13680]  }
0x2ae: {  	v1 =	vadd.f32 v2, v1  }
0x2af: {  	v2 =	vld [tilespmem:s0+$0x13E80]  }
0x2b0: {  	v1 =	vadd.f32 v3, v1  }
0x2b1: {  	v3 =	vld [tilespmem:s0+$0x14680]  }
0x2b2: {  	v1 =	vadd.f32 v35, v1  }
0x2b3: {  	v36 =	vld [tilespmem:s0+$0x14E80]  }
0x2b4: {  	v1 =	vadd.f32 v2, v1  }
0x2b5: {  	v2 =	vld [tilespmem:s0+$0x15680]  }
0x2b6: {  	v1 =	vadd.f32 v3, v1  }
0x2b7: {  	v3 =	vld [tilespmem:s0+$0x15E80]  }
0x2b8: {  	v1 =	vadd.f32 v36, v1  }
0x2b9: {  	v37 =	vld [tilespmem:s0+$0x16680]  }
0x2ba: {  	v1 =	vadd.f32 v2, v1  }
0x2bb: {  	v2 =	vld [tilespmem:s0+$0x16E80]  }
0x2bc: {  	v1 =	vadd.f32 v3, v1  }
0x2bd: {  	v3 =	vld [tilespmem:s0+$0x17680]  }
0x2be: {  	v1 =	vadd.f32 v37, v1  }
0x2bf: {  	v38 =	vld [tilespmem:s0+$0x17E80]  }
0x2c0: {  	v1 =	vadd.f32 v2, v1  }
0x2c1: {  	v2 =	vld [tilespmem:s0+$0x18680]  }
0x2c2: {  	v1 =	vadd.f32 v3, v1  }
0x2c3: {  	v3 =	vld [tilespmem:s0+$0x18E80]  }
0x2c4: {  	v1 =	vadd.f32 v38, v1  }
0x2c5: {  	v39 =	vld [tilespmem:s0+$0x19680]  }
0x2c6: {  	v1 =	vadd.f32 v2, v1  }
0x2c7: {  	v2 =	vld [tilespmem:s0+$0x19E80]  }
0x2c8: {  	v1 =	vadd.f32 v3, v1;
	_ =	sdelay $0x1  }
0x2c9: {  	v1 =	vadd.f32 v39, v1;
	_ =	sdelay $0x1  }
0x2ca: {  	v1 =	vadd.f32 v2, v1  }
0x2cb: {  	s30 =	simm.s32 $0x1B4C0  }
0x2cc: {  	[tilespmem:s30+$0xFFFFFFC0] =	vst v1  }
0x2cd: {  	v1 =	vld [tilespmem:s0+$0xD690]  }
0x2ce: {  	v2 =	vld [tilespmem:s0+$0xDE90];
	_ =	sdelay $0x1  }
0x2cf: {  	v3 =	vld [tilespmem:s0+$0xE690];
	_ =	sdelay $0x1  }
0x2d0: {  	v40 =	vld [tilespmem:s0+$0xEE90]  }
0x2d1: {  	v1 =	vadd.f32 v2, v1  }
0x2d2: {  	v2 =	vld [tilespmem:s0+$0xF690]  }
0x2d3: {  	v1 =	vadd.f32 v3, v1  }
0x2d4: {  	v3 =	vld [tilespmem:s0+$0xFE90]  }
0x2d5: {  	v1 =	vadd.f32 v40, v1  }
0x2d6: {  	v41 =	vld [tilespmem:s0+$0x10690]  }
0x2d7: {  	v1 =	vadd.f32 v2, v1  }
0x2d8: {  	v2 =	vld [tilespmem:s0+$0x10E90]  }
0x2d9: {  	v1 =	vadd.f32 v3, v1  }
0x2da: {  	v3 =	vld [tilespmem:s0+$0x11690]  }
0x2db: {  	v1 =	vadd.f32 v41, v1  }
0x2dc: {  	v42 =	vld [tilespmem:s0+$0x11E90]  }
0x2dd: {  	v1 =	vadd.f32 v2, v1  }
0x2de: {  	v2 =	vld [tilespmem:s0+$0x12690]  }
0x2df: {  	v1 =	vadd.f32 v3, v1  }
0x2e0: {  	v3 =	vld [tilespmem:s0+$0x12E90]  }
0x2e1: {  	v1 =	vadd.f32 v42, v1  }
0x2e2: {  	v43 =	vld [tilespmem:s0+$0x13690]  }
0x2e3: {  	v1 =	vadd.f32 v2, v1  }
0x2e4: {  	v2 =	vld [tilespmem:s0+$0x13E90]  }
0x2e5: {  	v1 =	vadd.f32 v3, v1  }
0x2e6: {  	v3 =	vld [tilespmem:s0+$0x14690]  }
0x2e7: {  	v1 =	vadd.f32 v43, v1  }
0x2e8: {  	v44 =	vld [tilespmem:s0+$0x14E90]  }
0x2e9: {  	v1 =	vadd.f32 v2, v1  }
0x2ea: {  	v2 =	vld [tilespmem:s0+$0x15690]  }
0x2eb: {  	v1 =	vadd.f32 v3, v1  }
0x2ec: {  	v3 =	vld [tilespmem:s0+$0x15E90]  }
0x2ed: {  	v1 =	vadd.f32 v44, v1  }
0x2ee: {  	v45 =	vld [tilespmem:s0+$0x16690]  }
0x2ef: {  	v1 =	vadd.f32 v2, v1  }
0x2f0: {  	v2 =	vld [tilespmem:s0+$0x16E90]  }
0x2f1: {  	v1 =	vadd.f32 v3, v1  }
0x2f2: {  	v3 =	vld [tilespmem:s0+$0x17690]  }
0x2f3: {  	v1 =	vadd.f32 v45, v1  }
0x2f4: {  	v46 =	vld [tilespmem:s0+$0x17E90]  }
0x2f5: {  	v1 =	vadd.f32 v2, v1  }
0x2f6: {  	v2 =	vld [tilespmem:s0+$0x18690]  }
0x2f7: {  	v1 =	vadd.f32 v3, v1  }
0x2f8: {  	v3 =	vld [tilespmem:s0+$0x18E90]  }
0x2f9: {  	v1 =	vadd.f32 v46, v1  }
0x2fa: {  	v47 =	vld [tilespmem:s0+$0x19690]  }
0x2fb: {  	v1 =	vadd.f32 v2, v1  }
0x2fc: {  	v2 =	vld [tilespmem:s0+$0x19E90]  }
0x2fd: {  	v1 =	vadd.f32 v3, v1;
	_ =	sdelay $0x1  }
0x2fe: {  	v1 =	vadd.f32 v47, v1;
	_ =	sdelay $0x1  }
0x2ff: {  	v1 =	vadd.f32 v2, v1;
	_ =	sdelay $0x1  }
0x300: {  	[tilespmem:s30+$0xFFFFFFD0] =	vst v1  }
0x301: {  	v1 =	vld [tilespmem:s0+$0xD6A0]  }
0x302: {  	v2 =	vld [tilespmem:s0+$0xDEA0];
	_ =	sdelay $0x1  }
0x303: {  	v3 =	vld [tilespmem:s0+$0xE6A0];
	_ =	sdelay $0x1  }
0x304: {  	v48 =	vld [tilespmem:s0+$0xEEA0]  }
0x305: {  	v1 =	vadd.f32 v2, v1  }
0x306: {  	v2 =	vld [tilespmem:s0+$0xF6A0]  }
0x307: {  	v1 =	vadd.f32 v3, v1  }
0x308: {  	v3 =	vld [tilespmem:s0+$0xFEA0]  }
0x309: {  	v1 =	vadd.f32 v48, v1  }
0x30a: {  	v49 =	vld [tilespmem:s0+$0x106A0]  }
0x30b: {  	v1 =	vadd.f32 v2, v1  }
0x30c: {  	v2 =	vld [tilespmem:s0+$0x10EA0]  }
0x30d: {  	v1 =	vadd.f32 v3, v1  }
0x30e: {  	v3 =	vld [tilespmem:s0+$0x116A0]  }
0x30f: {  	v1 =	vadd.f32 v49, v1  }
0x310: {  	v50 =	vld [tilespmem:s0+$0x11EA0]  }
0x311: {  	v1 =	vadd.f32 v2, v1  }
0x312: {  	v2 =	vld [tilespmem:s0+$0x126A0]  }
0x313: {  	v1 =	vadd.f32 v3, v1  }
0x314: {  	v3 =	vld [tilespmem:s0+$0x12EA0]  }
0x315: {  	v1 =	vadd.f32 v50, v1  }
0x316: {  	v51 =	vld [tilespmem:s0+$0x136A0]  }
0x317: {  	v1 =	vadd.f32 v2, v1  }
0x318: {  	v2 =	vld [tilespmem:s0+$0x13EA0]  }
0x319: {  	v1 =	vadd.f32 v3, v1  }
0x31a: {  	v3 =	vld [tilespmem:s0+$0x146A0]  }
0x31b: {  	v1 =	vadd.f32 v51, v1  }
0x31c: {  	v52 =	vld [tilespmem:s0+$0x14EA0]  }
0x31d: {  	v1 =	vadd.f32 v2, v1  }
0x31e: {  	v2 =	vld [tilespmem:s0+$0x156A0]  }
0x31f: {  	v1 =	vadd.f32 v3, v1  }
0x320: {  	v3 =	vld [tilespmem:s0+$0x15EA0]  }
0x321: {  	v1 =	vadd.f32 v52, v1  }
0x322: {  	v53 =	vld [tilespmem:s0+$0x166A0]  }
0x323: {  	v1 =	vadd.f32 v2, v1  }
0x324: {  	v2 =	vld [tilespmem:s0+$0x16EA0]  }
0x325: {  	v1 =	vadd.f32 v3, v1  }
0x326: {  	v3 =	vld [tilespmem:s0+$0x176A0]  }
0x327: {  	v1 =	vadd.f32 v53, v1  }
0x328: {  	v54 =	vld [tilespmem:s0+$0x17EA0]  }
0x329: {  	v1 =	vadd.f32 v2, v1  }
0x32a: {  	v2 =	vld [tilespmem:s0+$0x186A0]  }
0x32b: {  	v1 =	vadd.f32 v3, v1  }
0x32c: {  	v3 =	vld [tilespmem:s0+$0x18EA0]  }
0x32d: {  	v1 =	vadd.f32 v54, v1  }
0x32e: {  	v55 =	vld [tilespmem:s0+$0x196A0]  }
0x32f: {  	v1 =	vadd.f32 v2, v1  }
0x330: {  	v2 =	vld [tilespmem:s0+$0x19EA0]  }
0x331: {  	v1 =	vadd.f32 v3, v1;
	_ =	sdelay $0x1  }
0x332: {  	v1 =	vadd.f32 v55, v1;
	_ =	sdelay $0x1  }
0x333: {  	v1 =	vadd.f32 v2, v1;
	_ =	sdelay $0x1  }
0x334: {  	[tilespmem:s30+$0xFFFFFFE0] =	vst v1  }
0x335: {  	v1 =	vld [tilespmem:s0+$0xD6B0]  }
0x336: {  	v2 =	vld [tilespmem:s0+$0xDEB0];
	_ =	sdelay $0x1  }
0x337: {  	v3 =	vld [tilespmem:s0+$0xE6B0];
	_ =	sdelay $0x1  }
0x338: {  	v56 =	vld [tilespmem:s0+$0xEEB0]  }
0x339: {  	v1 =	vadd.f32 v2, v1  }
0x33a: {  	v2 =	vld [tilespmem:s0+$0xF6B0]  }
0x33b: {  	v1 =	vadd.f32 v3, v1  }
0x33c: {  	v3 =	vld [tilespmem:s0+$0xFEB0]  }
0x33d: {  	v1 =	vadd.f32 v56, v1  }
0x33e: {  	v57 =	vld [tilespmem:s0+$0x106B0]  }
0x33f: {  	v1 =	vadd.f32 v2, v1  }
0x340: {  	v2 =	vld [tilespmem:s0+$0x10EB0]  }
0x341: {  	v1 =	vadd.f32 v3, v1  }
0x342: {  	v3 =	vld [tilespmem:s0+$0x116B0]  }
0x343: {  	v1 =	vadd.f32 v57, v1  }
0x344: {  	v58 =	vld [tilespmem:s0+$0x11EB0]  }
0x345: {  	v1 =	vadd.f32 v2, v1  }
0x346: {  	v2 =	vld [tilespmem:s0+$0x126B0]  }
0x347: {  	v1 =	vadd.f32 v3, v1  }
0x348: {  	v3 =	vld [tilespmem:s0+$0x12EB0]  }
0x349: {  	v1 =	vadd.f32 v58, v1  }
0x34a: {  	v59 =	vld [tilespmem:s0+$0x136B0]  }
0x34b: {  	v1 =	vadd.f32 v2, v1  }
0x34c: {  	v2 =	vld [tilespmem:s0+$0x13EB0]  }
0x34d: {  	v1 =	vadd.f32 v3, v1  }
0x34e: {  	v3 =	vld [tilespmem:s0+$0x146B0]  }
0x34f: {  	v1 =	vadd.f32 v59, v1  }
0x350: {  	v60 =	vld [tilespmem:s0+$0x14EB0]  }
0x351: {  	v1 =	vadd.f32 v2, v1  }
0x352: {  	v2 =	vld [tilespmem:s0+$0x156B0]  }
0x353: {  	v1 =	vadd.f32 v3, v1  }
0x354: {  	v3 =	vld [tilespmem:s0+$0x15EB0]  }
0x355: {  	v1 =	vadd.f32 v60, v1  }
0x356: {  	v61 =	vld [tilespmem:s0+$0x166B0]  }
0x357: {  	v1 =	vadd.f32 v2, v1  }
0x358: {  	v2 =	vld [tilespmem:s0+$0x16EB0]  }
0x359: {  	v1 =	vadd.f32 v3, v1  }
0x35a: {  	v3 =	vld [tilespmem:s0+$0x176B0]  }
0x35b: {  	v1 =	vadd.f32 v61, v1  }
0x35c: {  	v62 =	vld [tilespmem:s0+$0x17EB0]  }
0x35d: {  	v1 =	vadd.f32 v2, v1  }
0x35e: {  	v2 =	vld [tilespmem:s0+$0x186B0]  }
0x35f: {  	v1 =	vadd.f32 v3, v1  }
0x360: {  	v3 =	vld [tilespmem:s0+$0x18EB0]  }
0x361: {  	v1 =	vadd.f32 v62, v1  }
0x362: {  	s31 =	simm.s32 $0x0;
	v63 =	vld [tilespmem:s0+$0x196B0]  }
0x363: {  	v5 =	vmov s31;
	v1 =	vadd.f32 v2, v1  }
0x364: {  	v5 =	vand.u32 $0x1F, v5;
	v2 =	vld [tilespmem:s0+$0x19EB0]  }
0x365: {  	v5 =	vbroadcast v5, $0x0;
	v1 =	vadd.f32 v3, v1;
	_ =	sdelay $0x1  }
0x366: {  	v3 =	vor.u32 v0, v5;
	v1 =	vadd.f32 v63, v1;
	_ =	sdelay $0x1  }
0x367: {  	v1 =	vadd.f32 v2, v1;
	_ =	sdelay $0x1  }
0x368: {  	[tilespmem:s30+$0xFFFFFFF0] =	vst v1  }
0x369: {  	s1 =	simm.s32 $0x100;
	s0 =	simm.s32 $0x1B4C0;
	v1 =	vld.idx.msk [tilespmem:v3+s15+$0x0], $0xffff  }
.LBB2_11:
0x36a: {  	p1 =	sne.s32 s1, $0x1F00;
	s31 =	sadd.s32 $0x1, s31;
	s30 =	sadd.s32 $0x50, s30  }
0x36b: {  	s20 =	smov.u32 s1;
	s1 =	sadd.s32 $0x100, s1;
	_ =	sdelay $0x2  }
0x36c: {  	s20 =	sshra.s32 s20, $0x2  }
0x36d: {  	[tilespmem:s0+$0x0] =	vst v1;
	s0 =	smov.u32 s30  }
0x36e: {  	v1 =	vld [tilespmem:s20+$0xD680]  }
0x36f: {  	v2 =	vld [tilespmem:s20+$0xDE80];
	_ =	sdelay $0x1  }
0x370: {  	v3 =	vld [tilespmem:s20+$0xE680];
	_ =	sdelay $0x1  }
0x371: {  	v4 =	vld [tilespmem:s20+$0xEE80]  }
0x372: {  	v1 =	vadd.f32 v2, v1  }
0x373: {  	v2 =	vld [tilespmem:s20+$0xF680]  }
0x374: {  	v1 =	vadd.f32 v3, v1  }
0x375: {  	v3 =	vld [tilespmem:s20+$0xFE80]  }
0x376: {  	v1 =	vadd.f32 v4, v1  }
0x377: {  	v4 =	vld [tilespmem:s20+$0x10680]  }
0x378: {  	v1 =	vadd.f32 v2, v1  }
0x379: {  	v2 =	vld [tilespmem:s20+$0x10E80]  }
0x37a: {  	v1 =	vadd.f32 v3, v1  }
0x37b: {  	v3 =	vld [tilespmem:s20+$0x11680]  }
0x37c: {  	v1 =	vadd.f32 v4, v1  }
0x37d: {  	v4 =	vld [tilespmem:s20+$0x11E80]  }
0x37e: {  	v1 =	vadd.f32 v2, v1  }
0x37f: {  	v2 =	vld [tilespmem:s20+$0x12680]  }
0x380: {  	v1 =	vadd.f32 v3, v1  }
0x381: {  	v3 =	vld [tilespmem:s20+$0x12E80]  }
0x382: {  	v1 =	vadd.f32 v4, v1  }
0x383: {  	v4 =	vld [tilespmem:s20+$0x13680]  }
0x384: {  	v1 =	vadd.f32 v2, v1  }
0x385: {  	v2 =	vld [tilespmem:s20+$0x13E80]  }
0x386: {  	v1 =	vadd.f32 v3, v1  }
0x387: {  	v3 =	vld [tilespmem:s20+$0x14680]  }
0x388: {  	v1 =	vadd.f32 v4, v1  }
0x389: {  	v4 =	vld [tilespmem:s20+$0x14E80]  }
0x38a: {  	v1 =	vadd.f32 v2, v1  }
0x38b: {  	v2 =	vld [tilespmem:s20+$0x15680]  }
0x38c: {  	v1 =	vadd.f32 v3, v1  }
0x38d: {  	v3 =	vld [tilespmem:s20+$0x15E80]  }
0x38e: {  	v1 =	vadd.f32 v4, v1  }
0x38f: {  	v4 =	vld [tilespmem:s20+$0x16680]  }
0x390: {  	v1 =	vadd.f32 v2, v1  }
0x391: {  	v2 =	vld [tilespmem:s20+$0x16E80]  }
0x392: {  	v1 =	vadd.f32 v3, v1  }
0x393: {  	v3 =	vld [tilespmem:s20+$0x17680]  }
0x394: {  	v1 =	vadd.f32 v4, v1  }
0x395: {  	v4 =	vld [tilespmem:s20+$0x17E80]  }
0x396: {  	v1 =	vadd.f32 v2, v1  }
0x397: {  	v2 =	vld [tilespmem:s20+$0x18680]  }
0x398: {  	v1 =	vadd.f32 v3, v1  }
0x399: {  	v3 =	vld [tilespmem:s20+$0x18E80]  }
0x39a: {  	v1 =	vadd.f32 v4, v1  }
0x39b: {  	v4 =	vld [tilespmem:s20+$0x19680]  }
0x39c: {  	v1 =	vadd.f32 v2, v1  }
0x39d: {  	v2 =	vld [tilespmem:s20+$0x19E80]  }
0x39e: {  	v1 =	vadd.f32 v3, v1;
	_ =	sdelay $0x1  }
0x39f: {  	v1 =	vadd.f32 v4, v1;
	_ =	sdelay $0x1  }
0x3a0: {  	v1 =	vadd.f32 v2, v1;
	_ =	sdelay $0x1  }
0x3a1: {  	[tilespmem:s30+$0xFFFFFFC0] =	vst v1  }
0x3a2: {  	v1 =	vld [tilespmem:s20+$0xD690]  }
0x3a3: {  	v2 =	vld [tilespmem:s20+$0xDE90];
	_ =	sdelay $0x1  }
0x3a4: {  	v3 =	vld [tilespmem:s20+$0xE690];
	_ =	sdelay $0x1  }
0x3a5: {  	v4 =	vld [tilespmem:s20+$0xEE90]  }
0x3a6: {  	v1 =	vadd.f32 v2, v1  }
0x3a7: {  	v2 =	vld [tilespmem:s20+$0xF690]  }
0x3a8: {  	v1 =	vadd.f32 v3, v1  }
0x3a9: {  	v3 =	vld [tilespmem:s20+$0xFE90]  }
0x3aa: {  	v1 =	vadd.f32 v4, v1  }
0x3ab: {  	v4 =	vld [tilespmem:s20+$0x10690]  }
0x3ac: {  	v1 =	vadd.f32 v2, v1  }
0x3ad: {  	v2 =	vld [tilespmem:s20+$0x10E90]  }
0x3ae: {  	v1 =	vadd.f32 v3, v1  }
0x3af: {  	v3 =	vld [tilespmem:s20+$0x11690]  }
0x3b0: {  	v1 =	vadd.f32 v4, v1  }
0x3b1: {  	v4 =	vld [tilespmem:s20+$0x11E90]  }
0x3b2: {  	v1 =	vadd.f32 v2, v1  }
0x3b3: {  	v2 =	vld [tilespmem:s20+$0x12690]  }
0x3b4: {  	v1 =	vadd.f32 v3, v1  }
0x3b5: {  	v3 =	vld [tilespmem:s20+$0x12E90]  }
0x3b6: {  	v1 =	vadd.f32 v4, v1  }
0x3b7: {  	v4 =	vld [tilespmem:s20+$0x13690]  }
0x3b8: {  	v1 =	vadd.f32 v2, v1  }
0x3b9: {  	v2 =	vld [tilespmem:s20+$0x13E90]  }
0x3ba: {  	v1 =	vadd.f32 v3, v1  }
0x3bb: {  	v3 =	vld [tilespmem:s20+$0x14690]  }
0x3bc: {  	v1 =	vadd.f32 v4, v1  }
0x3bd: {  	v4 =	vld [tilespmem:s20+$0x14E90]  }
0x3be: {  	v1 =	vadd.f32 v2, v1  }
0x3bf: {  	v2 =	vld [tilespmem:s20+$0x15690]  }
0x3c0: {  	v1 =	vadd.f32 v3, v1  }
0x3c1: {  	v3 =	vld [tilespmem:s20+$0x15E90]  }
0x3c2: {  	v1 =	vadd.f32 v4, v1  }
0x3c3: {  	v4 =	vld [tilespmem:s20+$0x16690]  }
0x3c4: {  	v1 =	vadd.f32 v2, v1  }
0x3c5: {  	v2 =	vld [tilespmem:s20+$0x16E90]  }
0x3c6: {  	v1 =	vadd.f32 v3, v1  }
0x3c7: {  	v3 =	vld [tilespmem:s20+$0x17690]  }
0x3c8: {  	v1 =	vadd.f32 v4, v1  }
0x3c9: {  	v4 =	vld [tilespmem:s20+$0x17E90]  }
0x3ca: {  	v1 =	vadd.f32 v2, v1  }
0x3cb: {  	v2 =	vld [tilespmem:s20+$0x18690]  }
0x3cc: {  	v1 =	vadd.f32 v3, v1  }
0x3cd: {  	v3 =	vld [tilespmem:s20+$0x18E90]  }
0x3ce: {  	v1 =	vadd.f32 v4, v1  }
0x3cf: {  	v4 =	vld [tilespmem:s20+$0x19690]  }
0x3d0: {  	v1 =	vadd.f32 v2, v1  }
0x3d1: {  	v2 =	vld [tilespmem:s20+$0x19E90]  }
0x3d2: {  	v1 =	vadd.f32 v3, v1;
	_ =	sdelay $0x1  }
0x3d3: {  	v1 =	vadd.f32 v4, v1;
	_ =	sdelay $0x1  }
0x3d4: {  	v1 =	vadd.f32 v2, v1;
	_ =	sdelay $0x1  }
0x3d5: {  	[tilespmem:s30+$0xFFFFFFD0] =	vst v1  }
0x3d6: {  	v1 =	vld [tilespmem:s20+$0xD6A0]  }
0x3d7: {  	v2 =	vld [tilespmem:s20+$0xDEA0];
	_ =	sdelay $0x1  }
0x3d8: {  	v3 =	vld [tilespmem:s20+$0xE6A0];
	_ =	sdelay $0x1  }
0x3d9: {  	v4 =	vld [tilespmem:s20+$0xEEA0]  }
0x3da: {  	v1 =	vadd.f32 v2, v1  }
0x3db: {  	v2 =	vld [tilespmem:s20+$0xF6A0]  }
0x3dc: {  	v1 =	vadd.f32 v3, v1  }
0x3dd: {  	v3 =	vld [tilespmem:s20+$0xFEA0]  }
0x3de: {  	v1 =	vadd.f32 v4, v1  }
0x3df: {  	v4 =	vld [tilespmem:s20+$0x106A0]  }
0x3e0: {  	v1 =	vadd.f32 v2, v1  }
0x3e1: {  	v2 =	vld [tilespmem:s20+$0x10EA0]  }
0x3e2: {  	v1 =	vadd.f32 v3, v1  }
0x3e3: {  	v3 =	vld [tilespmem:s20+$0x116A0]  }
0x3e4: {  	v1 =	vadd.f32 v4, v1  }
0x3e5: {  	v4 =	vld [tilespmem:s20+$0x11EA0]  }
0x3e6: {  	v1 =	vadd.f32 v2, v1  }
0x3e7: {  	v2 =	vld [tilespmem:s20+$0x126A0]  }
0x3e8: {  	v1 =	vadd.f32 v3, v1  }
0x3e9: {  	v3 =	vld [tilespmem:s20+$0x12EA0]  }
0x3ea: {  	v1 =	vadd.f32 v4, v1  }
0x3eb: {  	v4 =	vld [tilespmem:s20+$0x136A0]  }
0x3ec: {  	v1 =	vadd.f32 v2, v1  }
0x3ed: {  	v2 =	vld [tilespmem:s20+$0x13EA0]  }
0x3ee: {  	v1 =	vadd.f32 v3, v1  }
0x3ef: {  	v3 =	vld [tilespmem:s20+$0x146A0]  }
0x3f0: {  	v1 =	vadd.f32 v4, v1  }
0x3f1: {  	v4 =	vld [tilespmem:s20+$0x14EA0]  }
0x3f2: {  	v1 =	vadd.f32 v2, v1  }
0x3f3: {  	v2 =	vld [tilespmem:s20+$0x156A0]  }
0x3f4: {  	v1 =	vadd.f32 v3, v1  }
0x3f5: {  	v3 =	vld [tilespmem:s20+$0x15EA0]  }
0x3f6: {  	v1 =	vadd.f32 v4, v1  }
0x3f7: {  	v4 =	vld [tilespmem:s20+$0x166A0]  }
0x3f8: {  	v1 =	vadd.f32 v2, v1  }
0x3f9: {  	v2 =	vld [tilespmem:s20+$0x16EA0]  }
0x3fa: {  	v1 =	vadd.f32 v3, v1  }
0x3fb: {  	v3 =	vld [tilespmem:s20+$0x176A0]  }
0x3fc: {  	v1 =	vadd.f32 v4, v1  }
0x3fd: {  	v4 =	vld [tilespmem:s20+$0x17EA0]  }
0x3fe: {  	v1 =	vadd.f32 v2, v1  }
0x3ff: {  	v2 =	vld [tilespmem:s20+$0x186A0]  }
0x400: {  	v1 =	vadd.f32 v3, v1  }
0x401: {  	v3 =	vld [tilespmem:s20+$0x18EA0]  }
0x402: {  	v1 =	vadd.f32 v4, v1  }
0x403: {  	v4 =	vld [tilespmem:s20+$0x196A0]  }
0x404: {  	v1 =	vadd.f32 v2, v1  }
0x405: {  	v2 =	vld [tilespmem:s20+$0x19EA0]  }
0x406: {  	v1 =	vadd.f32 v3, v1;
	_ =	sdelay $0x1  }
0x407: {  	v1 =	vadd.f32 v4, v1;
	_ =	sdelay $0x1  }
0x408: {  	v1 =	vadd.f32 v2, v1;
	_ =	sdelay $0x1  }
0x409: {  	[tilespmem:s30+$0xFFFFFFE0] =	vst v1  }
0x40a: {  	v1 =	vld [tilespmem:s20+$0xD6B0]  }
0x40b: {  	v2 =	vld [tilespmem:s20+$0xDEB0]  }
0x40c: {  	v3 =	vld [tilespmem:s20+$0xE6B0]  }
0x40d: {  	v4 =	vld [tilespmem:s20+$0xEEB0]  }
0x40e: {  	v5 =	vld [tilespmem:s20+$0xF6B0]  }
0x40f: {  	v6 =	vld [tilespmem:s20+$0xFEB0]  }
0x410: {  	v1 =	vadd.f32 v2, v1;
	v2 =	vld [tilespmem:s20+$0x106B0]  }
0x411: {  	v7 =	vld [tilespmem:s20+$0x10EB0]  }
0x412: {  	v1 =	vadd.f32 v3, v1;
	v3 =	vld [tilespmem:s20+$0x116B0]  }
0x413: {  	v8 =	vld [tilespmem:s20+$0x11EB0]  }
0x414: {  	v1 =	vadd.f32 v4, v1;
	v4 =	vld [tilespmem:s20+$0x126B0]  }
0x415: {  	v9 =	vld [tilespmem:s20+$0x12EB0]  }
0x416: {  	v1 =	vadd.f32 v5, v1;
	v5 =	vld [tilespmem:s20+$0x136B0]  }
0x417: {  	v10 =	vld [tilespmem:s20+$0x13EB0]  }
0x418: {  	v1 =	vadd.f32 v6, v1;
	v6 =	vld [tilespmem:s20+$0x146B0]  }
0x419: {  	v11 =	vld [tilespmem:s20+$0x14EB0]  }
0x41a: {  	v1 =	vadd.f32 v2, v1;
	v2 =	vld [tilespmem:s20+$0x156B0]  }
0x41b: {  	v12 =	vld [tilespmem:s20+$0x15EB0]  }
0x41c: {  	v1 =	vadd.f32 v7, v1;
	v7 =	vld [tilespmem:s20+$0x166B0]  }
0x41d: {  	v13 =	vld [tilespmem:s20+$0x16EB0]  }
0x41e: {  	v1 =	vadd.f32 v3, v1;
	v3 =	vld [tilespmem:s20+$0x176B0]  }
0x41f: {  	v14 =	vld [tilespmem:s20+$0x17EB0]  }
0x420: {  	v1 =	vadd.f32 v8, v1;
	v8 =	vld [tilespmem:s20+$0x186B0]  }
0x421: {  	v15 =	vld [tilespmem:s20+$0x18EB0]  }
0x422: {  	v1 =	vadd.f32 v4, v1;
	v4 =	vld [tilespmem:s20+$0x196B0]  }
0x423: {  	v16 =	vld [tilespmem:s20+$0x19EB0]  }
0x424: {  	v1 =	vadd.f32 v9, v1;
	_ =	sdelay $0x1  }
0x425: {  	v1 =	vadd.f32 v5, v1;
	_ =	sdelay $0x1  }
0x426: {  	v1 =	vadd.f32 v10, v1;
	_ =	sdelay $0x1  }
0x427: {  	v1 =	vadd.f32 v6, v1;
	_ =	sdelay $0x1  }
0x428: {  	v1 =	vadd.f32 v11, v1;
	_ =	sdelay $0x1  }
0x429: {  	v1 =	vadd.f32 v2, v1;
	_ =	sdelay $0x1  }
0x42a: {  	v1 =	vadd.f32 v12, v1;
	_ =	sdelay $0x1  }
0x42b: {  	v1 =	vadd.f32 v7, v1;
	_ =	sdelay $0x1  }
0x42c: {  	v1 =	vadd.f32 v13, v1;
	_ =	sdelay $0x1  }
0x42d: {  	v1 =	vadd.f32 v3, v1;
	_ =	sdelay $0x1  }
0x42e: {  	v1 =	vadd.f32 v14, v1  }
0x42f: {  	v2 =	vmov s31  }
0x430: {  	v2 =	vand.u32 $0x1F, v2;
	v1 =	vadd.f32 v8, v1  }
0x431: {  	v2 =	vbroadcast v2, $0x0  }
0x432: {  	v1 =	vadd.f32 v15, v1  }
0x433: {  	v2 =	vor.u32 v0, v2  }
0x434: {  	v1 =	vadd.f32 v4, v1  }
.Ltmp5:
0x435: {  	(pc) =	sbr.rel @p1 .LBB2_11-.Ltmp5, $3  }
0x436: {  	v1 =	vadd.f32 v16, v1;
	_ =	sdelay $0x1  }
0x437: {  	[tilespmem:s30+$0xFFFFFFF0] =	vst v1  }
0x438: {  	v1 =	vld.idx.msk [tilespmem:v2+s15+$0x0], $0xffff  }
0x439: {  	_ = 	snop  }
0x43a: {  	s1 =	sshll.u32 @!p0 s29, $0xE  }
0x43b: {  	s1 =	sor.u32 @!p0 s7, s1  }
0x43c: {  	s20 =	simm.s32 @!p0 $0x80;
	s1 =	sshrl.u32 @!p0 s1, $0x3  }
0x43d: {  	s29 =	simm.s32 @!p0 $0x1A880;
	s1 =	sadd.s32 @!p0 s2, s1;
	[tilespmem:s0+$0x0] =	vst v1;
	s0 =	simm.s32 @!p0 $0x20  }
0x43e: {  	[tilespmem:s29], [sflag:$0x4] =	stream.strided.gather @!p0 [hbm4b:s1+s0], $0x100, s20, s0, $0x38;
	[tilespmem:$0x1BE80] =	vst v63  }
0x43f: {  	s26 =	sadd.s32 $0x1, s26;
	s1 =	sadd.s32 @!p0 $0x400, s1;
	s29 =	simm.s32 @!p0 $0x1A980  }
0x440: {  	[tilespmem:s29], [sflag:$0x4] =	stream.strided.gather @!p0 [hbm4b:s1+s0], $0x100, s20, s0, $0x38;
	[tilespmem:$0x1BE80] =	vst v63  }
0x441: {  	p0 =	sne.s32 s26, $0x19  }
.Ltmp6:
0x442: {  	_ = 	snop;
	(pc) =	sbr.rel @p0 .LBB2_2-.Ltmp6, $4  }
0x443: {  	s31 =	sadd.s32 s13, s28  }
0x444: {  	s0 =	sshrl.u32 s31, $0x3  }
0x445: {  	s0 =	sadd.s32 s3, s0  }
0x446: {  	[hbm4b:s0+s18] =	stream.strided.scatter [tilespmem:s25], [sflag:$0x8], $0xA00, s10, s18, $0x38;
	[tilespmem:$0x1BE80] =	vst v63  }
0x447: {  	s0 =	simm.s32 $0x7  }
0x448: {  	_ =	swait.ge [sflag:s0], $0xA00  }
0x449: {  	[sflag:s0] =	ssyncset.done $0x0  }
0x44a: {  	[sflag:s0] =	ssyncadd.s32 $0xFFFFF600  }
0x44b: {  	_ =	swait.ge [sflag:s24], $0xA00  }
0x44c: {  	s1 =	rddreg [dreg:$0xa]  }
0x44d: {  	s31 =	rddreg [dreg:$0x8];
	s1 =	sadd.s32 $0x1, s1  }
0x44e: {  	p0 =	sne.s32 s1, s31  }
.Ltmp7:
0x44f: {  	_ = 	snop;
	(pc) =	sbr.rel @p0 .LBB2_1-.Ltmp7, $3  }
0x450: {  	_ =	sdelay $0x1  }
0x451: {  	[sflag:s24] =	ssyncset.done $0x0  }
0x452: {  	[sflag:s24] =	ssyncadd.s32 $0xFFFFF600  }
0x453: {  	_ =	sfence.sel $0x180000  }
0x454: {  	[bflag:$0x0] =	sbarrier.arrive $0xFFFF  }
0x455: {  	_ =	strace $0x9000004A  }
0x456: {  	s0 =	stileid.u32;
	[bflag:$0x2] =	sbarrier.arrive $0xFFFF  }
0x457: {  	p0 =	sne.s32 s0, $0x0;
	s0 =	rddreg [dreg:$0x3]  }
0x458: {  	s0 =	sadd.s32 @!p0 $0x100000, s0  }
0x459: {  	[sflag:s0] =	ssyncadd.tile.s32 @!p0 $0x1;
	_ =	shalt  }
.Lfunc_end2:
_tile_overlayer_lowered:
.L_overlay_start_2:
0x45a: {  	(tag) =	ssettag $0x2  }
0x45b: {  	s0 =	rddreg [dreg:$0x0];
	s2 =	stileid.u32  }
0x45c: {  	s1 =	rddreg [dreg:$0x1];
	p0 =	sne.s32 s2, $0x0  }
0x45d: {  	s3 =	rddreg [dreg:$0x2];
	[bflag:$0x3] =	sbarrier.arrive $0xFFFF;
	s2 =	simm.s32 @!p0 $0x1C09  }
0x45e: {  	[timem:s3], [sflag:s2] =	dma.local @!p0 [hbm:s0], s1  }
0x45f: {  	s0 =	simm.s32 @!p0 $0x9  }
0x460: {  	_ =	swait.ge @!p0 [sflag:s0], s1  }
0x461: {  	s1 =	ssub.s32 @!p0 $0x0, s1;
	[sflag:s0] =	ssyncset.done @!p0 $0x0  }
0x462: {  	[sflag:s0] =	ssyncadd.s32 @!p0 s1  }
0x463: {  	[bflag:$0x3] =	sbarrier.arrive $0xFFFF  }
0x464: {  	_ =	shalt  }

// kernel: sparse-core-data-format-call.cloned.1.call-start
scs
called_computation_lowered:
.L_overlay_start_0:
0x0: {  	s2 =	sld [smem:$0x3FD9]  }
0x1: {  	s3 =	sld [smem:$0x3FFE];
	_ =	sdelay $0x1  }
0x2: {  	s1 =	srdreg.scid  }
0x3: {  	s0 =	sand.u32 $0x1, s1  }
0x4: {  	s18 =	sshll.u32 s0, $0xA;
	s2 =	sadd.s32 s3, s2  }
0x5: {  	s2 =	sadd.s32 s2, s18  }
0x6: {  	[smem:$0x3FBE] =	sst s2  }
0x7: {  	_ = 	snop  }
0x8: {  	s2 =	sld [smem:$0x3FC0];
	(tm) =	ssettm $0x1  }
0x9: {  	s19 =	sld [smem:$0x3FFB];
	_ =	sdelay $0x3  }
0xa: {  	_ =	strace s19  }
0xb: {  	s3 =	sld [smem:$0x3FFC];
	_ =	sdelay $0x3  }
0xc: {  	_ =	strace s3  }
0xd: {  	s3 =	sld [smem:$0x3FFD];
	_ =	sdelay $0x3  }
0xe: {  	_ =	strace s3  }
0xf: {  	_ =	strace $0x8FFFFFFF  }
0x10: {  	s20 =	sld [smem:$0x3FDB];
	_ =	sdelay $0x1  }
0x11: {  	s4 =	simm.s32 $_scs_section_size  }
0x12: {  	s5 =	simm.s32 $_size__tile_overlayer_lowered;
	s6 =	simm.s32 $_tile_overlayer_lowered  }
0x13: {  	s23 =	simm.s32 $0x1BFF;
	s22 =	sshll.u32 s6, $0x1;
	s3 =	sadd.s32 s4, s20  }
0x14: {  	s7 =	simm.s32 $0x0;
	s21 =	sshll.u32 s5, $0x1;
	s5 =	sadd.s32 s22, s3  }
0x15: {  	[timem:s7], [sflag:s23] =	dma.local [hbm:s5], s21  }
0x16: {  	_ =	swait.ge [sflag:s23], s21  }
0x17: {  	s4 =	ssub.s32 $0x0, s21;
	[sflag:s23] =	ssyncset.done $0x0  }
0x18: {  	[sflag:s23] =	ssyncadd.s32 s4;
	_ =	sdelay $0x1  }
0x19: {  	s24 =	simm.s32 $0x1B8B  }
0x1a: {  	_ =	swait.ge [sflag:s24], $0x1  }
0x1b: {  	[sflag:s24] =	ssyncset.done $0x0  }
0x1c: {  	s26 =	simm.s32 $0x1B8E;
	s25 =	sld [smem:$0x3FFE];
	[sflag:s24] =	ssyncadd.s32 $0xFFFFFFFF  }
0x1d: {  	s27 =	simm.s32 $execute0_lowered;
	[smem:$0x3FD2] =	sst s26  }
0x1e: {  	s5 =	sshll.u32 s27, $0x1;
	_ =	strace $0x80000046;
	[dreg:$0x1] =	wrdreg $0xFFFFFFFF  }
0x1f: {  	s28 =	simm.s32 $_size_execute0_lowered;
	s3 =	sadd.s32 s3, s5;
	[dreg:$0x0] =	wrdreg $0x0  }
0x20: {  	s5 =	sshll.u32 s28, $0x1;
	[dreg:$0x2] =	wrdreg s3  }
0x21: {  	[dreg:$0x3] =	wrdreg s5  }
0x22: {  	[dreg:$0x4] =	wrdreg $0xC0  }
0x23: {  	_ =	task [dreg:s7], $0x5FFFF  }
0x24: {  	[dreg:$0x1] =	wrdreg $0xFFFFFFFF  }
0x25: {  	[dreg:$0x0] =	wrdreg $0x60  }
0x26: {  	[dreg:$0x2] =	wrdreg s2  }
0x27: {  	[dreg:$0x3] =	wrdreg s25  }
0x28: {  	[dreg:$0x4] =	wrdreg $0x9  }
0x29: {  	_ =	task.clear_ibuf [dreg:s7], $0x5FFFF;
	_ =	strace $0x90000046  }
0x2a: {  	s29 =	simm.s32 $0x9;
	_ =	strace $0x80000048  }
0x2b: {  	_ =	swait.ge [sflag:s29], $0x1  }
0x2c: {  	[sflag:s29] =	ssyncadd.s32 $0xFFFFFFFF  }
0x2d: {  	_ =	strace $0x90000048  }
0x2e: {  	_ =	sfence  }
0x2f: {  	s30 =	sld [smem:$0x0];
	_ =	sdelay $0x2  }
0x30: {  	s31 =	sshll.u32 s1, $0xD;
	s1 =	sshrl.u32 s1, $0x2  }
0x31: {  	s3 =	sand.u32 $0x4000, s31;
	s1 =	sadd.s32 s1, s30  }
0x32: {  	s0 =	sor.u32 s3, s0;
	s1 =	sshll.u32 s1, $0x11  }
0x33: {  	s0 =	sor.u32 s1, s0  }
0x34: {  	s0 =	sadd.s32 $0x8F2B, s0  }
0x35: {  	[sflag:s0] =	ssyncadd.remote.s32 $0x1  }
0x36: {  	_ =	sfence.sel $0xFFFF  }
0x37: {  	[dreg:$0x0] =	wrdreg $0xFFFFFFFF;
	(pc) =	sbr.abs _section_cstart, $3  }
0x38: {  	[dreg:$0x1] =	wrdreg $0xFFFFFFFF  }
0x39: {  	_ =	task.clear_ibuf [dreg:s7], $0x2FFFF;
	_ =	strace $0x9FFFFFFF  }
0x3a: {  	(tm) =	ssettm $0x7FFFFFFF  }
0x3b: {  	_ =	shalt  }
tec
execute0_lowered:
.L_overlay_start_1:
0x0: {  	(tag) =	ssettag $0x1  }
0x1: {  	s0 =	srdreg.scid;
	s2 =	rddreg [dreg:$0x0]  }
0x2: {  	s5 =	rddreg [dreg:$0x1];
	s1 =	stileid.u32  }
0x3: {  	s4 =	simm.s32 $0x1;
	s6 =	simm.s32 $0x2;
	s15 =	simm.s32 $0x0  }
0x4: {  	p0 =	por $0x0, $0x0;
	s8 =	simm.s32 $0x80;
	s0 =	sshll.u32 s0, $0x4  }
0x5: {  	s14 =	simm.s32 $0x0;
	s9 =	simm.s32 $0x0;
	s3 =	sand.u32 $0x10, s0  }
.Ltmp0:
0x6: {  	s10 =	simm.s32 $0x0;
	s3 =	sor.u32 s1, s3;
	(pc) =	sbr.rel .LBB1_1-.Ltmp0, $4  }
0x7: {  	s0 =	rddreg [dreg:$0x2];
	_ =	strace $0x80000047;
	s3 =	sshll.u32 s3, $0x7  }
0x8: {  	s12 =	simm.s32 $0x0;
	[sflag:s4] =	ssyncpa.u1 $0x0;
	s7 =	ssub.s32 $0xF4200, s3  }
0x9: {  	s13 =	simm.s32 $0x0;
	[sflag:s6] =	ssyncpa.u1 $0x0;
	s6 =	sshrl.u32 s7, $0xC  }
0xa: {  	s5 =	sadd.s32 $0x1800, s5;
	s11 =	smov.u32 s3;
	s7 =	sadd.s32 $0x2, s6  }
.LBB1_5:
0xb: {  	p1 =	slt.u32 s13, $0x2  }
0xc: {  	s17 =	smov.u32 s15;
	p2 =	sgt.s32 @!p1 s15, $0xF41C0;
	s16 =	sshra.s32 @!p1 s15, $0x1F  }
0xd: {  	p3 =	sgt.s32 @!p1 s14, $0x40;
	s18 =	sshra.s32 @!p1 s14, $0x1F;
	p2 =	por !p2, p1  }
0xe: {  	s15 =	sand.u32 @!p1 s16, s15;
	p3 =	por !p3, p1;
	s16 =	smov.u32 s14  }
0xf: {  	s14 =	sand.u32 @!p1 s18, s14;
	s17 =	simm.s32 @p2 $0xF41C0;
	s16 =	simm.s32 @p3 $0x40  }
0x10: {  	s15 =	ssub.s32 @!p1 s17, s15;
	s14 =	ssub.s32 @!p1 s16, s14  }
0x11: {  	s18 =	smov.u32 s12;
	s16 =	sadd.s32 @!p1 $0xFFF0BE40, s15;
	s17 =	sadd.s32 @!p1 $0xFFFFFFC0, s14  }
0x12: {  	s15 =	ssub.s32 @!p1 $0xF4240, s15;
	p2 =	sgt.s32 @!p1 s16, $0x7F;
	p3 =	sgt.s32 @!p1 s17, $0x3F  }
0x13: {  	s14 =	ssub.s32 @!p1 $0x80, s14;
	p2 =	por !p2, p1;
	p3 =	por !p3, p1  }
0x14: {  	s16 =	sadd.s32 $0x1000, s11;
	s15 =	simm.s32 @!p2 $0x0;
	s14 =	simm.s32 @!p3 $0x0  }
0x15: {  	p2 =	sgt.s32 s16, $0xF423F;
	s14 =	smul.u32 @!p1 s14, s15;
	s15 =	sadd.s32 $0x40, s12  }
0x16: {  	s18 =	smov.u32 @p2 s15  }
0x17: {  	s16 =	smov.u32 @p2 s3;
	p2 =	sgt.s32 s18, $0x3F  }
0x18: {  	s18 =	simm.s32 @p2 $0x0;
	p2 =	sne.s32 s13, s7  }
.Ltmp1:
0x19: {  	p0 =	por !p0, !p0;
	s17 =	simm.s32 @!p1 $0x2;
	(pc) =	sbr.rel @!p2 .LBB1_6-.Ltmp1, $4  }
0x1a: {  	s15 =	smov.u32 s9;
	s9 =	smov.u32 s11;
	s14 =	sand.u32 @!p1 $0x3FFFFFFF, s14  }
0x1b: {  	s11 =	smov.u32 s16;
	_ =	swait.ge @!p1 [sflag:s17], s14;
	s19 =	ssub.s32 @!p1 $0x0, s14  }
0x1c: {  	s14 =	smov.u32 s10;
	s13 =	sadd.s32 $0x1, s13;
	[sflag:s17] =	ssyncset.done @!p1 $0x0  }
0x1d: {  	s10 =	smov.u32 s12;
	s12 =	smov.u32 s18;
	[sflag:s17] =	ssyncadd.s32 @!p1 s19  }
.LBB1_1:
0x1e: {  	p1 =	sgt.u32 s13, s6  }
0x1f: {  	s16 =	sshrl.u32 @!p1 s12, $0x3  }
0x20: {  	s17 =	sshll.u32 @!p1 s11, $0x3;
	s16 =	smul.u32 @!p1 $0x7A1400, s16  }
0x21: {  	s18 =	sshll.u32 @!p1 s12, $0x7;
	s17 =	sand.u32 @!p1 $0xFFFFFC00, s17  }
0x22: {  	s16 =	sadd.s32 @!p1 s16, s17;
	s17 =	sand.u32 @!p1 $0x380, s18  }
0x23: {  	s18 =	sand.u32 @!p1 $0x7F, s11;
	s16 =	sor.u32 @!p1 s17, s16  }
0x24: {  	s17 =	sor.u32 @!p1 s18, s16  }
0x25: {  	s18 =	smulhi.u32 @!p1 $0x218D6287, s17;
	_ =	sdelay $0x1  }
0x26: {  	s16 =	smulhi.u32 @!p1 $0x218D6287, s16;
	s18 =	sshrl.u32 @!p1 s18, $0x11  }
0x27: {  	s18 =	smul.u32 @!p1 $0xF4280, s18  }
0x28: {  	s19 =	sxor.u32 @!p1 $0xFFFFFFFF, s13;
	s16 =	sshrl.u32 @!p1 s16, $0x11  }
0x29: {  	s19 =	sshll.u32 @!p1 s19, $0xD;
	s16 =	sand.u32 @!p1 $0x3F, s16;
	s17 =	ssub.s32 @!p1 s17, s18  }
0x2a: {  	s16 =	smul.u32 @!p1 $0x1E850, s16;
	s18 =	sshrl.u32 @!p1 s17, $0x3;
	s17 =	sand.u32 @!p1 $0x7, s17  }
0x2b: {  	s19 =	sand.u32 @!p1 $0x2000, s19;
	s18 =	sadd.s32 @!p1 s2, s18;
	s17 =	sshll.u32 @!p1 s17, $0x12  }
0x2c: {  	s16 =	sadd.s32 @!p1 s16, s18;
	s17 =	sor.u32 @!p1 $0x400, s17;
	s18 =	simm.s32 @!p1 $0x7A1400  }
0x2d: {  	[tilespmem:s19], [sflag:$0x1] =	stream.strided.gather @!p1 [hbm4b:s16+s17], $0x2000, s18, s17, $0x38;
	[tilespmem:$0x8100] =	vst v63  }
0x2e: {  	p1 =	seq.s32 s13, $0x0  }
0x2f: {  	p2 =	sge.u32 @!p1 s13, s7  }
0x30: {  	p1 =	por p1, p2  }
.Ltmp2:
0x31: {  	_ = 	snop;
	(pc) =	sbr.rel @p1 .LBB1_5-.Ltmp2, $1  }
0x32: {  	_ =	sdelay $0x3  }
0x33: {  	s16 =	simm.s32 $0x1  }
0x34: {  	_ =	swait.ge [sflag:s4], $0x2000;
	s16 =	simm.s32 @!p0 $0x0  }
0x35: {  	[sflag:s4] =	ssyncset.done $0x0;
	s17 =	sshll.u32 s16, $0xD  }
0x36: {  	[sflag:s4] =	ssyncadd.s32 $0xFFFFE000;
	s17 =	sor.u32 $0x40, s17  }
0x37: {  	s16 =	smul.u32 $0x8200, s16;
	v0 =	vld [tilespmem:s17+$0x30]  }
0x38: {  	v1 =	vld [tilespmem:s17+$0xFFFFFFD0]  }
0x39: {  	s16 =	sshrl.u32 s16, $0x2;
	v5 =	vld [tilespmem:s17+$0xFFFFFFE0]  }
0x3a: {  	v6 =	vld [tilespmem:s17+$0xFFFFFFF0];
	s19 =	sor.u32 $0x4000, s16  }
0x3b: {  	s31 =	sand.u32 $0x1, s13;
	v4 =	vld [tilespmem:s17+$0x0];
	s18 =	sadd.s32 $0x0, s19  }
0x3c: {  	v3 =	vld [tilespmem:s17+$0x10];
	s16 =	smul.u32 $0x8200, s31;
	[tilespmem:s18+$0x1C70 ss:$0x41] =	vst.msk $0xffff, v0  }
0x3d: {  	v2 =	vld [tilespmem:s17+$0x20];
	[tilespmem:s18+$0x410 ss:$0x41] =	vst.msk $0xffff, v1  }
0x3e: {  	s16 =	sshrl.u32 s16, $0x2;
	v1 =	vld [tilespmem:s17+$0xFFFFFFC0];
	[tilespmem:s18+$0x820 ss:$0x41] =	vst.msk $0xffff, v5;
	s17 =	sadd.s32 $0x80, s17  }
0x3f: {  	s20 =	simm.s32 $0x4;
	s21 =	simm.s32 $0x8;
	s16 =	sor.u32 $0x4000, s16;
	[tilespmem:s18+$0xC30 ss:$0x41] =	vst.msk $0xffff, v6;
	v0 =	vld [tilespmem:s17+$0x30]  }
.LBB1_3:
0x40: {  	p1 =	sne.s32 s21, $0xFC;
	v5 =	vld [tilespmem:s17+$0xFFFFFFD0];
	[tilespmem:s18+$0x1040 ss:$0x41] =	vst.msk $0xffff, v4  }
0x41: {  	v6 =	vld [tilespmem:s17+$0xFFFFFFE0];
	[tilespmem:s18+$0x1450 ss:$0x41] =	vst.msk $0xffff, v3  }
0x42: {  	s22 =	sshra.s32 s20, $0x2;
	s20 =	smov.u32 s21;
	v7 =	vld [tilespmem:s17+$0xFFFFFFF0];
	[tilespmem:s18+$0x1860 ss:$0x41] =	vst.msk $0xffff, v2  }
.Ltmp3:
0x43: {  	v4 =	vld [tilespmem:s17+$0x0];
	[tilespmem:s18+$0x0 ss:$0x41] =	vst.msk $0xffff, v1;
	s18 =	sadd.s32 s22, s19;
	(pc) =	sbr.rel @p1 .LBB1_3-.Ltmp3, $4  }
0x44: {  	v3 =	vld [tilespmem:s17+$0x10];
	[tilespmem:s18+$0x1C70 ss:$0x41] =	vst.msk $0xffff, v0  }
0x45: {  	[tilespmem:s18+$0x410 ss:$0x41] =	vst.msk $0xffff, v5;
	v2 =	vld [tilespmem:s17+$0x20]  }
0x46: {  	v1 =	vld [tilespmem:s17+$0xFFFFFFC0];
	[tilespmem:s18+$0x820 ss:$0x41] =	vst.msk $0xffff, v6;
	s17 =	sadd.s32 $0x80, s17  }
0x47: {  	s21 =	sadd.s32 $0x4, s21;
	v0 =	vld [tilespmem:s17+$0x30];
	[tilespmem:s18+$0xC30 ss:$0x41] =	vst.msk $0xffff, v7  }
0x48: {  	s21 =	sshll.u32 s9, $0x7;
	s22 =	sshll.u32 s10, $0x3;
	s20 =	sshra.s32 s20, $0x2  }
0x49: {  	p1 =	sgt.s32 s9, $0xF41C0;
	s30 =	sshra.s32 s9, $0x1F;
	s25 =	sshra.s32 s10, $0x1F  }
0x4a: {  	v5 =	vld [tilespmem:s17+$0xFFFFFFD0];
	s28 =	sshrl.u32 s10, $0x3;
	s23 =	sand.u32 $0xFFFFFC00, s21;
	s22 =	sand.u32 $0xFFFFFC00, s22  }
0x4b: {  	[tilespmem:s18+$0x1040 ss:$0x41] =	vst.msk $0xffff, v4;
	v58 =	vld [tilespmem:s17+$0xFFFFFFE0];
	s21 =	sand.u32 $0x380, s21;
	s19 =	sadd.s32 s20, s19;
	s22 =	sadd.s32 s22, s23  }
0x4c: {  	v59 =	vld [tilespmem:s17+$0xFFFFFFF0];
	[tilespmem:s18+$0x1450 ss:$0x41] =	vst.msk $0xffff, v3;
	s29 =	sor.u32 s21, s22;
	s21 =	smov.u32 s9;
	s22 =	sand.u32 s30, s9  }
0x4d: {  	v60 =	vld [tilespmem:s17+$0x0];
	[tilespmem:s18+$0x1860 ss:$0x41] =	vst.msk $0xffff, v2;
	s30 =	sand.u32 $0x7, s10;
	s20 =	sshrl.u32 s29, $0x7;
	s21 =	simm.s32 @!p1 $0xF41C0  }
0x4e: {  	v61 =	vld [tilespmem:s17+$0x10];
	[tilespmem:s18+$0x0 ss:$0x41] =	vst.msk $0xffff, v1;
	p1 =	sgt.s32 s10, $0x40;
	s24 =	ssub.s32 s21, s22;
	s21 =	smov.u32 s10  }
0x4f: {  	v62 =	vld [tilespmem:s17+$0x20];
	[tilespmem:s19+$0x1C70 ss:$0x41] =	vst.msk $0xffff, v0;
	s31 =	smulhi.u32 $0x218DEF5, s20;
	s22 =	sand.u32 s25, s10;
	s21 =	simm.s32 @!p1 $0x40  }
0x50: {  	v63 =	vld [tilespmem:s17+$0xFFFFFFC0];
	[tilespmem:s19+$0x410 ss:$0x41] =	vst.msk $0xffff, v5;
	s26 =	sadd.s32 $0xFFF0BE40, s24;
	s17 =	ssub.s32 $0xF4240, s24;
	s21 =	ssub.s32 s21, s22  }
0x51: {  	[tilespmem:s19+$0x820 ss:$0x41] =	vst.msk $0xffff, v58;
	s23 =	sshrl.u32 s31, $0xD;
	p1 =	sgt.s32 s26, $0x7F;
	s27 =	sadd.s32 $0xFFFFFFC0, s21  }
0x52: {  	[tilespmem:s19+$0xC30 ss:$0x41] =	vst.msk $0xffff, v59;
	s23 =	smul.u32 $0xF4240, s23;
	s18 =	ssub.s32 $0x80, s21;
	p2 =	sgt.s32 s27, $0x3F  }
.Ltmp4:
0x53: {  	[tilespmem:s19+$0x1040 ss:$0x41] =	vst.msk $0xffff, v60;
	s17 =	simm.s32 @p1 $0x0;
	s18 =	simm.s32 @p2 $0x0;
	(pc) =	sbr.rel .LBB1_5-.Ltmp4, $4  }
0x54: {  	s29 =	sand.u32 $0xF, s28;
	[tilespmem:s19+$0x1450 ss:$0x41] =	vst.msk $0xffff, v61;
	s20 =	ssub.s32 s20, s23;
	s17 =	smul.u32 s18, s17  }
0x55: {  	[tilespmem:s19+$0x1860 ss:$0x41] =	vst.msk $0xffff, v62;
	s21 =	sshll.u32 s30, $0x12;
	s20 =	sshll.u32 s20, $0x4;
	s18 =	sadd.s32 s5, s29  }
0x56: {  	[tilespmem:s19+$0x0 ss:$0x41] =	vst.msk $0xffff, v63;
	s31 =	sor.u32 $0x40, s21;
	s18 =	sadd.s32 s20, s18;
	s17 =	sand.u32 $0x3FFFFFFF, s17  }
0x57: {  	[hbm4b:s18+s31] =	stream.strided.scatter [tilespmem:s16], [sflag:$0x2], s17, s8, s31, $0x18;
	[tilespmem:$0x8100] =	vst v63  }
.LBB1_6:
0x58: {  	_ =	sfence.sel $0x180000  }
0x59: {  	s2 =	simm.s32 $0x1;
	[bflag:$0x0] =	sbarrier.arrive $0xFFFF  }
0x5a: {  	s31 =	simm.s32 $0x2;
	[sflag:s2] =	ssyncpa.u1 $0x1  }
0x5b: {  	[sflag:s31] =	ssyncpa.u1 $0x1  }
0x5c: {  	p0 =	sne.s32 s1, $0x0;
	_ =	strace $0x90000047  }
0x5d: {  	s0 =	sadd.s32 @!p0 $0x100000, s0;
	[bflag:$0x2] =	sbarrier.arrive $0xFFFF  }
0x5e: {  	[sflag:s0] =	ssyncadd.tile.s32 @!p0 $0x1;
	_ =	shalt  }
.Lfunc_end1:
_tile_overlayer_lowered:
.L_overlay_start_2:
0x5f: {  	(tag) =	ssettag $0x2  }
0x60: {  	s0 =	rddreg [dreg:$0x0];
	s2 =	stileid.u32  }
0x61: {  	s1 =	rddreg [dreg:$0x1];
	p0 =	sne.s32 s2, $0x0  }
0x62: {  	s3 =	rddreg [dreg:$0x2];
	[bflag:$0x3] =	sbarrier.arrive $0xFFFF;
	s2 =	simm.s32 @!p0 $0x1C01  }
0x63: {  	[timem:s3], [sflag:s2] =	dma.local @!p0 [hbm:s0], s1  }
0x64: {  	s0 =	simm.s32 @!p0 $0x1  }
0x65: {  	_ =	swait.ge @!p0 [sflag:s0], s1  }
0x66: {  	s1 =	ssub.s32 @!p0 $0x0, s1;
	[sflag:s0] =	ssyncset.done @!p0 $0x0  }
0x67: {  	[sflag:s0] =	ssyncadd.s32 @!p0 s1  }
0x68: {  	[bflag:$0x3] =	sbarrier.arrive $0xFFFF  }
0x69: {  	_ =	shalt  }

</sc_bundles>
